<compile_context>
chip_gen: v7x
topology: tpu7x:2x2x1
jax: 0.10.2.dev20260603
libtpu: 0.0.44.dev20260713+nightly
codegen_flags: <defaults>
</compile_context>

<pallas_src>
import functools

import jax
import jax.numpy as jnp
from jax import lax
from jax.experimental import pallas as pl
from jax.experimental.pallas import tpu as pltpu
from jax.experimental.pallas import tpu_sc as plsc

N = 10000
E = 320000
NC = 2
NS = 16
NW = NC * NS
EPW = E // NW
CH = 500
NCH = EPW // CH

RPT = 624
RLAST = N - 15 * RPT


def _mesh():
  return plsc.VectorSubcoreMesh(
      core_axis_name="c", subcore_axis_name="s", num_cores=NC, num_subcores=NS
  )


def _make_sc_deg():

  @functools.partial(
      pl.kernel,
      out_type=jax.ShapeDtypeStruct((2 * N,), jnp.float32),
      mesh=_mesh(),
      compiler_params=pltpu.CompilerParams(use_tc_tiling_on_sc=False),
      scratch_types=[
          pltpu.VMEM((NCH, CH), jnp.int32),
          pltpu.VMEM((512,), jnp.float32),
          pltpu.VMEM((RLAST,), jnp.float32),
          pltpu.VMEM_SHARED((N,), jnp.float32),
      ],
  )
  def sc_deg(edge_hbm, out_hbm, didx, ones_v, zbuf, acc):
    cid = lax.axis_index("c")
    sid = lax.axis_index("s")
    wid = cid * NS + sid
    pltpu.sync_copy(edge_hbm.at[1, wid], didx)
    one16 = jnp.full((16,), 1.0, jnp.float32)
    zero16 = jnp.zeros((16,), jnp.float32)
    for i in range(512 // 16):
      ones_v[pl.ds(i * 16, 16)] = one16
    for i in range(RLAST // 16):
      zbuf[pl.ds(i * 16, 16)] = zero16

    row0 = sid * RPT
    is_last = sid == NS - 1

    @pl.when(jnp.logical_not(is_last))
    def _():
      pltpu.sync_copy(zbuf.at[pl.ds(0, RPT)], acc.at[pl.ds(row0, RPT)])

    @pl.when(is_last)
    def _():
      pltpu.sync_copy(zbuf, acc.at[pl.ds(15 * RPT, RLAST)])

    plsc.subcore_barrier()

    def body(j, carry):
      pltpu.sync_copy(ones_v.at[pl.ds(0, CH)], acc.at[didx.at[j]], add=True)
      return carry

    lax.fori_loop(0, NCH, body, None)
    plsc.subcore_barrier()

    @pl.when(jnp.logical_not(is_last))
    def _():
      pltpu.sync_copy(acc.at[pl.ds(row0, RPT)], zbuf.at[pl.ds(0, RPT)])
      pltpu.sync_copy(
          zbuf.at[pl.ds(0, RPT)], out_hbm.at[pl.ds(cid * N + row0, RPT)]
      )

    @pl.when(is_last)
    def _():
      pltpu.sync_copy(acc.at[pl.ds(15 * RPT, RLAST)], zbuf)
      pltpu.sync_copy(zbuf, out_hbm.at[pl.ds(cid * N + 15 * RPT, RLAST)])

  return sc_deg


def _make_sc_scatter(D):
  ZR = 320 if D < 64 else 104

  @functools.partial(
      pl.kernel,
      out_type=jax.ShapeDtypeStruct((2 * N, D), jnp.float32),
      mesh=_mesh(),
      compiler_params=pltpu.CompilerParams(use_tc_tiling_on_sc=False),
      scratch_types=[
          pltpu.VMEM((NCH, CH), jnp.int32),
          pltpu.VMEM((NCH, CH), jnp.int32),
          pltpu.VMEM((CH, D), jnp.float32),
          pltpu.VMEM((CH, D), jnp.float32),
          pltpu.VMEM((ZR, D), jnp.float32),
          pltpu.VMEM_SHARED((N, D), jnp.float32),
          pltpu.SemaphoreType.DMA,
          pltpu.SemaphoreType.DMA,
      ],
  )
  def sc_scatter(
      g_hbm, edge_hbm, out_hbm,
      sidx, didx, rows0, rows1, zbuf, acc, sem0, sem1,
  ):
    cid = lax.axis_index("c")
    sid = lax.axis_index("s")
    wid = cid * NS + sid
    pltpu.sync_copy(edge_hbm.at[0, wid], sidx)
    pltpu.sync_copy(edge_hbm.at[1, wid], didx)

    zero16 = jnp.zeros((16,), jnp.float32)

    def fill_row(r, carry):
      for k in range(D // 16):
        zbuf[r, pl.ds(k * 16, 16)] = zero16
      return carry

    lax.fori_loop(0, ZR, fill_row, None)

    row0 = sid * RPT
    is_last = sid == NS - 1

    def init_rows(base, total):
      full, rem = total // ZR, total % ZR
      for k in range(full):
        pltpu.sync_copy(zbuf, acc.at[pl.ds(base + k * ZR, ZR)])
      if rem:
        pltpu.sync_copy(
            zbuf.at[pl.ds(0, rem)], acc.at[pl.ds(base + full * ZR, rem)]
        )

    @pl.when(jnp.logical_not(is_last))
    def _():
      init_rows(row0, RPT)

    @pl.when(is_last)
    def _():
      init_rows(15 * RPT, RLAST)

    plsc.subcore_barrier()

    pltpu.async_copy(g_hbm.at[sidx.at[0]], rows0, sem0)

    def body(i, carry):
      j = i * 2
      pltpu.async_copy(g_hbm.at[sidx.at[j + 1]], rows1, sem1)
      pltpu.make_async_copy(g_hbm.at[sidx.at[j]], rows0, sem0).wait()
      pltpu.sync_copy(rows0, acc.at[didx.at[j]], add=True)

      @pl.when(j + 2 < NCH)
      def _():
        pltpu.async_copy(g_hbm.at[sidx.at[j + 2]], rows0, sem0)

      pltpu.make_async_copy(g_hbm.at[sidx.at[j + 1]], rows1, sem1).wait()
      pltpu.sync_copy(rows1, acc.at[didx.at[j + 1]], add=True)
      return carry

    lax.fori_loop(0, NCH // 2, body, None)
    plsc.subcore_barrier()

    def write_rows(base, total):
      full, rem = total // ZR, total % ZR
      for k in range(full):
        pltpu.sync_copy(acc.at[pl.ds(base + k * ZR, ZR)], zbuf)
        pltpu.sync_copy(zbuf, out_hbm.at[pl.ds(cid * N + base + k * ZR, ZR)])
      if rem:
        pltpu.sync_copy(
            acc.at[pl.ds(base + full * ZR, rem)], zbuf.at[pl.ds(0, rem)]
        )
        pltpu.sync_copy(
            zbuf.at[pl.ds(0, rem)],
            out_hbm.at[pl.ds(cid * N + base + full * ZR, rem)],
        )

    @pl.when(jnp.logical_not(is_last))
    def _():
      write_rows(row0, RPT)

    @pl.when(is_last)
    def _():
      write_rows(15 * RPT, RLAST)

  return sc_scatter


@functools.lru_cache(maxsize=None)
def _sc_deg_cached():
  return _make_sc_deg()


@functools.lru_cache(maxsize=None)
def _sc_scatter_cached(d):
  return _make_sc_scatter(d)


def _sc_deg(*args):
  return _sc_deg_cached()(*args)


def _sc_scatter_call(d, *args):
  return _sc_scatter_cached(d)(*args)


def _elu(p):
  return jnp.where(p > 0, p, jnp.exp(jnp.minimum(p, 0.0)) - 1.0)


BN = 5000


def _tc_prep(x, w1, degs):
  dout = w1.shape[1]

  def body(x_ref, w_ref, d0_ref, d1_ref, g_ref, dis_ref):
    deg = d0_ref[...] + d1_ref[...] + 1.0
    dis = lax.rsqrt(deg)
    dis_ref[...] = dis
    g_ref[...] = (
        jnp.dot(x_ref[...], w_ref[...], preferred_element_type=jnp.float32)
        * dis
    )

  return pl.pallas_call(
      body,
      grid=(N // BN,),
      in_specs=[
          pl.BlockSpec((BN, x.shape[1]), lambda i: (i, 0)),
          pl.BlockSpec(w1.shape, lambda i: (0, 0)),
          pl.BlockSpec((BN, 1), lambda i: (i, 0)),
          pl.BlockSpec((BN, 1), lambda i: (i + N // BN, 0)),
      ],
      out_specs=[
          pl.BlockSpec((BN, dout), lambda i: (i, 0)),
          pl.BlockSpec((BN, 1), lambda i: (i, 0)),
      ],
      out_shape=[
          jax.ShapeDtypeStruct((N, dout), jnp.float32),
          jax.ShapeDtypeStruct((N, 1), jnp.float32),
      ],
  )(x, w1, degs, degs)


def _tc_mid(acc2, g, dis, b, wn):
  dout = wn.shape[1]
  d_in = g.shape[1]

  def body(a0_ref, a1_ref, g_ref, dis_ref, b_ref, w_ref, o_ref):
    dis = dis_ref[...]
    h = _elu(dis * (a0_ref[...] + a1_ref[...] + g_ref[...]) + b_ref[...])
    o_ref[...] = (
        jnp.dot(h, w_ref[...], preferred_element_type=jnp.float32) * dis
    )

  return pl.pallas_call(
      body,
      grid=(N // BN,),
      in_specs=[
          pl.BlockSpec((BN, d_in), lambda i: (i, 0)),
          pl.BlockSpec((BN, d_in), lambda i: (i + N // BN, 0)),
          pl.BlockSpec((BN, d_in), lambda i: (i, 0)),
          pl.BlockSpec((BN, 1), lambda i: (i, 0)),
          pl.BlockSpec((1, d_in), lambda i: (0, 0)),
          pl.BlockSpec(wn.shape, lambda i: (0, 0)),
      ],
      out_specs=pl.BlockSpec((BN, dout), lambda i: (i, 0)),
      out_shape=jax.ShapeDtypeStruct((N, dout), jnp.float32),
  )(acc2, acc2, g, dis, b, wn)


def _tc_final(acc2, g, dis, b3, wf1, bf1, wf2, bf2, wf3, bf3):

  def body(a0_ref, a1_ref, g_ref, dis_ref, b3_ref, wf1_ref, bf1_ref, wf2_ref,
           bf2_ref, wf3_ref, bf3_ref, o_ref):
    h = _elu(
        dis_ref[...] * (a0_ref[...] + a1_ref[...] + g_ref[...]) + b3_ref[...]
    )
    t = _elu(
        jnp.dot(h, wf1_ref[...], preferred_element_type=jnp.float32)
        + bf1_ref[...]
    )
    t = _elu(
        jnp.dot(t, wf2_ref[...], preferred_element_type=jnp.float32)
        + bf2_ref[...]
    )
    t = (
        jnp.dot(t, wf3_ref[...], preferred_element_type=jnp.float32)
        + bf3_ref[...]
    )
    m = jnp.max(t, axis=1, keepdims=True)
    lse = m + jnp.log(jnp.sum(jnp.exp(t - m), axis=1, keepdims=True))
    o_ref[...] = t - lse

  d_in = g.shape[1]
  return pl.pallas_call(
      body,
      grid=(N // BN,),
      in_specs=[
          pl.BlockSpec((BN, d_in), lambda i: (i, 0)),
          pl.BlockSpec((BN, d_in), lambda i: (i + N // BN, 0)),
          pl.BlockSpec((BN, d_in), lambda i: (i, 0)),
          pl.BlockSpec((BN, 1), lambda i: (i, 0)),
          pl.BlockSpec((1, d_in), lambda i: (0, 0)),
          pl.BlockSpec(wf1.shape, lambda i: (0, 0)),
          pl.BlockSpec((1, wf1.shape[1]), lambda i: (0, 0)),
          pl.BlockSpec(wf2.shape, lambda i: (0, 0)),
          pl.BlockSpec((1, wf2.shape[1]), lambda i: (0, 0)),
          pl.BlockSpec(wf3.shape, lambda i: (0, 0)),
          pl.BlockSpec((1, wf3.shape[1]), lambda i: (0, 0)),
      ],
      out_specs=pl.BlockSpec((BN, 2), lambda i: (i, 0)),
      out_shape=jax.ShapeDtypeStruct((N, 2), jnp.float32),
  )(acc2, acc2, g, dis, b3, wf1, bf1, wf2, bf2, wf3, bf3)


def kernel(x, edge_index, W1, b1, W2, b2, W3, b3, Wf1, bf1, Wf2, bf2, Wf3, bf3):
  ev = edge_index.astype(jnp.int32).reshape(2, NW, NCH, CH)

  degs = _sc_deg(ev).reshape(2 * N, 1)

  g1, dis = _tc_prep(x, W1, degs)

  acc = _sc_scatter_call(16, g1, ev)
  g2 = _tc_mid(acc, g1, dis, b1.reshape(1, -1), W2)

  acc = _sc_scatter_call(32, g2, ev)
  g3 = _tc_mid(acc, g2, dis, b2.reshape(1, -1), W3)

  acc = _sc_scatter_call(64, g3, ev)
  return _tc_final(
      acc, g3, dis, b3.reshape(1, -1),
      Wf1, bf1.reshape(1, -1), Wf2, bf2.reshape(1, -1), Wf3, bf3.reshape(1, -1),
  )

# --- scband reference (transcript-rebuilt; emitter-appended) ---
"""Pipeline reference for scband-trust-gcn-18330920419681 (READ-ONLY COPY).

The authoritative reference and input builder live on the scoring server;
editing this copy changes nothing except your own understanding.
"""

import jax, jax.numpy as jnp
import numpy as np

N = 10000
E = 320000
D_IN = 128


def gcn_conv(x, src, dst, W, b):
    n = x.shape[0]
    deg = jnp.zeros((n,), x.dtype).at[dst].add(1.0)
    dis = jnp.where(deg > 0, deg ** -0.5, 0.0)
    norm = dis[src] * dis[dst]
    h = x @ W
    msg = jnp.take(h, src, axis=0) * norm[:, None]
    out = jnp.zeros((n, W.shape[1]), x.dtype).at[dst].add(msg)
    return out + b


def setup_inputs(seed: int = 0) -> dict:
    key = jax.random.key(seed)
    ks = jax.random.split(key, 16)
    x = jax.random.normal(ks[0], (N, D_IN), jnp.float32)
    edge_index = jax.random.randint(ks[1], (2, E), 0, N)
    def lin(k, fan_in, fan_out):
        kw, kb = jax.random.split(k)
        bound = 1.0 / np.sqrt(fan_in)
        W = jax.random.uniform(kw, (fan_in, fan_out), jnp.float32, -bound, bound)
        b = jax.random.uniform(kb, (fan_out,), jnp.float32, -bound, bound)
        return W, b
    W1, b1 = lin(ks[2], D_IN, 16)
    W2, b2 = lin(ks[3], 16, 32)
    W3, b3 = lin(ks[4], 32, 64)
    Wf1, bf1 = lin(ks[5], 64, 32)
    Wf2, bf2 = lin(ks[6], 32, 16)
    Wf3, bf3 = lin(ks[7], 16, 2)
    return {"x": x, "edge_index": edge_index,
            "W1": W1, "b1": b1, "W2": W2, "b2": b2, "W3": W3, "b3": b3,
            "Wf1": Wf1, "bf1": bf1, "Wf2": Wf2, "bf2": bf2, "Wf3": Wf3, "bf3": bf3}


def reference(x, edge_index, W1, b1, W2, b2, W3, b3, Wf1, bf1, Wf2, bf2, Wf3, bf3):
    n = x.shape[0]
    loop = jnp.arange(n, dtype=edge_index.dtype)
    src = jnp.concatenate([edge_index[0], loop])
    dst = jnp.concatenate([edge_index[1], loop])
    h = jax.nn.elu(gcn_conv(x, src, dst, W1, b1))
    h = jax.nn.elu(gcn_conv(h, src, dst, W2, b2))
    h = jax.nn.elu(gcn_conv(h, src, dst, W3, b3))
    h = jax.nn.elu(h @ Wf1 + bf1)
    h = jax.nn.elu(h @ Wf2 + bf2)
    h = h @ Wf3 + bf3
    return jax.nn.log_softmax(h, axis=1)

if __name__ == "__main__":
    import jax
    _d = setup_inputs()
    print(jax.jit(kernel)(*tuple(_d.values())))

</pallas_src>

<mosaic_0001>
#map = affine_map<(d0, d1) -> (0, 0, 0, 0)>
#map1 = affine_map<(d0, d1) -> (0)>
module attributes {stable_mosaic.version = 14 : i64} {
  func.func @sc_deg(%arg0: i32, %arg1: i32, %arg2: memref<2x32x20x500xi32, #tpu.memory_space<hbm>>, %arg3: memref<20000xf32, #tpu.memory_space<hbm>>, %arg4: memref<20x500xi32, #tpu.memory_space<vmem>>, %arg5: memref<512xf32, #tpu.memory_space<vmem>>, %arg6: memref<640xf32, #tpu.memory_space<vmem>>, %arg7: memref<10000xf32, #tpu.memory_space<vmem_shared>>) attributes {dimension_semantics = [#tpu.dimension_semantics<core_parallel>, #tpu.dimension_semantics<subcore_parallel>], iteration_bounds = array<i64: 2, 16>, scalar_prefetch = 0 : i64, scratch_operands = 4 : i64, tpu.core_type = #tpu.core_type<sc_vector_subcore>, window_params = [{transform_indices = #map}, {transform_indices = #map1}]} {
    %mul3A = arith.constant 16 : i32
    %mul3A_0 = arith.muli %arg0, %mul3A : i32
    %add3A = arith.addi %mul3A_0, %arg1 : i32
    %run_scoped3A = arith.constant 1 : i32
    "tpu.region"() ({
      %run_scoped3A_312 = tpu.sem_alloc : memref<!tpu.dma_semaphore, #tpu.memory_space<semaphore_mem>>
      %dma_start3A = arith.constant 0 : i32
      %dma_start3A_313 = arith.constant 0 : i32
      %dma_start3A_314 = tpu.memref_slice %arg2[%run_scoped3A, %add3A, %dma_start3A, %dma_start3A_313] : memref<2x32x20x500xi32, #tpu.memory_space<hbm>> -> memref<1x1x20x500xi32, #tpu.memory_space<hbm>>
      %dma_start3A_315 = tpu.memref_squeeze %dma_start3A_314 : memref<1x1x20x500xi32, #tpu.memory_space<hbm>> -> memref<20x500xi32, #tpu.memory_space<hbm>>
      %dma_start3A_316 = arith.constant 0 : i32
      %dma_start3A_317 = arith.constant 0 : i32
      %dma_start3A_318 = tpu.memref_slice %arg2[%run_scoped3A, %add3A, %dma_start3A_316, %dma_start3A_317] : memref<2x32x20x500xi32, #tpu.memory_space<hbm>> -> memref<1x1x20x500xi32, #tpu.memory_space<hbm>>
      %dma_start3A_319 = tpu.memref_squeeze %dma_start3A_318 : memref<1x1x20x500xi32, #tpu.memory_space<hbm>> -> memref<20x500xi32, #tpu.memory_space<hbm>>
      tpu.enqueue_dma source(%dma_start3A_319 : memref<20x500xi32, #tpu.memory_space<hbm>>) target(%arg4 : memref<20x500xi32, #tpu.memory_space<vmem>>) target_semaphore(%run_scoped3A_312 : memref<!tpu.dma_semaphore, #tpu.memory_space<semaphore_mem>>)
      %dma_wait3A = arith.constant 0 : i32
      %dma_wait3A_320 = arith.constant 0 : i32
      %dma_wait3A_321 = tpu.memref_slice %arg2[%run_scoped3A, %add3A, %dma_wait3A, %dma_wait3A_320] : memref<2x32x20x500xi32, #tpu.memory_space<hbm>> -> memref<1x1x20x500xi32, #tpu.memory_space<hbm>>
      %dma_wait3A_322 = tpu.memref_squeeze %dma_wait3A_321 : memref<1x1x20x500xi32, #tpu.memory_space<hbm>> -> memref<20x500xi32, #tpu.memory_space<hbm>>
      %dma_wait3A_323 = arith.constant 0 : i32
      %dma_wait3A_324 = arith.constant 0 : i32
      %dma_wait3A_325 = tpu.memref_slice %arg2[%run_scoped3A, %add3A, %dma_wait3A_323, %dma_wait3A_324] : memref<2x32x20x500xi32, #tpu.memory_space<hbm>> -> memref<1x1x20x500xi32, #tpu.memory_space<hbm>>
      %dma_wait3A_326 = tpu.memref_squeeze %dma_wait3A_325 : memref<1x1x20x500xi32, #tpu.memory_space<hbm>> -> memref<20x500xi32, #tpu.memory_space<hbm>>
      tpu.wait_dma2 semaphore(%run_scoped3A_312 : memref<!tpu.dma_semaphore, #tpu.memory_space<semaphore_mem>>) src(%dma_wait3A_326 : memref<20x500xi32, #tpu.memory_space<hbm>>) dst(%arg4 : memref<20x500xi32, #tpu.memory_space<vmem>>)
      tpu.yield
    }) : () -> ()
    %broadcast_in_dim3A = arith.constant 1.000000e+00 : f32
    %broadcast_in_dim3A_1 = vector.broadcast %broadcast_in_dim3A : f32 to vector<16xf32>
    %broadcast_in_dim3A_2 = arith.constant 0.000000e+00 : f32
    %broadcast_in_dim3A_3 = vector.broadcast %broadcast_in_dim3A_2 : f32 to vector<16xf32>
    %swap3A = arith.constant 0 : index
    %swap3A_4 = tpu.vector_load %arg5[%swap3A] {strides = array<i32>} : memref<512xf32, #tpu.memory_space<vmem>>, vector<16xf32>,
    %swap3A_5 = vector.shape_cast %swap3A_4 : vector<16xf32> to vector<16xf32>
    %swap3A_6 = vector.shape_cast %broadcast_in_dim3A_1 : vector<16xf32> to vector<16xf32>
    tpu.vector_store %arg5[%swap3A], %swap3A_6 {strides = array<i32>} : memref<512xf32, #tpu.memory_space<vmem>>, vector<16xf32>,
    %swap3A_7 = arith.constant 16 : index
    %swap3A_8 = tpu.vector_load %arg5[%swap3A_7] {strides = array<i32>} : memref<512xf32, #tpu.memory_space<vmem>>, vector<16xf32>,
    %swap3A_9 = vector.shape_cast %swap3A_8 : vector<16xf32> to vector<16xf32>
    %swap3A_10 = vector.shape_cast %broadcast_in_dim3A_1 : vector<16xf32> to vector<16xf32>
    tpu.vector_store %arg5[%swap3A_7], %swap3A_10 {strides = array<i32>} : memref<512xf32, #tpu.memory_space<vmem>>, vector<16xf32>,
    %swap3A_11 = arith.constant 32 : index
    %swap3A_12 = tpu.vector_load %arg5[%swap3A_11] {strides = array<i32>} : memref<512xf32, #tpu.memory_space<vmem>>, vector<16xf32>,
    %swap3A_13 = vector.shape_cast %swap3A_12 : vector<16xf32> to vector<16xf32>
    %swap3A_14 = vector.shape_cast %broadcast_in_dim3A_1 : vector<16xf32> to vector<16xf32>
    tpu.vector_store %arg5[%swap3A_11], %swap3A_14 {strides = array<i32>} : memref<512xf32, #tpu.memory_space<vmem>>, vector<16xf32>,
    %swap3A_15 = arith.constant 48 : index
    %swap3A_16 = tpu.vector_load %arg5[%swap3A_15] {strides = array<i32>} : memref<512xf32, #tpu.memory_space<vmem>>, vector<16xf32>,
    %swap3A_17 = vector.shape_cast %swap3A_16 : vector<16xf32> to vector<16xf32>
    %swap3A_18 = vector.shape_cast %broadcast_in_dim3A_1 : vector<16xf32> to vector<16xf32>
    tpu.vector_store %arg5[%swap3A_15], %swap3A_18 {strides = array<i32>} : memref<512xf32, #tpu.memory_space<vmem>>, vector<16xf32>,
    %swap3A_19 = arith.constant 64 : index
    %swap3A_20 = tpu.vector_load %arg5[%swap3A_19] {strides = array<i32>} : memref<512xf32, #tpu.memory_space<vmem>>, vector<16xf32>,
    %swap3A_21 = vector.shape_cast %swap3A_20 : vector<16xf32> to vector<16xf32>
    %swap3A_22 = vector.shape_cast %broadcast_in_dim3A_1 : vector<16xf32> to vector<16xf32>
    tpu.vector_store %arg5[%swap3A_19], %swap3A_22 {strides = array<i32>} : memref<512xf32, #tpu.memory_space<vmem>>, vector<16xf32>,
    %swap3A_23 = arith.constant 80 : index
    %swap3A_24 = tpu.vector_load %arg5[%swap3A_23] {strides = array<i32>} : memref<512xf32, #tpu.memory_space<vmem>>, vector<16xf32>,
    %swap3A_25 = vector.shape_cast %swap3A_24 : vector<16xf32> to vector<16xf32>
    %swap3A_26 = vector.shape_cast %broadcast_in_dim3A_1 : vector<16xf32> to vector<16xf32>
    tpu.vector_store %arg5[%swap3A_23], %swap3A_26 {strides = array<i32>} : memref<512xf32, #tpu.memory_space<vmem>>, vector<16xf32>,
    %swap3A_27 = arith.constant 96 : index
    %swap3A_28 = tpu.vector_load %arg5[%swap3A_27] {strides = array<i32>} : memref<512xf32, #tpu.memory_space<vmem>>, vector<16xf32>,
    %swap3A_29 = vector.shape_cast %swap3A_28 : vector<16xf32> to vector<16xf32>
    %swap3A_30 = vector.shape_cast %broadcast_in_dim3A_1 : vector<16xf32> to vector<16xf32>
    tpu.vector_store %arg5[%swap3A_27], %swap3A_30 {strides = array<i32>} : memref<512xf32, #tpu.memory_space<vmem>>, vector<16xf32>,
    %swap3A_31 = arith.constant 112 : index
    %swap3A_32 = tpu.vector_load %arg5[%swap3A_31] {strides = array<i32>} : memref<512xf32, #tpu.memory_space<vmem>>, vector<16xf32>,
    %swap3A_33 = vector.shape_cast %swap3A_32 : vector<16xf32> to vector<16xf32>
    %swap3A_34 = vector.shape_cast %broadcast_in_dim3A_1 : vector<16xf32> to vector<16xf32>
    tpu.vector_store %arg5[%swap3A_31], %swap3A_34 {strides = array<i32>} : memref<512xf32, #tpu.memory_space<vmem>>, vector<16xf32>,
    %swap3A_35 = arith.constant 128 : index
    %swap3A_36 = tpu.vector_load %arg5[%swap3A_35] {strides = array<i32>} : memref<512xf32, #tpu.memory_space<vmem>>, vector<16xf32>,
    %swap3A_37 = vector.shape_cast %swap3A_36 : vector<16xf32> to vector<16xf32>
    %swap3A_38 = vector.shape_cast %broadcast_in_dim3A_1 : vector<16xf32> to vector<16xf32>
    tpu.vector_store %arg5[%swap3A_35], %swap3A_38 {strides = array<i32>} : memref<512xf32, #tpu.memory_space<vmem>>, vector<16xf32>,
    %swap3A_39 = arith.constant 144 : index
    %swap3A_40 = tpu.vector_load %arg5[%swap3A_39] {strides = array<i32>} : memref<512xf32, #tpu.memory_space<vmem>>, vector<16xf32>,
    %swap3A_41 = vector.shape_cast %swap3A_40 : vector<16xf32> to vector<16xf32>
    %swap3A_42 = vector.shape_cast %broadcast_in_dim3A_1 : vector<16xf32> to vector<16xf32>
    tpu.vector_store %arg5[%swap3A_39], %swap3A_42 {strides = array<i32>} : memref<512xf32, #tpu.memory_space<vmem>>, vector<16xf32>,
    %swap3A_43 = arith.constant 160 : index
    %swap3A_44 = tpu.vector_load %arg5[%swap3A_43] {strides = array<i32>} : memref<512xf32, #tpu.memory_space<vmem>>, vector<16xf32>,
    %swap3A_45 = vector.shape_cast %swap3A_44 : vector<16xf32> to vector<16xf32>
    %swap3A_46 = vector.shape_cast %broadcast_in_dim3A_1 : vector<16xf32> to vector<16xf32>
    tpu.vector_store %arg5[%swap3A_43], %swap3A_46 {strides = array<i32>} : memref<512xf32, #tpu.memory_space<vmem>>, vector<16xf32>,
    %swap3A_47 = arith.constant 176 : index
    %swap3A_48 = tpu.vector_load %arg5[%swap3A_47] {strides = array<i32>} : memref<512xf32, #tpu.memory_space<vmem>>, vector<16xf32>,
    %swap3A_49 = vector.shape_cast %swap3A_48 : vector<16xf32> to vector<16xf32>
    %swap3A_50 = vector.shape_cast %broadcast_in_dim3A_1 : vector<16xf32> to vector<16xf32>
    tpu.vector_store %arg5[%swap3A_47], %swap3A_50 {strides = array<i32>} : memref<512xf32, #tpu.memory_space<vmem>>, vector<16xf32>,
    %swap3A_51 = arith.constant 192 : index
    %swap3A_52 = tpu.vector_load %arg5[%swap3A_51] {strides = array<i32>} : memref<512xf32, #tpu.memory_space<vmem>>, vector<16xf32>,
    %swap3A_53 = vector.shape_cast %swap3A_52 : vector<16xf32> to vector<16xf32>
    %swap3A_54 = vector.shape_cast %broadcast_in_dim3A_1 : vector<16xf32> to vector<16xf32>
    tpu.vector_store %arg5[%swap3A_51], %swap3A_54 {strides = array<i32>} : memref<512xf32, #tpu.memory_space<vmem>>, vector<16xf32>,
    %swap3A_55 = arith.constant 208 : index
    %swap3A_56 = tpu.vector_load %arg5[%swap3A_55] {strides = array<i32>} : memref<512xf32, #tpu.memory_space<vmem>>, vector<16xf32>,
    %swap3A_57 = vector.shape_cast %swap3A_56 : vector<16xf32> to vector<16xf32>
    %swap3A_58 = vector.shape_cast %broadcast_in_dim3A_1 : vector<16xf32> to vector<16xf32>
    tpu.vector_store %arg5[%swap3A_55], %swap3A_58 {strides = array<i32>} : memref<512xf32, #tpu.memory_space<vmem>>, vector<16xf32>,
    %swap3A_59 = arith.constant 224 : index
    %swap3A_60 = tpu.vector_load %arg5[%swap3A_59] {strides = array<i32>} : memref<512xf32, #tpu.memory_space<vmem>>, vector<16xf32>,
    %swap3A_61 = vector.shape_cast %swap3A_60 : vector<16xf32> to vector<16xf32>
    %swap3A_62 = vector.shape_cast %broadcast_in_dim3A_1 : vector<16xf32> to vector<16xf32>
    tpu.vector_store %arg5[%swap3A_59], %swap3A_62 {strides = array<i32>} : memref<512xf32, #tpu.memory_space<vmem>>, vector<16xf32>,
    %swap3A_63 = arith.constant 240 : index
    %swap3A_64 = tpu.vector_load %arg5[%swap3A_63] {strides = array<i32>} : memref<512xf32, #tpu.memory_space<vmem>>, vector<16xf32>,
    %swap3A_65 = vector.shape_cast %swap3A_64 : vector<16xf32> to vector<16xf32>
    %swap3A_66 = vector.shape_cast %broadcast_in_dim3A_1 : vector<16xf32> to vector<16xf32>
    tpu.vector_store %arg5[%swap3A_63], %swap3A_66 {strides = array<i32>} : memref<512xf32, #tpu.memory_space<vmem>>, vector<16xf32>,
    %swap3A_67 = arith.constant 256 : index
    %swap3A_68 = tpu.vector_load %arg5[%swap3A_67] {strides = array<i32>} : memref<512xf32, #tpu.memory_space<vmem>>, vector<16xf32>,
    %swap3A_69 = vector.shape_cast %swap3A_68 : vector<16xf32> to vector<16xf32>
    %swap3A_70 = vector.shape_cast %broadcast_in_dim3A_1 : vector<16xf32> to vector<16xf32>
    tpu.vector_store %arg5[%swap3A_67], %swap3A_70 {strides = array<i32>} : memref<512xf32, #tpu.memory_space<vmem>>, vector<16xf32>,
    %swap3A_71 = arith.constant 272 : index
    %swap3A_72 = tpu.vector_load %arg5[%swap3A_71] {strides = array<i32>} : memref<512xf32, #tpu.memory_space<vmem>>, vector<16xf32>,
    %swap3A_73 = vector.shape_cast %swap3A_72 : vector<16xf32> to vector<16xf32>
    %swap3A_74 = vector.shape_cast %broadcast_in_dim3A_1 : vector<16xf32> to vector<16xf32>
    tpu.vector_store %arg5[%swap3A_71], %swap3A_74 {strides = array<i32>} : memref<512xf32, #tpu.memory_space<vmem>>, vector<16xf32>,
    %swap3A_75 = arith.constant 288 : index
    %swap3A_76 = tpu.vector_load %arg5[%swap3A_75] {strides = array<i32>} : memref<512xf32, #tpu.memory_space<vmem>>, vector<16xf32>,
    %swap3A_77 = vector.shape_cast %swap3A_76 : vector<16xf32> to vector<16xf32>
    %swap3A_78 = vector.shape_cast %broadcast_in_dim3A_1 : vector<16xf32> to vector<16xf32>
    tpu.vector_store %arg5[%swap3A_75], %swap3A_78 {strides = array<i32>} : memref<512xf32, #tpu.memory_space<vmem>>, vector<16xf32>,
    %swap3A_79 = arith.constant 304 : index
    %swap3A_80 = tpu.vector_load %arg5[%swap3A_79] {strides = array<i32>} : memref<512xf32, #tpu.memory_space<vmem>>, vector<16xf32>,
    %swap3A_81 = vector.shape_cast %swap3A_80 : vector<16xf32> to vector<16xf32>
    %swap3A_82 = vector.shape_cast %broadcast_in_dim3A_1 : vector<16xf32> to vector<16xf32>
    tpu.vector_store %arg5[%swap3A_79], %swap3A_82 {strides = array<i32>} : memref<512xf32, #tpu.memory_space<vmem>>, vector<16xf32>,
    %swap3A_83 = arith.constant 320 : index
    %swap3A_84 = tpu.vector_load %arg5[%swap3A_83] {strides = array<i32>} : memref<512xf32, #tpu.memory_space<vmem>>, vector<16xf32>,
    %swap3A_85 = vector.shape_cast %swap3A_84 : vector<16xf32> to vector<16xf32>
    %swap3A_86 = vector.shape_cast %broadcast_in_dim3A_1 : vector<16xf32> to vector<16xf32>
    tpu.vector_store %arg5[%swap3A_83], %swap3A_86 {strides = array<i32>} : memref<512xf32, #tpu.memory_space<vmem>>, vector<16xf32>,
    %swap3A_87 = arith.constant 336 : index
    %swap3A_88 = tpu.vector_load %arg5[%swap3A_87] {strides = array<i32>} : memref<512xf32, #tpu.memory_space<vmem>>, vector<16xf32>,
    %swap3A_89 = vector.shape_cast %swap3A_88 : vector<16xf32> to vector<16xf32>
    %swap3A_90 = vector.shape_cast %broadcast_in_dim3A_1 : vector<16xf32> to vector<16xf32>
    tpu.vector_store %arg5[%swap3A_87], %swap3A_90 {strides = array<i32>} : memref<512xf32, #tpu.memory_space<vmem>>, vector<16xf32>,
    %swap3A_91 = arith.constant 352 : index
    %swap3A_92 = tpu.vector_load %arg5[%swap3A_91] {strides = array<i32>} : memref<512xf32, #tpu.memory_space<vmem>>, vector<16xf32>,
    %swap3A_93 = vector.shape_cast %swap3A_92 : vector<16xf32> to vector<16xf32>
    %swap3A_94 = vector.shape_cast %broadcast_in_dim3A_1 : vector<16xf32> to vector<16xf32>
    tpu.vector_store %arg5[%swap3A_91], %swap3A_94 {strides = array<i32>} : memref<512xf32, #tpu.memory_space<vmem>>, vector<16xf32>,
    %swap3A_95 = arith.constant 368 : index
    %swap3A_96 = tpu.vector_load %arg5[%swap3A_95] {strides = array<i32>} : memref<512xf32, #tpu.memory_space<vmem>>, vector<16xf32>,
    %swap3A_97 = vector.shape_cast %swap3A_96 : vector<16xf32> to vector<16xf32>
    %swap3A_98 = vector.shape_cast %broadcast_in_dim3A_1 : vector<16xf32> to vector<16xf32>
    tpu.vector_store %arg5[%swap3A_95], %swap3A_98 {strides = array<i32>} : memref<512xf32, #tpu.memory_space<vmem>>, vector<16xf32>,
    %swap3A_99 = arith.constant 384 : index
    %swap3A_100 = tpu.vector_load %arg5[%swap3A_99] {strides = array<i32>} : memref<512xf32, #tpu.memory_space<vmem>>, vector<16xf32>,
    %swap3A_101 = vector.shape_cast %swap3A_100 : vector<16xf32> to vector<16xf32>
    %swap3A_102 = vector.shape_cast %broadcast_in_dim3A_1 : vector<16xf32> to vector<16xf32>
    tpu.vector_store %arg5[%swap3A_99], %swap3A_102 {strides = array<i32>} : memref<512xf32, #tpu.memory_space<vmem>>, vector<16xf32>,
    %swap3A_103 = arith.constant 400 : index
    %swap3A_104 = tpu.vector_load %arg5[%swap3A_103] {strides = array<i32>} : memref<512xf32, #tpu.memory_space<vmem>>, vector<16xf32>,
    %swap3A_105 = vector.shape_cast %swap3A_104 : vector<16xf32> to vector<16xf32>
    %swap3A_106 = vector.shape_cast %broadcast_in_dim3A_1 : vector<16xf32> to vector<16xf32>
    tpu.vector_store %arg5[%swap3A_103], %swap3A_106 {strides = array<i32>} : memref<512xf32, #tpu.memory_space<vmem>>, vector<16xf32>,
    %swap3A_107 = arith.constant 416 : index
    %swap3A_108 = tpu.vector_load %arg5[%swap3A_107] {strides = array<i32>} : memref<512xf32, #tpu.memory_space<vmem>>, vector<16xf32>,
    %swap3A_109 = vector.shape_cast %swap3A_108 : vector<16xf32> to vector<16xf32>
    %swap3A_110 = vector.shape_cast %broadcast_in_dim3A_1 : vector<16xf32> to vector<16xf32>
    tpu.vector_store %arg5[%swap3A_107], %swap3A_110 {strides = array<i32>} : memref<512xf32, #tpu.memory_space<vmem>>, vector<16xf32>,
    %swap3A_111 = arith.constant 432 : index
    %swap3A_112 = tpu.vector_load %arg5[%swap3A_111] {strides = array<i32>} : memref<512xf32, #tpu.memory_space<vmem>>, vector<16xf32>,
    %swap3A_113 = vector.shape_cast %swap3A_112 : vector<16xf32> to vector<16xf32>
    %swap3A_114 = vector.shape_cast %broadcast_in_dim3A_1 : vector<16xf32> to vector<16xf32>
    tpu.vector_store %arg5[%swap3A_111], %swap3A_114 {strides = array<i32>} : memref<512xf32, #tpu.memory_space<vmem>>, vector<16xf32>,
    %swap3A_115 = arith.constant 448 : index
    %swap3A_116 = tpu.vector_load %arg5[%swap3A_115] {strides = array<i32>} : memref<512xf32, #tpu.memory_space<vmem>>, vector<16xf32>,
    %swap3A_117 = vector.shape_cast %swap3A_116 : vector<16xf32> to vector<16xf32>
    %swap3A_118 = vector.shape_cast %broadcast_in_dim3A_1 : vector<16xf32> to vector<16xf32>
    tpu.vector_store %arg5[%swap3A_115], %swap3A_118 {strides = array<i32>} : memref<512xf32, #tpu.memory_space<vmem>>, vector<16xf32>,
    %swap3A_119 = arith.constant 464 : index
    %swap3A_120 = tpu.vector_load %arg5[%swap3A_119] {strides = array<i32>} : memref<512xf32, #tpu.memory_space<vmem>>, vector<16xf32>,
    %swap3A_121 = vector.shape_cast %swap3A_120 : vector<16xf32> to vector<16xf32>
    %swap3A_122 = vector.shape_cast %broadcast_in_dim3A_1 : vector<16xf32> to vector<16xf32>
    tpu.vector_store %arg5[%swap3A_119], %swap3A_122 {strides = array<i32>} : memref<512xf32, #tpu.memory_space<vmem>>, vector<16xf32>,
    %swap3A_123 = arith.constant 480 : index
    %swap3A_124 = tpu.vector_load %arg5[%swap3A_123] {strides = array<i32>} : memref<512xf32, #tpu.memory_space<vmem>>, vector<16xf32>,
    %swap3A_125 = vector.shape_cast %swap3A_124 : vector<16xf32> to vector<16xf32>
    %swap3A_126 = vector.shape_cast %broadcast_in_dim3A_1 : vector<16xf32> to vector<16xf32>
    tpu.vector_store %arg5[%swap3A_123], %swap3A_126 {strides = array<i32>} : memref<512xf32, #tpu.memory_space<vmem>>, vector<16xf32>,
    %swap3A_127 = arith.constant 496 : index
    %swap3A_128 = tpu.vector_load %arg5[%swap3A_127] {strides = array<i32>} : memref<512xf32, #tpu.memory_space<vmem>>, vector<16xf32>,
    %swap3A_129 = vector.shape_cast %swap3A_128 : vector<16xf32> to vector<16xf32>
    %swap3A_130 = vector.shape_cast %broadcast_in_dim3A_1 : vector<16xf32> to vector<16xf32>
    tpu.vector_store %arg5[%swap3A_127], %swap3A_130 {strides = array<i32>} : memref<512xf32, #tpu.memory_space<vmem>>, vector<16xf32>,
    %swap3A_131 = arith.constant 0 : index
    %swap3A_132 = tpu.vector_load %arg6[%swap3A_131] {strides = array<i32>} : memref<640xf32, #tpu.memory_space<vmem>>, vector<16xf32>,
    %swap3A_133 = vector.shape_cast %swap3A_132 : vector<16xf32> to vector<16xf32>
    %swap3A_134 = vector.shape_cast %broadcast_in_dim3A_3 : vector<16xf32> to vector<16xf32>
    tpu.vector_store %arg6[%swap3A_131], %swap3A_134 {strides = array<i32>} : memref<640xf32, #tpu.memory_space<vmem>>, vector<16xf32>,
    %swap3A_135 = arith.constant 16 : index
    %swap3A_136 = tpu.vector_load %arg6[%swap3A_135] {strides = array<i32>} : memref<640xf32, #tpu.memory_space<vmem>>, vector<16xf32>,
    %swap3A_137 = vector.shape_cast %swap3A_136 : vector<16xf32> to vector<16xf32>
    %swap3A_138 = vector.shape_cast %broadcast_in_dim3A_3 : vector<16xf32> to vector<16xf32>
    tpu.vector_store %arg6[%swap3A_135], %swap3A_138 {strides = array<i32>} : memref<640xf32, #tpu.memory_space<vmem>>, vector<16xf32>,
    %swap3A_139 = arith.constant 32 : index
    %swap3A_140 = tpu.vector_load %arg6[%swap3A_139] {strides = array<i32>} : memref<640xf32, #tpu.memory_space<vmem>>, vector<16xf32>,
    %swap3A_141 = vector.shape_cast %swap3A_140 : vector<16xf32> to vector<16xf32>
    %swap3A_142 = vector.shape_cast %broadcast_in_dim3A_3 : vector<16xf32> to vector<16xf32>
    tpu.vector_store %arg6[%swap3A_139], %swap3A_142 {strides = array<i32>} : memref<640xf32, #tpu.memory_space<vmem>>, vector<16xf32>,
    %swap3A_143 = arith.constant 48 : index
    %swap3A_144 = tpu.vector_load %arg6[%swap3A_143] {strides = array<i32>} : memref<640xf32, #tpu.memory_space<vmem>>, vector<16xf32>,
    %swap3A_145 = vector.shape_cast %swap3A_144 : vector<16xf32> to vector<16xf32>
    %swap3A_146 = vector.shape_cast %broadcast_in_dim3A_3 : vector<16xf32> to vector<16xf32>
    tpu.vector_store %arg6[%swap3A_143], %swap3A_146 {strides = array<i32>} : memref<640xf32, #tpu.memory_space<vmem>>, vector<16xf32>,
    %swap3A_147 = arith.constant 64 : index
    %swap3A_148 = tpu.vector_load %arg6[%swap3A_147] {strides = array<i32>} : memref<640xf32, #tpu.memory_space<vmem>>, vector<16xf32>,
    %swap3A_149 = vector.shape_cast %swap3A_148 : vector<16xf32> to vector<16xf32>
    %swap3A_150 = vector.shape_cast %broadcast_in_dim3A_3 : vector<16xf32> to vector<16xf32>
    tpu.vector_store %arg6[%swap3A_147], %swap3A_150 {strides = array<i32>} : memref<640xf32, #tpu.memory_space<vmem>>, vector<16xf32>,
    %swap3A_151 = arith.constant 80 : index
    %swap3A_152 = tpu.vector_load %arg6[%swap3A_151] {strides = array<i32>} : memref<640xf32, #tpu.memory_space<vmem>>, vector<16xf32>,
    %swap3A_153 = vector.shape_cast %swap3A_152 : vector<16xf32> to vector<16xf32>
    %swap3A_154 = vector.shape_cast %broadcast_in_dim3A_3 : vector<16xf32> to vector<16xf32>
    tpu.vector_store %arg6[%swap3A_151], %swap3A_154 {strides = array<i32>} : memref<640xf32, #tpu.memory_space<vmem>>, vector<16xf32>,
    %swap3A_155 = arith.constant 96 : index
    %swap3A_156 = tpu.vector_load %arg6[%swap3A_155] {strides = array<i32>} : memref<640xf32, #tpu.memory_space<vmem>>, vector<16xf32>,
    %swap3A_157 = vector.shape_cast %swap3A_156 : vector<16xf32> to vector<16xf32>
    %swap3A_158 = vector.shape_cast %broadcast_in_dim3A_3 : vector<16xf32> to vector<16xf32>
    tpu.vector_store %arg6[%swap3A_155], %swap3A_158 {strides = array<i32>} : memref<640xf32, #tpu.memory_space<vmem>>, vector<16xf32>,
    %swap3A_159 = arith.constant 112 : index
    %swap3A_160 = tpu.vector_load %arg6[%swap3A_159] {strides = array<i32>} : memref<640xf32, #tpu.memory_space<vmem>>, vector<16xf32>,
    %swap3A_161 = vector.shape_cast %swap3A_160 : vector<16xf32> to vector<16xf32>
    %swap3A_162 = vector.shape_cast %broadcast_in_dim3A_3 : vector<16xf32> to vector<16xf32>
    tpu.vector_store %arg6[%swap3A_159], %swap3A_162 {strides = array<i32>} : memref<640xf32, #tpu.memory_space<vmem>>, vector<16xf32>,
    %swap3A_163 = arith.constant 128 : index
    %swap3A_164 = tpu.vector_load %arg6[%swap3A_163] {strides = array<i32>} : memref<640xf32, #tpu.memory_space<vmem>>, vector<16xf32>,
    %swap3A_165 = vector.shape_cast %swap3A_164 : vector<16xf32> to vector<16xf32>
    %swap3A_166 = vector.shape_cast %broadcast_in_dim3A_3 : vector<16xf32> to vector<16xf32>
    tpu.vector_store %arg6[%swap3A_163], %swap3A_166 {strides = array<i32>} : memref<640xf32, #tpu.memory_space<vmem>>, vector<16xf32>,
    %swap3A_167 = arith.constant 144 : index
    %swap3A_168 = tpu.vector_load %arg6[%swap3A_167] {strides = array<i32>} : memref<640xf32, #tpu.memory_space<vmem>>, vector<16xf32>,
    %swap3A_169 = vector.shape_cast %swap3A_168 : vector<16xf32> to vector<16xf32>
    %swap3A_170 = vector.shape_cast %broadcast_in_dim3A_3 : vector<16xf32> to vector<16xf32>
    tpu.vector_store %arg6[%swap3A_167], %swap3A_170 {strides = array<i32>} : memref<640xf32, #tpu.memory_space<vmem>>, vector<16xf32>,
    %swap3A_171 = arith.constant 160 : index
    %swap3A_172 = tpu.vector_load %arg6[%swap3A_171] {strides = array<i32>} : memref<640xf32, #tpu.memory_space<vmem>>, vector<16xf32>,
    %swap3A_173 = vector.shape_cast %swap3A_172 : vector<16xf32> to vector<16xf32>
    %swap3A_174 = vector.shape_cast %broadcast_in_dim3A_3 : vector<16xf32> to vector<16xf32>
    tpu.vector_store %arg6[%swap3A_171], %swap3A_174 {strides = array<i32>} : memref<640xf32, #tpu.memory_space<vmem>>, vector<16xf32>,
    %swap3A_175 = arith.constant 176 : index
    %swap3A_176 = tpu.vector_load %arg6[%swap3A_175] {strides = array<i32>} : memref<640xf32, #tpu.memory_space<vmem>>, vector<16xf32>,
    %swap3A_177 = vector.shape_cast %swap3A_176 : vector<16xf32> to vector<16xf32>
    %swap3A_178 = vector.shape_cast %broadcast_in_dim3A_3 : vector<16xf32> to vector<16xf32>
    tpu.vector_store %arg6[%swap3A_175], %swap3A_178 {strides = array<i32>} : memref<640xf32, #tpu.memory_space<vmem>>, vector<16xf32>,
    %swap3A_179 = arith.constant 192 : index
    %swap3A_180 = tpu.vector_load %arg6[%swap3A_179] {strides = array<i32>} : memref<640xf32, #tpu.memory_space<vmem>>, vector<16xf32>,
    %swap3A_181 = vector.shape_cast %swap3A_180 : vector<16xf32> to vector<16xf32>
    %swap3A_182 = vector.shape_cast %broadcast_in_dim3A_3 : vector<16xf32> to vector<16xf32>
    tpu.vector_store %arg6[%swap3A_179], %swap3A_182 {strides = array<i32>} : memref<640xf32, #tpu.memory_space<vmem>>, vector<16xf32>,
    %swap3A_183 = arith.constant 208 : index
    %swap3A_184 = tpu.vector_load %arg6[%swap3A_183] {strides = array<i32>} : memref<640xf32, #tpu.memory_space<vmem>>, vector<16xf32>,
    %swap3A_185 = vector.shape_cast %swap3A_184 : vector<16xf32> to vector<16xf32>
    %swap3A_186 = vector.shape_cast %broadcast_in_dim3A_3 : vector<16xf32> to vector<16xf32>
    tpu.vector_store %arg6[%swap3A_183], %swap3A_186 {strides = array<i32>} : memref<640xf32, #tpu.memory_space<vmem>>, vector<16xf32>,
    %swap3A_187 = arith.constant 224 : index
    %swap3A_188 = tpu.vector_load %arg6[%swap3A_187] {strides = array<i32>} : memref<640xf32, #tpu.memory_space<vmem>>, vector<16xf32>,
    %swap3A_189 = vector.shape_cast %swap3A_188 : vector<16xf32> to vector<16xf32>
    %swap3A_190 = vector.shape_cast %broadcast_in_dim3A_3 : vector<16xf32> to vector<16xf32>
    tpu.vector_store %arg6[%swap3A_187], %swap3A_190 {strides = array<i32>} : memref<640xf32, #tpu.memory_space<vmem>>, vector<16xf32>,
    %swap3A_191 = arith.constant 240 : index
    %swap3A_192 = tpu.vector_load %arg6[%swap3A_191] {strides = array<i32>} : memref<640xf32, #tpu.memory_space<vmem>>, vector<16xf32>,
    %swap3A_193 = vector.shape_cast %swap3A_192 : vector<16xf32> to vector<16xf32>
    %swap3A_194 = vector.shape_cast %broadcast_in_dim3A_3 : vector<16xf32> to vector<16xf32>
    tpu.vector_store %arg6[%swap3A_191], %swap3A_194 {strides = array<i32>} : memref<640xf32, #tpu.memory_space<vmem>>, vector<16xf32>,
    %swap3A_195 = arith.constant 256 : index
    %swap3A_196 = tpu.vector_load %arg6[%swap3A_195] {strides = array<i32>} : memref<640xf32, #tpu.memory_space<vmem>>, vector<16xf32>,
    %swap3A_197 = vector.shape_cast %swap3A_196 : vector<16xf32> to vector<16xf32>
    %swap3A_198 = vector.shape_cast %broadcast_in_dim3A_3 : vector<16xf32> to vector<16xf32>
    tpu.vector_store %arg6[%swap3A_195], %swap3A_198 {strides = array<i32>} : memref<640xf32, #tpu.memory_space<vmem>>, vector<16xf32>,
    %swap3A_199 = arith.constant 272 : index
    %swap3A_200 = tpu.vector_load %arg6[%swap3A_199] {strides = array<i32>} : memref<640xf32, #tpu.memory_space<vmem>>, vector<16xf32>,
    %swap3A_201 = vector.shape_cast %swap3A_200 : vector<16xf32> to vector<16xf32>
    %swap3A_202 = vector.shape_cast %broadcast_in_dim3A_3 : vector<16xf32> to vector<16xf32>
    tpu.vector_store %arg6[%swap3A_199], %swap3A_202 {strides = array<i32>} : memref<640xf32, #tpu.memory_space<vmem>>, vector<16xf32>,
    %swap3A_203 = arith.constant 288 : index
    %swap3A_204 = tpu.vector_load %arg6[%swap3A_203] {strides = array<i32>} : memref<640xf32, #tpu.memory_space<vmem>>, vector<16xf32>,
    %swap3A_205 = vector.shape_cast %swap3A_204 : vector<16xf32> to vector<16xf32>
    %swap3A_206 = vector.shape_cast %broadcast_in_dim3A_3 : vector<16xf32> to vector<16xf32>
    tpu.vector_store %arg6[%swap3A_203], %swap3A_206 {strides = array<i32>} : memref<640xf32, #tpu.memory_space<vmem>>, vector<16xf32>,
    %swap3A_207 = arith.constant 304 : index
    %swap3A_208 = tpu.vector_load %arg6[%swap3A_207] {strides = array<i32>} : memref<640xf32, #tpu.memory_space<vmem>>, vector<16xf32>,
    %swap3A_209 = vector.shape_cast %swap3A_208 : vector<16xf32> to vector<16xf32>
    %swap3A_210 = vector.shape_cast %broadcast_in_dim3A_3 : vector<16xf32> to vector<16xf32>
    tpu.vector_store %arg6[%swap3A_207], %swap3A_210 {strides = array<i32>} : memref<640xf32, #tpu.memory_space<vmem>>, vector<16xf32>,
    %swap3A_211 = arith.constant 320 : index
    %swap3A_212 = tpu.vector_load %arg6[%swap3A_211] {strides = array<i32>} : memref<640xf32, #tpu.memory_space<vmem>>, vector<16xf32>,
    %swap3A_213 = vector.shape_cast %swap3A_212 : vector<16xf32> to vector<16xf32>
    %swap3A_214 = vector.shape_cast %broadcast_in_dim3A_3 : vector<16xf32> to vector<16xf32>
    tpu.vector_store %arg6[%swap3A_211], %swap3A_214 {strides = array<i32>} : memref<640xf32, #tpu.memory_space<vmem>>, vector<16xf32>,
    %swap3A_215 = arith.constant 336 : index
    %swap3A_216 = tpu.vector_load %arg6[%swap3A_215] {strides = array<i32>} : memref<640xf32, #tpu.memory_space<vmem>>, vector<16xf32>,
    %swap3A_217 = vector.shape_cast %swap3A_216 : vector<16xf32> to vector<16xf32>
    %swap3A_218 = vector.shape_cast %broadcast_in_dim3A_3 : vector<16xf32> to vector<16xf32>
    tpu.vector_store %arg6[%swap3A_215], %swap3A_218 {strides = array<i32>} : memref<640xf32, #tpu.memory_space<vmem>>, vector<16xf32>,
    %swap3A_219 = arith.constant 352 : index
    %swap3A_220 = tpu.vector_load %arg6[%swap3A_219] {strides = array<i32>} : memref<640xf32, #tpu.memory_space<vmem>>, vector<16xf32>,
    %swap3A_221 = vector.shape_cast %swap3A_220 : vector<16xf32> to vector<16xf32>
    %swap3A_222 = vector.shape_cast %broadcast_in_dim3A_3 : vector<16xf32> to vector<16xf32>
    tpu.vector_store %arg6[%swap3A_219], %swap3A_222 {strides = array<i32>} : memref<640xf32, #tpu.memory_space<vmem>>, vector<16xf32>,
    %swap3A_223 = arith.constant 368 : index
    %swap3A_224 = tpu.vector_load %arg6[%swap3A_223] {strides = array<i32>} : memref<640xf32, #tpu.memory_space<vmem>>, vector<16xf32>,
    %swap3A_225 = vector.shape_cast %swap3A_224 : vector<16xf32> to vector<16xf32>
    %swap3A_226 = vector.shape_cast %broadcast_in_dim3A_3 : vector<16xf32> to vector<16xf32>
    tpu.vector_store %arg6[%swap3A_223], %swap3A_226 {strides = array<i32>} : memref<640xf32, #tpu.memory_space<vmem>>, vector<16xf32>,
    %swap3A_227 = arith.constant 384 : index
    %swap3A_228 = tpu.vector_load %arg6[%swap3A_227] {strides = array<i32>} : memref<640xf32, #tpu.memory_space<vmem>>, vector<16xf32>,
    %swap3A_229 = vector.shape_cast %swap3A_228 : vector<16xf32> to vector<16xf32>
    %swap3A_230 = vector.shape_cast %broadcast_in_dim3A_3 : vector<16xf32> to vector<16xf32>
    tpu.vector_store %arg6[%swap3A_227], %swap3A_230 {strides = array<i32>} : memref<640xf32, #tpu.memory_space<vmem>>, vector<16xf32>,
    %swap3A_231 = arith.constant 400 : index
    %swap3A_232 = tpu.vector_load %arg6[%swap3A_231] {strides = array<i32>} : memref<640xf32, #tpu.memory_space<vmem>>, vector<16xf32>,
    %swap3A_233 = vector.shape_cast %swap3A_232 : vector<16xf32> to vector<16xf32>
    %swap3A_234 = vector.shape_cast %broadcast_in_dim3A_3 : vector<16xf32> to vector<16xf32>
    tpu.vector_store %arg6[%swap3A_231], %swap3A_234 {strides = array<i32>} : memref<640xf32, #tpu.memory_space<vmem>>, vector<16xf32>,
    %swap3A_235 = arith.constant 416 : index
    %swap3A_236 = tpu.vector_load %arg6[%swap3A_235] {strides = array<i32>} : memref<640xf32, #tpu.memory_space<vmem>>, vector<16xf32>,
    %swap3A_237 = vector.shape_cast %swap3A_236 : vector<16xf32> to vector<16xf32>
    %swap3A_238 = vector.shape_cast %broadcast_in_dim3A_3 : vector<16xf32> to vector<16xf32>
    tpu.vector_store %arg6[%swap3A_235], %swap3A_238 {strides = array<i32>} : memref<640xf32, #tpu.memory_space<vmem>>, vector<16xf32>,
    %swap3A_239 = arith.constant 432 : index
    %swap3A_240 = tpu.vector_load %arg6[%swap3A_239] {strides = array<i32>} : memref<640xf32, #tpu.memory_space<vmem>>, vector<16xf32>,
    %swap3A_241 = vector.shape_cast %swap3A_240 : vector<16xf32> to vector<16xf32>
    %swap3A_242 = vector.shape_cast %broadcast_in_dim3A_3 : vector<16xf32> to vector<16xf32>
    tpu.vector_store %arg6[%swap3A_239], %swap3A_242 {strides = array<i32>} : memref<640xf32, #tpu.memory_space<vmem>>, vector<16xf32>,
    %swap3A_243 = arith.constant 448 : index
    %swap3A_244 = tpu.vector_load %arg6[%swap3A_243] {strides = array<i32>} : memref<640xf32, #tpu.memory_space<vmem>>, vector<16xf32>,
    %swap3A_245 = vector.shape_cast %swap3A_244 : vector<16xf32> to vector<16xf32>
    %swap3A_246 = vector.shape_cast %broadcast_in_dim3A_3 : vector<16xf32> to vector<16xf32>
    tpu.vector_store %arg6[%swap3A_243], %swap3A_246 {strides = array<i32>} : memref<640xf32, #tpu.memory_space<vmem>>, vector<16xf32>,
    %swap3A_247 = arith.constant 464 : index
    %swap3A_248 = tpu.vector_load %arg6[%swap3A_247] {strides = array<i32>} : memref<640xf32, #tpu.memory_space<vmem>>, vector<16xf32>,
    %swap3A_249 = vector.shape_cast %swap3A_248 : vector<16xf32> to vector<16xf32>
    %swap3A_250 = vector.shape_cast %broadcast_in_dim3A_3 : vector<16xf32> to vector<16xf32>
    tpu.vector_store %arg6[%swap3A_247], %swap3A_250 {strides = array<i32>} : memref<640xf32, #tpu.memory_space<vmem>>, vector<16xf32>,
    %swap3A_251 = arith.constant 480 : index
    %swap3A_252 = tpu.vector_load %arg6[%swap3A_251] {strides = array<i32>} : memref<640xf32, #tpu.memory_space<vmem>>, vector<16xf32>,
    %swap3A_253 = vector.shape_cast %swap3A_252 : vector<16xf32> to vector<16xf32>
    %swap3A_254 = vector.shape_cast %broadcast_in_dim3A_3 : vector<16xf32> to vector<16xf32>
    tpu.vector_store %arg6[%swap3A_251], %swap3A_254 {strides = array<i32>} : memref<640xf32, #tpu.memory_space<vmem>>, vector<16xf32>,
    %swap3A_255 = arith.constant 496 : index
    %swap3A_256 = tpu.vector_load %arg6[%swap3A_255] {strides = array<i32>} : memref<640xf32, #tpu.memory_space<vmem>>, vector<16xf32>,
    %swap3A_257 = vector.shape_cast %swap3A_256 : vector<16xf32> to vector<16xf32>
    %swap3A_258 = vector.shape_cast %broadcast_in_dim3A_3 : vector<16xf32> to vector<16xf32>
    tpu.vector_store %arg6[%swap3A_255], %swap3A_258 {strides = array<i32>} : memref<640xf32, #tpu.memory_space<vmem>>, vector<16xf32>,
    %swap3A_259 = arith.constant 512 : index
    %swap3A_260 = tpu.vector_load %arg6[%swap3A_259] {strides = array<i32>} : memref<640xf32, #tpu.memory_space<vmem>>, vector<16xf32>,
    %swap3A_261 = vector.shape_cast %swap3A_260 : vector<16xf32> to vector<16xf32>
    %swap3A_262 = vector.shape_cast %broadcast_in_dim3A_3 : vector<16xf32> to vector<16xf32>
    tpu.vector_store %arg6[%swap3A_259], %swap3A_262 {strides = array<i32>} : memref<640xf32, #tpu.memory_space<vmem>>, vector<16xf32>,
    %swap3A_263 = arith.constant 528 : index
    %swap3A_264 = tpu.vector_load %arg6[%swap3A_263] {strides = array<i32>} : memref<640xf32, #tpu.memory_space<vmem>>, vector<16xf32>,
    %swap3A_265 = vector.shape_cast %swap3A_264 : vector<16xf32> to vector<16xf32>
    %swap3A_266 = vector.shape_cast %broadcast_in_dim3A_3 : vector<16xf32> to vector<16xf32>
    tpu.vector_store %arg6[%swap3A_263], %swap3A_266 {strides = array<i32>} : memref<640xf32, #tpu.memory_space<vmem>>, vector<16xf32>,
    %swap3A_267 = arith.constant 544 : index
    %swap3A_268 = tpu.vector_load %arg6[%swap3A_267] {strides = array<i32>} : memref<640xf32, #tpu.memory_space<vmem>>, vector<16xf32>,
    %swap3A_269 = vector.shape_cast %swap3A_268 : vector<16xf32> to vector<16xf32>
    %swap3A_270 = vector.shape_cast %broadcast_in_dim3A_3 : vector<16xf32> to vector<16xf32>
    tpu.vector_store %arg6[%swap3A_267], %swap3A_270 {strides = array<i32>} : memref<640xf32, #tpu.memory_space<vmem>>, vector<16xf32>,
    %swap3A_271 = arith.constant 560 : index
    %swap3A_272 = tpu.vector_load %arg6[%swap3A_271] {strides = array<i32>} : memref<640xf32, #tpu.memory_space<vmem>>, vector<16xf32>,
    %swap3A_273 = vector.shape_cast %swap3A_272 : vector<16xf32> to vector<16xf32>
    %swap3A_274 = vector.shape_cast %broadcast_in_dim3A_3 : vector<16xf32> to vector<16xf32>
    tpu.vector_store %arg6[%swap3A_271], %swap3A_274 {strides = array<i32>} : memref<640xf32, #tpu.memory_space<vmem>>, vector<16xf32>,
    %swap3A_275 = arith.constant 576 : index
    %swap3A_276 = tpu.vector_load %arg6[%swap3A_275] {strides = array<i32>} : memref<640xf32, #tpu.memory_space<vmem>>, vector<16xf32>,
    %swap3A_277 = vector.shape_cast %swap3A_276 : vector<16xf32> to vector<16xf32>
    %swap3A_278 = vector.shape_cast %broadcast_in_dim3A_3 : vector<16xf32> to vector<16xf32>
    tpu.vector_store %arg6[%swap3A_275], %swap3A_278 {strides = array<i32>} : memref<640xf32, #tpu.memory_space<vmem>>, vector<16xf32>,
    %swap3A_279 = arith.constant 592 : index
    %swap3A_280 = tpu.vector_load %arg6[%swap3A_279] {strides = array<i32>} : memref<640xf32, #tpu.memory_space<vmem>>, vector<16xf32>,
    %swap3A_281 = vector.shape_cast %swap3A_280 : vector<16xf32> to vector<16xf32>
    %swap3A_282 = vector.shape_cast %broadcast_in_dim3A_3 : vector<16xf32> to vector<16xf32>
    tpu.vector_store %arg6[%swap3A_279], %swap3A_282 {strides = array<i32>} : memref<640xf32, #tpu.memory_space<vmem>>, vector<16xf32>,
    %swap3A_283 = arith.constant 608 : index
    %swap3A_284 = tpu.vector_load %arg6[%swap3A_283] {strides = array<i32>} : memref<640xf32, #tpu.memory_space<vmem>>, vector<16xf32>,
    %swap3A_285 = vector.shape_cast %swap3A_284 : vector<16xf32> to vector<16xf32>
    %swap3A_286 = vector.shape_cast %broadcast_in_dim3A_3 : vector<16xf32> to vector<16xf32>
    tpu.vector_store %arg6[%swap3A_283], %swap3A_286 {strides = array<i32>} : memref<640xf32, #tpu.memory_space<vmem>>, vector<16xf32>,
    %swap3A_287 = arith.constant 624 : index
    %swap3A_288 = tpu.vector_load %arg6[%swap3A_287] {strides = array<i32>} : memref<640xf32, #tpu.memory_space<vmem>>, vector<16xf32>,
    %swap3A_289 = vector.shape_cast %swap3A_288 : vector<16xf32> to vector<16xf32>
    %swap3A_290 = vector.shape_cast %broadcast_in_dim3A_3 : vector<16xf32> to vector<16xf32>
    tpu.vector_store %arg6[%swap3A_287], %swap3A_290 {strides = array<i32>} : memref<640xf32, #tpu.memory_space<vmem>>, vector<16xf32>,
    %mul3A_291 = arith.constant 624 : i32
    %mul3A_292 = arith.muli %arg1, %mul3A_291 : i32
    %eq3A = arith.constant 15 : i32
    %eq3A_293 = arith.cmpi eq, %arg1, %eq3A : i32
    %not3A = arith.constant true
    %not3A_294 = arith.xori %eq3A_293, %not3A : i1
    %convert_element_type3A = arith.extui %not3A_294 : i1 to i32
    %cond3A = arith.constant 0 : i32
    %cond3A_295 = arith.cmpi ne, %convert_element_type3A, %cond3A : i32
    scf.if %cond3A_295 {
      "tpu.region"() ({
        %run_scoped3A_312 = tpu.sem_alloc : memref<!tpu.dma_semaphore, #tpu.memory_space<semaphore_mem>>
        %dma_start3A = arith.constant 0 : i32
        %dma_start3A_313 = tpu.memref_slice %arg6[%dma_start3A] : memref<640xf32, #tpu.memory_space<vmem>> -> memref<624xf32, #tpu.memory_space<vmem>>
        %dma_start3A_314 = tpu.memref_slice %arg7[%mul3A_292] : memref<10000xf32, #tpu.memory_space<vmem_shared>> -> memref<624xf32, #tpu.memory_space<vmem_shared>>
        %dma_start3A_315 = tpu.memref_slice %arg7[%mul3A_292] : memref<10000xf32, #tpu.memory_space<vmem_shared>> -> memref<624xf32, #tpu.memory_space<vmem_shared>>
        %dma_start3A_316 = arith.constant 0 : i32
        %dma_start3A_317 = tpu.memref_slice %arg6[%dma_start3A_316] : memref<640xf32, #tpu.memory_space<vmem>> -> memref<624xf32, #tpu.memory_space<vmem>>
        tpu.enqueue_dma source(%dma_start3A_317 : memref<624xf32, #tpu.memory_space<vmem>>) target(%dma_start3A_315 : memref<624xf32, #tpu.memory_space<vmem_shared>>) target_semaphore(%run_scoped3A_312 : memref<!tpu.dma_semaphore, #tpu.memory_space<semaphore_mem>>)
        %dma_wait3A = arith.constant 0 : i32
        %dma_wait3A_318 = tpu.memref_slice %arg6[%dma_wait3A] : memref<640xf32, #tpu.memory_space<vmem>> -> memref<624xf32, #tpu.memory_space<vmem>>
        %dma_wait3A_319 = tpu.memref_slice %arg7[%mul3A_292] : memref<10000xf32, #tpu.memory_space<vmem_shared>> -> memref<624xf32, #tpu.memory_space<vmem_shared>>
        %dma_wait3A_320 = tpu.memref_slice %arg7[%mul3A_292] : memref<10000xf32, #tpu.memory_space<vmem_shared>> -> memref<624xf32, #tpu.memory_space<vmem_shared>>
        %dma_wait3A_321 = arith.constant 0 : i32
        %dma_wait3A_322 = tpu.memref_slice %arg6[%dma_wait3A_321] : memref<640xf32, #tpu.memory_space<vmem>> -> memref<624xf32, #tpu.memory_space<vmem>>
        tpu.wait_dma2 semaphore(%run_scoped3A_312 : memref<!tpu.dma_semaphore, #tpu.memory_space<semaphore_mem>>) src(%dma_wait3A_322 : memref<624xf32, #tpu.memory_space<vmem>>) dst(%dma_wait3A_320 : memref<624xf32, #tpu.memory_space<vmem_shared>>)
        tpu.yield
      }) : () -> ()
    } else {
    }
    %convert_element_type3A_296 = arith.extui %eq3A_293 : i1 to i32
    %cond3A_297 = arith.constant 0 : i32
    %cond3A_298 = arith.cmpi ne, %convert_element_type3A_296, %cond3A_297 : i32
    scf.if %cond3A_298 {
      "tpu.region"() ({
        %run_scoped3A_312 = tpu.sem_alloc : memref<!tpu.dma_semaphore, #tpu.memory_space<semaphore_mem>>
        %dma_start3A = arith.constant 9360 : i32
        %dma_start3A_313 = tpu.memref_slice %arg7[%dma_start3A] : memref<10000xf32, #tpu.memory_space<vmem_shared>> -> memref<640xf32, #tpu.memory_space<vmem_shared>>
        %dma_start3A_314 = arith.constant 9360 : i32
        %dma_start3A_315 = tpu.memref_slice %arg7[%dma_start3A_314] : memref<10000xf32, #tpu.memory_space<vmem_shared>> -> memref<640xf32, #tpu.memory_space<vmem_shared>>
        tpu.enqueue_dma source(%arg6 : memref<640xf32, #tpu.memory_space<vmem>>) target(%dma_start3A_315 : memref<640xf32, #tpu.memory_space<vmem_shared>>) target_semaphore(%run_scoped3A_312 : memref<!tpu.dma_semaphore, #tpu.memory_space<semaphore_mem>>)
        %dma_wait3A = arith.constant 9360 : i32
        %dma_wait3A_316 = tpu.memref_slice %arg7[%dma_wait3A] : memref<10000xf32, #tpu.memory_space<vmem_shared>> -> memref<640xf32, #tpu.memory_space<vmem_shared>>
        %dma_wait3A_317 = arith.constant 9360 : i32
        %dma_wait3A_318 = tpu.memref_slice %arg7[%dma_wait3A_317] : memref<10000xf32, #tpu.memory_space<vmem_shared>> -> memref<640xf32, #tpu.memory_space<vmem_shared>>
        tpu.wait_dma2 semaphore(%run_scoped3A_312 : memref<!tpu.dma_semaphore, #tpu.memory_space<semaphore_mem>>) src(%arg6 : memref<640xf32, #tpu.memory_space<vmem>>) dst(%dma_wait3A_318 : memref<640xf32, #tpu.memory_space<vmem_shared>>)
        tpu.yield
      }) : () -> ()
    } else {
    }
    %barrier3A = arith.constant 0 : index
    tpu.barrier barrier_id(%barrier3A)
    %scan3A = arith.constant 0 : i32
    %scan3A_299 = arith.constant 20 : i32
    %scan3A_300 = arith.addi %scan3A, %scan3A_299 : i32
    %scan3A_301 = arith.constant 1 : i32
    scf.for %scan3A_312 = %scan3A to %scan3A_300 step %scan3A_301  : i32 {
      "tpu.region"() ({
        %run_scoped3A_313 = tpu.sem_alloc : memref<!tpu.dma_semaphore, #tpu.memory_space<semaphore_mem>>
        %dma_start3A = arith.constant 0 : i32
        %dma_start3A_314 = tpu.memref_slice %arg5[%dma_start3A] : memref<512xf32, #tpu.memory_space<vmem>> -> memref<500xf32, #tpu.memory_space<vmem>>
        %dma_start3A_315 = arith.constant 0 : i32
        %dma_start3A_316 = tpu.memref_slice %arg4[%scan3A_312, %dma_start3A_315] : memref<20x500xi32, #tpu.memory_space<vmem>> -> memref<1x500xi32, #tpu.memory_space<vmem>>
        %dma_start3A_317 = tpu.memref_squeeze %dma_start3A_316 : memref<1x500xi32, #tpu.memory_space<vmem>> -> memref<500xi32, #tpu.memory_space<vmem>>
        %dma_start3A_318 = arith.constant 0 : i32
        %dma_start3A_319 = tpu.memref_slice %arg7[%dma_start3A_318] : memref<10000xf32, #tpu.memory_space<vmem_shared>> -> memref<10000xf32, #tpu.memory_space<vmem_shared>>
        tpu.enqueue_indirect_dma source(%dma_start3A_314 : memref<500xf32, #tpu.memory_space<vmem>>) target(%dma_start3A_319 : memref<10000xf32, #tpu.memory_space<vmem_shared>>) offsets(%dma_start3A_317 : memref<500xi32, #tpu.memory_space<vmem>>) semaphore(%run_scoped3A_313 : memref<!tpu.dma_semaphore, #tpu.memory_space<semaphore_mem>>) {add = true}
        %dma_wait3A = arith.constant 0 : i32
        %dma_wait3A_320 = tpu.memref_slice %arg5[%dma_wait3A] : memref<512xf32, #tpu.memory_space<vmem>> -> memref<500xf32, #tpu.memory_space<vmem>>
        %dma_wait3A_321 = arith.constant 0 : i32
        %dma_wait3A_322 = tpu.memref_slice %arg4[%scan3A_312, %dma_wait3A_321] : memref<20x500xi32, #tpu.memory_space<vmem>> -> memref<1x500xi32, #tpu.memory_space<vmem>>
        %dma_wait3A_323 = tpu.memref_squeeze %dma_wait3A_322 : memref<1x500xi32, #tpu.memory_space<vmem>> -> memref<500xi32, #tpu.memory_space<vmem>>
        %dma_wait3A_324 = arith.constant 0 : i32
        %dma_wait3A_325 = tpu.memref_slice %arg7[%dma_wait3A_324] : memref<10000xf32, #tpu.memory_space<vmem_shared>> -> memref<10000xf32, #tpu.memory_space<vmem_shared>>
        tpu.wait_indirect_dma semaphore(%run_scoped3A_313 : memref<!tpu.dma_semaphore, #tpu.memory_space<semaphore_mem>>) src(%dma_wait3A_320 : memref<500xf32, #tpu.memory_space<vmem>>) dst(%dma_wait3A_325 : memref<10000xf32, #tpu.memory_space<vmem_shared>>)
        tpu.yield
      }) : () -> ()
    }
    %scan3A_302 = arith.constant 20 : i32
    %barrier3A_303 = arith.constant 0 : index
    tpu.barrier barrier_id(%barrier3A_303)
    %not3A_304 = arith.constant true
    %not3A_305 = arith.xori %eq3A_293, %not3A_304 : i1
    %convert_element_type3A_306 = arith.extui %not3A_305 : i1 to i32
    %cond3A_307 = arith.constant 0 : i32
    %cond3A_308 = arith.cmpi ne, %convert_element_type3A_306, %cond3A_307 : i32
    scf.if %cond3A_308 {
      "tpu.region"() ({
        %run_scoped3A_315 = tpu.sem_alloc : memref<!tpu.dma_semaphore, #tpu.memory_space<semaphore_mem>>
        %dma_start3A = arith.constant 0 : i32
        %dma_start3A_316 = tpu.memref_slice %arg6[%dma_start3A] : memref<640xf32, #tpu.memory_space<vmem>> -> memref<624xf32, #tpu.memory_space<vmem>>
        %dma_start3A_317 = tpu.memref_slice %arg7[%mul3A_292] : memref<10000xf32, #tpu.memory_space<vmem_shared>> -> memref<624xf32, #tpu.memory_space<vmem_shared>>
        %dma_start3A_318 = arith.constant 0 : i32
        %dma_start3A_319 = tpu.memref_slice %arg6[%dma_start3A_318] : memref<640xf32, #tpu.memory_space<vmem>> -> memref<624xf32, #tpu.memory_space<vmem>>
        %dma_start3A_320 = tpu.memref_slice %arg7[%mul3A_292] : memref<10000xf32, #tpu.memory_space<vmem_shared>> -> memref<624xf32, #tpu.memory_space<vmem_shared>>
        tpu.enqueue_dma source(%dma_start3A_320 : memref<624xf32, #tpu.memory_space<vmem_shared>>) target(%dma_start3A_319 : memref<624xf32, #tpu.memory_space<vmem>>) target_semaphore(%run_scoped3A_315 : memref<!tpu.dma_semaphore, #tpu.memory_space<semaphore_mem>>)
        %dma_wait3A = arith.constant 0 : i32
        %dma_wait3A_321 = tpu.memref_slice %arg6[%dma_wait3A] : memref<640xf32, #tpu.memory_space<vmem>> -> memref<624xf32, #tpu.memory_space<vmem>>
        %dma_wait3A_322 = tpu.memref_slice %arg7[%mul3A_292] : memref<10000xf32, #tpu.memory_space<vmem_shared>> -> memref<624xf32, #tpu.memory_space<vmem_shared>>
        %dma_wait3A_323 = arith.constant 0 : i32
        %dma_wait3A_324 = tpu.memref_slice %arg6[%dma_wait3A_323] : memref<640xf32, #tpu.memory_space<vmem>> -> memref<624xf32, #tpu.memory_space<vmem>>
        %dma_wait3A_325 = tpu.memref_slice %arg7[%mul3A_292] : memref<10000xf32, #tpu.memory_space<vmem_shared>> -> memref<624xf32, #tpu.memory_space<vmem_shared>>
        tpu.wait_dma2 semaphore(%run_scoped3A_315 : memref<!tpu.dma_semaphore, #tpu.memory_space<semaphore_mem>>) src(%dma_wait3A_325 : memref<624xf32, #tpu.memory_space<vmem_shared>>) dst(%dma_wait3A_324 : memref<624xf32, #tpu.memory_space<vmem>>)
        tpu.yield
      }) : () -> ()
      %mul3A_312 = arith.constant 10000 : i32
      %mul3A_313 = arith.muli %arg0, %mul3A_312 : i32
      %add3A_314 = arith.addi %mul3A_313, %mul3A_292 : i32
      "tpu.region"() ({
        %run_scoped3A_315 = tpu.sem_alloc : memref<!tpu.dma_semaphore, #tpu.memory_space<semaphore_mem>>
        %dma_start3A = arith.constant 0 : i32
        %dma_start3A_316 = tpu.memref_slice %arg6[%dma_start3A] : memref<640xf32, #tpu.memory_space<vmem>> -> memref<624xf32, #tpu.memory_space<vmem>>
        %dma_start3A_317 = tpu.memref_slice %arg3[%add3A_314] : memref<20000xf32, #tpu.memory_space<hbm>> -> memref<624xf32, #tpu.memory_space<hbm>>
        %dma_start3A_318 = tpu.memref_slice %arg3[%add3A_314] : memref<20000xf32, #tpu.memory_space<hbm>> -> memref<624xf32, #tpu.memory_space<hbm>>
        %dma_start3A_319 = arith.constant 0 : i32
        %dma_start3A_320 = tpu.memref_slice %arg6[%dma_start3A_319] : memref<640xf32, #tpu.memory_space<vmem>> -> memref<624xf32, #tpu.memory_space<vmem>>
        tpu.enqueue_dma source(%dma_start3A_320 : memref<624xf32, #tpu.memory_space<vmem>>) target(%dma_start3A_318 : memref<624xf32, #tpu.memory_space<hbm>>) target_semaphore(%run_scoped3A_315 : memref<!tpu.dma_semaphore, #tpu.memory_space<semaphore_mem>>)
        %dma_wait3A = arith.constant 0 : i32
        %dma_wait3A_321 = tpu.memref_slice %arg6[%dma_wait3A] : memref<640xf32, #tpu.memory_space<vmem>> -> memref<624xf32, #tpu.memory_space<vmem>>
        %dma_wait3A_322 = tpu.memref_slice %arg3[%add3A_314] : memref<20000xf32, #tpu.memory_space<hbm>> -> memref<624xf32, #tpu.memory_space<hbm>>
        %dma_wait3A_323 = tpu.memref_slice %arg3[%add3A_314] : memref<20000xf32, #tpu.memory_space<hbm>> -> memref<624xf32, #tpu.memory_space<hbm>>
        %dma_wait3A_324 = arith.constant 0 : i32
        %dma_wait3A_325 = tpu.memref_slice %arg6[%dma_wait3A_324] : memref<640xf32, #tpu.memory_space<vmem>> -> memref<624xf32, #tpu.memory_space<vmem>>
        tpu.wait_dma2 semaphore(%run_scoped3A_315 : memref<!tpu.dma_semaphore, #tpu.memory_space<semaphore_mem>>) src(%dma_wait3A_325 : memref<624xf32, #tpu.memory_space<vmem>>) dst(%dma_wait3A_323 : memref<624xf32, #tpu.memory_space<hbm>>)
        tpu.yield
      }) : () -> ()
    } else {
    }
    %convert_element_type3A_309 = arith.extui %eq3A_293 : i1 to i32
    %cond3A_310 = arith.constant 0 : i32
    %cond3A_311 = arith.cmpi ne, %convert_element_type3A_309, %cond3A_310 : i32
    scf.if %cond3A_311 {
      "tpu.region"() ({
        %run_scoped3A_316 = tpu.sem_alloc : memref<!tpu.dma_semaphore, #tpu.memory_space<semaphore_mem>>
        %dma_start3A = arith.constant 9360 : i32
        %dma_start3A_317 = tpu.memref_slice %arg7[%dma_start3A] : memref<10000xf32, #tpu.memory_space<vmem_shared>> -> memref<640xf32, #tpu.memory_space<vmem_shared>>
        %dma_start3A_318 = arith.constant 9360 : i32
        %dma_start3A_319 = tpu.memref_slice %arg7[%dma_start3A_318] : memref<10000xf32, #tpu.memory_space<vmem_shared>> -> memref<640xf32, #tpu.memory_space<vmem_shared>>
        tpu.enqueue_dma source(%dma_start3A_319 : memref<640xf32, #tpu.memory_space<vmem_shared>>) target(%arg6 : memref<640xf32, #tpu.memory_space<vmem>>) target_semaphore(%run_scoped3A_316 : memref<!tpu.dma_semaphore, #tpu.memory_space<semaphore_mem>>)
        %dma_wait3A = arith.constant 9360 : i32
        %dma_wait3A_320 = tpu.memref_slice %arg7[%dma_wait3A] : memref<10000xf32, #tpu.memory_space<vmem_shared>> -> memref<640xf32, #tpu.memory_space<vmem_shared>>
        %dma_wait3A_321 = arith.constant 9360 : i32
        %dma_wait3A_322 = tpu.memref_slice %arg7[%dma_wait3A_321] : memref<10000xf32, #tpu.memory_space<vmem_shared>> -> memref<640xf32, #tpu.memory_space<vmem_shared>>
        tpu.wait_dma2 semaphore(%run_scoped3A_316 : memref<!tpu.dma_semaphore, #tpu.memory_space<semaphore_mem>>) src(%dma_wait3A_322 : memref<640xf32, #tpu.memory_space<vmem_shared>>) dst(%arg6 : memref<640xf32, #tpu.memory_space<vmem>>)
        tpu.yield
      }) : () -> ()
      %mul3A_312 = arith.constant 10000 : i32
      %mul3A_313 = arith.muli %arg0, %mul3A_312 : i32
      %add3A_314 = arith.constant 9360 : i32
      %add3A_315 = arith.addi %mul3A_313, %add3A_314 : i32
      "tpu.region"() ({
        %run_scoped3A_316 = tpu.sem_alloc : memref<!tpu.dma_semaphore, #tpu.memory_space<semaphore_mem>>
        %dma_start3A = tpu.memref_slice %arg3[%add3A_315] : memref<20000xf32, #tpu.memory_space<hbm>> -> memref<640xf32, #tpu.memory_space<hbm>>
        %dma_start3A_317 = tpu.memref_slice %arg3[%add3A_315] : memref<20000xf32, #tpu.memory_space<hbm>> -> memref<640xf32, #tpu.memory_space<hbm>>
        tpu.enqueue_dma source(%arg6 : memref<640xf32, #tpu.memory_space<vmem>>) target(%dma_start3A_317 : memref<640xf32, #tpu.memory_space<hbm>>) target_semaphore(%run_scoped3A_316 : memref<!tpu.dma_semaphore, #tpu.memory_space<semaphore_mem>>)
        %dma_wait3A = tpu.memref_slice %arg3[%add3A_315] : memref<20000xf32, #tpu.memory_space<hbm>> -> memref<640xf32, #tpu.memory_space<hbm>>
        %dma_wait3A_318 = tpu.memref_slice %arg3[%add3A_315] : memref<20000xf32, #tpu.memory_space<hbm>> -> memref<640xf32, #tpu.memory_space<hbm>>
        tpu.wait_dma2 semaphore(%run_scoped3A_316 : memref<!tpu.dma_semaphore, #tpu.memory_space<semaphore_mem>>) src(%arg6 : memref<640xf32, #tpu.memory_space<vmem>>) dst(%dma_wait3A_318 : memref<640xf32, #tpu.memory_space<hbm>>)
        tpu.yield
      }) : () -> ()
    } else {
    }
    return
  }
}

#map = affine_map<(d0, d1) -> (0, 0)>
#map1 = affine_map<(d0, d1) -> (0, 0, 0, 0)>
module attributes {stable_mosaic.version = 14 : i64} {
  func.func @sc_scatter(%arg0: i32, %arg1: i32, %arg2: memref<10000x32xf32, #tpu.memory_space<hbm>>, %arg3: memref<2x32x20x500xi32, #tpu.memory_space<hbm>>, %arg4: memref<20000x32xf32, #tpu.memory_space<hbm>>, %arg5: memref<20x500xi32, #tpu.memory_space<vmem>>, %arg6: memref<20x500xi32, #tpu.memory_space<vmem>>, %arg7: memref<500x32xf32, #tpu.memory_space<vmem>>, %arg8: memref<500x32xf32, #tpu.memory_space<vmem>>, %arg9: memref<320x32xf32, #tpu.memory_space<vmem>>, %arg10: memref<10000x32xf32, #tpu.memory_space<vmem_shared>>, %arg11: memref<!tpu.dma_semaphore, #tpu.memory_space<semaphore_mem>>, %arg12: memref<!tpu.dma_semaphore, #tpu.memory_space<semaphore_mem>>) attributes {dimension_semantics = [#tpu.dimension_semantics<core_parallel>, #tpu.dimension_semantics<subcore_parallel>], iteration_bounds = array<i64: 2, 16>, scalar_prefetch = 0 : i64, scratch_operands = 8 : i64, tpu.core_type = #tpu.core_type<sc_vector_subcore>, window_params = [{transform_indices = #map}, {transform_indices = #map1}, {transform_indices = #map}]} {
    %mul3A = arith.constant 16 : i32
    %mul3A_0 = arith.muli %arg0, %mul3A : i32
    %add3A = arith.addi %mul3A_0, %arg1 : i32
    %run_scoped3A = arith.constant 0 : i32
    "tpu.region"() ({
      %run_scoped3A_35 = tpu.sem_alloc : memref<!tpu.dma_semaphore, #tpu.memory_space<semaphore_mem>>
      %dma_start3A_36 = arith.constant 0 : i32
      %dma_start3A_37 = arith.constant 0 : i32
      %dma_start3A_38 = tpu.memref_slice %arg3[%run_scoped3A, %add3A, %dma_start3A_36, %dma_start3A_37] : memref<2x32x20x500xi32, #tpu.memory_space<hbm>> -> memref<1x1x20x500xi32, #tpu.memory_space<hbm>>
      %dma_start3A_39 = tpu.memref_squeeze %dma_start3A_38 : memref<1x1x20x500xi32, #tpu.memory_space<hbm>> -> memref<20x500xi32, #tpu.memory_space<hbm>>
      %dma_start3A_40 = arith.constant 0 : i32
      %dma_start3A_41 = arith.constant 0 : i32
      %dma_start3A_42 = tpu.memref_slice %arg3[%run_scoped3A, %add3A, %dma_start3A_40, %dma_start3A_41] : memref<2x32x20x500xi32, #tpu.memory_space<hbm>> -> memref<1x1x20x500xi32, #tpu.memory_space<hbm>>
      %dma_start3A_43 = tpu.memref_squeeze %dma_start3A_42 : memref<1x1x20x500xi32, #tpu.memory_space<hbm>> -> memref<20x500xi32, #tpu.memory_space<hbm>>
      tpu.enqueue_dma source(%dma_start3A_43 : memref<20x500xi32, #tpu.memory_space<hbm>>) target(%arg5 : memref<20x500xi32, #tpu.memory_space<vmem>>) target_semaphore(%run_scoped3A_35 : memref<!tpu.dma_semaphore, #tpu.memory_space<semaphore_mem>>)
      %dma_wait3A = arith.constant 0 : i32
      %dma_wait3A_44 = arith.constant 0 : i32
      %dma_wait3A_45 = tpu.memref_slice %arg3[%run_scoped3A, %add3A, %dma_wait3A, %dma_wait3A_44] : memref<2x32x20x500xi32, #tpu.memory_space<hbm>> -> memref<1x1x20x500xi32, #tpu.memory_space<hbm>>
      %dma_wait3A_46 = tpu.memref_squeeze %dma_wait3A_45 : memref<1x1x20x500xi32, #tpu.memory_space<hbm>> -> memref<20x500xi32, #tpu.memory_space<hbm>>
      %dma_wait3A_47 = arith.constant 0 : i32
      %dma_wait3A_48 = arith.constant 0 : i32
      %dma_wait3A_49 = tpu.memref_slice %arg3[%run_scoped3A, %add3A, %dma_wait3A_47, %dma_wait3A_48] : memref<2x32x20x500xi32, #tpu.memory_space<hbm>> -> memref<1x1x20x500xi32, #tpu.memory_space<hbm>>
      %dma_wait3A_50 = tpu.memref_squeeze %dma_wait3A_49 : memref<1x1x20x500xi32, #tpu.memory_space<hbm>> -> memref<20x500xi32, #tpu.memory_space<hbm>>
      tpu.wait_dma2 semaphore(%run_scoped3A_35 : memref<!tpu.dma_semaphore, #tpu.memory_space<semaphore_mem>>) src(%dma_wait3A_50 : memref<20x500xi32, #tpu.memory_space<hbm>>) dst(%arg5 : memref<20x500xi32, #tpu.memory_space<vmem>>)
      tpu.yield
    }) : () -> ()
    %run_scoped3A_1 = arith.constant 1 : i32
    "tpu.region"() ({
      %run_scoped3A_35 = tpu.sem_alloc : memref<!tpu.dma_semaphore, #tpu.memory_space<semaphore_mem>>
      %dma_start3A_36 = arith.constant 0 : i32
      %dma_start3A_37 = arith.constant 0 : i32
      %dma_start3A_38 = tpu.memref_slice %arg3[%run_scoped3A_1, %add3A, %dma_start3A_36, %dma_start3A_37] : memref<2x32x20x500xi32, #tpu.memory_space<hbm>> -> memref<1x1x20x500xi32, #tpu.memory_space<hbm>>
      %dma_start3A_39 = tpu.memref_squeeze %dma_start3A_38 : memref<1x1x20x500xi32, #tpu.memory_space<hbm>> -> memref<20x500xi32, #tpu.memory_space<hbm>>
      %dma_start3A_40 = arith.constant 0 : i32
      %dma_start3A_41 = arith.constant 0 : i32
      %dma_start3A_42 = tpu.memref_slice %arg3[%run_scoped3A_1, %add3A, %dma_start3A_40, %dma_start3A_41] : memref<2x32x20x500xi32, #tpu.memory_space<hbm>> -> memref<1x1x20x500xi32, #tpu.memory_space<hbm>>
      %dma_start3A_43 = tpu.memref_squeeze %dma_start3A_42 : memref<1x1x20x500xi32, #tpu.memory_space<hbm>> -> memref<20x500xi32, #tpu.memory_space<hbm>>
      tpu.enqueue_dma source(%dma_start3A_43 : memref<20x500xi32, #tpu.memory_space<hbm>>) target(%arg6 : memref<20x500xi32, #tpu.memory_space<vmem>>) target_semaphore(%run_scoped3A_35 : memref<!tpu.dma_semaphore, #tpu.memory_space<semaphore_mem>>)
      %dma_wait3A = arith.constant 0 : i32
      %dma_wait3A_44 = arith.constant 0 : i32
      %dma_wait3A_45 = tpu.memref_slice %arg3[%run_scoped3A_1, %add3A, %dma_wait3A, %dma_wait3A_44] : memref<2x32x20x500xi32, #tpu.memory_space<hbm>> -> memref<1x1x20x500xi32, #tpu.memory_space<hbm>>
      %dma_wait3A_46 = tpu.memref_squeeze %dma_wait3A_45 : memref<1x1x20x500xi32, #tpu.memory_space<hbm>> -> memref<20x500xi32, #tpu.memory_space<hbm>>
      %dma_wait3A_47 = arith.constant 0 : i32
      %dma_wait3A_48 = arith.constant 0 : i32
      %dma_wait3A_49 = tpu.memref_slice %arg3[%run_scoped3A_1, %add3A, %dma_wait3A_47, %dma_wait3A_48] : memref<2x32x20x500xi32, #tpu.memory_space<hbm>> -> memref<1x1x20x500xi32, #tpu.memory_space<hbm>>
      %dma_wait3A_50 = tpu.memref_squeeze %dma_wait3A_49 : memref<1x1x20x500xi32, #tpu.memory_space<hbm>> -> memref<20x500xi32, #tpu.memory_space<hbm>>
      tpu.wait_dma2 semaphore(%run_scoped3A_35 : memref<!tpu.dma_semaphore, #tpu.memory_space<semaphore_mem>>) src(%dma_wait3A_50 : memref<20x500xi32, #tpu.memory_space<hbm>>) dst(%arg6 : memref<20x500xi32, #tpu.memory_space<vmem>>)
      tpu.yield
    }) : () -> ()
    %broadcast_in_dim3A = arith.constant 0.000000e+00 : f32
    %broadcast_in_dim3A_2 = vector.broadcast %broadcast_in_dim3A : f32 to vector<16xf32>
    %scan3A = arith.constant 0 : i32
    %scan3A_3 = arith.constant 320 : i32
    %scan3A_4 = arith.addi %scan3A, %scan3A_3 : i32
    %scan3A_5 = arith.constant 1 : i32
    scf.for %scan3A_35 = %scan3A to %scan3A_4 step %scan3A_5  : i32 {
      %swap3A = arith.index_cast %scan3A_35 : i32 to index
      %swap3A_36 = arith.constant 0 : index
      %swap3A_37 = tpu.vector_load %arg9[%swap3A, %swap3A_36] {strides = array<i32>} : memref<320x32xf32, #tpu.memory_space<vmem>>, vector<1x16xf32>,
      %swap3A_38 = vector.shape_cast %swap3A_37 : vector<1x16xf32> to vector<16xf32>
      %swap3A_39 = vector.shape_cast %broadcast_in_dim3A_2 : vector<16xf32> to vector<1x16xf32>
      tpu.vector_store %arg9[%swap3A, %swap3A_36], %swap3A_39 {strides = array<i32>} : memref<320x32xf32, #tpu.memory_space<vmem>>, vector<1x16xf32>,
      %swap3A_40 = arith.index_cast %scan3A_35 : i32 to index
      %swap3A_41 = arith.constant 16 : index
      %swap3A_42 = tpu.vector_load %arg9[%swap3A_40, %swap3A_41] {strides = array<i32>} : memref<320x32xf32, #tpu.memory_space<vmem>>, vector<1x16xf32>,
      %swap3A_43 = vector.shape_cast %swap3A_42 : vector<1x16xf32> to vector<16xf32>
      %swap3A_44 = vector.shape_cast %broadcast_in_dim3A_2 : vector<16xf32> to vector<1x16xf32>
      tpu.vector_store %arg9[%swap3A_40, %swap3A_41], %swap3A_44 {strides = array<i32>} : memref<320x32xf32, #tpu.memory_space<vmem>>, vector<1x16xf32>,
    }
    %scan3A_6 = arith.constant 320 : i32
    %mul3A_7 = arith.constant 624 : i32
    %mul3A_8 = arith.muli %arg1, %mul3A_7 : i32
    %eq3A = arith.constant 15 : i32
    %eq3A_9 = arith.cmpi eq, %arg1, %eq3A : i32
    %not3A = arith.constant true
    %not3A_10 = arith.xori %eq3A_9, %not3A : i1
    %convert_element_type3A = arith.extui %not3A_10 : i1 to i32
    %cond3A = arith.constant 0 : i32
    %cond3A_11 = arith.cmpi ne, %convert_element_type3A, %cond3A : i32
    scf.if %cond3A_11 {
      %add3A_35 = arith.constant 0 : i32
      %add3A_36 = arith.addi %mul3A_8, %add3A_35 : i32
      "tpu.region"() ({
        %run_scoped3A_39 = tpu.sem_alloc : memref<!tpu.dma_semaphore, #tpu.memory_space<semaphore_mem>>
        %dma_start3A_40 = arith.constant 0 : i32
        %dma_start3A_41 = tpu.memref_slice %arg10[%add3A_36, %dma_start3A_40] : memref<10000x32xf32, #tpu.memory_space<vmem_shared>> -> memref<320x32xf32, #tpu.memory_space<vmem_shared>>
        %dma_start3A_42 = arith.constant 0 : i32
        %dma_start3A_43 = tpu.memref_slice %arg10[%add3A_36, %dma_start3A_42] : memref<10000x32xf32, #tpu.memory_space<vmem_shared>> -> memref<320x32xf32, #tpu.memory_space<vmem_shared>>
        tpu.enqueue_dma source(%arg9 : memref<320x32xf32, #tpu.memory_space<vmem>>) target(%dma_start3A_43 : memref<320x32xf32, #tpu.memory_space<vmem_shared>>) target_semaphore(%run_scoped3A_39 : memref<!tpu.dma_semaphore, #tpu.memory_space<semaphore_mem>>)
        %dma_wait3A = arith.constant 0 : i32
        %dma_wait3A_44 = tpu.memref_slice %arg10[%add3A_36, %dma_wait3A] : memref<10000x32xf32, #tpu.memory_space<vmem_shared>> -> memref<320x32xf32, #tpu.memory_space<vmem_shared>>
        %dma_wait3A_45 = arith.constant 0 : i32
        %dma_wait3A_46 = tpu.memref_slice %arg10[%add3A_36, %dma_wait3A_45] : memref<10000x32xf32, #tpu.memory_space<vmem_shared>> -> memref<320x32xf32, #tpu.memory_space<vmem_shared>>
        tpu.wait_dma2 semaphore(%run_scoped3A_39 : memref<!tpu.dma_semaphore, #tpu.memory_space<semaphore_mem>>) src(%arg9 : memref<320x32xf32, #tpu.memory_space<vmem>>) dst(%dma_wait3A_46 : memref<320x32xf32, #tpu.memory_space<vmem_shared>>)
        tpu.yield
      }) : () -> ()
      %add3A_37 = arith.constant 320 : i32
      %add3A_38 = arith.addi %mul3A_8, %add3A_37 : i32
      "tpu.region"() ({
        %run_scoped3A_39 = tpu.sem_alloc : memref<!tpu.dma_semaphore, #tpu.memory_space<semaphore_mem>>
        %dma_start3A_40 = arith.constant 0 : i32
        %dma_start3A_41 = arith.constant 0 : i32
        %dma_start3A_42 = tpu.memref_slice %arg9[%dma_start3A_40, %dma_start3A_41] : memref<320x32xf32, #tpu.memory_space<vmem>> -> memref<304x32xf32, #tpu.memory_space<vmem>>
        %dma_start3A_43 = arith.constant 0 : i32
        %dma_start3A_44 = tpu.memref_slice %arg10[%add3A_38, %dma_start3A_43] : memref<10000x32xf32, #tpu.memory_space<vmem_shared>> -> memref<304x32xf32, #tpu.memory_space<vmem_shared>>
        %dma_start3A_45 = arith.constant 0 : i32
        %dma_start3A_46 = tpu.memref_slice %arg10[%add3A_38, %dma_start3A_45] : memref<10000x32xf32, #tpu.memory_space<vmem_shared>> -> memref<304x32xf32, #tpu.memory_space<vmem_shared>>
        %dma_start3A_47 = arith.constant 0 : i32
        %dma_start3A_48 = arith.constant 0 : i32
        %dma_start3A_49 = tpu.memref_slice %arg9[%dma_start3A_47, %dma_start3A_48] : memref<320x32xf32, #tpu.memory_space<vmem>> -> memref<304x32xf32, #tpu.memory_space<vmem>>
        tpu.enqueue_dma source(%dma_start3A_49 : memref<304x32xf32, #tpu.memory_space<vmem>>) target(%dma_start3A_46 : memref<304x32xf32, #tpu.memory_space<vmem_shared>>) target_semaphore(%run_scoped3A_39 : memref<!tpu.dma_semaphore, #tpu.memory_space<semaphore_mem>>)
        %dma_wait3A = arith.constant 0 : i32
        %dma_wait3A_50 = arith.constant 0 : i32
        %dma_wait3A_51 = tpu.memref_slice %arg9[%dma_wait3A, %dma_wait3A_50] : memref<320x32xf32, #tpu.memory_space<vmem>> -> memref<304x32xf32, #tpu.memory_space<vmem>>
        %dma_wait3A_52 = arith.constant 0 : i32
        %dma_wait3A_53 = tpu.memref_slice %arg10[%add3A_38, %dma_wait3A_52] : memref<10000x32xf32, #tpu.memory_space<vmem_shared>> -> memref<304x32xf32, #tpu.memory_space<vmem_shared>>
        %dma_wait3A_54 = arith.constant 0 : i32
        %dma_wait3A_55 = tpu.memref_slice %arg10[%add3A_38, %dma_wait3A_54] : memref<10000x32xf32, #tpu.memory_space<vmem_shared>> -> memref<304x32xf32, #tpu.memory_space<vmem_shared>>
        %dma_wait3A_56 = arith.constant 0 : i32
        %dma_wait3A_57 = arith.constant 0 : i32
        %dma_wait3A_58 = tpu.memref_slice %arg9[%dma_wait3A_56, %dma_wait3A_57] : memref<320x32xf32, #tpu.memory_space<vmem>> -> memref<304x32xf32, #tpu.memory_space<vmem>>
        tpu.wait_dma2 semaphore(%run_scoped3A_39 : memref<!tpu.dma_semaphore, #tpu.memory_space<semaphore_mem>>) src(%dma_wait3A_58 : memref<304x32xf32, #tpu.memory_space<vmem>>) dst(%dma_wait3A_55 : memref<304x32xf32, #tpu.memory_space<vmem_shared>>)
        tpu.yield
      }) : () -> ()
    } else {
    }
    %convert_element_type3A_12 = arith.extui %eq3A_9 : i1 to i32
    %cond3A_13 = arith.constant 0 : i32
    %cond3A_14 = arith.cmpi ne, %convert_element_type3A_12, %cond3A_13 : i32
    scf.if %cond3A_14 {
      "tpu.region"() ({
        %run_scoped3A_35 = tpu.sem_alloc : memref<!tpu.dma_semaphore, #tpu.memory_space<semaphore_mem>>
        %dma_start3A_36 = arith.constant 9360 : i32
        %dma_start3A_37 = arith.constant 0 : i32
        %dma_start3A_38 = tpu.memref_slice %arg10[%dma_start3A_36, %dma_start3A_37] : memref<10000x32xf32, #tpu.memory_space<vmem_shared>> -> memref<320x32xf32, #tpu.memory_space<vmem_shared>>
        %dma_start3A_39 = arith.constant 9360 : i32
        %dma_start3A_40 = arith.constant 0 : i32
        %dma_start3A_41 = tpu.memref_slice %arg10[%dma_start3A_39, %dma_start3A_40] : memref<10000x32xf32, #tpu.memory_space<vmem_shared>> -> memref<320x32xf32, #tpu.memory_space<vmem_shared>>
        tpu.enqueue_dma source(%arg9 : memref<320x32xf32, #tpu.memory_space<vmem>>) target(%dma_start3A_41 : memref<320x32xf32, #tpu.memory_space<vmem_shared>>) target_semaphore(%run_scoped3A_35 : memref<!tpu.dma_semaphore, #tpu.memory_space<semaphore_mem>>)
        %dma_wait3A = arith.constant 9360 : i32
        %dma_wait3A_42 = arith.constant 0 : i32
        %dma_wait3A_43 = tpu.memref_slice %arg10[%dma_wait3A, %dma_wait3A_42] : memref<10000x32xf32, #tpu.memory_space<vmem_shared>> -> memref<320x32xf32, #tpu.memory_space<vmem_shared>>
        %dma_wait3A_44 = arith.constant 9360 : i32
        %dma_wait3A_45 = arith.constant 0 : i32
        %dma_wait3A_46 = tpu.memref_slice %arg10[%dma_wait3A_44, %dma_wait3A_45] : memref<10000x32xf32, #tpu.memory_space<vmem_shared>> -> memref<320x32xf32, #tpu.memory_space<vmem_shared>>
        tpu.wait_dma2 semaphore(%run_scoped3A_35 : memref<!tpu.dma_semaphore, #tpu.memory_space<semaphore_mem>>) src(%arg9 : memref<320x32xf32, #tpu.memory_space<vmem>>) dst(%dma_wait3A_46 : memref<320x32xf32, #tpu.memory_space<vmem_shared>>)
        tpu.yield
      }) : () -> ()
      "tpu.region"() ({
        %run_scoped3A_35 = tpu.sem_alloc : memref<!tpu.dma_semaphore, #tpu.memory_space<semaphore_mem>>
        %dma_start3A_36 = arith.constant 9680 : i32
        %dma_start3A_37 = arith.constant 0 : i32
        %dma_start3A_38 = tpu.memref_slice %arg10[%dma_start3A_36, %dma_start3A_37] : memref<10000x32xf32, #tpu.memory_space<vmem_shared>> -> memref<320x32xf32, #tpu.memory_space<vmem_shared>>
        %dma_start3A_39 = arith.constant 9680 : i32
        %dma_start3A_40 = arith.constant 0 : i32
        %dma_start3A_41 = tpu.memref_slice %arg10[%dma_start3A_39, %dma_start3A_40] : memref<10000x32xf32, #tpu.memory_space<vmem_shared>> -> memref<320x32xf32, #tpu.memory_space<vmem_shared>>
        tpu.enqueue_dma source(%arg9 : memref<320x32xf32, #tpu.memory_space<vmem>>) target(%dma_start3A_41 : memref<320x32xf32, #tpu.memory_space<vmem_shared>>) target_semaphore(%run_scoped3A_35 : memref<!tpu.dma_semaphore, #tpu.memory_space<semaphore_mem>>)
        %dma_wait3A = arith.constant 9680 : i32
        %dma_wait3A_42 = arith.constant 0 : i32
        %dma_wait3A_43 = tpu.memref_slice %arg10[%dma_wait3A, %dma_wait3A_42] : memref<10000x32xf32, #tpu.memory_space<vmem_shared>> -> memref<320x32xf32, #tpu.memory_space<vmem_shared>>
        %dma_wait3A_44 = arith.constant 9680 : i32
        %dma_wait3A_45 = arith.constant 0 : i32
        %dma_wait3A_46 = tpu.memref_slice %arg10[%dma_wait3A_44, %dma_wait3A_45] : memref<10000x32xf32, #tpu.memory_space<vmem_shared>> -> memref<320x32xf32, #tpu.memory_space<vmem_shared>>
        tpu.wait_dma2 semaphore(%run_scoped3A_35 : memref<!tpu.dma_semaphore, #tpu.memory_space<semaphore_mem>>) src(%arg9 : memref<320x32xf32, #tpu.memory_space<vmem>>) dst(%dma_wait3A_46 : memref<320x32xf32, #tpu.memory_space<vmem_shared>>)
        tpu.yield
      }) : () -> ()
    } else {
    }
    %barrier3A = arith.constant 0 : index
    tpu.barrier barrier_id(%barrier3A)
    %dma_start3A = arith.constant 0 : i32
    %dma_start3A_15 = arith.constant 0 : i32
    %dma_start3A_16 = tpu.memref_slice %arg5[%dma_start3A, %dma_start3A_15] : memref<20x500xi32, #tpu.memory_space<vmem>> -> memref<1x500xi32, #tpu.memory_space<vmem>>
    %dma_start3A_17 = tpu.memref_squeeze %dma_start3A_16 : memref<1x500xi32, #tpu.memory_space<vmem>> -> memref<500xi32, #tpu.memory_space<vmem>>
    %dma_start3A_18 = arith.constant 0 : i32
    %dma_start3A_19 = arith.constant 0 : i32
    %dma_start3A_20 = tpu.memref_slice %arg2[%dma_start3A_18, %dma_start3A_19] : memref<10000x32xf32, #tpu.memory_space<hbm>> -> memref<10000x32xf32, #tpu.memory_space<hbm>>
    tpu.enqueue_indirect_dma source(%dma_start3A_20 : memref<10000x32xf32, #tpu.memory_space<hbm>>) target(%arg7 : memref<500x32xf32, #tpu.memory_space<vmem>>) offsets(%dma_start3A_17 : memref<500xi32, #tpu.memory_space<vmem>>) semaphore(%arg11 : memref<!tpu.dma_semaphore, #tpu.memory_space<semaphore_mem>>)
    %scan3A_21 = arith.constant 0 : i32
    %scan3A_22 = arith.constant 10 : i32
    %scan3A_23 = arith.addi %scan3A_21, %scan3A_22 : i32
    %scan3A_24 = arith.constant 1 : i32
    scf.for %scan3A_35 = %scan3A_21 to %scan3A_23 step %scan3A_24  : i32 {
      %mul3A_36 = arith.constant 2 : i32
      %mul3A_37 = arith.muli %scan3A_35, %mul3A_36 : i32
      %add3A_38 = arith.constant 1 : i32
      %add3A_39 = arith.addi %mul3A_37, %add3A_38 : i32
      %dma_start3A_40 = arith.constant 0 : i32
      %dma_start3A_41 = tpu.memref_slice %arg5[%add3A_39, %dma_start3A_40] : memref<20x500xi32, #tpu.memory_space<vmem>> -> memref<1x500xi32, #tpu.memory_space<vmem>>
      %dma_start3A_42 = tpu.memref_squeeze %dma_start3A_41 : memref<1x500xi32, #tpu.memory_space<vmem>> -> memref<500xi32, #tpu.memory_space<vmem>>
      %dma_start3A_43 = arith.constant 0 : i32
      %dma_start3A_44 = arith.constant 0 : i32
      %dma_start3A_45 = tpu.memref_slice %arg2[%dma_start3A_43, %dma_start3A_44] : memref<10000x32xf32, #tpu.memory_space<hbm>> -> memref<10000x32xf32, #tpu.memory_space<hbm>>
      tpu.enqueue_indirect_dma source(%dma_start3A_45 : memref<10000x32xf32, #tpu.memory_space<hbm>>) target(%arg8 : memref<500x32xf32, #tpu.memory_space<vmem>>) offsets(%dma_start3A_42 : memref<500xi32, #tpu.memory_space<vmem>>) semaphore(%arg12 : memref<!tpu.dma_semaphore, #tpu.memory_space<semaphore_mem>>)
      %dma_wait3A = arith.constant 0 : i32
      %dma_wait3A_46 = tpu.memref_slice %arg5[%mul3A_37, %dma_wait3A] : memref<20x500xi32, #tpu.memory_space<vmem>> -> memref<1x500xi32, #tpu.memory_space<vmem>>
      %dma_wait3A_47 = tpu.memref_squeeze %dma_wait3A_46 : memref<1x500xi32, #tpu.memory_space<vmem>> -> memref<500xi32, #tpu.memory_space<vmem>>
      %dma_wait3A_48 = arith.constant 0 : i32
      %dma_wait3A_49 = arith.constant 0 : i32
      %dma_wait3A_50 = tpu.memref_slice %arg2[%dma_wait3A_48, %dma_wait3A_49] : memref<10000x32xf32, #tpu.memory_space<hbm>> -> memref<10000x32xf32, #tpu.memory_space<hbm>>
      tpu.wait_indirect_dma semaphore(%arg11 : memref<!tpu.dma_semaphore, #tpu.memory_space<semaphore_mem>>) src(%dma_wait3A_50 : memref<10000x32xf32, #tpu.memory_space<hbm>>) dst(%arg7 : memref<500x32xf32, #tpu.memory_space<vmem>>)
      "tpu.region"() ({
        %run_scoped3A_67 = tpu.sem_alloc : memref<!tpu.dma_semaphore, #tpu.memory_space<semaphore_mem>>
        %dma_start3A_68 = arith.constant 0 : i32
        %dma_start3A_69 = tpu.memref_slice %arg6[%mul3A_37, %dma_start3A_68] : memref<20x500xi32, #tpu.memory_space<vmem>> -> memref<1x500xi32, #tpu.memory_space<vmem>>
        %dma_start3A_70 = tpu.memref_squeeze %dma_start3A_69 : memref<1x500xi32, #tpu.memory_space<vmem>> -> memref<500xi32, #tpu.memory_space<vmem>>
        %dma_start3A_71 = arith.constant 0 : i32
        %dma_start3A_72 = arith.constant 0 : i32
        %dma_start3A_73 = tpu.memref_slice %arg10[%dma_start3A_71, %dma_start3A_72] : memref<10000x32xf32, #tpu.memory_space<vmem_shared>> -> memref<10000x32xf32, #tpu.memory_space<vmem_shared>>
        tpu.enqueue_indirect_dma source(%arg7 : memref<500x32xf32, #tpu.memory_space<vmem>>) target(%dma_start3A_73 : memref<10000x32xf32, #tpu.memory_space<vmem_shared>>) offsets(%dma_start3A_70 : memref<500xi32, #tpu.memory_space<vmem>>) semaphore(%run_scoped3A_67 : memref<!tpu.dma_semaphore, #tpu.memory_space<semaphore_mem>>) {add = true}
        %dma_wait3A_74 = arith.constant 0 : i32
        %dma_wait3A_75 = tpu.memref_slice %arg6[%mul3A_37, %dma_wait3A_74] : memref<20x500xi32, #tpu.memory_space<vmem>> -> memref<1x500xi32, #tpu.memory_space<vmem>>
        %dma_wait3A_76 = tpu.memref_squeeze %dma_wait3A_75 : memref<1x500xi32, #tpu.memory_space<vmem>> -> memref<500xi32, #tpu.memory_space<vmem>>
        %dma_wait3A_77 = arith.constant 0 : i32
        %dma_wait3A_78 = arith.constant 0 : i32
        %dma_wait3A_79 = tpu.memref_slice %arg10[%dma_wait3A_77, %dma_wait3A_78] : memref<10000x32xf32, #tpu.memory_space<vmem_shared>> -> memref<10000x32xf32, #tpu.memory_space<vmem_shared>>
        tpu.wait_indirect_dma semaphore(%run_scoped3A_67 : memref<!tpu.dma_semaphore, #tpu.memory_space<semaphore_mem>>) src(%arg7 : memref<500x32xf32, #tpu.memory_space<vmem>>) dst(%dma_wait3A_79 : memref<10000x32xf32, #tpu.memory_space<vmem_shared>>)
        tpu.yield
      }) : () -> ()
      %add3A_51 = arith.constant 2 : i32
      %add3A_52 = arith.addi %mul3A_37, %add3A_51 : i32
      %lt3A = arith.constant 20 : i32
      %lt3A_53 = arith.cmpi slt, %add3A_52, %lt3A : i32
      %convert_element_type3A_54 = arith.extui %lt3A_53 : i1 to i32
      %cond3A_55 = arith.constant 0 : i32
      %cond3A_56 = arith.cmpi ne, %convert_element_type3A_54, %cond3A_55 : i32
      scf.if %cond3A_56 {
        %add3A_67 = arith.constant 2 : i32
        %add3A_68 = arith.addi %mul3A_37, %add3A_67 : i32
        %dma_start3A_69 = arith.constant 0 : i32
        %dma_start3A_70 = tpu.memref_slice %arg5[%add3A_68, %dma_start3A_69] : memref<20x500xi32, #tpu.memory_space<vmem>> -> memref<1x500xi32, #tpu.memory_space<vmem>>
        %dma_start3A_71 = tpu.memref_squeeze %dma_start3A_70 : memref<1x500xi32, #tpu.memory_space<vmem>> -> memref<500xi32, #tpu.memory_space<vmem>>
        %dma_start3A_72 = arith.constant 0 : i32
        %dma_start3A_73 = arith.constant 0 : i32
        %dma_start3A_74 = tpu.memref_slice %arg2[%dma_start3A_72, %dma_start3A_73] : memref<10000x32xf32, #tpu.memory_space<hbm>> -> memref<10000x32xf32, #tpu.memory_space<hbm>>
        tpu.enqueue_indirect_dma source(%dma_start3A_74 : memref<10000x32xf32, #tpu.memory_space<hbm>>) target(%arg7 : memref<500x32xf32, #tpu.memory_space<vmem>>) offsets(%dma_start3A_71 : memref<500xi32, #tpu.memory_space<vmem>>) semaphore(%arg11 : memref<!tpu.dma_semaphore, #tpu.memory_space<semaphore_mem>>)
      } else {
      }
      %add3A_57 = arith.constant 1 : i32
      %add3A_58 = arith.addi %mul3A_37, %add3A_57 : i32
      %dma_wait3A_59 = arith.constant 0 : i32
      %dma_wait3A_60 = tpu.memref_slice %arg5[%add3A_58, %dma_wait3A_59] : memref<20x500xi32, #tpu.memory_space<vmem>> -> memref<1x500xi32, #tpu.memory_space<vmem>>
      %dma_wait3A_61 = tpu.memref_squeeze %dma_wait3A_60 : memref<1x500xi32, #tpu.memory_space<vmem>> -> memref<500xi32, #tpu.memory_space<vmem>>
      %dma_wait3A_62 = arith.constant 0 : i32
      %dma_wait3A_63 = arith.constant 0 : i32
      %dma_wait3A_64 = tpu.memref_slice %arg2[%dma_wait3A_62, %dma_wait3A_63] : memref<10000x32xf32, #tpu.memory_space<hbm>> -> memref<10000x32xf32, #tpu.memory_space<hbm>>
      tpu.wait_indirect_dma semaphore(%arg12 : memref<!tpu.dma_semaphore, #tpu.memory_space<semaphore_mem>>) src(%dma_wait3A_64 : memref<10000x32xf32, #tpu.memory_space<hbm>>) dst(%arg8 : memref<500x32xf32, #tpu.memory_space<vmem>>)
      %add3A_65 = arith.constant 1 : i32
      %add3A_66 = arith.addi %mul3A_37, %add3A_65 : i32
      "tpu.region"() ({
        %run_scoped3A_67 = tpu.sem_alloc : memref<!tpu.dma_semaphore, #tpu.memory_space<semaphore_mem>>
        %dma_start3A_68 = arith.constant 0 : i32
        %dma_start3A_69 = tpu.memref_slice %arg6[%add3A_66, %dma_start3A_68] : memref<20x500xi32, #tpu.memory_space<vmem>> -> memref<1x500xi32, #tpu.memory_space<vmem>>
        %dma_start3A_70 = tpu.memref_squeeze %dma_start3A_69 : memref<1x500xi32, #tpu.memory_space<vmem>> -> memref<500xi32, #tpu.memory_space<vmem>>
        %dma_start3A_71 = arith.constant 0 : i32
        %dma_start3A_72 = arith.constant 0 : i32
        %dma_start3A_73 = tpu.memref_slice %arg10[%dma_start3A_71, %dma_start3A_72] : memref<10000x32xf32, #tpu.memory_space<vmem_shared>> -> memref<10000x32xf32, #tpu.memory_space<vmem_shared>>
        tpu.enqueue_indirect_dma source(%arg8 : memref<500x32xf32, #tpu.memory_space<vmem>>) target(%dma_start3A_73 : memref<10000x32xf32, #tpu.memory_space<vmem_shared>>) offsets(%dma_start3A_70 : memref<500xi32, #tpu.memory_space<vmem>>) semaphore(%run_scoped3A_67 : memref<!tpu.dma_semaphore, #tpu.memory_space<semaphore_mem>>) {add = true}
        %dma_wait3A_74 = arith.constant 0 : i32
        %dma_wait3A_75 = tpu.memref_slice %arg6[%add3A_66, %dma_wait3A_74] : memref<20x500xi32, #tpu.memory_space<vmem>> -> memref<1x500xi32, #tpu.memory_space<vmem>>
        %dma_wait3A_76 = tpu.memref_squeeze %dma_wait3A_75 : memref<1x500xi32, #tpu.memory_space<vmem>> -> memref<500xi32, #tpu.memory_space<vmem>>
        %dma_wait3A_77 = arith.constant 0 : i32
        %dma_wait3A_78 = arith.constant 0 : i32
        %dma_wait3A_79 = tpu.memref_slice %arg10[%dma_wait3A_77, %dma_wait3A_78] : memref<10000x32xf32, #tpu.memory_space<vmem_shared>> -> memref<10000x32xf32, #tpu.memory_space<vmem_shared>>
        tpu.wait_indirect_dma semaphore(%run_scoped3A_67 : memref<!tpu.dma_semaphore, #tpu.memory_space<semaphore_mem>>) src(%arg8 : memref<500x32xf32, #tpu.memory_space<vmem>>) dst(%dma_wait3A_79 : memref<10000x32xf32, #tpu.memory_space<vmem_shared>>)
        tpu.yield
      }) : () -> ()
    }
    %scan3A_25 = arith.constant 10 : i32
    %barrier3A_26 = arith.constant 0 : index
    tpu.barrier barrier_id(%barrier3A_26)
    %not3A_27 = arith.constant true
    %not3A_28 = arith.xori %eq3A_9, %not3A_27 : i1
    %convert_element_type3A_29 = arith.extui %not3A_28 : i1 to i32
    %cond3A_30 = arith.constant 0 : i32
    %cond3A_31 = arith.cmpi ne, %convert_element_type3A_29, %cond3A_30 : i32
    scf.if %cond3A_31 {
      %add3A_35 = arith.constant 0 : i32
      %add3A_36 = arith.addi %mul3A_8, %add3A_35 : i32
      "tpu.region"() ({
        %run_scoped3A_49 = tpu.sem_alloc : memref<!tpu.dma_semaphore, #tpu.memory_space<semaphore_mem>>
        %dma_start3A_50 = arith.constant 0 : i32
        %dma_start3A_51 = tpu.memref_slice %arg10[%add3A_36, %dma_start3A_50] : memref<10000x32xf32, #tpu.memory_space<vmem_shared>> -> memref<320x32xf32, #tpu.memory_space<vmem_shared>>
        %dma_start3A_52 = arith.constant 0 : i32
        %dma_start3A_53 = tpu.memref_slice %arg10[%add3A_36, %dma_start3A_52] : memref<10000x32xf32, #tpu.memory_space<vmem_shared>> -> memref<320x32xf32, #tpu.memory_space<vmem_shared>>
        tpu.enqueue_dma source(%dma_start3A_53 : memref<320x32xf32, #tpu.memory_space<vmem_shared>>) target(%arg9 : memref<320x32xf32, #tpu.memory_space<vmem>>) target_semaphore(%run_scoped3A_49 : memref<!tpu.dma_semaphore, #tpu.memory_space<semaphore_mem>>)
        %dma_wait3A = arith.constant 0 : i32
        %dma_wait3A_54 = tpu.memref_slice %arg10[%add3A_36, %dma_wait3A] : memref<10000x32xf32, #tpu.memory_space<vmem_shared>> -> memref<320x32xf32, #tpu.memory_space<vmem_shared>>
        %dma_wait3A_55 = arith.constant 0 : i32
        %dma_wait3A_56 = tpu.memref_slice %arg10[%add3A_36, %dma_wait3A_55] : memref<10000x32xf32, #tpu.memory_space<vmem_shared>> -> memref<320x32xf32, #tpu.memory_space<vmem_shared>>
        tpu.wait_dma2 semaphore(%run_scoped3A_49 : memref<!tpu.dma_semaphore, #tpu.memory_space<semaphore_mem>>) src(%dma_wait3A_56 : memref<320x32xf32, #tpu.memory_space<vmem_shared>>) dst(%arg9 : memref<320x32xf32, #tpu.memory_space<vmem>>)
        tpu.yield
      }) : () -> ()
      %mul3A_37 = arith.constant 10000 : i32
      %mul3A_38 = arith.muli %arg0, %mul3A_37 : i32
      %add3A_39 = arith.addi %mul3A_38, %mul3A_8 : i32
      %add3A_40 = arith.constant 0 : i32
      %add3A_41 = arith.addi %add3A_39, %add3A_40 : i32
      "tpu.region"() ({
        %run_scoped3A_49 = tpu.sem_alloc : memref<!tpu.dma_semaphore, #tpu.memory_space<semaphore_mem>>
        %dma_start3A_50 = arith.constant 0 : i32
        %dma_start3A_51 = tpu.memref_slice %arg4[%add3A_41, %dma_start3A_50] : memref<20000x32xf32, #tpu.memory_space<hbm>> -> memref<320x32xf32, #tpu.memory_space<hbm>>
        %dma_start3A_52 = arith.constant 0 : i32
        %dma_start3A_53 = tpu.memref_slice %arg4[%add3A_41, %dma_start3A_52] : memref<20000x32xf32, #tpu.memory_space<hbm>> -> memref<320x32xf32, #tpu.memory_space<hbm>>
        tpu.enqueue_dma source(%arg9 : memref<320x32xf32, #tpu.memory_space<vmem>>) target(%dma_start3A_53 : memref<320x32xf32, #tpu.memory_space<hbm>>) target_semaphore(%run_scoped3A_49 : memref<!tpu.dma_semaphore, #tpu.memory_space<semaphore_mem>>)
        %dma_wait3A = arith.constant 0 : i32
        %dma_wait3A_54 = tpu.memref_slice %arg4[%add3A_41, %dma_wait3A] : memref<20000x32xf32, #tpu.memory_space<hbm>> -> memref<320x32xf32, #tpu.memory_space<hbm>>
        %dma_wait3A_55 = arith.constant 0 : i32
        %dma_wait3A_56 = tpu.memref_slice %arg4[%add3A_41, %dma_wait3A_55] : memref<20000x32xf32, #tpu.memory_space<hbm>> -> memref<320x32xf32, #tpu.memory_space<hbm>>
        tpu.wait_dma2 semaphore(%run_scoped3A_49 : memref<!tpu.dma_semaphore, #tpu.memory_space<semaphore_mem>>) src(%arg9 : memref<320x32xf32, #tpu.memory_space<vmem>>) dst(%dma_wait3A_56 : memref<320x32xf32, #tpu.memory_space<hbm>>)
        tpu.yield
      }) : () -> ()
      %add3A_42 = arith.constant 320 : i32
      %add3A_43 = arith.addi %mul3A_8, %add3A_42 : i32
      "tpu.region"() ({
        %run_scoped3A_49 = tpu.sem_alloc : memref<!tpu.dma_semaphore, #tpu.memory_space<semaphore_mem>>
        %dma_start3A_50 = arith.constant 0 : i32
        %dma_start3A_51 = arith.constant 0 : i32
        %dma_start3A_52 = tpu.memref_slice %arg9[%dma_start3A_50, %dma_start3A_51] : memref<320x32xf32, #tpu.memory_space<vmem>> -> memref<304x32xf32, #tpu.memory_space<vmem>>
        %dma_start3A_53 = arith.constant 0 : i32
        %dma_start3A_54 = tpu.memref_slice %arg10[%add3A_43, %dma_start3A_53] : memref<10000x32xf32, #tpu.memory_space<vmem_shared>> -> memref<304x32xf32, #tpu.memory_space<vmem_shared>>
        %dma_start3A_55 = arith.constant 0 : i32
        %dma_start3A_56 = arith.constant 0 : i32
        %dma_start3A_57 = tpu.memref_slice %arg9[%dma_start3A_55, %dma_start3A_56] : memref<320x32xf32, #tpu.memory_space<vmem>> -> memref<304x32xf32, #tpu.memory_space<vmem>>
        %dma_start3A_58 = arith.constant 0 : i32
        %dma_start3A_59 = tpu.memref_slice %arg10[%add3A_43, %dma_start3A_58] : memref<10000x32xf32, #tpu.memory_space<vmem_shared>> -> memref<304x32xf32, #tpu.memory_space<vmem_shared>>
        tpu.enqueue_dma source(%dma_start3A_59 : memref<304x32xf32, #tpu.memory_space<vmem_shared>>) target(%dma_start3A_57 : memref<304x32xf32, #tpu.memory_space<vmem>>) target_semaphore(%run_scoped3A_49 : memref<!tpu.dma_semaphore, #tpu.memory_space<semaphore_mem>>)
        %dma_wait3A = arith.constant 0 : i32
        %dma_wait3A_60 = arith.constant 0 : i32
        %dma_wait3A_61 = tpu.memref_slice %arg9[%dma_wait3A, %dma_wait3A_60] : memref<320x32xf32, #tpu.memory_space<vmem>> -> memref<304x32xf32, #tpu.memory_space<vmem>>
        %dma_wait3A_62 = arith.constant 0 : i32
        %dma_wait3A_63 = tpu.memref_slice %arg10[%add3A_43, %dma_wait3A_62] : memref<10000x32xf32, #tpu.memory_space<vmem_shared>> -> memref<304x32xf32, #tpu.memory_space<vmem_shared>>
        %dma_wait3A_64 = arith.constant 0 : i32
        %dma_wait3A_65 = arith.constant 0 : i32
        %dma_wait3A_66 = tpu.memref_slice %arg9[%dma_wait3A_64, %dma_wait3A_65] : memref<320x32xf32, #tpu.memory_space<vmem>> -> memref<304x32xf32, #tpu.memory_space<vmem>>
        %dma_wait3A_67 = arith.constant 0 : i32
        %dma_wait3A_68 = tpu.memref_slice %arg10[%add3A_43, %dma_wait3A_67] : memref<10000x32xf32, #tpu.memory_space<vmem_shared>> -> memref<304x32xf32, #tpu.memory_space<vmem_shared>>
        tpu.wait_dma2 semaphore(%run_scoped3A_49 : memref<!tpu.dma_semaphore, #tpu.memory_space<semaphore_mem>>) src(%dma_wait3A_68 : memref<304x32xf32, #tpu.memory_space<vmem_shared>>) dst(%dma_wait3A_66 : memref<304x32xf32, #tpu.memory_space<vmem>>)
        tpu.yield
      }) : () -> ()
      %mul3A_44 = arith.constant 10000 : i32
      %mul3A_45 = arith.muli %arg0, %mul3A_44 : i32
      %add3A_46 = arith.addi %mul3A_45, %mul3A_8 : i32
      %add3A_47 = arith.constant 320 : i32
      %add3A_48 = arith.addi %add3A_46, %add3A_47 : i32
      "tpu.region"() ({
        %run_scoped3A_49 = tpu.sem_alloc : memref<!tpu.dma_semaphore, #tpu.memory_space<semaphore_mem>>
        %dma_start3A_50 = arith.constant 0 : i32
        %dma_start3A_51 = arith.constant 0 : i32
        %dma_start3A_52 = tpu.memref_slice %arg9[%dma_start3A_50, %dma_start3A_51] : memref<320x32xf32, #tpu.memory_space<vmem>> -> memref<304x32xf32, #tpu.memory_space<vmem>>
        %dma_start3A_53 = arith.constant 0 : i32
        %dma_start3A_54 = tpu.memref_slice %arg4[%add3A_48, %dma_start3A_53] : memref<20000x32xf32, #tpu.memory_space<hbm>> -> memref<304x32xf32, #tpu.memory_space<hbm>>
        %dma_start3A_55 = arith.constant 0 : i32
        %dma_start3A_56 = tpu.memref_slice %arg4[%add3A_48, %dma_start3A_55] : memref<20000x32xf32, #tpu.memory_space<hbm>> -> memref<304x32xf32, #tpu.memory_space<hbm>>
        %dma_start3A_57 = arith.constant 0 : i32
        %dma_start3A_58 = arith.constant 0 : i32
        %dma_start3A_59 = tpu.memref_slice %arg9[%dma_start3A_57, %dma_start3A_58] : memref<320x32xf32, #tpu.memory_space<vmem>> -> memref<304x32xf32, #tpu.memory_space<vmem>>
        tpu.enqueue_dma source(%dma_start3A_59 : memref<304x32xf32, #tpu.memory_space<vmem>>) target(%dma_start3A_56 : memref<304x32xf32, #tpu.memory_space<hbm>>) target_semaphore(%run_scoped3A_49 : memref<!tpu.dma_semaphore, #tpu.memory_space<semaphore_mem>>)
        %dma_wait3A = arith.constant 0 : i32
        %dma_wait3A_60 = arith.constant 0 : i32
        %dma_wait3A_61 = tpu.memref_slice %arg9[%dma_wait3A, %dma_wait3A_60] : memref<320x32xf32, #tpu.memory_space<vmem>> -> memref<304x32xf32, #tpu.memory_space<vmem>>
        %dma_wait3A_62 = arith.constant 0 : i32
        %dma_wait3A_63 = tpu.memref_slice %arg4[%add3A_48, %dma_wait3A_62] : memref<20000x32xf32, #tpu.memory_space<hbm>> -> memref<304x32xf32, #tpu.memory_space<hbm>>
        %dma_wait3A_64 = arith.constant 0 : i32
        %dma_wait3A_65 = tpu.memref_slice %arg4[%add3A_48, %dma_wait3A_64] : memref<20000x32xf32, #tpu.memory_space<hbm>> -> memref<304x32xf32, #tpu.memory_space<hbm>>
        %dma_wait3A_66 = arith.constant 0 : i32
        %dma_wait3A_67 = arith.constant 0 : i32
        %dma_wait3A_68 = tpu.memref_slice %arg9[%dma_wait3A_66, %dma_wait3A_67] : memref<320x32xf32, #tpu.memory_space<vmem>> -> memref<304x32xf32, #tpu.memory_space<vmem>>
        tpu.wait_dma2 semaphore(%run_scoped3A_49 : memref<!tpu.dma_semaphore, #tpu.memory_space<semaphore_mem>>) src(%dma_wait3A_68 : memref<304x32xf32, #tpu.memory_space<vmem>>) dst(%dma_wait3A_65 : memref<304x32xf32, #tpu.memory_space<hbm>>)
        tpu.yield
      }) : () -> ()
    } else {
    }
    %convert_element_type3A_32 = arith.extui %eq3A_9 : i1 to i32
    %cond3A_33 = arith.constant 0 : i32
    %cond3A_34 = arith.cmpi ne, %convert_element_type3A_32, %cond3A_33 : i32
    scf.if %cond3A_34 {
      "tpu.region"() ({
        %run_scoped3A_47 = tpu.sem_alloc : memref<!tpu.dma_semaphore, #tpu.memory_space<semaphore_mem>>
        %dma_start3A_48 = arith.constant 9360 : i32
        %dma_start3A_49 = arith.constant 0 : i32
        %dma_start3A_50 = tpu.memref_slice %arg10[%dma_start3A_48, %dma_start3A_49] : memref<10000x32xf32, #tpu.memory_space<vmem_shared>> -> memref<320x32xf32, #tpu.memory_space<vmem_shared>>
        %dma_start3A_51 = arith.constant 9360 : i32
        %dma_start3A_52 = arith.constant 0 : i32
        %dma_start3A_53 = tpu.memref_slice %arg10[%dma_start3A_51, %dma_start3A_52] : memref<10000x32xf32, #tpu.memory_space<vmem_shared>> -> memref<320x32xf32, #tpu.memory_space<vmem_shared>>
        tpu.enqueue_dma source(%dma_start3A_53 : memref<320x32xf32, #tpu.memory_space<vmem_shared>>) target(%arg9 : memref<320x32xf32, #tpu.memory_space<vmem>>) target_semaphore(%run_scoped3A_47 : memref<!tpu.dma_semaphore, #tpu.memory_space<semaphore_mem>>)
        %dma_wait3A = arith.constant 9360 : i32
        %dma_wait3A_54 = arith.constant 0 : i32
        %dma_wait3A_55 = tpu.memref_slice %arg10[%dma_wait3A, %dma_wait3A_54] : memref<10000x32xf32, #tpu.memory_space<vmem_shared>> -> memref<320x32xf32, #tpu.memory_space<vmem_shared>>
        %dma_wait3A_56 = arith.constant 9360 : i32
        %dma_wait3A_57 = arith.constant 0 : i32
        %dma_wait3A_58 = tpu.memref_slice %arg10[%dma_wait3A_56, %dma_wait3A_57] : memref<10000x32xf32, #tpu.memory_space<vmem_shared>> -> memref<320x32xf32, #tpu.memory_space<vmem_shared>>
        tpu.wait_dma2 semaphore(%run_scoped3A_47 : memref<!tpu.dma_semaphore, #tpu.memory_space<semaphore_mem>>) src(%dma_wait3A_58 : memref<320x32xf32, #tpu.memory_space<vmem_shared>>) dst(%arg9 : memref<320x32xf32, #tpu.memory_space<vmem>>)
        tpu.yield
      }) : () -> ()
      %mul3A_35 = arith.constant 10000 : i32
      %mul3A_36 = arith.muli %arg0, %mul3A_35 : i32
      %add3A_37 = arith.constant 9360 : i32
      %add3A_38 = arith.addi %mul3A_36, %add3A_37 : i32
      %add3A_39 = arith.constant 0 : i32
      %add3A_40 = arith.addi %add3A_38, %add3A_39 : i32
      "tpu.region"() ({
        %run_scoped3A_47 = tpu.sem_alloc : memref<!tpu.dma_semaphore, #tpu.memory_space<semaphore_mem>>
        %dma_start3A_48 = arith.constant 0 : i32
        %dma_start3A_49 = tpu.memref_slice %arg4[%add3A_40, %dma_start3A_48] : memref<20000x32xf32, #tpu.memory_space<hbm>> -> memref<320x32xf32, #tpu.memory_space<hbm>>
        %dma_start3A_50 = arith.constant 0 : i32
        %dma_start3A_51 = tpu.memref_slice %arg4[%add3A_40, %dma_start3A_50] : memref<20000x32xf32, #tpu.memory_space<hbm>> -> memref<320x32xf32, #tpu.memory_space<hbm>>
        tpu.enqueue_dma source(%arg9 : memref<320x32xf32, #tpu.memory_space<vmem>>) target(%dma_start3A_51 : memref<320x32xf32, #tpu.memory_space<hbm>>) target_semaphore(%run_scoped3A_47 : memref<!tpu.dma_semaphore, #tpu.memory_space<semaphore_mem>>)
        %dma_wait3A = arith.constant 0 : i32
        %dma_wait3A_52 = tpu.memref_slice %arg4[%add3A_40, %dma_wait3A] : memref<20000x32xf32, #tpu.memory_space<hbm>> -> memref<320x32xf32, #tpu.memory_space<hbm>>
        %dma_wait3A_53 = arith.constant 0 : i32
        %dma_wait3A_54 = tpu.memref_slice %arg4[%add3A_40, %dma_wait3A_53] : memref<20000x32xf32, #tpu.memory_space<hbm>> -> memref<320x32xf32, #tpu.memory_space<hbm>>
        tpu.wait_dma2 semaphore(%run_scoped3A_47 : memref<!tpu.dma_semaphore, #tpu.memory_space<semaphore_mem>>) src(%arg9 : memref<320x32xf32, #tpu.memory_space<vmem>>) dst(%dma_wait3A_54 : memref<320x32xf32, #tpu.memory_space<hbm>>)
        tpu.yield
      }) : () -> ()
      "tpu.region"() ({
        %run_scoped3A_47 = tpu.sem_alloc : memref<!tpu.dma_semaphore, #tpu.memory_space<semaphore_mem>>
        %dma_start3A_48 = arith.constant 9680 : i32
        %dma_start3A_49 = arith.constant 0 : i32
        %dma_start3A_50 = tpu.memref_slice %arg10[%dma_start3A_48, %dma_start3A_49] : memref<10000x32xf32, #tpu.memory_space<vmem_shared>> -> memref<320x32xf32, #tpu.memory_space<vmem_shared>>
        %dma_start3A_51 = arith.constant 9680 : i32
        %dma_start3A_52 = arith.constant 0 : i32
        %dma_start3A_53 = tpu.memref_slice %arg10[%dma_start3A_51, %dma_start3A_52] : memref<10000x32xf32, #tpu.memory_space<vmem_shared>> -> memref<320x32xf32, #tpu.memory_space<vmem_shared>>
        tpu.enqueue_dma source(%dma_start3A_53 : memref<320x32xf32, #tpu.memory_space<vmem_shared>>) target(%arg9 : memref<320x32xf32, #tpu.memory_space<vmem>>) target_semaphore(%run_scoped3A_47 : memref<!tpu.dma_semaphore, #tpu.memory_space<semaphore_mem>>)
        %dma_wait3A = arith.constant 9680 : i32
        %dma_wait3A_54 = arith.constant 0 : i32
        %dma_wait3A_55 = tpu.memref_slice %arg10[%dma_wait3A, %dma_wait3A_54] : memref<10000x32xf32, #tpu.memory_space<vmem_shared>> -> memref<320x32xf32, #tpu.memory_space<vmem_shared>>
        %dma_wait3A_56 = arith.constant 9680 : i32
        %dma_wait3A_57 = arith.constant 0 : i32
        %dma_wait3A_58 = tpu.memref_slice %arg10[%dma_wait3A_56, %dma_wait3A_57] : memref<10000x32xf32, #tpu.memory_space<vmem_shared>> -> memref<320x32xf32, #tpu.memory_space<vmem_shared>>
        tpu.wait_dma2 semaphore(%run_scoped3A_47 : memref<!tpu.dma_semaphore, #tpu.memory_space<semaphore_mem>>) src(%dma_wait3A_58 : memref<320x32xf32, #tpu.memory_space<vmem_shared>>) dst(%arg9 : memref<320x32xf32, #tpu.memory_space<vmem>>)
        tpu.yield
      }) : () -> ()
      %mul3A_41 = arith.constant 10000 : i32
      %mul3A_42 = arith.muli %arg0, %mul3A_41 : i32
      %add3A_43 = arith.constant 9360 : i32
      %add3A_44 = arith.addi %mul3A_42, %add3A_43 : i32
      %add3A_45 = arith.constant 320 : i32
      %add3A_46 = arith.addi %add3A_44, %add3A_45 : i32
      "tpu.region"() ({
        %run_scoped3A_47 = tpu.sem_alloc : memref<!tpu.dma_semaphore, #tpu.memory_space<semaphore_mem>>
        %dma_start3A_48 = arith.constant 0 : i32
        %dma_start3A_49 = tpu.memref_slice %arg4[%add3A_46, %dma_start3A_48] : memref<20000x32xf32, #tpu.memory_space<hbm>> -> memref<320x32xf32, #tpu.memory_space<hbm>>
        %dma_start3A_50 = arith.constant 0 : i32
        %dma_start3A_51 = tpu.memref_slice %arg4[%add3A_46, %dma_start3A_50] : memref<20000x32xf32, #tpu.memory_space<hbm>> -> memref<320x32xf32, #tpu.memory_space<hbm>>
        tpu.enqueue_dma source(%arg9 : memref<320x32xf32, #tpu.memory_space<vmem>>) target(%dma_start3A_51 : memref<320x32xf32, #tpu.memory_space<hbm>>) target_semaphore(%run_scoped3A_47 : memref<!tpu.dma_semaphore, #tpu.memory_space<semaphore_mem>>)
        %dma_wait3A = arith.constant 0 : i32
        %dma_wait3A_52 = tpu.memref_slice %arg4[%add3A_46, %dma_wait3A] : memref<20000x32xf32, #tpu.memory_space<hbm>> -> memref<320x32xf32, #tpu.memory_space<hbm>>
        %dma_wait3A_53 = arith.constant 0 : i32
        %dma_wait3A_54 = tpu.memref_slice %arg4[%add3A_46, %dma_wait3A_53] : memref<20000x32xf32, #tpu.memory_space<hbm>> -> memref<320x32xf32, #tpu.memory_space<hbm>>
        tpu.wait_dma2 semaphore(%run_scoped3A_47 : memref<!tpu.dma_semaphore, #tpu.memory_space<semaphore_mem>>) src(%arg9 : memref<320x32xf32, #tpu.memory_space<vmem>>) dst(%dma_wait3A_54 : memref<320x32xf32, #tpu.memory_space<hbm>>)
        tpu.yield
      }) : () -> ()
    } else {
    }
    return
  }
}

#map = affine_map<(d0, d1) -> (0, 0)>
#map1 = affine_map<(d0, d1) -> (0, 0, 0, 0)>
module attributes {stable_mosaic.version = 14 : i64} {
  func.func @sc_scatter(%arg0: i32, %arg1: i32, %arg2: memref<10000x16xf32, #tpu.memory_space<hbm>>, %arg3: memref<2x32x20x500xi32, #tpu.memory_space<hbm>>, %arg4: memref<20000x16xf32, #tpu.memory_space<hbm>>, %arg5: memref<20x500xi32, #tpu.memory_space<vmem>>, %arg6: memref<20x500xi32, #tpu.memory_space<vmem>>, %arg7: memref<500x16xf32, #tpu.memory_space<vmem>>, %arg8: memref<500x16xf32, #tpu.memory_space<vmem>>, %arg9: memref<320x16xf32, #tpu.memory_space<vmem>>, %arg10: memref<10000x16xf32, #tpu.memory_space<vmem_shared>>, %arg11: memref<!tpu.dma_semaphore, #tpu.memory_space<semaphore_mem>>, %arg12: memref<!tpu.dma_semaphore, #tpu.memory_space<semaphore_mem>>) attributes {dimension_semantics = [#tpu.dimension_semantics<core_parallel>, #tpu.dimension_semantics<subcore_parallel>], iteration_bounds = array<i64: 2, 16>, scalar_prefetch = 0 : i64, scratch_operands = 8 : i64, tpu.core_type = #tpu.core_type<sc_vector_subcore>, window_params = [{transform_indices = #map}, {transform_indices = #map1}, {transform_indices = #map}]} {
    %mul3A = arith.constant 16 : i32
    %mul3A_0 = arith.muli %arg0, %mul3A : i32
    %add3A = arith.addi %mul3A_0, %arg1 : i32
    %run_scoped3A = arith.constant 0 : i32
    "tpu.region"() ({
      %run_scoped3A_35 = tpu.sem_alloc : memref<!tpu.dma_semaphore, #tpu.memory_space<semaphore_mem>>
      %dma_start3A_36 = arith.constant 0 : i32
      %dma_start3A_37 = arith.constant 0 : i32
      %dma_start3A_38 = tpu.memref_slice %arg3[%run_scoped3A, %add3A, %dma_start3A_36, %dma_start3A_37] : memref<2x32x20x500xi32, #tpu.memory_space<hbm>> -> memref<1x1x20x500xi32, #tpu.memory_space<hbm>>
      %dma_start3A_39 = tpu.memref_squeeze %dma_start3A_38 : memref<1x1x20x500xi32, #tpu.memory_space<hbm>> -> memref<20x500xi32, #tpu.memory_space<hbm>>
      %dma_start3A_40 = arith.constant 0 : i32
      %dma_start3A_41 = arith.constant 0 : i32
      %dma_start3A_42 = tpu.memref_slice %arg3[%run_scoped3A, %add3A, %dma_start3A_40, %dma_start3A_41] : memref<2x32x20x500xi32, #tpu.memory_space<hbm>> -> memref<1x1x20x500xi32, #tpu.memory_space<hbm>>
      %dma_start3A_43 = tpu.memref_squeeze %dma_start3A_42 : memref<1x1x20x500xi32, #tpu.memory_space<hbm>> -> memref<20x500xi32, #tpu.memory_space<hbm>>
      tpu.enqueue_dma source(%dma_start3A_43 : memref<20x500xi32, #tpu.memory_space<hbm>>) target(%arg5 : memref<20x500xi32, #tpu.memory_space<vmem>>) target_semaphore(%run_scoped3A_35 : memref<!tpu.dma_semaphore, #tpu.memory_space<semaphore_mem>>)
      %dma_wait3A = arith.constant 0 : i32
      %dma_wait3A_44 = arith.constant 0 : i32
      %dma_wait3A_45 = tpu.memref_slice %arg3[%run_scoped3A, %add3A, %dma_wait3A, %dma_wait3A_44] : memref<2x32x20x500xi32, #tpu.memory_space<hbm>> -> memref<1x1x20x500xi32, #tpu.memory_space<hbm>>
      %dma_wait3A_46 = tpu.memref_squeeze %dma_wait3A_45 : memref<1x1x20x500xi32, #tpu.memory_space<hbm>> -> memref<20x500xi32, #tpu.memory_space<hbm>>
      %dma_wait3A_47 = arith.constant 0 : i32
      %dma_wait3A_48 = arith.constant 0 : i32
      %dma_wait3A_49 = tpu.memref_slice %arg3[%run_scoped3A, %add3A, %dma_wait3A_47, %dma_wait3A_48] : memref<2x32x20x500xi32, #tpu.memory_space<hbm>> -> memref<1x1x20x500xi32, #tpu.memory_space<hbm>>
      %dma_wait3A_50 = tpu.memref_squeeze %dma_wait3A_49 : memref<1x1x20x500xi32, #tpu.memory_space<hbm>> -> memref<20x500xi32, #tpu.memory_space<hbm>>
      tpu.wait_dma2 semaphore(%run_scoped3A_35 : memref<!tpu.dma_semaphore, #tpu.memory_space<semaphore_mem>>) src(%dma_wait3A_50 : memref<20x500xi32, #tpu.memory_space<hbm>>) dst(%arg5 : memref<20x500xi32, #tpu.memory_space<vmem>>)
      tpu.yield
    }) : () -> ()
    %run_scoped3A_1 = arith.constant 1 : i32
    "tpu.region"() ({
      %run_scoped3A_35 = tpu.sem_alloc : memref<!tpu.dma_semaphore, #tpu.memory_space<semaphore_mem>>
      %dma_start3A_36 = arith.constant 0 : i32
      %dma_start3A_37 = arith.constant 0 : i32
      %dma_start3A_38 = tpu.memref_slice %arg3[%run_scoped3A_1, %add3A, %dma_start3A_36, %dma_start3A_37] : memref<2x32x20x500xi32, #tpu.memory_space<hbm>> -> memref<1x1x20x500xi32, #tpu.memory_space<hbm>>
      %dma_start3A_39 = tpu.memref_squeeze %dma_start3A_38 : memref<1x1x20x500xi32, #tpu.memory_space<hbm>> -> memref<20x500xi32, #tpu.memory_space<hbm>>
      %dma_start3A_40 = arith.constant 0 : i32
      %dma_start3A_41 = arith.constant 0 : i32
      %dma_start3A_42 = tpu.memref_slice %arg3[%run_scoped3A_1, %add3A, %dma_start3A_40, %dma_start3A_41] : memref<2x32x20x500xi32, #tpu.memory_space<hbm>> -> memref<1x1x20x500xi32, #tpu.memory_space<hbm>>
      %dma_start3A_43 = tpu.memref_squeeze %dma_start3A_42 : memref<1x1x20x500xi32, #tpu.memory_space<hbm>> -> memref<20x500xi32, #tpu.memory_space<hbm>>
      tpu.enqueue_dma source(%dma_start3A_43 : memref<20x500xi32, #tpu.memory_space<hbm>>) target(%arg6 : memref<20x500xi32, #tpu.memory_space<vmem>>) target_semaphore(%run_scoped3A_35 : memref<!tpu.dma_semaphore, #tpu.memory_space<semaphore_mem>>)
      %dma_wait3A = arith.constant 0 : i32
      %dma_wait3A_44 = arith.constant 0 : i32
      %dma_wait3A_45 = tpu.memref_slice %arg3[%run_scoped3A_1, %add3A, %dma_wait3A, %dma_wait3A_44] : memref<2x32x20x500xi32, #tpu.memory_space<hbm>> -> memref<1x1x20x500xi32, #tpu.memory_space<hbm>>
      %dma_wait3A_46 = tpu.memref_squeeze %dma_wait3A_45 : memref<1x1x20x500xi32, #tpu.memory_space<hbm>> -> memref<20x500xi32, #tpu.memory_space<hbm>>
      %dma_wait3A_47 = arith.constant 0 : i32
      %dma_wait3A_48 = arith.constant 0 : i32
      %dma_wait3A_49 = tpu.memref_slice %arg3[%run_scoped3A_1, %add3A, %dma_wait3A_47, %dma_wait3A_48] : memref<2x32x20x500xi32, #tpu.memory_space<hbm>> -> memref<1x1x20x500xi32, #tpu.memory_space<hbm>>
      %dma_wait3A_50 = tpu.memref_squeeze %dma_wait3A_49 : memref<1x1x20x500xi32, #tpu.memory_space<hbm>> -> memref<20x500xi32, #tpu.memory_space<hbm>>
      tpu.wait_dma2 semaphore(%run_scoped3A_35 : memref<!tpu.dma_semaphore, #tpu.memory_space<semaphore_mem>>) src(%dma_wait3A_50 : memref<20x500xi32, #tpu.memory_space<hbm>>) dst(%arg6 : memref<20x500xi32, #tpu.memory_space<vmem>>)
      tpu.yield
    }) : () -> ()
    %broadcast_in_dim3A = arith.constant 0.000000e+00 : f32
    %broadcast_in_dim3A_2 = vector.broadcast %broadcast_in_dim3A : f32 to vector<16xf32>
    %scan3A = arith.constant 0 : i32
    %scan3A_3 = arith.constant 320 : i32
    %scan3A_4 = arith.addi %scan3A, %scan3A_3 : i32
    %scan3A_5 = arith.constant 1 : i32
    scf.for %scan3A_35 = %scan3A to %scan3A_4 step %scan3A_5  : i32 {
      %swap3A = arith.index_cast %scan3A_35 : i32 to index
      %swap3A_36 = arith.constant 0 : index
      %swap3A_37 = tpu.vector_load %arg9[%swap3A, %swap3A_36] {strides = array<i32>} : memref<320x16xf32, #tpu.memory_space<vmem>>, vector<1x16xf32>,
      %swap3A_38 = vector.shape_cast %swap3A_37 : vector<1x16xf32> to vector<16xf32>
      %swap3A_39 = vector.shape_cast %broadcast_in_dim3A_2 : vector<16xf32> to vector<1x16xf32>
      tpu.vector_store %arg9[%swap3A, %swap3A_36], %swap3A_39 {strides = array<i32>} : memref<320x16xf32, #tpu.memory_space<vmem>>, vector<1x16xf32>,
    }
    %scan3A_6 = arith.constant 320 : i32
    %mul3A_7 = arith.constant 624 : i32
    %mul3A_8 = arith.muli %arg1, %mul3A_7 : i32
    %eq3A = arith.constant 15 : i32
    %eq3A_9 = arith.cmpi eq, %arg1, %eq3A : i32
    %not3A = arith.constant true
    %not3A_10 = arith.xori %eq3A_9, %not3A : i1
    %convert_element_type3A = arith.extui %not3A_10 : i1 to i32
    %cond3A = arith.constant 0 : i32
    %cond3A_11 = arith.cmpi ne, %convert_element_type3A, %cond3A : i32
    scf.if %cond3A_11 {
      %add3A_35 = arith.constant 0 : i32
      %add3A_36 = arith.addi %mul3A_8, %add3A_35 : i32
      "tpu.region"() ({
        %run_scoped3A_39 = tpu.sem_alloc : memref<!tpu.dma_semaphore, #tpu.memory_space<semaphore_mem>>
        %dma_start3A_40 = arith.constant 0 : i32
        %dma_start3A_41 = tpu.memref_slice %arg10[%add3A_36, %dma_start3A_40] : memref<10000x16xf32, #tpu.memory_space<vmem_shared>> -> memref<320x16xf32, #tpu.memory_space<vmem_shared>>
        %dma_start3A_42 = arith.constant 0 : i32
        %dma_start3A_43 = tpu.memref_slice %arg10[%add3A_36, %dma_start3A_42] : memref<10000x16xf32, #tpu.memory_space<vmem_shared>> -> memref<320x16xf32, #tpu.memory_space<vmem_shared>>
        tpu.enqueue_dma source(%arg9 : memref<320x16xf32, #tpu.memory_space<vmem>>) target(%dma_start3A_43 : memref<320x16xf32, #tpu.memory_space<vmem_shared>>) target_semaphore(%run_scoped3A_39 : memref<!tpu.dma_semaphore, #tpu.memory_space<semaphore_mem>>)
        %dma_wait3A = arith.constant 0 : i32
        %dma_wait3A_44 = tpu.memref_slice %arg10[%add3A_36, %dma_wait3A] : memref<10000x16xf32, #tpu.memory_space<vmem_shared>> -> memref<320x16xf32, #tpu.memory_space<vmem_shared>>
        %dma_wait3A_45 = arith.constant 0 : i32
        %dma_wait3A_46 = tpu.memref_slice %arg10[%add3A_36, %dma_wait3A_45] : memref<10000x16xf32, #tpu.memory_space<vmem_shared>> -> memref<320x16xf32, #tpu.memory_space<vmem_shared>>
        tpu.wait_dma2 semaphore(%run_scoped3A_39 : memref<!tpu.dma_semaphore, #tpu.memory_space<semaphore_mem>>) src(%arg9 : memref<320x16xf32, #tpu.memory_space<vmem>>) dst(%dma_wait3A_46 : memref<320x16xf32, #tpu.memory_space<vmem_shared>>)
        tpu.yield
      }) : () -> ()
      %add3A_37 = arith.constant 320 : i32
      %add3A_38 = arith.addi %mul3A_8, %add3A_37 : i32
      "tpu.region"() ({
        %run_scoped3A_39 = tpu.sem_alloc : memref<!tpu.dma_semaphore, #tpu.memory_space<semaphore_mem>>
        %dma_start3A_40 = arith.constant 0 : i32
        %dma_start3A_41 = arith.constant 0 : i32
        %dma_start3A_42 = tpu.memref_slice %arg9[%dma_start3A_40, %dma_start3A_41] : memref<320x16xf32, #tpu.memory_space<vmem>> -> memref<304x16xf32, #tpu.memory_space<vmem>>
        %dma_start3A_43 = arith.constant 0 : i32
        %dma_start3A_44 = tpu.memref_slice %arg10[%add3A_38, %dma_start3A_43] : memref<10000x16xf32, #tpu.memory_space<vmem_shared>> -> memref<304x16xf32, #tpu.memory_space<vmem_shared>>
        %dma_start3A_45 = arith.constant 0 : i32
        %dma_start3A_46 = tpu.memref_slice %arg10[%add3A_38, %dma_start3A_45] : memref<10000x16xf32, #tpu.memory_space<vmem_shared>> -> memref<304x16xf32, #tpu.memory_space<vmem_shared>>
        %dma_start3A_47 = arith.constant 0 : i32
        %dma_start3A_48 = arith.constant 0 : i32
        %dma_start3A_49 = tpu.memref_slice %arg9[%dma_start3A_47, %dma_start3A_48] : memref<320x16xf32, #tpu.memory_space<vmem>> -> memref<304x16xf32, #tpu.memory_space<vmem>>
        tpu.enqueue_dma source(%dma_start3A_49 : memref<304x16xf32, #tpu.memory_space<vmem>>) target(%dma_start3A_46 : memref<304x16xf32, #tpu.memory_space<vmem_shared>>) target_semaphore(%run_scoped3A_39 : memref<!tpu.dma_semaphore, #tpu.memory_space<semaphore_mem>>)
        %dma_wait3A = arith.constant 0 : i32
        %dma_wait3A_50 = arith.constant 0 : i32
        %dma_wait3A_51 = tpu.memref_slice %arg9[%dma_wait3A, %dma_wait3A_50] : memref<320x16xf32, #tpu.memory_space<vmem>> -> memref<304x16xf32, #tpu.memory_space<vmem>>
        %dma_wait3A_52 = arith.constant 0 : i32
        %dma_wait3A_53 = tpu.memref_slice %arg10[%add3A_38, %dma_wait3A_52] : memref<10000x16xf32, #tpu.memory_space<vmem_shared>> -> memref<304x16xf32, #tpu.memory_space<vmem_shared>>
        %dma_wait3A_54 = arith.constant 0 : i32
        %dma_wait3A_55 = tpu.memref_slice %arg10[%add3A_38, %dma_wait3A_54] : memref<10000x16xf32, #tpu.memory_space<vmem_shared>> -> memref<304x16xf32, #tpu.memory_space<vmem_shared>>
        %dma_wait3A_56 = arith.constant 0 : i32
        %dma_wait3A_57 = arith.constant 0 : i32
        %dma_wait3A_58 = tpu.memref_slice %arg9[%dma_wait3A_56, %dma_wait3A_57] : memref<320x16xf32, #tpu.memory_space<vmem>> -> memref<304x16xf32, #tpu.memory_space<vmem>>
        tpu.wait_dma2 semaphore(%run_scoped3A_39 : memref<!tpu.dma_semaphore, #tpu.memory_space<semaphore_mem>>) src(%dma_wait3A_58 : memref<304x16xf32, #tpu.memory_space<vmem>>) dst(%dma_wait3A_55 : memref<304x16xf32, #tpu.memory_space<vmem_shared>>)
        tpu.yield
      }) : () -> ()
    } else {
    }
    %convert_element_type3A_12 = arith.extui %eq3A_9 : i1 to i32
    %cond3A_13 = arith.constant 0 : i32
    %cond3A_14 = arith.cmpi ne, %convert_element_type3A_12, %cond3A_13 : i32
    scf.if %cond3A_14 {
      "tpu.region"() ({
        %run_scoped3A_35 = tpu.sem_alloc : memref<!tpu.dma_semaphore, #tpu.memory_space<semaphore_mem>>
        %dma_start3A_36 = arith.constant 9360 : i32
        %dma_start3A_37 = arith.constant 0 : i32
        %dma_start3A_38 = tpu.memref_slice %arg10[%dma_start3A_36, %dma_start3A_37] : memref<10000x16xf32, #tpu.memory_space<vmem_shared>> -> memref<320x16xf32, #tpu.memory_space<vmem_shared>>
        %dma_start3A_39 = arith.constant 9360 : i32
        %dma_start3A_40 = arith.constant 0 : i32
        %dma_start3A_41 = tpu.memref_slice %arg10[%dma_start3A_39, %dma_start3A_40] : memref<10000x16xf32, #tpu.memory_space<vmem_shared>> -> memref<320x16xf32, #tpu.memory_space<vmem_shared>>
        tpu.enqueue_dma source(%arg9 : memref<320x16xf32, #tpu.memory_space<vmem>>) target(%dma_start3A_41 : memref<320x16xf32, #tpu.memory_space<vmem_shared>>) target_semaphore(%run_scoped3A_35 : memref<!tpu.dma_semaphore, #tpu.memory_space<semaphore_mem>>)
        %dma_wait3A = arith.constant 9360 : i32
        %dma_wait3A_42 = arith.constant 0 : i32
        %dma_wait3A_43 = tpu.memref_slice %arg10[%dma_wait3A, %dma_wait3A_42] : memref<10000x16xf32, #tpu.memory_space<vmem_shared>> -> memref<320x16xf32, #tpu.memory_space<vmem_shared>>
        %dma_wait3A_44 = arith.constant 9360 : i32
        %dma_wait3A_45 = arith.constant 0 : i32
        %dma_wait3A_46 = tpu.memref_slice %arg10[%dma_wait3A_44, %dma_wait3A_45] : memref<10000x16xf32, #tpu.memory_space<vmem_shared>> -> memref<320x16xf32, #tpu.memory_space<vmem_shared>>
        tpu.wait_dma2 semaphore(%run_scoped3A_35 : memref<!tpu.dma_semaphore, #tpu.memory_space<semaphore_mem>>) src(%arg9 : memref<320x16xf32, #tpu.memory_space<vmem>>) dst(%dma_wait3A_46 : memref<320x16xf32, #tpu.memory_space<vmem_shared>>)
        tpu.yield
      }) : () -> ()
      "tpu.region"() ({
        %run_scoped3A_35 = tpu.sem_alloc : memref<!tpu.dma_semaphore, #tpu.memory_space<semaphore_mem>>
        %dma_start3A_36 = arith.constant 9680 : i32
        %dma_start3A_37 = arith.constant 0 : i32
        %dma_start3A_38 = tpu.memref_slice %arg10[%dma_start3A_36, %dma_start3A_37] : memref<10000x16xf32, #tpu.memory_space<vmem_shared>> -> memref<320x16xf32, #tpu.memory_space<vmem_shared>>
        %dma_start3A_39 = arith.constant 9680 : i32
        %dma_start3A_40 = arith.constant 0 : i32
        %dma_start3A_41 = tpu.memref_slice %arg10[%dma_start3A_39, %dma_start3A_40] : memref<10000x16xf32, #tpu.memory_space<vmem_shared>> -> memref<320x16xf32, #tpu.memory_space<vmem_shared>>
        tpu.enqueue_dma source(%arg9 : memref<320x16xf32, #tpu.memory_space<vmem>>) target(%dma_start3A_41 : memref<320x16xf32, #tpu.memory_space<vmem_shared>>) target_semaphore(%run_scoped3A_35 : memref<!tpu.dma_semaphore, #tpu.memory_space<semaphore_mem>>)
        %dma_wait3A = arith.constant 9680 : i32
        %dma_wait3A_42 = arith.constant 0 : i32
        %dma_wait3A_43 = tpu.memref_slice %arg10[%dma_wait3A, %dma_wait3A_42] : memref<10000x16xf32, #tpu.memory_space<vmem_shared>> -> memref<320x16xf32, #tpu.memory_space<vmem_shared>>
        %dma_wait3A_44 = arith.constant 9680 : i32
        %dma_wait3A_45 = arith.constant 0 : i32
        %dma_wait3A_46 = tpu.memref_slice %arg10[%dma_wait3A_44, %dma_wait3A_45] : memref<10000x16xf32, #tpu.memory_space<vmem_shared>> -> memref<320x16xf32, #tpu.memory_space<vmem_shared>>
        tpu.wait_dma2 semaphore(%run_scoped3A_35 : memref<!tpu.dma_semaphore, #tpu.memory_space<semaphore_mem>>) src(%arg9 : memref<320x16xf32, #tpu.memory_space<vmem>>) dst(%dma_wait3A_46 : memref<320x16xf32, #tpu.memory_space<vmem_shared>>)
        tpu.yield
      }) : () -> ()
    } else {
    }
    %barrier3A = arith.constant 0 : index
    tpu.barrier barrier_id(%barrier3A)
    %dma_start3A = arith.constant 0 : i32
    %dma_start3A_15 = arith.constant 0 : i32
    %dma_start3A_16 = tpu.memref_slice %arg5[%dma_start3A, %dma_start3A_15] : memref<20x500xi32, #tpu.memory_space<vmem>> -> memref<1x500xi32, #tpu.memory_space<vmem>>
    %dma_start3A_17 = tpu.memref_squeeze %dma_start3A_16 : memref<1x500xi32, #tpu.memory_space<vmem>> -> memref<500xi32, #tpu.memory_space<vmem>>
    %dma_start3A_18 = arith.constant 0 : i32
    %dma_start3A_19 = arith.constant 0 : i32
    %dma_start3A_20 = tpu.memref_slice %arg2[%dma_start3A_18, %dma_start3A_19] : memref<10000x16xf32, #tpu.memory_space<hbm>> -> memref<10000x16xf32, #tpu.memory_space<hbm>>
    tpu.enqueue_indirect_dma source(%dma_start3A_20 : memref<10000x16xf32, #tpu.memory_space<hbm>>) target(%arg7 : memref<500x16xf32, #tpu.memory_space<vmem>>) offsets(%dma_start3A_17 : memref<500xi32, #tpu.memory_space<vmem>>) semaphore(%arg11 : memref<!tpu.dma_semaphore, #tpu.memory_space<semaphore_mem>>)
    %scan3A_21 = arith.constant 0 : i32
    %scan3A_22 = arith.constant 10 : i32
    %scan3A_23 = arith.addi %scan3A_21, %scan3A_22 : i32
    %scan3A_24 = arith.constant 1 : i32
    scf.for %scan3A_35 = %scan3A_21 to %scan3A_23 step %scan3A_24  : i32 {
      %mul3A_36 = arith.constant 2 : i32
      %mul3A_37 = arith.muli %scan3A_35, %mul3A_36 : i32
      %add3A_38 = arith.constant 1 : i32
      %add3A_39 = arith.addi %mul3A_37, %add3A_38 : i32
      %dma_start3A_40 = arith.constant 0 : i32
      %dma_start3A_41 = tpu.memref_slice %arg5[%add3A_39, %dma_start3A_40] : memref<20x500xi32, #tpu.memory_space<vmem>> -> memref<1x500xi32, #tpu.memory_space<vmem>>
      %dma_start3A_42 = tpu.memref_squeeze %dma_start3A_41 : memref<1x500xi32, #tpu.memory_space<vmem>> -> memref<500xi32, #tpu.memory_space<vmem>>
      %dma_start3A_43 = arith.constant 0 : i32
      %dma_start3A_44 = arith.constant 0 : i32
      %dma_start3A_45 = tpu.memref_slice %arg2[%dma_start3A_43, %dma_start3A_44] : memref<10000x16xf32, #tpu.memory_space<hbm>> -> memref<10000x16xf32, #tpu.memory_space<hbm>>
      tpu.enqueue_indirect_dma source(%dma_start3A_45 : memref<10000x16xf32, #tpu.memory_space<hbm>>) target(%arg8 : memref<500x16xf32, #tpu.memory_space<vmem>>) offsets(%dma_start3A_42 : memref<500xi32, #tpu.memory_space<vmem>>) semaphore(%arg12 : memref<!tpu.dma_semaphore, #tpu.memory_space<semaphore_mem>>)
      %dma_wait3A = arith.constant 0 : i32
      %dma_wait3A_46 = tpu.memref_slice %arg5[%mul3A_37, %dma_wait3A] : memref<20x500xi32, #tpu.memory_space<vmem>> -> memref<1x500xi32, #tpu.memory_space<vmem>>
      %dma_wait3A_47 = tpu.memref_squeeze %dma_wait3A_46 : memref<1x500xi32, #tpu.memory_space<vmem>> -> memref<500xi32, #tpu.memory_space<vmem>>
      %dma_wait3A_48 = arith.constant 0 : i32
      %dma_wait3A_49 = arith.constant 0 : i32
      %dma_wait3A_50 = tpu.memref_slice %arg2[%dma_wait3A_48, %dma_wait3A_49] : memref<10000x16xf32, #tpu.memory_space<hbm>> -> memref<10000x16xf32, #tpu.memory_space<hbm>>
      tpu.wait_indirect_dma semaphore(%arg11 : memref<!tpu.dma_semaphore, #tpu.memory_space<semaphore_mem>>) src(%dma_wait3A_50 : memref<10000x16xf32, #tpu.memory_space<hbm>>) dst(%arg7 : memref<500x16xf32, #tpu.memory_space<vmem>>)
      "tpu.region"() ({
        %run_scoped3A_67 = tpu.sem_alloc : memref<!tpu.dma_semaphore, #tpu.memory_space<semaphore_mem>>
        %dma_start3A_68 = arith.constant 0 : i32
        %dma_start3A_69 = tpu.memref_slice %arg6[%mul3A_37, %dma_start3A_68] : memref<20x500xi32, #tpu.memory_space<vmem>> -> memref<1x500xi32, #tpu.memory_space<vmem>>
        %dma_start3A_70 = tpu.memref_squeeze %dma_start3A_69 : memref<1x500xi32, #tpu.memory_space<vmem>> -> memref<500xi32, #tpu.memory_space<vmem>>
        %dma_start3A_71 = arith.constant 0 : i32
        %dma_start3A_72 = arith.constant 0 : i32
        %dma_start3A_73 = tpu.memref_slice %arg10[%dma_start3A_71, %dma_start3A_72] : memref<10000x16xf32, #tpu.memory_space<vmem_shared>> -> memref<10000x16xf32, #tpu.memory_space<vmem_shared>>
        tpu.enqueue_indirect_dma source(%arg7 : memref<500x16xf32, #tpu.memory_space<vmem>>) target(%dma_start3A_73 : memref<10000x16xf32, #tpu.memory_space<vmem_shared>>) offsets(%dma_start3A_70 : memref<500xi32, #tpu.memory_space<vmem>>) semaphore(%run_scoped3A_67 : memref<!tpu.dma_semaphore, #tpu.memory_space<semaphore_mem>>) {add = true}
        %dma_wait3A_74 = arith.constant 0 : i32
        %dma_wait3A_75 = tpu.memref_slice %arg6[%mul3A_37, %dma_wait3A_74] : memref<20x500xi32, #tpu.memory_space<vmem>> -> memref<1x500xi32, #tpu.memory_space<vmem>>
        %dma_wait3A_76 = tpu.memref_squeeze %dma_wait3A_75 : memref<1x500xi32, #tpu.memory_space<vmem>> -> memref<500xi32, #tpu.memory_space<vmem>>
        %dma_wait3A_77 = arith.constant 0 : i32
        %dma_wait3A_78 = arith.constant 0 : i32
        %dma_wait3A_79 = tpu.memref_slice %arg10[%dma_wait3A_77, %dma_wait3A_78] : memref<10000x16xf32, #tpu.memory_space<vmem_shared>> -> memref<10000x16xf32, #tpu.memory_space<vmem_shared>>
        tpu.wait_indirect_dma semaphore(%run_scoped3A_67 : memref<!tpu.dma_semaphore, #tpu.memory_space<semaphore_mem>>) src(%arg7 : memref<500x16xf32, #tpu.memory_space<vmem>>) dst(%dma_wait3A_79 : memref<10000x16xf32, #tpu.memory_space<vmem_shared>>)
        tpu.yield
      }) : () -> ()
      %add3A_51 = arith.constant 2 : i32
      %add3A_52 = arith.addi %mul3A_37, %add3A_51 : i32
      %lt3A = arith.constant 20 : i32
      %lt3A_53 = arith.cmpi slt, %add3A_52, %lt3A : i32
      %convert_element_type3A_54 = arith.extui %lt3A_53 : i1 to i32
      %cond3A_55 = arith.constant 0 : i32
      %cond3A_56 = arith.cmpi ne, %convert_element_type3A_54, %cond3A_55 : i32
      scf.if %cond3A_56 {
        %add3A_67 = arith.constant 2 : i32
        %add3A_68 = arith.addi %mul3A_37, %add3A_67 : i32
        %dma_start3A_69 = arith.constant 0 : i32
        %dma_start3A_70 = tpu.memref_slice %arg5[%add3A_68, %dma_start3A_69] : memref<20x500xi32, #tpu.memory_space<vmem>> -> memref<1x500xi32, #tpu.memory_space<vmem>>
        %dma_start3A_71 = tpu.memref_squeeze %dma_start3A_70 : memref<1x500xi32, #tpu.memory_space<vmem>> -> memref<500xi32, #tpu.memory_space<vmem>>
        %dma_start3A_72 = arith.constant 0 : i32
        %dma_start3A_73 = arith.constant 0 : i32
        %dma_start3A_74 = tpu.memref_slice %arg2[%dma_start3A_72, %dma_start3A_73] : memref<10000x16xf32, #tpu.memory_space<hbm>> -> memref<10000x16xf32, #tpu.memory_space<hbm>>
        tpu.enqueue_indirect_dma source(%dma_start3A_74 : memref<10000x16xf32, #tpu.memory_space<hbm>>) target(%arg7 : memref<500x16xf32, #tpu.memory_space<vmem>>) offsets(%dma_start3A_71 : memref<500xi32, #tpu.memory_space<vmem>>) semaphore(%arg11 : memref<!tpu.dma_semaphore, #tpu.memory_space<semaphore_mem>>)
      } else {
      }
      %add3A_57 = arith.constant 1 : i32
      %add3A_58 = arith.addi %mul3A_37, %add3A_57 : i32
      %dma_wait3A_59 = arith.constant 0 : i32
      %dma_wait3A_60 = tpu.memref_slice %arg5[%add3A_58, %dma_wait3A_59] : memref<20x500xi32, #tpu.memory_space<vmem>> -> memref<1x500xi32, #tpu.memory_space<vmem>>
      %dma_wait3A_61 = tpu.memref_squeeze %dma_wait3A_60 : memref<1x500xi32, #tpu.memory_space<vmem>> -> memref<500xi32, #tpu.memory_space<vmem>>
      %dma_wait3A_62 = arith.constant 0 : i32
      %dma_wait3A_63 = arith.constant 0 : i32
      %dma_wait3A_64 = tpu.memref_slice %arg2[%dma_wait3A_62, %dma_wait3A_63] : memref<10000x16xf32, #tpu.memory_space<hbm>> -> memref<10000x16xf32, #tpu.memory_space<hbm>>
      tpu.wait_indirect_dma semaphore(%arg12 : memref<!tpu.dma_semaphore, #tpu.memory_space<semaphore_mem>>) src(%dma_wait3A_64 : memref<10000x16xf32, #tpu.memory_space<hbm>>) dst(%arg8 : memref<500x16xf32, #tpu.memory_space<vmem>>)
      %add3A_65 = arith.constant 1 : i32
      %add3A_66 = arith.addi %mul3A_37, %add3A_65 : i32
      "tpu.region"() ({
        %run_scoped3A_67 = tpu.sem_alloc : memref<!tpu.dma_semaphore, #tpu.memory_space<semaphore_mem>>
        %dma_start3A_68 = arith.constant 0 : i32
        %dma_start3A_69 = tpu.memref_slice %arg6[%add3A_66, %dma_start3A_68] : memref<20x500xi32, #tpu.memory_space<vmem>> -> memref<1x500xi32, #tpu.memory_space<vmem>>
        %dma_start3A_70 = tpu.memref_squeeze %dma_start3A_69 : memref<1x500xi32, #tpu.memory_space<vmem>> -> memref<500xi32, #tpu.memory_space<vmem>>
        %dma_start3A_71 = arith.constant 0 : i32
        %dma_start3A_72 = arith.constant 0 : i32
        %dma_start3A_73 = tpu.memref_slice %arg10[%dma_start3A_71, %dma_start3A_72] : memref<10000x16xf32, #tpu.memory_space<vmem_shared>> -> memref<10000x16xf32, #tpu.memory_space<vmem_shared>>
        tpu.enqueue_indirect_dma source(%arg8 : memref<500x16xf32, #tpu.memory_space<vmem>>) target(%dma_start3A_73 : memref<10000x16xf32, #tpu.memory_space<vmem_shared>>) offsets(%dma_start3A_70 : memref<500xi32, #tpu.memory_space<vmem>>) semaphore(%run_scoped3A_67 : memref<!tpu.dma_semaphore, #tpu.memory_space<semaphore_mem>>) {add = true}
        %dma_wait3A_74 = arith.constant 0 : i32
        %dma_wait3A_75 = tpu.memref_slice %arg6[%add3A_66, %dma_wait3A_74] : memref<20x500xi32, #tpu.memory_space<vmem>> -> memref<1x500xi32, #tpu.memory_space<vmem>>
        %dma_wait3A_76 = tpu.memref_squeeze %dma_wait3A_75 : memref<1x500xi32, #tpu.memory_space<vmem>> -> memref<500xi32, #tpu.memory_space<vmem>>
        %dma_wait3A_77 = arith.constant 0 : i32
        %dma_wait3A_78 = arith.constant 0 : i32
        %dma_wait3A_79 = tpu.memref_slice %arg10[%dma_wait3A_77, %dma_wait3A_78] : memref<10000x16xf32, #tpu.memory_space<vmem_shared>> -> memref<10000x16xf32, #tpu.memory_space<vmem_shared>>
        tpu.wait_indirect_dma semaphore(%run_scoped3A_67 : memref<!tpu.dma_semaphore, #tpu.memory_space<semaphore_mem>>) src(%arg8 : memref<500x16xf32, #tpu.memory_space<vmem>>) dst(%dma_wait3A_79 : memref<10000x16xf32, #tpu.memory_space<vmem_shared>>)
        tpu.yield
      }) : () -> ()
    }
    %scan3A_25 = arith.constant 10 : i32
    %barrier3A_26 = arith.constant 0 : index
    tpu.barrier barrier_id(%barrier3A_26)
    %not3A_27 = arith.constant true
    %not3A_28 = arith.xori %eq3A_9, %not3A_27 : i1
    %convert_element_type3A_29 = arith.extui %not3A_28 : i1 to i32
    %cond3A_30 = arith.constant 0 : i32
    %cond3A_31 = arith.cmpi ne, %convert_element_type3A_29, %cond3A_30 : i32
    scf.if %cond3A_31 {
      %add3A_35 = arith.constant 0 : i32
      %add3A_36 = arith.addi %mul3A_8, %add3A_35 : i32
      "tpu.region"() ({
        %run_scoped3A_49 = tpu.sem_alloc : memref<!tpu.dma_semaphore, #tpu.memory_space<semaphore_mem>>
        %dma_start3A_50 = arith.constant 0 : i32
        %dma_start3A_51 = tpu.memref_slice %arg10[%add3A_36, %dma_start3A_50] : memref<10000x16xf32, #tpu.memory_space<vmem_shared>> -> memref<320x16xf32, #tpu.memory_space<vmem_shared>>
        %dma_start3A_52 = arith.constant 0 : i32
        %dma_start3A_53 = tpu.memref_slice %arg10[%add3A_36, %dma_start3A_52] : memref<10000x16xf32, #tpu.memory_space<vmem_shared>> -> memref<320x16xf32, #tpu.memory_space<vmem_shared>>
        tpu.enqueue_dma source(%dma_start3A_53 : memref<320x16xf32, #tpu.memory_space<vmem_shared>>) target(%arg9 : memref<320x16xf32, #tpu.memory_space<vmem>>) target_semaphore(%run_scoped3A_49 : memref<!tpu.dma_semaphore, #tpu.memory_space<semaphore_mem>>)
        %dma_wait3A = arith.constant 0 : i32
        %dma_wait3A_54 = tpu.memref_slice %arg10[%add3A_36, %dma_wait3A] : memref<10000x16xf32, #tpu.memory_space<vmem_shared>> -> memref<320x16xf32, #tpu.memory_space<vmem_shared>>
        %dma_wait3A_55 = arith.constant 0 : i32
        %dma_wait3A_56 = tpu.memref_slice %arg10[%add3A_36, %dma_wait3A_55] : memref<10000x16xf32, #tpu.memory_space<vmem_shared>> -> memref<320x16xf32, #tpu.memory_space<vmem_shared>>
        tpu.wait_dma2 semaphore(%run_scoped3A_49 : memref<!tpu.dma_semaphore, #tpu.memory_space<semaphore_mem>>) src(%dma_wait3A_56 : memref<320x16xf32, #tpu.memory_space<vmem_shared>>) dst(%arg9 : memref<320x16xf32, #tpu.memory_space<vmem>>)
        tpu.yield
      }) : () -> ()
      %mul3A_37 = arith.constant 10000 : i32
      %mul3A_38 = arith.muli %arg0, %mul3A_37 : i32
      %add3A_39 = arith.addi %mul3A_38, %mul3A_8 : i32
      %add3A_40 = arith.constant 0 : i32
      %add3A_41 = arith.addi %add3A_39, %add3A_40 : i32
      "tpu.region"() ({
        %run_scoped3A_49 = tpu.sem_alloc : memref<!tpu.dma_semaphore, #tpu.memory_space<semaphore_mem>>
        %dma_start3A_50 = arith.constant 0 : i32
        %dma_start3A_51 = tpu.memref_slice %arg4[%add3A_41, %dma_start3A_50] : memref<20000x16xf32, #tpu.memory_space<hbm>> -> memref<320x16xf32, #tpu.memory_space<hbm>>
        %dma_start3A_52 = arith.constant 0 : i32
        %dma_start3A_53 = tpu.memref_slice %arg4[%add3A_41, %dma_start3A_52] : memref<20000x16xf32, #tpu.memory_space<hbm>> -> memref<320x16xf32, #tpu.memory_space<hbm>>
        tpu.enqueue_dma source(%arg9 : memref<320x16xf32, #tpu.memory_space<vmem>>) target(%dma_start3A_53 : memref<320x16xf32, #tpu.memory_space<hbm>>) target_semaphore(%run_scoped3A_49 : memref<!tpu.dma_semaphore, #tpu.memory_space<semaphore_mem>>)
        %dma_wait3A = arith.constant 0 : i32
        %dma_wait3A_54 = tpu.memref_slice %arg4[%add3A_41, %dma_wait3A] : memref<20000x16xf32, #tpu.memory_space<hbm>> -> memref<320x16xf32, #tpu.memory_space<hbm>>
        %dma_wait3A_55 = arith.constant 0 : i32
        %dma_wait3A_56 = tpu.memref_slice %arg4[%add3A_41, %dma_wait3A_55] : memref<20000x16xf32, #tpu.memory_space<hbm>> -> memref<320x16xf32, #tpu.memory_space<hbm>>
        tpu.wait_dma2 semaphore(%run_scoped3A_49 : memref<!tpu.dma_semaphore, #tpu.memory_space<semaphore_mem>>) src(%arg9 : memref<320x16xf32, #tpu.memory_space<vmem>>) dst(%dma_wait3A_56 : memref<320x16xf32, #tpu.memory_space<hbm>>)
        tpu.yield
      }) : () -> ()
      %add3A_42 = arith.constant 320 : i32
      %add3A_43 = arith.addi %mul3A_8, %add3A_42 : i32
      "tpu.region"() ({
        %run_scoped3A_49 = tpu.sem_alloc : memref<!tpu.dma_semaphore, #tpu.memory_space<semaphore_mem>>
        %dma_start3A_50 = arith.constant 0 : i32
        %dma_start3A_51 = arith.constant 0 : i32
        %dma_start3A_52 = tpu.memref_slice %arg9[%dma_start3A_50, %dma_start3A_51] : memref<320x16xf32, #tpu.memory_space<vmem>> -> memref<304x16xf32, #tpu.memory_space<vmem>>
        %dma_start3A_53 = arith.constant 0 : i32
        %dma_start3A_54 = tpu.memref_slice %arg10[%add3A_43, %dma_start3A_53] : memref<10000x16xf32, #tpu.memory_space<vmem_shared>> -> memref<304x16xf32, #tpu.memory_space<vmem_shared>>
        %dma_start3A_55 = arith.constant 0 : i32
        %dma_start3A_56 = arith.constant 0 : i32
        %dma_start3A_57 = tpu.memref_slice %arg9[%dma_start3A_55, %dma_start3A_56] : memref<320x16xf32, #tpu.memory_space<vmem>> -> memref<304x16xf32, #tpu.memory_space<vmem>>
        %dma_start3A_58 = arith.constant 0 : i32
        %dma_start3A_59 = tpu.memref_slice %arg10[%add3A_43, %dma_start3A_58] : memref<10000x16xf32, #tpu.memory_space<vmem_shared>> -> memref<304x16xf32, #tpu.memory_space<vmem_shared>>
        tpu.enqueue_dma source(%dma_start3A_59 : memref<304x16xf32, #tpu.memory_space<vmem_shared>>) target(%dma_start3A_57 : memref<304x16xf32, #tpu.memory_space<vmem>>) target_semaphore(%run_scoped3A_49 : memref<!tpu.dma_semaphore, #tpu.memory_space<semaphore_mem>>)
        %dma_wait3A = arith.constant 0 : i32
        %dma_wait3A_60 = arith.constant 0 : i32
        %dma_wait3A_61 = tpu.memref_slice %arg9[%dma_wait3A, %dma_wait3A_60] : memref<320x16xf32, #tpu.memory_space<vmem>> -> memref<304x16xf32, #tpu.memory_space<vmem>>
        %dma_wait3A_62 = arith.constant 0 : i32
        %dma_wait3A_63 = tpu.memref_slice %arg10[%add3A_43, %dma_wait3A_62] : memref<10000x16xf32, #tpu.memory_space<vmem_shared>> -> memref<304x16xf32, #tpu.memory_space<vmem_shared>>
        %dma_wait3A_64 = arith.constant 0 : i32
        %dma_wait3A_65 = arith.constant 0 : i32
        %dma_wait3A_66 = tpu.memref_slice %arg9[%dma_wait3A_64, %dma_wait3A_65] : memref<320x16xf32, #tpu.memory_space<vmem>> -> memref<304x16xf32, #tpu.memory_space<vmem>>
        %dma_wait3A_67 = arith.constant 0 : i32
        %dma_wait3A_68 = tpu.memref_slice %arg10[%add3A_43, %dma_wait3A_67] : memref<10000x16xf32, #tpu.memory_space<vmem_shared>> -> memref<304x16xf32, #tpu.memory_space<vmem_shared>>
        tpu.wait_dma2 semaphore(%run_scoped3A_49 : memref<!tpu.dma_semaphore, #tpu.memory_space<semaphore_mem>>) src(%dma_wait3A_68 : memref<304x16xf32, #tpu.memory_space<vmem_shared>>) dst(%dma_wait3A_66 : memref<304x16xf32, #tpu.memory_space<vmem>>)
        tpu.yield
      }) : () -> ()
      %mul3A_44 = arith.constant 10000 : i32
      %mul3A_45 = arith.muli %arg0, %mul3A_44 : i32
      %add3A_46 = arith.addi %mul3A_45, %mul3A_8 : i32
      %add3A_47 = arith.constant 320 : i32
      %add3A_48 = arith.addi %add3A_46, %add3A_47 : i32
      "tpu.region"() ({
        %run_scoped3A_49 = tpu.sem_alloc : memref<!tpu.dma_semaphore, #tpu.memory_space<semaphore_mem>>
        %dma_start3A_50 = arith.constant 0 : i32
        %dma_start3A_51 = arith.constant 0 : i32
        %dma_start3A_52 = tpu.memref_slice %arg9[%dma_start3A_50, %dma_start3A_51] : memref<320x16xf32, #tpu.memory_space<vmem>> -> memref<304x16xf32, #tpu.memory_space<vmem>>
        %dma_start3A_53 = arith.constant 0 : i32
        %dma_start3A_54 = tpu.memref_slice %arg4[%add3A_48, %dma_start3A_53] : memref<20000x16xf32, #tpu.memory_space<hbm>> -> memref<304x16xf32, #tpu.memory_space<hbm>>
        %dma_start3A_55 = arith.constant 0 : i32
        %dma_start3A_56 = tpu.memref_slice %arg4[%add3A_48, %dma_start3A_55] : memref<20000x16xf32, #tpu.memory_space<hbm>> -> memref<304x16xf32, #tpu.memory_space<hbm>>
        %dma_start3A_57 = arith.constant 0 : i32
        %dma_start3A_58 = arith.constant 0 : i32
        %dma_start3A_59 = tpu.memref_slice %arg9[%dma_start3A_57, %dma_start3A_58] : memref<320x16xf32, #tpu.memory_space<vmem>> -> memref<304x16xf32, #tpu.memory_space<vmem>>
        tpu.enqueue_dma source(%dma_start3A_59 : memref<304x16xf32, #tpu.memory_space<vmem>>) target(%dma_start3A_56 : memref<304x16xf32, #tpu.memory_space<hbm>>) target_semaphore(%run_scoped3A_49 : memref<!tpu.dma_semaphore, #tpu.memory_space<semaphore_mem>>)
        %dma_wait3A = arith.constant 0 : i32
        %dma_wait3A_60 = arith.constant 0 : i32
        %dma_wait3A_61 = tpu.memref_slice %arg9[%dma_wait3A, %dma_wait3A_60] : memref<320x16xf32, #tpu.memory_space<vmem>> -> memref<304x16xf32, #tpu.memory_space<vmem>>
        %dma_wait3A_62 = arith.constant 0 : i32
        %dma_wait3A_63 = tpu.memref_slice %arg4[%add3A_48, %dma_wait3A_62] : memref<20000x16xf32, #tpu.memory_space<hbm>> -> memref<304x16xf32, #tpu.memory_space<hbm>>
        %dma_wait3A_64 = arith.constant 0 : i32
        %dma_wait3A_65 = tpu.memref_slice %arg4[%add3A_48, %dma_wait3A_64] : memref<20000x16xf32, #tpu.memory_space<hbm>> -> memref<304x16xf32, #tpu.memory_space<hbm>>
        %dma_wait3A_66 = arith.constant 0 : i32
        %dma_wait3A_67 = arith.constant 0 : i32
        %dma_wait3A_68 = tpu.memref_slice %arg9[%dma_wait3A_66, %dma_wait3A_67] : memref<320x16xf32, #tpu.memory_space<vmem>> -> memref<304x16xf32, #tpu.memory_space<vmem>>
        tpu.wait_dma2 semaphore(%run_scoped3A_49 : memref<!tpu.dma_semaphore, #tpu.memory_space<semaphore_mem>>) src(%dma_wait3A_68 : memref<304x16xf32, #tpu.memory_space<vmem>>) dst(%dma_wait3A_65 : memref<304x16xf32, #tpu.memory_space<hbm>>)
        tpu.yield
      }) : () -> ()
    } else {
    }
    %convert_element_type3A_32 = arith.extui %eq3A_9 : i1 to i32
    %cond3A_33 = arith.constant 0 : i32
    %cond3A_34 = arith.cmpi ne, %convert_element_type3A_32, %cond3A_33 : i32
    scf.if %cond3A_34 {
      "tpu.region"() ({
        %run_scoped3A_47 = tpu.sem_alloc : memref<!tpu.dma_semaphore, #tpu.memory_space<semaphore_mem>>
        %dma_start3A_48 = arith.constant 9360 : i32
        %dma_start3A_49 = arith.constant 0 : i32
        %dma_start3A_50 = tpu.memref_slice %arg10[%dma_start3A_48, %dma_start3A_49] : memref<10000x16xf32, #tpu.memory_space<vmem_shared>> -> memref<320x16xf32, #tpu.memory_space<vmem_shared>>
        %dma_start3A_51 = arith.constant 9360 : i32
        %dma_start3A_52 = arith.constant 0 : i32
        %dma_start3A_53 = tpu.memref_slice %arg10[%dma_start3A_51, %dma_start3A_52] : memref<10000x16xf32, #tpu.memory_space<vmem_shared>> -> memref<320x16xf32, #tpu.memory_space<vmem_shared>>
        tpu.enqueue_dma source(%dma_start3A_53 : memref<320x16xf32, #tpu.memory_space<vmem_shared>>) target(%arg9 : memref<320x16xf32, #tpu.memory_space<vmem>>) target_semaphore(%run_scoped3A_47 : memref<!tpu.dma_semaphore, #tpu.memory_space<semaphore_mem>>)
        %dma_wait3A = arith.constant 9360 : i32
        %dma_wait3A_54 = arith.constant 0 : i32
        %dma_wait3A_55 = tpu.memref_slice %arg10[%dma_wait3A, %dma_wait3A_54] : memref<10000x16xf32, #tpu.memory_space<vmem_shared>> -> memref<320x16xf32, #tpu.memory_space<vmem_shared>>
        %dma_wait3A_56 = arith.constant 9360 : i32
        %dma_wait3A_57 = arith.constant 0 : i32
        %dma_wait3A_58 = tpu.memref_slice %arg10[%dma_wait3A_56, %dma_wait3A_57] : memref<10000x16xf32, #tpu.memory_space<vmem_shared>> -> memref<320x16xf32, #tpu.memory_space<vmem_shared>>
        tpu.wait_dma2 semaphore(%run_scoped3A_47 : memref<!tpu.dma_semaphore, #tpu.memory_space<semaphore_mem>>) src(%dma_wait3A_58 : memref<320x16xf32, #tpu.memory_space<vmem_shared>>) dst(%arg9 : memref<320x16xf32, #tpu.memory_space<vmem>>)
        tpu.yield
      }) : () -> ()
      %mul3A_35 = arith.constant 10000 : i32
      %mul3A_36 = arith.muli %arg0, %mul3A_35 : i32
      %add3A_37 = arith.constant 9360 : i32
      %add3A_38 = arith.addi %mul3A_36, %add3A_37 : i32
      %add3A_39 = arith.constant 0 : i32
      %add3A_40 = arith.addi %add3A_38, %add3A_39 : i32
      "tpu.region"() ({
        %run_scoped3A_47 = tpu.sem_alloc : memref<!tpu.dma_semaphore, #tpu.memory_space<semaphore_mem>>
        %dma_start3A_48 = arith.constant 0 : i32
        %dma_start3A_49 = tpu.memref_slice %arg4[%add3A_40, %dma_start3A_48] : memref<20000x16xf32, #tpu.memory_space<hbm>> -> memref<320x16xf32, #tpu.memory_space<hbm>>
        %dma_start3A_50 = arith.constant 0 : i32
        %dma_start3A_51 = tpu.memref_slice %arg4[%add3A_40, %dma_start3A_50] : memref<20000x16xf32, #tpu.memory_space<hbm>> -> memref<320x16xf32, #tpu.memory_space<hbm>>
        tpu.enqueue_dma source(%arg9 : memref<320x16xf32, #tpu.memory_space<vmem>>) target(%dma_start3A_51 : memref<320x16xf32, #tpu.memory_space<hbm>>) target_semaphore(%run_scoped3A_47 : memref<!tpu.dma_semaphore, #tpu.memory_space<semaphore_mem>>)
        %dma_wait3A = arith.constant 0 : i32
        %dma_wait3A_52 = tpu.memref_slice %arg4[%add3A_40, %dma_wait3A] : memref<20000x16xf32, #tpu.memory_space<hbm>> -> memref<320x16xf32, #tpu.memory_space<hbm>>
        %dma_wait3A_53 = arith.constant 0 : i32
        %dma_wait3A_54 = tpu.memref_slice %arg4[%add3A_40, %dma_wait3A_53] : memref<20000x16xf32, #tpu.memory_space<hbm>> -> memref<320x16xf32, #tpu.memory_space<hbm>>
        tpu.wait_dma2 semaphore(%run_scoped3A_47 : memref<!tpu.dma_semaphore, #tpu.memory_space<semaphore_mem>>) src(%arg9 : memref<320x16xf32, #tpu.memory_space<vmem>>) dst(%dma_wait3A_54 : memref<320x16xf32, #tpu.memory_space<hbm>>)
        tpu.yield
      }) : () -> ()
      "tpu.region"() ({
        %run_scoped3A_47 = tpu.sem_alloc : memref<!tpu.dma_semaphore, #tpu.memory_space<semaphore_mem>>
        %dma_start3A_48 = arith.constant 9680 : i32
        %dma_start3A_49 = arith.constant 0 : i32
        %dma_start3A_50 = tpu.memref_slice %arg10[%dma_start3A_48, %dma_start3A_49] : memref<10000x16xf32, #tpu.memory_space<vmem_shared>> -> memref<320x16xf32, #tpu.memory_space<vmem_shared>>
        %dma_start3A_51 = arith.constant 9680 : i32
        %dma_start3A_52 = arith.constant 0 : i32
        %dma_start3A_53 = tpu.memref_slice %arg10[%dma_start3A_51, %dma_start3A_52] : memref<10000x16xf32, #tpu.memory_space<vmem_shared>> -> memref<320x16xf32, #tpu.memory_space<vmem_shared>>
        tpu.enqueue_dma source(%dma_start3A_53 : memref<320x16xf32, #tpu.memory_space<vmem_shared>>) target(%arg9 : memref<320x16xf32, #tpu.memory_space<vmem>>) target_semaphore(%run_scoped3A_47 : memref<!tpu.dma_semaphore, #tpu.memory_space<semaphore_mem>>)
        %dma_wait3A = arith.constant 9680 : i32
        %dma_wait3A_54 = arith.constant 0 : i32
        %dma_wait3A_55 = tpu.memref_slice %arg10[%dma_wait3A, %dma_wait3A_54] : memref<10000x16xf32, #tpu.memory_space<vmem_shared>> -> memref<320x16xf32, #tpu.memory_space<vmem_shared>>
        %dma_wait3A_56 = arith.constant 9680 : i32
        %dma_wait3A_57 = arith.constant 0 : i32
        %dma_wait3A_58 = tpu.memref_slice %arg10[%dma_wait3A_56, %dma_wait3A_57] : memref<10000x16xf32, #tpu.memory_space<vmem_shared>> -> memref<320x16xf32, #tpu.memory_space<vmem_shared>>
        tpu.wait_dma2 semaphore(%run_scoped3A_47 : memref<!tpu.dma_semaphore, #tpu.memory_space<semaphore_mem>>) src(%dma_wait3A_58 : memref<320x16xf32, #tpu.memory_space<vmem_shared>>) dst(%arg9 : memref<320x16xf32, #tpu.memory_space<vmem>>)
        tpu.yield
      }) : () -> ()
      %mul3A_41 = arith.constant 10000 : i32
      %mul3A_42 = arith.muli %arg0, %mul3A_41 : i32
      %add3A_43 = arith.constant 9360 : i32
      %add3A_44 = arith.addi %mul3A_42, %add3A_43 : i32
      %add3A_45 = arith.constant 320 : i32
      %add3A_46 = arith.addi %add3A_44, %add3A_45 : i32
      "tpu.region"() ({
        %run_scoped3A_47 = tpu.sem_alloc : memref<!tpu.dma_semaphore, #tpu.memory_space<semaphore_mem>>
        %dma_start3A_48 = arith.constant 0 : i32
        %dma_start3A_49 = tpu.memref_slice %arg4[%add3A_46, %dma_start3A_48] : memref<20000x16xf32, #tpu.memory_space<hbm>> -> memref<320x16xf32, #tpu.memory_space<hbm>>
        %dma_start3A_50 = arith.constant 0 : i32
        %dma_start3A_51 = tpu.memref_slice %arg4[%add3A_46, %dma_start3A_50] : memref<20000x16xf32, #tpu.memory_space<hbm>> -> memref<320x16xf32, #tpu.memory_space<hbm>>
        tpu.enqueue_dma source(%arg9 : memref<320x16xf32, #tpu.memory_space<vmem>>) target(%dma_start3A_51 : memref<320x16xf32, #tpu.memory_space<hbm>>) target_semaphore(%run_scoped3A_47 : memref<!tpu.dma_semaphore, #tpu.memory_space<semaphore_mem>>)
        %dma_wait3A = arith.constant 0 : i32
        %dma_wait3A_52 = tpu.memref_slice %arg4[%add3A_46, %dma_wait3A] : memref<20000x16xf32, #tpu.memory_space<hbm>> -> memref<320x16xf32, #tpu.memory_space<hbm>>
        %dma_wait3A_53 = arith.constant 0 : i32
        %dma_wait3A_54 = tpu.memref_slice %arg4[%add3A_46, %dma_wait3A_53] : memref<20000x16xf32, #tpu.memory_space<hbm>> -> memref<320x16xf32, #tpu.memory_space<hbm>>
        tpu.wait_dma2 semaphore(%run_scoped3A_47 : memref<!tpu.dma_semaphore, #tpu.memory_space<semaphore_mem>>) src(%arg9 : memref<320x16xf32, #tpu.memory_space<vmem>>) dst(%dma_wait3A_54 : memref<320x16xf32, #tpu.memory_space<hbm>>)
        tpu.yield
      }) : () -> ()
    } else {
    }
    return
  }
}

#map = affine_map<(d0, d1) -> (0, 0)>
#map1 = affine_map<(d0, d1) -> (0, 0, 0, 0)>
module attributes {stable_mosaic.version = 14 : i64} {
  func.func @sc_scatter(%arg0: i32, %arg1: i32, %arg2: memref<10000x64xf32, #tpu.memory_space<hbm>>, %arg3: memref<2x32x20x500xi32, #tpu.memory_space<hbm>>, %arg4: memref<20000x64xf32, #tpu.memory_space<hbm>>, %arg5: memref<20x500xi32, #tpu.memory_space<vmem>>, %arg6: memref<20x500xi32, #tpu.memory_space<vmem>>, %arg7: memref<500x64xf32, #tpu.memory_space<vmem>>, %arg8: memref<500x64xf32, #tpu.memory_space<vmem>>, %arg9: memref<104x64xf32, #tpu.memory_space<vmem>>, %arg10: memref<10000x64xf32, #tpu.memory_space<vmem_shared>>, %arg11: memref<!tpu.dma_semaphore, #tpu.memory_space<semaphore_mem>>, %arg12: memref<!tpu.dma_semaphore, #tpu.memory_space<semaphore_mem>>) attributes {dimension_semantics = [#tpu.dimension_semantics<core_parallel>, #tpu.dimension_semantics<subcore_parallel>], iteration_bounds = array<i64: 2, 16>, scalar_prefetch = 0 : i64, scratch_operands = 8 : i64, tpu.core_type = #tpu.core_type<sc_vector_subcore>, window_params = [{transform_indices = #map}, {transform_indices = #map1}, {transform_indices = #map}]} {
    %mul3A = arith.constant 16 : i32
    %mul3A_0 = arith.muli %arg0, %mul3A : i32
    %add3A = arith.addi %mul3A_0, %arg1 : i32
    %run_scoped3A = arith.constant 0 : i32
    "tpu.region"() ({
      %run_scoped3A_35 = tpu.sem_alloc : memref<!tpu.dma_semaphore, #tpu.memory_space<semaphore_mem>>
      %dma_start3A_36 = arith.constant 0 : i32
      %dma_start3A_37 = arith.constant 0 : i32
      %dma_start3A_38 = tpu.memref_slice %arg3[%run_scoped3A, %add3A, %dma_start3A_36, %dma_start3A_37] : memref<2x32x20x500xi32, #tpu.memory_space<hbm>> -> memref<1x1x20x500xi32, #tpu.memory_space<hbm>>
      %dma_start3A_39 = tpu.memref_squeeze %dma_start3A_38 : memref<1x1x20x500xi32, #tpu.memory_space<hbm>> -> memref<20x500xi32, #tpu.memory_space<hbm>>
      %dma_start3A_40 = arith.constant 0 : i32
      %dma_start3A_41 = arith.constant 0 : i32
      %dma_start3A_42 = tpu.memref_slice %arg3[%run_scoped3A, %add3A, %dma_start3A_40, %dma_start3A_41] : memref<2x32x20x500xi32, #tpu.memory_space<hbm>> -> memref<1x1x20x500xi32, #tpu.memory_space<hbm>>
      %dma_start3A_43 = tpu.memref_squeeze %dma_start3A_42 : memref<1x1x20x500xi32, #tpu.memory_space<hbm>> -> memref<20x500xi32, #tpu.memory_space<hbm>>
      tpu.enqueue_dma source(%dma_start3A_43 : memref<20x500xi32, #tpu.memory_space<hbm>>) target(%arg5 : memref<20x500xi32, #tpu.memory_space<vmem>>) target_semaphore(%run_scoped3A_35 : memref<!tpu.dma_semaphore, #tpu.memory_space<semaphore_mem>>)
      %dma_wait3A = arith.constant 0 : i32
      %dma_wait3A_44 = arith.constant 0 : i32
      %dma_wait3A_45 = tpu.memref_slice %arg3[%run_scoped3A, %add3A, %dma_wait3A, %dma_wait3A_44] : memref<2x32x20x500xi32, #tpu.memory_space<hbm>> -> memref<1x1x20x500xi32, #tpu.memory_space<hbm>>
      %dma_wait3A_46 = tpu.memref_squeeze %dma_wait3A_45 : memref<1x1x20x500xi32, #tpu.memory_space<hbm>> -> memref<20x500xi32, #tpu.memory_space<hbm>>
      %dma_wait3A_47 = arith.constant 0 : i32
      %dma_wait3A_48 = arith.constant 0 : i32
      %dma_wait3A_49 = tpu.memref_slice %arg3[%run_scoped3A, %add3A, %dma_wait3A_47, %dma_wait3A_48] : memref<2x32x20x500xi32, #tpu.memory_space<hbm>> -> memref<1x1x20x500xi32, #tpu.memory_space<hbm>>
      %dma_wait3A_50 = tpu.memref_squeeze %dma_wait3A_49 : memref<1x1x20x500xi32, #tpu.memory_space<hbm>> -> memref<20x500xi32, #tpu.memory_space<hbm>>
      tpu.wait_dma2 semaphore(%run_scoped3A_35 : memref<!tpu.dma_semaphore, #tpu.memory_space<semaphore_mem>>) src(%dma_wait3A_50 : memref<20x500xi32, #tpu.memory_space<hbm>>) dst(%arg5 : memref<20x500xi32, #tpu.memory_space<vmem>>)
      tpu.yield
    }) : () -> ()
    %run_scoped3A_1 = arith.constant 1 : i32
    "tpu.region"() ({
      %run_scoped3A_35 = tpu.sem_alloc : memref<!tpu.dma_semaphore, #tpu.memory_space<semaphore_mem>>
      %dma_start3A_36 = arith.constant 0 : i32
      %dma_start3A_37 = arith.constant 0 : i32
      %dma_start3A_38 = tpu.memref_slice %arg3[%run_scoped3A_1, %add3A, %dma_start3A_36, %dma_start3A_37] : memref<2x32x20x500xi32, #tpu.memory_space<hbm>> -> memref<1x1x20x500xi32, #tpu.memory_space<hbm>>
      %dma_start3A_39 = tpu.memref_squeeze %dma_start3A_38 : memref<1x1x20x500xi32, #tpu.memory_space<hbm>> -> memref<20x500xi32, #tpu.memory_space<hbm>>
      %dma_start3A_40 = arith.constant 0 : i32
      %dma_start3A_41 = arith.constant 0 : i32
      %dma_start3A_42 = tpu.memref_slice %arg3[%run_scoped3A_1, %add3A, %dma_start3A_40, %dma_start3A_41] : memref<2x32x20x500xi32, #tpu.memory_space<hbm>> -> memref<1x1x20x500xi32, #tpu.memory_space<hbm>>
      %dma_start3A_43 = tpu.memref_squeeze %dma_start3A_42 : memref<1x1x20x500xi32, #tpu.memory_space<hbm>> -> memref<20x500xi32, #tpu.memory_space<hbm>>
      tpu.enqueue_dma source(%dma_start3A_43 : memref<20x500xi32, #tpu.memory_space<hbm>>) target(%arg6 : memref<20x500xi32, #tpu.memory_space<vmem>>) target_semaphore(%run_scoped3A_35 : memref<!tpu.dma_semaphore, #tpu.memory_space<semaphore_mem>>)
      %dma_wait3A = arith.constant 0 : i32
      %dma_wait3A_44 = arith.constant 0 : i32
      %dma_wait3A_45 = tpu.memref_slice %arg3[%run_scoped3A_1, %add3A, %dma_wait3A, %dma_wait3A_44] : memref<2x32x20x500xi32, #tpu.memory_space<hbm>> -> memref<1x1x20x500xi32, #tpu.memory_space<hbm>>
      %dma_wait3A_46 = tpu.memref_squeeze %dma_wait3A_45 : memref<1x1x20x500xi32, #tpu.memory_space<hbm>> -> memref<20x500xi32, #tpu.memory_space<hbm>>
      %dma_wait3A_47 = arith.constant 0 : i32
      %dma_wait3A_48 = arith.constant 0 : i32
      %dma_wait3A_49 = tpu.memref_slice %arg3[%run_scoped3A_1, %add3A, %dma_wait3A_47, %dma_wait3A_48] : memref<2x32x20x500xi32, #tpu.memory_space<hbm>> -> memref<1x1x20x500xi32, #tpu.memory_space<hbm>>
      %dma_wait3A_50 = tpu.memref_squeeze %dma_wait3A_49 : memref<1x1x20x500xi32, #tpu.memory_space<hbm>> -> memref<20x500xi32, #tpu.memory_space<hbm>>
      tpu.wait_dma2 semaphore(%run_scoped3A_35 : memref<!tpu.dma_semaphore, #tpu.memory_space<semaphore_mem>>) src(%dma_wait3A_50 : memref<20x500xi32, #tpu.memory_space<hbm>>) dst(%arg6 : memref<20x500xi32, #tpu.memory_space<vmem>>)
      tpu.yield
    }) : () -> ()
    %broadcast_in_dim3A = arith.constant 0.000000e+00 : f32
    %broadcast_in_dim3A_2 = vector.broadcast %broadcast_in_dim3A : f32 to vector<16xf32>
    %scan3A = arith.constant 0 : i32
    %scan3A_3 = arith.constant 104 : i32
    %scan3A_4 = arith.addi %scan3A, %scan3A_3 : i32
    %scan3A_5 = arith.constant 1 : i32
    scf.for %scan3A_35 = %scan3A to %scan3A_4 step %scan3A_5  : i32 {
      %swap3A = arith.index_cast %scan3A_35 : i32 to index
      %swap3A_36 = arith.constant 0 : index
      %swap3A_37 = tpu.vector_load %arg9[%swap3A, %swap3A_36] {strides = array<i32>} : memref<104x64xf32, #tpu.memory_space<vmem>>, vector<1x16xf32>,
      %swap3A_38 = vector.shape_cast %swap3A_37 : vector<1x16xf32> to vector<16xf32>
      %swap3A_39 = vector.shape_cast %broadcast_in_dim3A_2 : vector<16xf32> to vector<1x16xf32>
      tpu.vector_store %arg9[%swap3A, %swap3A_36], %swap3A_39 {strides = array<i32>} : memref<104x64xf32, #tpu.memory_space<vmem>>, vector<1x16xf32>,
      %swap3A_40 = arith.index_cast %scan3A_35 : i32 to index
      %swap3A_41 = arith.constant 16 : index
      %swap3A_42 = tpu.vector_load %arg9[%swap3A_40, %swap3A_41] {strides = array<i32>} : memref<104x64xf32, #tpu.memory_space<vmem>>, vector<1x16xf32>,
      %swap3A_43 = vector.shape_cast %swap3A_42 : vector<1x16xf32> to vector<16xf32>
      %swap3A_44 = vector.shape_cast %broadcast_in_dim3A_2 : vector<16xf32> to vector<1x16xf32>
      tpu.vector_store %arg9[%swap3A_40, %swap3A_41], %swap3A_44 {strides = array<i32>} : memref<104x64xf32, #tpu.memory_space<vmem>>, vector<1x16xf32>,
      %swap3A_45 = arith.index_cast %scan3A_35 : i32 to index
      %swap3A_46 = arith.constant 32 : index
      %swap3A_47 = tpu.vector_load %arg9[%swap3A_45, %swap3A_46] {strides = array<i32>} : memref<104x64xf32, #tpu.memory_space<vmem>>, vector<1x16xf32>,
      %swap3A_48 = vector.shape_cast %swap3A_47 : vector<1x16xf32> to vector<16xf32>
      %swap3A_49 = vector.shape_cast %broadcast_in_dim3A_2 : vector<16xf32> to vector<1x16xf32>
      tpu.vector_store %arg9[%swap3A_45, %swap3A_46], %swap3A_49 {strides = array<i32>} : memref<104x64xf32, #tpu.memory_space<vmem>>, vector<1x16xf32>,
      %swap3A_50 = arith.index_cast %scan3A_35 : i32 to index
      %swap3A_51 = arith.constant 48 : index
      %swap3A_52 = tpu.vector_load %arg9[%swap3A_50, %swap3A_51] {strides = array<i32>} : memref<104x64xf32, #tpu.memory_space<vmem>>, vector<1x16xf32>,
      %swap3A_53 = vector.shape_cast %swap3A_52 : vector<1x16xf32> to vector<16xf32>
      %swap3A_54 = vector.shape_cast %broadcast_in_dim3A_2 : vector<16xf32> to vector<1x16xf32>
      tpu.vector_store %arg9[%swap3A_50, %swap3A_51], %swap3A_54 {strides = array<i32>} : memref<104x64xf32, #tpu.memory_space<vmem>>, vector<1x16xf32>,
    }
    %scan3A_6 = arith.constant 104 : i32
    %mul3A_7 = arith.constant 624 : i32
    %mul3A_8 = arith.muli %arg1, %mul3A_7 : i32
    %eq3A = arith.constant 15 : i32
    %eq3A_9 = arith.cmpi eq, %arg1, %eq3A : i32
    %not3A = arith.constant true
    %not3A_10 = arith.xori %eq3A_9, %not3A : i1
    %convert_element_type3A = arith.extui %not3A_10 : i1 to i32
    %cond3A = arith.constant 0 : i32
    %cond3A_11 = arith.cmpi ne, %convert_element_type3A, %cond3A : i32
    scf.if %cond3A_11 {
      %add3A_35 = arith.constant 0 : i32
      %add3A_36 = arith.addi %mul3A_8, %add3A_35 : i32
      "tpu.region"() ({
        %run_scoped3A_47 = tpu.sem_alloc : memref<!tpu.dma_semaphore, #tpu.memory_space<semaphore_mem>>
        %dma_start3A_48 = arith.constant 0 : i32
        %dma_start3A_49 = tpu.memref_slice %arg10[%add3A_36, %dma_start3A_48] : memref<10000x64xf32, #tpu.memory_space<vmem_shared>> -> memref<104x64xf32, #tpu.memory_space<vmem_shared>>
        %dma_start3A_50 = arith.constant 0 : i32
        %dma_start3A_51 = tpu.memref_slice %arg10[%add3A_36, %dma_start3A_50] : memref<10000x64xf32, #tpu.memory_space<vmem_shared>> -> memref<104x64xf32, #tpu.memory_space<vmem_shared>>
        tpu.enqueue_dma source(%arg9 : memref<104x64xf32, #tpu.memory_space<vmem>>) target(%dma_start3A_51 : memref<104x64xf32, #tpu.memory_space<vmem_shared>>) target_semaphore(%run_scoped3A_47 : memref<!tpu.dma_semaphore, #tpu.memory_space<semaphore_mem>>)
        %dma_wait3A = arith.constant 0 : i32
        %dma_wait3A_52 = tpu.memref_slice %arg10[%add3A_36, %dma_wait3A] : memref<10000x64xf32, #tpu.memory_space<vmem_shared>> -> memref<104x64xf32, #tpu.memory_space<vmem_shared>>
        %dma_wait3A_53 = arith.constant 0 : i32
        %dma_wait3A_54 = tpu.memref_slice %arg10[%add3A_36, %dma_wait3A_53] : memref<10000x64xf32, #tpu.memory_space<vmem_shared>> -> memref<104x64xf32, #tpu.memory_space<vmem_shared>>
        tpu.wait_dma2 semaphore(%run_scoped3A_47 : memref<!tpu.dma_semaphore, #tpu.memory_space<semaphore_mem>>) src(%arg9 : memref<104x64xf32, #tpu.memory_space<vmem>>) dst(%dma_wait3A_54 : memref<104x64xf32, #tpu.memory_space<vmem_shared>>)
        tpu.yield
      }) : () -> ()
      %add3A_37 = arith.constant 104 : i32
      %add3A_38 = arith.addi %mul3A_8, %add3A_37 : i32
      "tpu.region"() ({
        %run_scoped3A_47 = tpu.sem_alloc : memref<!tpu.dma_semaphore, #tpu.memory_space<semaphore_mem>>
        %dma_start3A_48 = arith.constant 0 : i32
        %dma_start3A_49 = tpu.memref_slice %arg10[%add3A_38, %dma_start3A_48] : memref<10000x64xf32, #tpu.memory_space<vmem_shared>> -> memref<104x64xf32, #tpu.memory_space<vmem_shared>>
        %dma_start3A_50 = arith.constant 0 : i32
        %dma_start3A_51 = tpu.memref_slice %arg10[%add3A_38, %dma_start3A_50] : memref<10000x64xf32, #tpu.memory_space<vmem_shared>> -> memref<104x64xf32, #tpu.memory_space<vmem_shared>>
        tpu.enqueue_dma source(%arg9 : memref<104x64xf32, #tpu.memory_space<vmem>>) target(%dma_start3A_51 : memref<104x64xf32, #tpu.memory_space<vmem_shared>>) target_semaphore(%run_scoped3A_47 : memref<!tpu.dma_semaphore, #tpu.memory_space<semaphore_mem>>)
        %dma_wait3A = arith.constant 0 : i32
        %dma_wait3A_52 = tpu.memref_slice %arg10[%add3A_38, %dma_wait3A] : memref<10000x64xf32, #tpu.memory_space<vmem_shared>> -> memref<104x64xf32, #tpu.memory_space<vmem_shared>>
        %dma_wait3A_53 = arith.constant 0 : i32
        %dma_wait3A_54 = tpu.memref_slice %arg10[%add3A_38, %dma_wait3A_53] : memref<10000x64xf32, #tpu.memory_space<vmem_shared>> -> memref<104x64xf32, #tpu.memory_space<vmem_shared>>
        tpu.wait_dma2 semaphore(%run_scoped3A_47 : memref<!tpu.dma_semaphore, #tpu.memory_space<semaphore_mem>>) src(%arg9 : memref<104x64xf32, #tpu.memory_space<vmem>>) dst(%dma_wait3A_54 : memref<104x64xf32, #tpu.memory_space<vmem_shared>>)
        tpu.yield
      }) : () -> ()
      %add3A_39 = arith.constant 208 : i32
      %add3A_40 = arith.addi %mul3A_8, %add3A_39 : i32
      "tpu.region"() ({
        %run_scoped3A_47 = tpu.sem_alloc : memref<!tpu.dma_semaphore, #tpu.memory_space<semaphore_mem>>
        %dma_start3A_48 = arith.constant 0 : i32
        %dma_start3A_49 = tpu.memref_slice %arg10[%add3A_40, %dma_start3A_48] : memref<10000x64xf32, #tpu.memory_space<vmem_shared>> -> memref<104x64xf32, #tpu.memory_space<vmem_shared>>
        %dma_start3A_50 = arith.constant 0 : i32
        %dma_start3A_51 = tpu.memref_slice %arg10[%add3A_40, %dma_start3A_50] : memref<10000x64xf32, #tpu.memory_space<vmem_shared>> -> memref<104x64xf32, #tpu.memory_space<vmem_shared>>
        tpu.enqueue_dma source(%arg9 : memref<104x64xf32, #tpu.memory_space<vmem>>) target(%dma_start3A_51 : memref<104x64xf32, #tpu.memory_space<vmem_shared>>) target_semaphore(%run_scoped3A_47 : memref<!tpu.dma_semaphore, #tpu.memory_space<semaphore_mem>>)
        %dma_wait3A = arith.constant 0 : i32
        %dma_wait3A_52 = tpu.memref_slice %arg10[%add3A_40, %dma_wait3A] : memref<10000x64xf32, #tpu.memory_space<vmem_shared>> -> memref<104x64xf32, #tpu.memory_space<vmem_shared>>
        %dma_wait3A_53 = arith.constant 0 : i32
        %dma_wait3A_54 = tpu.memref_slice %arg10[%add3A_40, %dma_wait3A_53] : memref<10000x64xf32, #tpu.memory_space<vmem_shared>> -> memref<104x64xf32, #tpu.memory_space<vmem_shared>>
        tpu.wait_dma2 semaphore(%run_scoped3A_47 : memref<!tpu.dma_semaphore, #tpu.memory_space<semaphore_mem>>) src(%arg9 : memref<104x64xf32, #tpu.memory_space<vmem>>) dst(%dma_wait3A_54 : memref<104x64xf32, #tpu.memory_space<vmem_shared>>)
        tpu.yield
      }) : () -> ()
      %add3A_41 = arith.constant 312 : i32
      %add3A_42 = arith.addi %mul3A_8, %add3A_41 : i32
      "tpu.region"() ({
        %run_scoped3A_47 = tpu.sem_alloc : memref<!tpu.dma_semaphore, #tpu.memory_space<semaphore_mem>>
        %dma_start3A_48 = arith.constant 0 : i32
        %dma_start3A_49 = tpu.memref_slice %arg10[%add3A_42, %dma_start3A_48] : memref<10000x64xf32, #tpu.memory_space<vmem_shared>> -> memref<104x64xf32, #tpu.memory_space<vmem_shared>>
        %dma_start3A_50 = arith.constant 0 : i32
        %dma_start3A_51 = tpu.memref_slice %arg10[%add3A_42, %dma_start3A_50] : memref<10000x64xf32, #tpu.memory_space<vmem_shared>> -> memref<104x64xf32, #tpu.memory_space<vmem_shared>>
        tpu.enqueue_dma source(%arg9 : memref<104x64xf32, #tpu.memory_space<vmem>>) target(%dma_start3A_51 : memref<104x64xf32, #tpu.memory_space<vmem_shared>>) target_semaphore(%run_scoped3A_47 : memref<!tpu.dma_semaphore, #tpu.memory_space<semaphore_mem>>)
        %dma_wait3A = arith.constant 0 : i32
        %dma_wait3A_52 = tpu.memref_slice %arg10[%add3A_42, %dma_wait3A] : memref<10000x64xf32, #tpu.memory_space<vmem_shared>> -> memref<104x64xf32, #tpu.memory_space<vmem_shared>>
        %dma_wait3A_53 = arith.constant 0 : i32
        %dma_wait3A_54 = tpu.memref_slice %arg10[%add3A_42, %dma_wait3A_53] : memref<10000x64xf32, #tpu.memory_space<vmem_shared>> -> memref<104x64xf32, #tpu.memory_space<vmem_shared>>
        tpu.wait_dma2 semaphore(%run_scoped3A_47 : memref<!tpu.dma_semaphore, #tpu.memory_space<semaphore_mem>>) src(%arg9 : memref<104x64xf32, #tpu.memory_space<vmem>>) dst(%dma_wait3A_54 : memref<104x64xf32, #tpu.memory_space<vmem_shared>>)
        tpu.yield
      }) : () -> ()
      %add3A_43 = arith.constant 416 : i32
      %add3A_44 = arith.addi %mul3A_8, %add3A_43 : i32
      "tpu.region"() ({
        %run_scoped3A_47 = tpu.sem_alloc : memref<!tpu.dma_semaphore, #tpu.memory_space<semaphore_mem>>
        %dma_start3A_48 = arith.constant 0 : i32
        %dma_start3A_49 = tpu.memref_slice %arg10[%add3A_44, %dma_start3A_48] : memref<10000x64xf32, #tpu.memory_space<vmem_shared>> -> memref<104x64xf32, #tpu.memory_space<vmem_shared>>
        %dma_start3A_50 = arith.constant 0 : i32
        %dma_start3A_51 = tpu.memref_slice %arg10[%add3A_44, %dma_start3A_50] : memref<10000x64xf32, #tpu.memory_space<vmem_shared>> -> memref<104x64xf32, #tpu.memory_space<vmem_shared>>
        tpu.enqueue_dma source(%arg9 : memref<104x64xf32, #tpu.memory_space<vmem>>) target(%dma_start3A_51 : memref<104x64xf32, #tpu.memory_space<vmem_shared>>) target_semaphore(%run_scoped3A_47 : memref<!tpu.dma_semaphore, #tpu.memory_space<semaphore_mem>>)
        %dma_wait3A = arith.constant 0 : i32
        %dma_wait3A_52 = tpu.memref_slice %arg10[%add3A_44, %dma_wait3A] : memref<10000x64xf32, #tpu.memory_space<vmem_shared>> -> memref<104x64xf32, #tpu.memory_space<vmem_shared>>
        %dma_wait3A_53 = arith.constant 0 : i32
        %dma_wait3A_54 = tpu.memref_slice %arg10[%add3A_44, %dma_wait3A_53] : memref<10000x64xf32, #tpu.memory_space<vmem_shared>> -> memref<104x64xf32, #tpu.memory_space<vmem_shared>>
        tpu.wait_dma2 semaphore(%run_scoped3A_47 : memref<!tpu.dma_semaphore, #tpu.memory_space<semaphore_mem>>) src(%arg9 : memref<104x64xf32, #tpu.memory_space<vmem>>) dst(%dma_wait3A_54 : memref<104x64xf32, #tpu.memory_space<vmem_shared>>)
        tpu.yield
      }) : () -> ()
      %add3A_45 = arith.constant 520 : i32
      %add3A_46 = arith.addi %mul3A_8, %add3A_45 : i32
      "tpu.region"() ({
        %run_scoped3A_47 = tpu.sem_alloc : memref<!tpu.dma_semaphore, #tpu.memory_space<semaphore_mem>>
        %dma_start3A_48 = arith.constant 0 : i32
        %dma_start3A_49 = tpu.memref_slice %arg10[%add3A_46, %dma_start3A_48] : memref<10000x64xf32, #tpu.memory_space<vmem_shared>> -> memref<104x64xf32, #tpu.memory_space<vmem_shared>>
        %dma_start3A_50 = arith.constant 0 : i32
        %dma_start3A_51 = tpu.memref_slice %arg10[%add3A_46, %dma_start3A_50] : memref<10000x64xf32, #tpu.memory_space<vmem_shared>> -> memref<104x64xf32, #tpu.memory_space<vmem_shared>>
        tpu.enqueue_dma source(%arg9 : memref<104x64xf32, #tpu.memory_space<vmem>>) target(%dma_start3A_51 : memref<104x64xf32, #tpu.memory_space<vmem_shared>>) target_semaphore(%run_scoped3A_47 : memref<!tpu.dma_semaphore, #tpu.memory_space<semaphore_mem>>)
        %dma_wait3A = arith.constant 0 : i32
        %dma_wait3A_52 = tpu.memref_slice %arg10[%add3A_46, %dma_wait3A] : memref<10000x64xf32, #tpu.memory_space<vmem_shared>> -> memref<104x64xf32, #tpu.memory_space<vmem_shared>>
        %dma_wait3A_53 = arith.constant 0 : i32
        %dma_wait3A_54 = tpu.memref_slice %arg10[%add3A_46, %dma_wait3A_53] : memref<10000x64xf32, #tpu.memory_space<vmem_shared>> -> memref<104x64xf32, #tpu.memory_space<vmem_shared>>
        tpu.wait_dma2 semaphore(%run_scoped3A_47 : memref<!tpu.dma_semaphore, #tpu.memory_space<semaphore_mem>>) src(%arg9 : memref<104x64xf32, #tpu.memory_space<vmem>>) dst(%dma_wait3A_54 : memref<104x64xf32, #tpu.memory_space<vmem_shared>>)
        tpu.yield
      }) : () -> ()
    } else {
    }
    %convert_element_type3A_12 = arith.extui %eq3A_9 : i1 to i32
    %cond3A_13 = arith.constant 0 : i32
    %cond3A_14 = arith.cmpi ne, %convert_element_type3A_12, %cond3A_13 : i32
    scf.if %cond3A_14 {
      "tpu.region"() ({
        %run_scoped3A_35 = tpu.sem_alloc : memref<!tpu.dma_semaphore, #tpu.memory_space<semaphore_mem>>
        %dma_start3A_36 = arith.constant 9360 : i32
        %dma_start3A_37 = arith.constant 0 : i32
        %dma_start3A_38 = tpu.memref_slice %arg10[%dma_start3A_36, %dma_start3A_37] : memref<10000x64xf32, #tpu.memory_space<vmem_shared>> -> memref<104x64xf32, #tpu.memory_space<vmem_shared>>
        %dma_start3A_39 = arith.constant 9360 : i32
        %dma_start3A_40 = arith.constant 0 : i32
        %dma_start3A_41 = tpu.memref_slice %arg10[%dma_start3A_39, %dma_start3A_40] : memref<10000x64xf32, #tpu.memory_space<vmem_shared>> -> memref<104x64xf32, #tpu.memory_space<vmem_shared>>
        tpu.enqueue_dma source(%arg9 : memref<104x64xf32, #tpu.memory_space<vmem>>) target(%dma_start3A_41 : memref<104x64xf32, #tpu.memory_space<vmem_shared>>) target_semaphore(%run_scoped3A_35 : memref<!tpu.dma_semaphore, #tpu.memory_space<semaphore_mem>>)
        %dma_wait3A = arith.constant 9360 : i32
        %dma_wait3A_42 = arith.constant 0 : i32
        %dma_wait3A_43 = tpu.memref_slice %arg10[%dma_wait3A, %dma_wait3A_42] : memref<10000x64xf32, #tpu.memory_space<vmem_shared>> -> memref<104x64xf32, #tpu.memory_space<vmem_shared>>
        %dma_wait3A_44 = arith.constant 9360 : i32
        %dma_wait3A_45 = arith.constant 0 : i32
        %dma_wait3A_46 = tpu.memref_slice %arg10[%dma_wait3A_44, %dma_wait3A_45] : memref<10000x64xf32, #tpu.memory_space<vmem_shared>> -> memref<104x64xf32, #tpu.memory_space<vmem_shared>>
        tpu.wait_dma2 semaphore(%run_scoped3A_35 : memref<!tpu.dma_semaphore, #tpu.memory_space<semaphore_mem>>) src(%arg9 : memref<104x64xf32, #tpu.memory_space<vmem>>) dst(%dma_wait3A_46 : memref<104x64xf32, #tpu.memory_space<vmem_shared>>)
        tpu.yield
      }) : () -> ()
      "tpu.region"() ({
        %run_scoped3A_35 = tpu.sem_alloc : memref<!tpu.dma_semaphore, #tpu.memory_space<semaphore_mem>>
        %dma_start3A_36 = arith.constant 9464 : i32
        %dma_start3A_37 = arith.constant 0 : i32
        %dma_start3A_38 = tpu.memref_slice %arg10[%dma_start3A_36, %dma_start3A_37] : memref<10000x64xf32, #tpu.memory_space<vmem_shared>> -> memref<104x64xf32, #tpu.memory_space<vmem_shared>>
        %dma_start3A_39 = arith.constant 9464 : i32
        %dma_start3A_40 = arith.constant 0 : i32
        %dma_start3A_41 = tpu.memref_slice %arg10[%dma_start3A_39, %dma_start3A_40] : memref<10000x64xf32, #tpu.memory_space<vmem_shared>> -> memref<104x64xf32, #tpu.memory_space<vmem_shared>>
        tpu.enqueue_dma source(%arg9 : memref<104x64xf32, #tpu.memory_space<vmem>>) target(%dma_start3A_41 : memref<104x64xf32, #tpu.memory_space<vmem_shared>>) target_semaphore(%run_scoped3A_35 : memref<!tpu.dma_semaphore, #tpu.memory_space<semaphore_mem>>)
        %dma_wait3A = arith.constant 9464 : i32
        %dma_wait3A_42 = arith.constant 0 : i32
        %dma_wait3A_43 = tpu.memref_slice %arg10[%dma_wait3A, %dma_wait3A_42] : memref<10000x64xf32, #tpu.memory_space<vmem_shared>> -> memref<104x64xf32, #tpu.memory_space<vmem_shared>>
        %dma_wait3A_44 = arith.constant 9464 : i32
        %dma_wait3A_45 = arith.constant 0 : i32
        %dma_wait3A_46 = tpu.memref_slice %arg10[%dma_wait3A_44, %dma_wait3A_45] : memref<10000x64xf32, #tpu.memory_space<vmem_shared>> -> memref<104x64xf32, #tpu.memory_space<vmem_shared>>
        tpu.wait_dma2 semaphore(%run_scoped3A_35 : memref<!tpu.dma_semaphore, #tpu.memory_space<semaphore_mem>>) src(%arg9 : memref<104x64xf32, #tpu.memory_space<vmem>>) dst(%dma_wait3A_46 : memref<104x64xf32, #tpu.memory_space<vmem_shared>>)
        tpu.yield
      }) : () -> ()
      "tpu.region"() ({
        %run_scoped3A_35 = tpu.sem_alloc : memref<!tpu.dma_semaphore, #tpu.memory_space<semaphore_mem>>
        %dma_start3A_36 = arith.constant 9568 : i32
        %dma_start3A_37 = arith.constant 0 : i32
        %dma_start3A_38 = tpu.memref_slice %arg10[%dma_start3A_36, %dma_start3A_37] : memref<10000x64xf32, #tpu.memory_space<vmem_shared>> -> memref<104x64xf32, #tpu.memory_space<vmem_shared>>
        %dma_start3A_39 = arith.constant 9568 : i32
        %dma_start3A_40 = arith.constant 0 : i32
        %dma_start3A_41 = tpu.memref_slice %arg10[%dma_start3A_39, %dma_start3A_40] : memref<10000x64xf32, #tpu.memory_space<vmem_shared>> -> memref<104x64xf32, #tpu.memory_space<vmem_shared>>
        tpu.enqueue_dma source(%arg9 : memref<104x64xf32, #tpu.memory_space<vmem>>) target(%dma_start3A_41 : memref<104x64xf32, #tpu.memory_space<vmem_shared>>) target_semaphore(%run_scoped3A_35 : memref<!tpu.dma_semaphore, #tpu.memory_space<semaphore_mem>>)
        %dma_wait3A = arith.constant 9568 : i32
        %dma_wait3A_42 = arith.constant 0 : i32
        %dma_wait3A_43 = tpu.memref_slice %arg10[%dma_wait3A, %dma_wait3A_42] : memref<10000x64xf32, #tpu.memory_space<vmem_shared>> -> memref<104x64xf32, #tpu.memory_space<vmem_shared>>
        %dma_wait3A_44 = arith.constant 9568 : i32
        %dma_wait3A_45 = arith.constant 0 : i32
        %dma_wait3A_46 = tpu.memref_slice %arg10[%dma_wait3A_44, %dma_wait3A_45] : memref<10000x64xf32, #tpu.memory_space<vmem_shared>> -> memref<104x64xf32, #tpu.memory_space<vmem_shared>>
        tpu.wait_dma2 semaphore(%run_scoped3A_35 : memref<!tpu.dma_semaphore, #tpu.memory_space<semaphore_mem>>) src(%arg9 : memref<104x64xf32, #tpu.memory_space<vmem>>) dst(%dma_wait3A_46 : memref<104x64xf32, #tpu.memory_space<vmem_shared>>)
        tpu.yield
      }) : () -> ()
      "tpu.region"() ({
        %run_scoped3A_35 = tpu.sem_alloc : memref<!tpu.dma_semaphore, #tpu.memory_space<semaphore_mem>>
        %dma_start3A_36 = arith.constant 9672 : i32
        %dma_start3A_37 = arith.constant 0 : i32
        %dma_start3A_38 = tpu.memref_slice %arg10[%dma_start3A_36, %dma_start3A_37] : memref<10000x64xf32, #tpu.memory_space<vmem_shared>> -> memref<104x64xf32, #tpu.memory_space<vmem_shared>>
        %dma_start3A_39 = arith.constant 9672 : i32
        %dma_start3A_40 = arith.constant 0 : i32
        %dma_start3A_41 = tpu.memref_slice %arg10[%dma_start3A_39, %dma_start3A_40] : memref<10000x64xf32, #tpu.memory_space<vmem_shared>> -> memref<104x64xf32, #tpu.memory_space<vmem_shared>>
        tpu.enqueue_dma source(%arg9 : memref<104x64xf32, #tpu.memory_space<vmem>>) target(%dma_start3A_41 : memref<104x64xf32, #tpu.memory_space<vmem_shared>>) target_semaphore(%run_scoped3A_35 : memref<!tpu.dma_semaphore, #tpu.memory_space<semaphore_mem>>)
        %dma_wait3A = arith.constant 9672 : i32
        %dma_wait3A_42 = arith.constant 0 : i32
        %dma_wait3A_43 = tpu.memref_slice %arg10[%dma_wait3A, %dma_wait3A_42] : memref<10000x64xf32, #tpu.memory_space<vmem_shared>> -> memref<104x64xf32, #tpu.memory_space<vmem_shared>>
        %dma_wait3A_44 = arith.constant 9672 : i32
        %dma_wait3A_45 = arith.constant 0 : i32
        %dma_wait3A_46 = tpu.memref_slice %arg10[%dma_wait3A_44, %dma_wait3A_45] : memref<10000x64xf32, #tpu.memory_space<vmem_shared>> -> memref<104x64xf32, #tpu.memory_space<vmem_shared>>
        tpu.wait_dma2 semaphore(%run_scoped3A_35 : memref<!tpu.dma_semaphore, #tpu.memory_space<semaphore_mem>>) src(%arg9 : memref<104x64xf32, #tpu.memory_space<vmem>>) dst(%dma_wait3A_46 : memref<104x64xf32, #tpu.memory_space<vmem_shared>>)
        tpu.yield
      }) : () -> ()
      "tpu.region"() ({
        %run_scoped3A_35 = tpu.sem_alloc : memref<!tpu.dma_semaphore, #tpu.memory_space<semaphore_mem>>
        %dma_start3A_36 = arith.constant 9776 : i32
        %dma_start3A_37 = arith.constant 0 : i32
        %dma_start3A_38 = tpu.memref_slice %arg10[%dma_start3A_36, %dma_start3A_37] : memref<10000x64xf32, #tpu.memory_space<vmem_shared>> -> memref<104x64xf32, #tpu.memory_space<vmem_shared>>
        %dma_start3A_39 = arith.constant 9776 : i32
        %dma_start3A_40 = arith.constant 0 : i32
        %dma_start3A_41 = tpu.memref_slice %arg10[%dma_start3A_39, %dma_start3A_40] : memref<10000x64xf32, #tpu.memory_space<vmem_shared>> -> memref<104x64xf32, #tpu.memory_space<vmem_shared>>
        tpu.enqueue_dma source(%arg9 : memref<104x64xf32, #tpu.memory_space<vmem>>) target(%dma_start3A_41 : memref<104x64xf32, #tpu.memory_space<vmem_shared>>) target_semaphore(%run_scoped3A_35 : memref<!tpu.dma_semaphore, #tpu.memory_space<semaphore_mem>>)
        %dma_wait3A = arith.constant 9776 : i32
        %dma_wait3A_42 = arith.constant 0 : i32
        %dma_wait3A_43 = tpu.memref_slice %arg10[%dma_wait3A, %dma_wait3A_42] : memref<10000x64xf32, #tpu.memory_space<vmem_shared>> -> memref<104x64xf32, #tpu.memory_space<vmem_shared>>
        %dma_wait3A_44 = arith.constant 9776 : i32
        %dma_wait3A_45 = arith.constant 0 : i32
        %dma_wait3A_46 = tpu.memref_slice %arg10[%dma_wait3A_44, %dma_wait3A_45] : memref<10000x64xf32, #tpu.memory_space<vmem_shared>> -> memref<104x64xf32, #tpu.memory_space<vmem_shared>>
        tpu.wait_dma2 semaphore(%run_scoped3A_35 : memref<!tpu.dma_semaphore, #tpu.memory_space<semaphore_mem>>) src(%arg9 : memref<104x64xf32, #tpu.memory_space<vmem>>) dst(%dma_wait3A_46 : memref<104x64xf32, #tpu.memory_space<vmem_shared>>)
        tpu.yield
      }) : () -> ()
      "tpu.region"() ({
        %run_scoped3A_35 = tpu.sem_alloc : memref<!tpu.dma_semaphore, #tpu.memory_space<semaphore_mem>>
        %dma_start3A_36 = arith.constant 9880 : i32
        %dma_start3A_37 = arith.constant 0 : i32
        %dma_start3A_38 = tpu.memref_slice %arg10[%dma_start3A_36, %dma_start3A_37] : memref<10000x64xf32, #tpu.memory_space<vmem_shared>> -> memref<104x64xf32, #tpu.memory_space<vmem_shared>>
        %dma_start3A_39 = arith.constant 9880 : i32
        %dma_start3A_40 = arith.constant 0 : i32
        %dma_start3A_41 = tpu.memref_slice %arg10[%dma_start3A_39, %dma_start3A_40] : memref<10000x64xf32, #tpu.memory_space<vmem_shared>> -> memref<104x64xf32, #tpu.memory_space<vmem_shared>>
        tpu.enqueue_dma source(%arg9 : memref<104x64xf32, #tpu.memory_space<vmem>>) target(%dma_start3A_41 : memref<104x64xf32, #tpu.memory_space<vmem_shared>>) target_semaphore(%run_scoped3A_35 : memref<!tpu.dma_semaphore, #tpu.memory_space<semaphore_mem>>)
        %dma_wait3A = arith.constant 9880 : i32
        %dma_wait3A_42 = arith.constant 0 : i32
        %dma_wait3A_43 = tpu.memref_slice %arg10[%dma_wait3A, %dma_wait3A_42] : memref<10000x64xf32, #tpu.memory_space<vmem_shared>> -> memref<104x64xf32, #tpu.memory_space<vmem_shared>>
        %dma_wait3A_44 = arith.constant 9880 : i32
        %dma_wait3A_45 = arith.constant 0 : i32
        %dma_wait3A_46 = tpu.memref_slice %arg10[%dma_wait3A_44, %dma_wait3A_45] : memref<10000x64xf32, #tpu.memory_space<vmem_shared>> -> memref<104x64xf32, #tpu.memory_space<vmem_shared>>
        tpu.wait_dma2 semaphore(%run_scoped3A_35 : memref<!tpu.dma_semaphore, #tpu.memory_space<semaphore_mem>>) src(%arg9 : memref<104x64xf32, #tpu.memory_space<vmem>>) dst(%dma_wait3A_46 : memref<104x64xf32, #tpu.memory_space<vmem_shared>>)
        tpu.yield
      }) : () -> ()
      "tpu.region"() ({
        %run_scoped3A_35 = tpu.sem_alloc : memref<!tpu.dma_semaphore, #tpu.memory_space<semaphore_mem>>
        %dma_start3A_36 = arith.constant 0 : i32
        %dma_start3A_37 = arith.constant 0 : i32
        %dma_start3A_38 = tpu.memref_slice %arg9[%dma_start3A_36, %dma_start3A_37] : memref<104x64xf32, #tpu.memory_space<vmem>> -> memref<16x64xf32, #tpu.memory_space<vmem>>
        %dma_start3A_39 = arith.constant 9984 : i32
        %dma_start3A_40 = arith.constant 0 : i32
        %dma_start3A_41 = tpu.memref_slice %arg10[%dma_start3A_39, %dma_start3A_40] : memref<10000x64xf32, #tpu.memory_space<vmem_shared>> -> memref<16x64xf32, #tpu.memory_space<vmem_shared>>
        %dma_start3A_42 = arith.constant 9984 : i32
        %dma_start3A_43 = arith.constant 0 : i32
        %dma_start3A_44 = tpu.memref_slice %arg10[%dma_start3A_42, %dma_start3A_43] : memref<10000x64xf32, #tpu.memory_space<vmem_shared>> -> memref<16x64xf32, #tpu.memory_space<vmem_shared>>
        %dma_start3A_45 = arith.constant 0 : i32
        %dma_start3A_46 = arith.constant 0 : i32
        %dma_start3A_47 = tpu.memref_slice %arg9[%dma_start3A_45, %dma_start3A_46] : memref<104x64xf32, #tpu.memory_space<vmem>> -> memref<16x64xf32, #tpu.memory_space<vmem>>
        tpu.enqueue_dma source(%dma_start3A_47 : memref<16x64xf32, #tpu.memory_space<vmem>>) target(%dma_start3A_44 : memref<16x64xf32, #tpu.memory_space<vmem_shared>>) target_semaphore(%run_scoped3A_35 : memref<!tpu.dma_semaphore, #tpu.memory_space<semaphore_mem>>)
        %dma_wait3A = arith.constant 0 : i32
        %dma_wait3A_48 = arith.constant 0 : i32
        %dma_wait3A_49 = tpu.memref_slice %arg9[%dma_wait3A, %dma_wait3A_48] : memref<104x64xf32, #tpu.memory_space<vmem>> -> memref<16x64xf32, #tpu.memory_space<vmem>>
        %dma_wait3A_50 = arith.constant 9984 : i32
        %dma_wait3A_51 = arith.constant 0 : i32
        %dma_wait3A_52 = tpu.memref_slice %arg10[%dma_wait3A_50, %dma_wait3A_51] : memref<10000x64xf32, #tpu.memory_space<vmem_shared>> -> memref<16x64xf32, #tpu.memory_space<vmem_shared>>
        %dma_wait3A_53 = arith.constant 9984 : i32
        %dma_wait3A_54 = arith.constant 0 : i32
        %dma_wait3A_55 = tpu.memref_slice %arg10[%dma_wait3A_53, %dma_wait3A_54] : memref<10000x64xf32, #tpu.memory_space<vmem_shared>> -> memref<16x64xf32, #tpu.memory_space<vmem_shared>>
        %dma_wait3A_56 = arith.constant 0 : i32
        %dma_wait3A_57 = arith.constant 0 : i32
        %dma_wait3A_58 = tpu.memref_slice %arg9[%dma_wait3A_56, %dma_wait3A_57] : memref<104x64xf32, #tpu.memory_space<vmem>> -> memref<16x64xf32, #tpu.memory_space<vmem>>
        tpu.wait_dma2 semaphore(%run_scoped3A_35 : memref<!tpu.dma_semaphore, #tpu.memory_space<semaphore_mem>>) src(%dma_wait3A_58 : memref<16x64xf32, #tpu.memory_space<vmem>>) dst(%dma_wait3A_55 : memref<16x64xf32, #tpu.memory_space<vmem_shared>>)
        tpu.yield
      }) : () -> ()
    } else {
    }
    %barrier3A = arith.constant 0 : index
    tpu.barrier barrier_id(%barrier3A)
    %dma_start3A = arith.constant 0 : i32
    %dma_start3A_15 = arith.constant 0 : i32
    %dma_start3A_16 = tpu.memref_slice %arg5[%dma_start3A, %dma_start3A_15] : memref<20x500xi32, #tpu.memory_space<vmem>> -> memref<1x500xi32, #tpu.memory_space<vmem>>
    %dma_start3A_17 = tpu.memref_squeeze %dma_start3A_16 : memref<1x500xi32, #tpu.memory_space<vmem>> -> memref<500xi32, #tpu.memory_space<vmem>>
    %dma_start3A_18 = arith.constant 0 : i32
    %dma_start3A_19 = arith.constant 0 : i32
    %dma_start3A_20 = tpu.memref_slice %arg2[%dma_start3A_18, %dma_start3A_19] : memref<10000x64xf32, #tpu.memory_space<hbm>> -> memref<10000x64xf32, #tpu.memory_space<hbm>>
    tpu.enqueue_indirect_dma source(%dma_start3A_20 : memref<10000x64xf32, #tpu.memory_space<hbm>>) target(%arg7 : memref<500x64xf32, #tpu.memory_space<vmem>>) offsets(%dma_start3A_17 : memref<500xi32, #tpu.memory_space<vmem>>) semaphore(%arg11 : memref<!tpu.dma_semaphore, #tpu.memory_space<semaphore_mem>>)
    %scan3A_21 = arith.constant 0 : i32
    %scan3A_22 = arith.constant 10 : i32
    %scan3A_23 = arith.addi %scan3A_21, %scan3A_22 : i32
    %scan3A_24 = arith.constant 1 : i32
    scf.for %scan3A_35 = %scan3A_21 to %scan3A_23 step %scan3A_24  : i32 {
      %mul3A_36 = arith.constant 2 : i32
      %mul3A_37 = arith.muli %scan3A_35, %mul3A_36 : i32
      %add3A_38 = arith.constant 1 : i32
      %add3A_39 = arith.addi %mul3A_37, %add3A_38 : i32
      %dma_start3A_40 = arith.constant 0 : i32
      %dma_start3A_41 = tpu.memref_slice %arg5[%add3A_39, %dma_start3A_40] : memref<20x500xi32, #tpu.memory_space<vmem>> -> memref<1x500xi32, #tpu.memory_space<vmem>>
      %dma_start3A_42 = tpu.memref_squeeze %dma_start3A_41 : memref<1x500xi32, #tpu.memory_space<vmem>> -> memref<500xi32, #tpu.memory_space<vmem>>
      %dma_start3A_43 = arith.constant 0 : i32
      %dma_start3A_44 = arith.constant 0 : i32
      %dma_start3A_45 = tpu.memref_slice %arg2[%dma_start3A_43, %dma_start3A_44] : memref<10000x64xf32, #tpu.memory_space<hbm>> -> memref<10000x64xf32, #tpu.memory_space<hbm>>
      tpu.enqueue_indirect_dma source(%dma_start3A_45 : memref<10000x64xf32, #tpu.memory_space<hbm>>) target(%arg8 : memref<500x64xf32, #tpu.memory_space<vmem>>) offsets(%dma_start3A_42 : memref<500xi32, #tpu.memory_space<vmem>>) semaphore(%arg12 : memref<!tpu.dma_semaphore, #tpu.memory_space<semaphore_mem>>)
      %dma_wait3A = arith.constant 0 : i32
      %dma_wait3A_46 = tpu.memref_slice %arg5[%mul3A_37, %dma_wait3A] : memref<20x500xi32, #tpu.memory_space<vmem>> -> memref<1x500xi32, #tpu.memory_space<vmem>>
      %dma_wait3A_47 = tpu.memref_squeeze %dma_wait3A_46 : memref<1x500xi32, #tpu.memory_space<vmem>> -> memref<500xi32, #tpu.memory_space<vmem>>
      %dma_wait3A_48 = arith.constant 0 : i32
      %dma_wait3A_49 = arith.constant 0 : i32
      %dma_wait3A_50 = tpu.memref_slice %arg2[%dma_wait3A_48, %dma_wait3A_49] : memref<10000x64xf32, #tpu.memory_space<hbm>> -> memref<10000x64xf32, #tpu.memory_space<hbm>>
      tpu.wait_indirect_dma semaphore(%arg11 : memref<!tpu.dma_semaphore, #tpu.memory_space<semaphore_mem>>) src(%dma_wait3A_50 : memref<10000x64xf32, #tpu.memory_space<hbm>>) dst(%arg7 : memref<500x64xf32, #tpu.memory_space<vmem>>)
      "tpu.region"() ({
        %run_scoped3A_67 = tpu.sem_alloc : memref<!tpu.dma_semaphore, #tpu.memory_space<semaphore_mem>>
        %dma_start3A_68 = arith.constant 0 : i32
        %dma_start3A_69 = tpu.memref_slice %arg6[%mul3A_37, %dma_start3A_68] : memref<20x500xi32, #tpu.memory_space<vmem>> -> memref<1x500xi32, #tpu.memory_space<vmem>>
        %dma_start3A_70 = tpu.memref_squeeze %dma_start3A_69 : memref<1x500xi32, #tpu.memory_space<vmem>> -> memref<500xi32, #tpu.memory_space<vmem>>
        %dma_start3A_71 = arith.constant 0 : i32
        %dma_start3A_72 = arith.constant 0 : i32
        %dma_start3A_73 = tpu.memref_slice %arg10[%dma_start3A_71, %dma_start3A_72] : memref<10000x64xf32, #tpu.memory_space<vmem_shared>> -> memref<10000x64xf32, #tpu.memory_space<vmem_shared>>
        tpu.enqueue_indirect_dma source(%arg7 : memref<500x64xf32, #tpu.memory_space<vmem>>) target(%dma_start3A_73 : memref<10000x64xf32, #tpu.memory_space<vmem_shared>>) offsets(%dma_start3A_70 : memref<500xi32, #tpu.memory_space<vmem>>) semaphore(%run_scoped3A_67 : memref<!tpu.dma_semaphore, #tpu.memory_space<semaphore_mem>>) {add = true}
        %dma_wait3A_74 = arith.constant 0 : i32
        %dma_wait3A_75 = tpu.memref_slice %arg6[%mul3A_37, %dma_wait3A_74] : memref<20x500xi32, #tpu.memory_space<vmem>> -> memref<1x500xi32, #tpu.memory_space<vmem>>
        %dma_wait3A_76 = tpu.memref_squeeze %dma_wait3A_75 : memref<1x500xi32, #tpu.memory_space<vmem>> -> memref<500xi32, #tpu.memory_space<vmem>>
        %dma_wait3A_77 = arith.constant 0 : i32
        %dma_wait3A_78 = arith.constant 0 : i32
        %dma_wait3A_79 = tpu.memref_slice %arg10[%dma_wait3A_77, %dma_wait3A_78] : memref<10000x64xf32, #tpu.memory_space<vmem_shared>> -> memref<10000x64xf32, #tpu.memory_space<vmem_shared>>
        tpu.wait_indirect_dma semaphore(%run_scoped3A_67 : memref<!tpu.dma_semaphore, #tpu.memory_space<semaphore_mem>>) src(%arg7 : memref<500x64xf32, #tpu.memory_space<vmem>>) dst(%dma_wait3A_79 : memref<10000x64xf32, #tpu.memory_space<vmem_shared>>)
        tpu.yield
      }) : () -> ()
      %add3A_51 = arith.constant 2 : i32
      %add3A_52 = arith.addi %mul3A_37, %add3A_51 : i32
      %lt3A = arith.constant 20 : i32
      %lt3A_53 = arith.cmpi slt, %add3A_52, %lt3A : i32
      %convert_element_type3A_54 = arith.extui %lt3A_53 : i1 to i32
      %cond3A_55 = arith.constant 0 : i32
      %cond3A_56 = arith.cmpi ne, %convert_element_type3A_54, %cond3A_55 : i32
      scf.if %cond3A_56 {
        %add3A_67 = arith.constant 2 : i32
        %add3A_68 = arith.addi %mul3A_37, %add3A_67 : i32
        %dma_start3A_69 = arith.constant 0 : i32
        %dma_start3A_70 = tpu.memref_slice %arg5[%add3A_68, %dma_start3A_69] : memref<20x500xi32, #tpu.memory_space<vmem>> -> memref<1x500xi32, #tpu.memory_space<vmem>>
        %dma_start3A_71 = tpu.memref_squeeze %dma_start3A_70 : memref<1x500xi32, #tpu.memory_space<vmem>> -> memref<500xi32, #tpu.memory_space<vmem>>
        %dma_start3A_72 = arith.constant 0 : i32
        %dma_start3A_73 = arith.constant 0 : i32
        %dma_start3A_74 = tpu.memref_slice %arg2[%dma_start3A_72, %dma_start3A_73] : memref<10000x64xf32, #tpu.memory_space<hbm>> -> memref<10000x64xf32, #tpu.memory_space<hbm>>
        tpu.enqueue_indirect_dma source(%dma_start3A_74 : memref<10000x64xf32, #tpu.memory_space<hbm>>) target(%arg7 : memref<500x64xf32, #tpu.memory_space<vmem>>) offsets(%dma_start3A_71 : memref<500xi32, #tpu.memory_space<vmem>>) semaphore(%arg11 : memref<!tpu.dma_semaphore, #tpu.memory_space<semaphore_mem>>)
      } else {
      }
      %add3A_57 = arith.constant 1 : i32
      %add3A_58 = arith.addi %mul3A_37, %add3A_57 : i32
      %dma_wait3A_59 = arith.constant 0 : i32
      %dma_wait3A_60 = tpu.memref_slice %arg5[%add3A_58, %dma_wait3A_59] : memref<20x500xi32, #tpu.memory_space<vmem>> -> memref<1x500xi32, #tpu.memory_space<vmem>>
      %dma_wait3A_61 = tpu.memref_squeeze %dma_wait3A_60 : memref<1x500xi32, #tpu.memory_space<vmem>> -> memref<500xi32, #tpu.memory_space<vmem>>
      %dma_wait3A_62 = arith.constant 0 : i32
      %dma_wait3A_63 = arith.constant 0 : i32
      %dma_wait3A_64 = tpu.memref_slice %arg2[%dma_wait3A_62, %dma_wait3A_63] : memref<10000x64xf32, #tpu.memory_space<hbm>> -> memref<10000x64xf32, #tpu.memory_space<hbm>>
      tpu.wait_indirect_dma semaphore(%arg12 : memref<!tpu.dma_semaphore, #tpu.memory_space<semaphore_mem>>) src(%dma_wait3A_64 : memref<10000x64xf32, #tpu.memory_space<hbm>>) dst(%arg8 : memref<500x64xf32, #tpu.memory_space<vmem>>)
      %add3A_65 = arith.constant 1 : i32
      %add3A_66 = arith.addi %mul3A_37, %add3A_65 : i32
      "tpu.region"() ({
        %run_scoped3A_67 = tpu.sem_alloc : memref<!tpu.dma_semaphore, #tpu.memory_space<semaphore_mem>>
        %dma_start3A_68 = arith.constant 0 : i32
        %dma_start3A_69 = tpu.memref_slice %arg6[%add3A_66, %dma_start3A_68] : memref<20x500xi32, #tpu.memory_space<vmem>> -> memref<1x500xi32, #tpu.memory_space<vmem>>
        %dma_start3A_70 = tpu.memref_squeeze %dma_start3A_69 : memref<1x500xi32, #tpu.memory_space<vmem>> -> memref<500xi32, #tpu.memory_space<vmem>>
        %dma_start3A_71 = arith.constant 0 : i32
        %dma_start3A_72 = arith.constant 0 : i32
        %dma_start3A_73 = tpu.memref_slice %arg10[%dma_start3A_71, %dma_start3A_72] : memref<10000x64xf32, #tpu.memory_space<vmem_shared>> -> memref<10000x64xf32, #tpu.memory_space<vmem_shared>>
        tpu.enqueue_indirect_dma source(%arg8 : memref<500x64xf32, #tpu.memory_space<vmem>>) target(%dma_start3A_73 : memref<10000x64xf32, #tpu.memory_space<vmem_shared>>) offsets(%dma_start3A_70 : memref<500xi32, #tpu.memory_space<vmem>>) semaphore(%run_scoped3A_67 : memref<!tpu.dma_semaphore, #tpu.memory_space<semaphore_mem>>) {add = true}
        %dma_wait3A_74 = arith.constant 0 : i32
        %dma_wait3A_75 = tpu.memref_slice %arg6[%add3A_66, %dma_wait3A_74] : memref<20x500xi32, #tpu.memory_space<vmem>> -> memref<1x500xi32, #tpu.memory_space<vmem>>
        %dma_wait3A_76 = tpu.memref_squeeze %dma_wait3A_75 : memref<1x500xi32, #tpu.memory_space<vmem>> -> memref<500xi32, #tpu.memory_space<vmem>>
        %dma_wait3A_77 = arith.constant 0 : i32
        %dma_wait3A_78 = arith.constant 0 : i32
        %dma_wait3A_79 = tpu.memref_slice %arg10[%dma_wait3A_77, %dma_wait3A_78] : memref<10000x64xf32, #tpu.memory_space<vmem_shared>> -> memref<10000x64xf32, #tpu.memory_space<vmem_shared>>
        tpu.wait_indirect_dma semaphore(%run_scoped3A_67 : memref<!tpu.dma_semaphore, #tpu.memory_space<semaphore_mem>>) src(%arg8 : memref<500x64xf32, #tpu.memory_space<vmem>>) dst(%dma_wait3A_79 : memref<10000x64xf32, #tpu.memory_space<vmem_shared>>)
        tpu.yield
      }) : () -> ()
    }
    %scan3A_25 = arith.constant 10 : i32
    %barrier3A_26 = arith.constant 0 : index
    tpu.barrier barrier_id(%barrier3A_26)
    %not3A_27 = arith.constant true
    %not3A_28 = arith.xori %eq3A_9, %not3A_27 : i1
    %convert_element_type3A_29 = arith.extui %not3A_28 : i1 to i32
    %cond3A_30 = arith.constant 0 : i32
    %cond3A_31 = arith.cmpi ne, %convert_element_type3A_29, %cond3A_30 : i32
    scf.if %cond3A_31 {
      %add3A_35 = arith.constant 0 : i32
      %add3A_36 = arith.addi %mul3A_8, %add3A_35 : i32
      "tpu.region"() ({
        %run_scoped3A_77 = tpu.sem_alloc : memref<!tpu.dma_semaphore, #tpu.memory_space<semaphore_mem>>
        %dma_start3A_78 = arith.constant 0 : i32
        %dma_start3A_79 = tpu.memref_slice %arg10[%add3A_36, %dma_start3A_78] : memref<10000x64xf32, #tpu.memory_space<vmem_shared>> -> memref<104x64xf32, #tpu.memory_space<vmem_shared>>
        %dma_start3A_80 = arith.constant 0 : i32
        %dma_start3A_81 = tpu.memref_slice %arg10[%add3A_36, %dma_start3A_80] : memref<10000x64xf32, #tpu.memory_space<vmem_shared>> -> memref<104x64xf32, #tpu.memory_space<vmem_shared>>
        tpu.enqueue_dma source(%dma_start3A_81 : memref<104x64xf32, #tpu.memory_space<vmem_shared>>) target(%arg9 : memref<104x64xf32, #tpu.memory_space<vmem>>) target_semaphore(%run_scoped3A_77 : memref<!tpu.dma_semaphore, #tpu.memory_space<semaphore_mem>>)
        %dma_wait3A = arith.constant 0 : i32
        %dma_wait3A_82 = tpu.memref_slice %arg10[%add3A_36, %dma_wait3A] : memref<10000x64xf32, #tpu.memory_space<vmem_shared>> -> memref<104x64xf32, #tpu.memory_space<vmem_shared>>
        %dma_wait3A_83 = arith.constant 0 : i32
        %dma_wait3A_84 = tpu.memref_slice %arg10[%add3A_36, %dma_wait3A_83] : memref<10000x64xf32, #tpu.memory_space<vmem_shared>> -> memref<104x64xf32, #tpu.memory_space<vmem_shared>>
        tpu.wait_dma2 semaphore(%run_scoped3A_77 : memref<!tpu.dma_semaphore, #tpu.memory_space<semaphore_mem>>) src(%dma_wait3A_84 : memref<104x64xf32, #tpu.memory_space<vmem_shared>>) dst(%arg9 : memref<104x64xf32, #tpu.memory_space<vmem>>)
        tpu.yield
      }) : () -> ()
      %mul3A_37 = arith.constant 10000 : i32
      %mul3A_38 = arith.muli %arg0, %mul3A_37 : i32
      %add3A_39 = arith.addi %mul3A_38, %mul3A_8 : i32
      %add3A_40 = arith.constant 0 : i32
      %add3A_41 = arith.addi %add3A_39, %add3A_40 : i32
      "tpu.region"() ({
        %run_scoped3A_77 = tpu.sem_alloc : memref<!tpu.dma_semaphore, #tpu.memory_space<semaphore_mem>>
        %dma_start3A_78 = arith.constant 0 : i32
        %dma_start3A_79 = tpu.memref_slice %arg4[%add3A_41, %dma_start3A_78] : memref<20000x64xf32, #tpu.memory_space<hbm>> -> memref<104x64xf32, #tpu.memory_space<hbm>>
        %dma_start3A_80 = arith.constant 0 : i32
        %dma_start3A_81 = tpu.memref_slice %arg4[%add3A_41, %dma_start3A_80] : memref<20000x64xf32, #tpu.memory_space<hbm>> -> memref<104x64xf32, #tpu.memory_space<hbm>>
        tpu.enqueue_dma source(%arg9 : memref<104x64xf32, #tpu.memory_space<vmem>>) target(%dma_start3A_81 : memref<104x64xf32, #tpu.memory_space<hbm>>) target_semaphore(%run_scoped3A_77 : memref<!tpu.dma_semaphore, #tpu.memory_space<semaphore_mem>>)
        %dma_wait3A = arith.constant 0 : i32
        %dma_wait3A_82 = tpu.memref_slice %arg4[%add3A_41, %dma_wait3A] : memref<20000x64xf32, #tpu.memory_space<hbm>> -> memref<104x64xf32, #tpu.memory_space<hbm>>
        %dma_wait3A_83 = arith.constant 0 : i32
        %dma_wait3A_84 = tpu.memref_slice %arg4[%add3A_41, %dma_wait3A_83] : memref<20000x64xf32, #tpu.memory_space<hbm>> -> memref<104x64xf32, #tpu.memory_space<hbm>>
        tpu.wait_dma2 semaphore(%run_scoped3A_77 : memref<!tpu.dma_semaphore, #tpu.memory_space<semaphore_mem>>) src(%arg9 : memref<104x64xf32, #tpu.memory_space<vmem>>) dst(%dma_wait3A_84 : memref<104x64xf32, #tpu.memory_space<hbm>>)
        tpu.yield
      }) : () -> ()
      %add3A_42 = arith.constant 104 : i32
      %add3A_43 = arith.addi %mul3A_8, %add3A_42 : i32
      "tpu.region"() ({
        %run_scoped3A_77 = tpu.sem_alloc : memref<!tpu.dma_semaphore, #tpu.memory_space<semaphore_mem>>
        %dma_start3A_78 = arith.constant 0 : i32
        %dma_start3A_79 = tpu.memref_slice %arg10[%add3A_43, %dma_start3A_78] : memref<10000x64xf32, #tpu.memory_space<vmem_shared>> -> memref<104x64xf32, #tpu.memory_space<vmem_shared>>
        %dma_start3A_80 = arith.constant 0 : i32
        %dma_start3A_81 = tpu.memref_slice %arg10[%add3A_43, %dma_start3A_80] : memref<10000x64xf32, #tpu.memory_space<vmem_shared>> -> memref<104x64xf32, #tpu.memory_space<vmem_shared>>
        tpu.enqueue_dma source(%dma_start3A_81 : memref<104x64xf32, #tpu.memory_space<vmem_shared>>) target(%arg9 : memref<104x64xf32, #tpu.memory_space<vmem>>) target_semaphore(%run_scoped3A_77 : memref<!tpu.dma_semaphore, #tpu.memory_space<semaphore_mem>>)
        %dma_wait3A = arith.constant 0 : i32
        %dma_wait3A_82 = tpu.memref_slice %arg10[%add3A_43, %dma_wait3A] : memref<10000x64xf32, #tpu.memory_space<vmem_shared>> -> memref<104x64xf32, #tpu.memory_space<vmem_shared>>
        %dma_wait3A_83 = arith.constant 0 : i32
        %dma_wait3A_84 = tpu.memref_slice %arg10[%add3A_43, %dma_wait3A_83] : memref<10000x64xf32, #tpu.memory_space<vmem_shared>> -> memref<104x64xf32, #tpu.memory_space<vmem_shared>>
        tpu.wait_dma2 semaphore(%run_scoped3A_77 : memref<!tpu.dma_semaphore, #tpu.memory_space<semaphore_mem>>) src(%dma_wait3A_84 : memref<104x64xf32, #tpu.memory_space<vmem_shared>>) dst(%arg9 : memref<104x64xf32, #tpu.memory_space<vmem>>)
        tpu.yield
      }) : () -> ()
      %mul3A_44 = arith.constant 10000 : i32
      %mul3A_45 = arith.muli %arg0, %mul3A_44 : i32
      %add3A_46 = arith.addi %mul3A_45, %mul3A_8 : i32
      %add3A_47 = arith.constant 104 : i32
      %add3A_48 = arith.addi %add3A_46, %add3A_47 : i32
      "tpu.region"() ({
        %run_scoped3A_77 = tpu.sem_alloc : memref<!tpu.dma_semaphore, #tpu.memory_space<semaphore_mem>>
        %dma_start3A_78 = arith.constant 0 : i32
        %dma_start3A_79 = tpu.memref_slice %arg4[%add3A_48, %dma_start3A_78] : memref<20000x64xf32, #tpu.memory_space<hbm>> -> memref<104x64xf32, #tpu.memory_space<hbm>>
        %dma_start3A_80 = arith.constant 0 : i32
        %dma_start3A_81 = tpu.memref_slice %arg4[%add3A_48, %dma_start3A_80] : memref<20000x64xf32, #tpu.memory_space<hbm>> -> memref<104x64xf32, #tpu.memory_space<hbm>>
        tpu.enqueue_dma source(%arg9 : memref<104x64xf32, #tpu.memory_space<vmem>>) target(%dma_start3A_81 : memref<104x64xf32, #tpu.memory_space<hbm>>) target_semaphore(%run_scoped3A_77 : memref<!tpu.dma_semaphore, #tpu.memory_space<semaphore_mem>>)
        %dma_wait3A = arith.constant 0 : i32
        %dma_wait3A_82 = tpu.memref_slice %arg4[%add3A_48, %dma_wait3A] : memref<20000x64xf32, #tpu.memory_space<hbm>> -> memref<104x64xf32, #tpu.memory_space<hbm>>
        %dma_wait3A_83 = arith.constant 0 : i32
        %dma_wait3A_84 = tpu.memref_slice %arg4[%add3A_48, %dma_wait3A_83] : memref<20000x64xf32, #tpu.memory_space<hbm>> -> memref<104x64xf32, #tpu.memory_space<hbm>>
        tpu.wait_dma2 semaphore(%run_scoped3A_77 : memref<!tpu.dma_semaphore, #tpu.memory_space<semaphore_mem>>) src(%arg9 : memref<104x64xf32, #tpu.memory_space<vmem>>) dst(%dma_wait3A_84 : memref<104x64xf32, #tpu.memory_space<hbm>>)
        tpu.yield
      }) : () -> ()
      %add3A_49 = arith.constant 208 : i32
      %add3A_50 = arith.addi %mul3A_8, %add3A_49 : i32
      "tpu.region"() ({
        %run_scoped3A_77 = tpu.sem_alloc : memref<!tpu.dma_semaphore, #tpu.memory_space<semaphore_mem>>
        %dma_start3A_78 = arith.constant 0 : i32
        %dma_start3A_79 = tpu.memref_slice %arg10[%add3A_50, %dma_start3A_78] : memref<10000x64xf32, #tpu.memory_space<vmem_shared>> -> memref<104x64xf32, #tpu.memory_space<vmem_shared>>
        %dma_start3A_80 = arith.constant 0 : i32
        %dma_start3A_81 = tpu.memref_slice %arg10[%add3A_50, %dma_start3A_80] : memref<10000x64xf32, #tpu.memory_space<vmem_shared>> -> memref<104x64xf32, #tpu.memory_space<vmem_shared>>
        tpu.enqueue_dma source(%dma_start3A_81 : memref<104x64xf32, #tpu.memory_space<vmem_shared>>) target(%arg9 : memref<104x64xf32, #tpu.memory_space<vmem>>) target_semaphore(%run_scoped3A_77 : memref<!tpu.dma_semaphore, #tpu.memory_space<semaphore_mem>>)
        %dma_wait3A = arith.constant 0 : i32
        %dma_wait3A_82 = tpu.memref_slice %arg10[%add3A_50, %dma_wait3A] : memref<10000x64xf32, #tpu.memory_space<vmem_shared>> -> memref<104x64xf32, #tpu.memory_space<vmem_shared>>
        %dma_wait3A_83 = arith.constant 0 : i32
        %dma_wait3A_84 = tpu.memref_slice %arg10[%add3A_50, %dma_wait3A_83] : memref<10000x64xf32, #tpu.memory_space<vmem_shared>> -> memref<104x64xf32, #tpu.memory_space<vmem_shared>>
        tpu.wait_dma2 semaphore(%run_scoped3A_77 : memref<!tpu.dma_semaphore, #tpu.memory_space<semaphore_mem>>) src(%dma_wait3A_84 : memref<104x64xf32, #tpu.memory_space<vmem_shared>>) dst(%arg9 : memref<104x64xf32, #tpu.memory_space<vmem>>)
        tpu.yield
      }) : () -> ()
      %mul3A_51 = arith.constant 10000 : i32
      %mul3A_52 = arith.muli %arg0, %mul3A_51 : i32
      %add3A_53 = arith.addi %mul3A_52, %mul3A_8 : i32
      %add3A_54 = arith.constant 208 : i32
      %add3A_55 = arith.addi %add3A_53, %add3A_54 : i32
      "tpu.region"() ({
        %run_scoped3A_77 = tpu.sem_alloc : memref<!tpu.dma_semaphore, #tpu.memory_space<semaphore_mem>>
        %dma_start3A_78 = arith.constant 0 : i32
        %dma_start3A_79 = tpu.memref_slice %arg4[%add3A_55, %dma_start3A_78] : memref<20000x64xf32, #tpu.memory_space<hbm>> -> memref<104x64xf32, #tpu.memory_space<hbm>>
        %dma_start3A_80 = arith.constant 0 : i32
        %dma_start3A_81 = tpu.memref_slice %arg4[%add3A_55, %dma_start3A_80] : memref<20000x64xf32, #tpu.memory_space<hbm>> -> memref<104x64xf32, #tpu.memory_space<hbm>>
        tpu.enqueue_dma source(%arg9 : memref<104x64xf32, #tpu.memory_space<vmem>>) target(%dma_start3A_81 : memref<104x64xf32, #tpu.memory_space<hbm>>) target_semaphore(%run_scoped3A_77 : memref<!tpu.dma_semaphore, #tpu.memory_space<semaphore_mem>>)
        %dma_wait3A = arith.constant 0 : i32
        %dma_wait3A_82 = tpu.memref_slice %arg4[%add3A_55, %dma_wait3A] : memref<20000x64xf32, #tpu.memory_space<hbm>> -> memref<104x64xf32, #tpu.memory_space<hbm>>
        %dma_wait3A_83 = arith.constant 0 : i32
        %dma_wait3A_84 = tpu.memref_slice %arg4[%add3A_55, %dma_wait3A_83] : memref<20000x64xf32, #tpu.memory_space<hbm>> -> memref<104x64xf32, #tpu.memory_space<hbm>>
        tpu.wait_dma2 semaphore(%run_scoped3A_77 : memref<!tpu.dma_semaphore, #tpu.memory_space<semaphore_mem>>) src(%arg9 : memref<104x64xf32, #tpu.memory_space<vmem>>) dst(%dma_wait3A_84 : memref<104x64xf32, #tpu.memory_space<hbm>>)
        tpu.yield
      }) : () -> ()
      %add3A_56 = arith.constant 312 : i32
      %add3A_57 = arith.addi %mul3A_8, %add3A_56 : i32
      "tpu.region"() ({
        %run_scoped3A_77 = tpu.sem_alloc : memref<!tpu.dma_semaphore, #tpu.memory_space<semaphore_mem>>
        %dma_start3A_78 = arith.constant 0 : i32
        %dma_start3A_79 = tpu.memref_slice %arg10[%add3A_57, %dma_start3A_78] : memref<10000x64xf32, #tpu.memory_space<vmem_shared>> -> memref<104x64xf32, #tpu.memory_space<vmem_shared>>
        %dma_start3A_80 = arith.constant 0 : i32
        %dma_start3A_81 = tpu.memref_slice %arg10[%add3A_57, %dma_start3A_80] : memref<10000x64xf32, #tpu.memory_space<vmem_shared>> -> memref<104x64xf32, #tpu.memory_space<vmem_shared>>
        tpu.enqueue_dma source(%dma_start3A_81 : memref<104x64xf32, #tpu.memory_space<vmem_shared>>) target(%arg9 : memref<104x64xf32, #tpu.memory_space<vmem>>) target_semaphore(%run_scoped3A_77 : memref<!tpu.dma_semaphore, #tpu.memory_space<semaphore_mem>>)
        %dma_wait3A = arith.constant 0 : i32
        %dma_wait3A_82 = tpu.memref_slice %arg10[%add3A_57, %dma_wait3A] : memref<10000x64xf32, #tpu.memory_space<vmem_shared>> -> memref<104x64xf32, #tpu.memory_space<vmem_shared>>
        %dma_wait3A_83 = arith.constant 0 : i32
        %dma_wait3A_84 = tpu.memref_slice %arg10[%add3A_57, %dma_wait3A_83] : memref<10000x64xf32, #tpu.memory_space<vmem_shared>> -> memref<104x64xf32, #tpu.memory_space<vmem_shared>>
        tpu.wait_dma2 semaphore(%run_scoped3A_77 : memref<!tpu.dma_semaphore, #tpu.memory_space<semaphore_mem>>) src(%dma_wait3A_84 : memref<104x64xf32, #tpu.memory_space<vmem_shared>>) dst(%arg9 : memref<104x64xf32, #tpu.memory_space<vmem>>)
        tpu.yield
      }) : () -> ()
      %mul3A_58 = arith.constant 10000 : i32
      %mul3A_59 = arith.muli %arg0, %mul3A_58 : i32
      %add3A_60 = arith.addi %mul3A_59, %mul3A_8 : i32
      %add3A_61 = arith.constant 312 : i32
      %add3A_62 = arith.addi %add3A_60, %add3A_61 : i32
      "tpu.region"() ({
        %run_scoped3A_77 = tpu.sem_alloc : memref<!tpu.dma_semaphore, #tpu.memory_space<semaphore_mem>>
        %dma_start3A_78 = arith.constant 0 : i32
        %dma_start3A_79 = tpu.memref_slice %arg4[%add3A_62, %dma_start3A_78] : memref<20000x64xf32, #tpu.memory_space<hbm>> -> memref<104x64xf32, #tpu.memory_space<hbm>>
        %dma_start3A_80 = arith.constant 0 : i32
        %dma_start3A_81 = tpu.memref_slice %arg4[%add3A_62, %dma_start3A_80] : memref<20000x64xf32, #tpu.memory_space<hbm>> -> memref<104x64xf32, #tpu.memory_space<hbm>>
        tpu.enqueue_dma source(%arg9 : memref<104x64xf32, #tpu.memory_space<vmem>>) target(%dma_start3A_81 : memref<104x64xf32, #tpu.memory_space<hbm>>) target_semaphore(%run_scoped3A_77 : memref<!tpu.dma_semaphore, #tpu.memory_space<semaphore_mem>>)
        %dma_wait3A = arith.constant 0 : i32
        %dma_wait3A_82 = tpu.memref_slice %arg4[%add3A_62, %dma_wait3A] : memref<20000x64xf32, #tpu.memory_space<hbm>> -> memref<104x64xf32, #tpu.memory_space<hbm>>
        %dma_wait3A_83 = arith.constant 0 : i32
        %dma_wait3A_84 = tpu.memref_slice %arg4[%add3A_62, %dma_wait3A_83] : memref<20000x64xf32, #tpu.memory_space<hbm>> -> memref<104x64xf32, #tpu.memory_space<hbm>>
        tpu.wait_dma2 semaphore(%run_scoped3A_77 : memref<!tpu.dma_semaphore, #tpu.memory_space<semaphore_mem>>) src(%arg9 : memref<104x64xf32, #tpu.memory_space<vmem>>) dst(%dma_wait3A_84 : memref<104x64xf32, #tpu.memory_space<hbm>>)
        tpu.yield
      }) : () -> ()
      %add3A_63 = arith.constant 416 : i32
      %add3A_64 = arith.addi %mul3A_8, %add3A_63 : i32
      "tpu.region"() ({
        %run_scoped3A_77 = tpu.sem_alloc : memref<!tpu.dma_semaphore, #tpu.memory_space<semaphore_mem>>
        %dma_start3A_78 = arith.constant 0 : i32
        %dma_start3A_79 = tpu.memref_slice %arg10[%add3A_64, %dma_start3A_78] : memref<10000x64xf32, #tpu.memory_space<vmem_shared>> -> memref<104x64xf32, #tpu.memory_space<vmem_shared>>
        %dma_start3A_80 = arith.constant 0 : i32
        %dma_start3A_81 = tpu.memref_slice %arg10[%add3A_64, %dma_start3A_80] : memref<10000x64xf32, #tpu.memory_space<vmem_shared>> -> memref<104x64xf32, #tpu.memory_space<vmem_shared>>
        tpu.enqueue_dma source(%dma_start3A_81 : memref<104x64xf32, #tpu.memory_space<vmem_shared>>) target(%arg9 : memref<104x64xf32, #tpu.memory_space<vmem>>) target_semaphore(%run_scoped3A_77 : memref<!tpu.dma_semaphore, #tpu.memory_space<semaphore_mem>>)
        %dma_wait3A = arith.constant 0 : i32
        %dma_wait3A_82 = tpu.memref_slice %arg10[%add3A_64, %dma_wait3A] : memref<10000x64xf32, #tpu.memory_space<vmem_shared>> -> memref<104x64xf32, #tpu.memory_space<vmem_shared>>
        %dma_wait3A_83 = arith.constant 0 : i32
        %dma_wait3A_84 = tpu.memref_slice %arg10[%add3A_64, %dma_wait3A_83] : memref<10000x64xf32, #tpu.memory_space<vmem_shared>> -> memref<104x64xf32, #tpu.memory_space<vmem_shared>>
        tpu.wait_dma2 semaphore(%run_scoped3A_77 : memref<!tpu.dma_semaphore, #tpu.memory_space<semaphore_mem>>) src(%dma_wait3A_84 : memref<104x64xf32, #tpu.memory_space<vmem_shared>>) dst(%arg9 : memref<104x64xf32, #tpu.memory_space<vmem>>)
        tpu.yield
      }) : () -> ()
      %mul3A_65 = arith.constant 10000 : i32
      %mul3A_66 = arith.muli %arg0, %mul3A_65 : i32
      %add3A_67 = arith.addi %mul3A_66, %mul3A_8 : i32
      %add3A_68 = arith.constant 416 : i32
      %add3A_69 = arith.addi %add3A_67, %add3A_68 : i32
      "tpu.region"() ({
        %run_scoped3A_77 = tpu.sem_alloc : memref<!tpu.dma_semaphore, #tpu.memory_space<semaphore_mem>>
        %dma_start3A_78 = arith.constant 0 : i32
        %dma_start3A_79 = tpu.memref_slice %arg4[%add3A_69, %dma_start3A_78] : memref<20000x64xf32, #tpu.memory_space<hbm>> -> memref<104x64xf32, #tpu.memory_space<hbm>>
        %dma_start3A_80 = arith.constant 0 : i32
        %dma_start3A_81 = tpu.memref_slice %arg4[%add3A_69, %dma_start3A_80] : memref<20000x64xf32, #tpu.memory_space<hbm>> -> memref<104x64xf32, #tpu.memory_space<hbm>>
        tpu.enqueue_dma source(%arg9 : memref<104x64xf32, #tpu.memory_space<vmem>>) target(%dma_start3A_81 : memref<104x64xf32, #tpu.memory_space<hbm>>) target_semaphore(%run_scoped3A_77 : memref<!tpu.dma_semaphore, #tpu.memory_space<semaphore_mem>>)
        %dma_wait3A = arith.constant 0 : i32
        %dma_wait3A_82 = tpu.memref_slice %arg4[%add3A_69, %dma_wait3A] : memref<20000x64xf32, #tpu.memory_space<hbm>> -> memref<104x64xf32, #tpu.memory_space<hbm>>
        %dma_wait3A_83 = arith.constant 0 : i32
        %dma_wait3A_84 = tpu.memref_slice %arg4[%add3A_69, %dma_wait3A_83] : memref<20000x64xf32, #tpu.memory_space<hbm>> -> memref<104x64xf32, #tpu.memory_space<hbm>>
        tpu.wait_dma2 semaphore(%run_scoped3A_77 : memref<!tpu.dma_semaphore, #tpu.memory_space<semaphore_mem>>) src(%arg9 : memref<104x64xf32, #tpu.memory_space<vmem>>) dst(%dma_wait3A_84 : memref<104x64xf32, #tpu.memory_space<hbm>>)
        tpu.yield
      }) : () -> ()
      %add3A_70 = arith.constant 520 : i32
      %add3A_71 = arith.addi %mul3A_8, %add3A_70 : i32
      "tpu.region"() ({
        %run_scoped3A_77 = tpu.sem_alloc : memref<!tpu.dma_semaphore, #tpu.memory_space<semaphore_mem>>
        %dma_start3A_78 = arith.constant 0 : i32
        %dma_start3A_79 = tpu.memref_slice %arg10[%add3A_71, %dma_start3A_78] : memref<10000x64xf32, #tpu.memory_space<vmem_shared>> -> memref<104x64xf32, #tpu.memory_space<vmem_shared>>
        %dma_start3A_80 = arith.constant 0 : i32
        %dma_start3A_81 = tpu.memref_slice %arg10[%add3A_71, %dma_start3A_80] : memref<10000x64xf32, #tpu.memory_space<vmem_shared>> -> memref<104x64xf32, #tpu.memory_space<vmem_shared>>
        tpu.enqueue_dma source(%dma_start3A_81 : memref<104x64xf32, #tpu.memory_space<vmem_shared>>) target(%arg9 : memref<104x64xf32, #tpu.memory_space<vmem>>) target_semaphore(%run_scoped3A_77 : memref<!tpu.dma_semaphore, #tpu.memory_space<semaphore_mem>>)
        %dma_wait3A = arith.constant 0 : i32
        %dma_wait3A_82 = tpu.memref_slice %arg10[%add3A_71, %dma_wait3A] : memref<10000x64xf32, #tpu.memory_space<vmem_shared>> -> memref<104x64xf32, #tpu.memory_space<vmem_shared>>
        %dma_wait3A_83 = arith.constant 0 : i32
        %dma_wait3A_84 = tpu.memref_slice %arg10[%add3A_71, %dma_wait3A_83] : memref<10000x64xf32, #tpu.memory_space<vmem_shared>> -> memref<104x64xf32, #tpu.memory_space<vmem_shared>>
        tpu.wait_dma2 semaphore(%run_scoped3A_77 : memref<!tpu.dma_semaphore, #tpu.memory_space<semaphore_mem>>) src(%dma_wait3A_84 : memref<104x64xf32, #tpu.memory_space<vmem_shared>>) dst(%arg9 : memref<104x64xf32, #tpu.memory_space<vmem>>)
        tpu.yield
      }) : () -> ()
      %mul3A_72 = arith.constant 10000 : i32
      %mul3A_73 = arith.muli %arg0, %mul3A_72 : i32
      %add3A_74 = arith.addi %mul3A_73, %mul3A_8 : i32
      %add3A_75 = arith.constant 520 : i32
      %add3A_76 = arith.addi %add3A_74, %add3A_75 : i32
      "tpu.region"() ({
        %run_scoped3A_77 = tpu.sem_alloc : memref<!tpu.dma_semaphore, #tpu.memory_space<semaphore_mem>>
        %dma_start3A_78 = arith.constant 0 : i32
        %dma_start3A_79 = tpu.memref_slice %arg4[%add3A_76, %dma_start3A_78] : memref<20000x64xf32, #tpu.memory_space<hbm>> -> memref<104x64xf32, #tpu.memory_space<hbm>>
        %dma_start3A_80 = arith.constant 0 : i32
        %dma_start3A_81 = tpu.memref_slice %arg4[%add3A_76, %dma_start3A_80] : memref<20000x64xf32, #tpu.memory_space<hbm>> -> memref<104x64xf32, #tpu.memory_space<hbm>>
        tpu.enqueue_dma source(%arg9 : memref<104x64xf32, #tpu.memory_space<vmem>>) target(%dma_start3A_81 : memref<104x64xf32, #tpu.memory_space<hbm>>) target_semaphore(%run_scoped3A_77 : memref<!tpu.dma_semaphore, #tpu.memory_space<semaphore_mem>>)
        %dma_wait3A = arith.constant 0 : i32
        %dma_wait3A_82 = tpu.memref_slice %arg4[%add3A_76, %dma_wait3A] : memref<20000x64xf32, #tpu.memory_space<hbm>> -> memref<104x64xf32, #tpu.memory_space<hbm>>
        %dma_wait3A_83 = arith.constant 0 : i32
        %dma_wait3A_84 = tpu.memref_slice %arg4[%add3A_76, %dma_wait3A_83] : memref<20000x64xf32, #tpu.memory_space<hbm>> -> memref<104x64xf32, #tpu.memory_space<hbm>>
        tpu.wait_dma2 semaphore(%run_scoped3A_77 : memref<!tpu.dma_semaphore, #tpu.memory_space<semaphore_mem>>) src(%arg9 : memref<104x64xf32, #tpu.memory_space<vmem>>) dst(%dma_wait3A_84 : memref<104x64xf32, #tpu.memory_space<hbm>>)
        tpu.yield
      }) : () -> ()
    } else {
    }
    %convert_element_type3A_32 = arith.extui %eq3A_9 : i1 to i32
    %cond3A_33 = arith.constant 0 : i32
    %cond3A_34 = arith.cmpi ne, %convert_element_type3A_32, %cond3A_33 : i32
    scf.if %cond3A_34 {
      "tpu.region"() ({
        %run_scoped3A_77 = tpu.sem_alloc : memref<!tpu.dma_semaphore, #tpu.memory_space<semaphore_mem>>
        %dma_start3A_78 = arith.constant 9360 : i32
        %dma_start3A_79 = arith.constant 0 : i32
        %dma_start3A_80 = tpu.memref_slice %arg10[%dma_start3A_78, %dma_start3A_79] : memref<10000x64xf32, #tpu.memory_space<vmem_shared>> -> memref<104x64xf32, #tpu.memory_space<vmem_shared>>
        %dma_start3A_81 = arith.constant 9360 : i32
        %dma_start3A_82 = arith.constant 0 : i32
        %dma_start3A_83 = tpu.memref_slice %arg10[%dma_start3A_81, %dma_start3A_82] : memref<10000x64xf32, #tpu.memory_space<vmem_shared>> -> memref<104x64xf32, #tpu.memory_space<vmem_shared>>
        tpu.enqueue_dma source(%dma_start3A_83 : memref<104x64xf32, #tpu.memory_space<vmem_shared>>) target(%arg9 : memref<104x64xf32, #tpu.memory_space<vmem>>) target_semaphore(%run_scoped3A_77 : memref<!tpu.dma_semaphore, #tpu.memory_space<semaphore_mem>>)
        %dma_wait3A = arith.constant 9360 : i32
        %dma_wait3A_84 = arith.constant 0 : i32
        %dma_wait3A_85 = tpu.memref_slice %arg10[%dma_wait3A, %dma_wait3A_84] : memref<10000x64xf32, #tpu.memory_space<vmem_shared>> -> memref<104x64xf32, #tpu.memory_space<vmem_shared>>
        %dma_wait3A_86 = arith.constant 9360 : i32
        %dma_wait3A_87 = arith.constant 0 : i32
        %dma_wait3A_88 = tpu.memref_slice %arg10[%dma_wait3A_86, %dma_wait3A_87] : memref<10000x64xf32, #tpu.memory_space<vmem_shared>> -> memref<104x64xf32, #tpu.memory_space<vmem_shared>>
        tpu.wait_dma2 semaphore(%run_scoped3A_77 : memref<!tpu.dma_semaphore, #tpu.memory_space<semaphore_mem>>) src(%dma_wait3A_88 : memref<104x64xf32, #tpu.memory_space<vmem_shared>>) dst(%arg9 : memref<104x64xf32, #tpu.memory_space<vmem>>)
        tpu.yield
      }) : () -> ()
      %mul3A_35 = arith.constant 10000 : i32
      %mul3A_36 = arith.muli %arg0, %mul3A_35 : i32
      %add3A_37 = arith.constant 9360 : i32
      %add3A_38 = arith.addi %mul3A_36, %add3A_37 : i32
      %add3A_39 = arith.constant 0 : i32
      %add3A_40 = arith.addi %add3A_38, %add3A_39 : i32
      "tpu.region"() ({
        %run_scoped3A_77 = tpu.sem_alloc : memref<!tpu.dma_semaphore, #tpu.memory_space<semaphore_mem>>
        %dma_start3A_78 = arith.constant 0 : i32
        %dma_start3A_79 = tpu.memref_slice %arg4[%add3A_40, %dma_start3A_78] : memref<20000x64xf32, #tpu.memory_space<hbm>> -> memref<104x64xf32, #tpu.memory_space<hbm>>
        %dma_start3A_80 = arith.constant 0 : i32
        %dma_start3A_81 = tpu.memref_slice %arg4[%add3A_40, %dma_start3A_80] : memref<20000x64xf32, #tpu.memory_space<hbm>> -> memref<104x64xf32, #tpu.memory_space<hbm>>
        tpu.enqueue_dma source(%arg9 : memref<104x64xf32, #tpu.memory_space<vmem>>) target(%dma_start3A_81 : memref<104x64xf32, #tpu.memory_space<hbm>>) target_semaphore(%run_scoped3A_77 : memref<!tpu.dma_semaphore, #tpu.memory_space<semaphore_mem>>)
        %dma_wait3A = arith.constant 0 : i32
        %dma_wait3A_82 = tpu.memref_slice %arg4[%add3A_40, %dma_wait3A] : memref<20000x64xf32, #tpu.memory_space<hbm>> -> memref<104x64xf32, #tpu.memory_space<hbm>>
        %dma_wait3A_83 = arith.constant 0 : i32
        %dma_wait3A_84 = tpu.memref_slice %arg4[%add3A_40, %dma_wait3A_83] : memref<20000x64xf32, #tpu.memory_space<hbm>> -> memref<104x64xf32, #tpu.memory_space<hbm>>
        tpu.wait_dma2 semaphore(%run_scoped3A_77 : memref<!tpu.dma_semaphore, #tpu.memory_space<semaphore_mem>>) src(%arg9 : memref<104x64xf32, #tpu.memory_space<vmem>>) dst(%dma_wait3A_84 : memref<104x64xf32, #tpu.memory_space<hbm>>)
        tpu.yield
      }) : () -> ()
      "tpu.region"() ({
        %run_scoped3A_77 = tpu.sem_alloc : memref<!tpu.dma_semaphore, #tpu.memory_space<semaphore_mem>>
        %dma_start3A_78 = arith.constant 9464 : i32
        %dma_start3A_79 = arith.constant 0 : i32
        %dma_start3A_80 = tpu.memref_slice %arg10[%dma_start3A_78, %dma_start3A_79] : memref<10000x64xf32, #tpu.memory_space<vmem_shared>> -> memref<104x64xf32, #tpu.memory_space<vmem_shared>>
        %dma_start3A_81 = arith.constant 9464 : i32
        %dma_start3A_82 = arith.constant 0 : i32
        %dma_start3A_83 = tpu.memref_slice %arg10[%dma_start3A_81, %dma_start3A_82] : memref<10000x64xf32, #tpu.memory_space<vmem_shared>> -> memref<104x64xf32, #tpu.memory_space<vmem_shared>>
        tpu.enqueue_dma source(%dma_start3A_83 : memref<104x64xf32, #tpu.memory_space<vmem_shared>>) target(%arg9 : memref<104x64xf32, #tpu.memory_space<vmem>>) target_semaphore(%run_scoped3A_77 : memref<!tpu.dma_semaphore, #tpu.memory_space<semaphore_mem>>)
        %dma_wait3A = arith.constant 9464 : i32
        %dma_wait3A_84 = arith.constant 0 : i32
        %dma_wait3A_85 = tpu.memref_slice %arg10[%dma_wait3A, %dma_wait3A_84] : memref<10000x64xf32, #tpu.memory_space<vmem_shared>> -> memref<104x64xf32, #tpu.memory_space<vmem_shared>>
        %dma_wait3A_86 = arith.constant 9464 : i32
        %dma_wait3A_87 = arith.constant 0 : i32
        %dma_wait3A_88 = tpu.memref_slice %arg10[%dma_wait3A_86, %dma_wait3A_87] : memref<10000x64xf32, #tpu.memory_space<vmem_shared>> -> memref<104x64xf32, #tpu.memory_space<vmem_shared>>
        tpu.wait_dma2 semaphore(%run_scoped3A_77 : memref<!tpu.dma_semaphore, #tpu.memory_space<semaphore_mem>>) src(%dma_wait3A_88 : memref<104x64xf32, #tpu.memory_space<vmem_shared>>) dst(%arg9 : memref<104x64xf32, #tpu.memory_space<vmem>>)
        tpu.yield
      }) : () -> ()
      %mul3A_41 = arith.constant 10000 : i32
      %mul3A_42 = arith.muli %arg0, %mul3A_41 : i32
      %add3A_43 = arith.constant 9360 : i32
      %add3A_44 = arith.addi %mul3A_42, %add3A_43 : i32
      %add3A_45 = arith.constant 104 : i32
      %add3A_46 = arith.addi %add3A_44, %add3A_45 : i32
      "tpu.region"() ({
        %run_scoped3A_77 = tpu.sem_alloc : memref<!tpu.dma_semaphore, #tpu.memory_space<semaphore_mem>>
        %dma_start3A_78 = arith.constant 0 : i32
        %dma_start3A_79 = tpu.memref_slice %arg4[%add3A_46, %dma_start3A_78] : memref<20000x64xf32, #tpu.memory_space<hbm>> -> memref<104x64xf32, #tpu.memory_space<hbm>>
        %dma_start3A_80 = arith.constant 0 : i32
        %dma_start3A_81 = tpu.memref_slice %arg4[%add3A_46, %dma_start3A_80] : memref<20000x64xf32, #tpu.memory_space<hbm>> -> memref<104x64xf32, #tpu.memory_space<hbm>>
        tpu.enqueue_dma source(%arg9 : memref<104x64xf32, #tpu.memory_space<vmem>>) target(%dma_start3A_81 : memref<104x64xf32, #tpu.memory_space<hbm>>) target_semaphore(%run_scoped3A_77 : memref<!tpu.dma_semaphore, #tpu.memory_space<semaphore_mem>>)
        %dma_wait3A = arith.constant 0 : i32
        %dma_wait3A_82 = tpu.memref_slice %arg4[%add3A_46, %dma_wait3A] : memref<20000x64xf32, #tpu.memory_space<hbm>> -> memref<104x64xf32, #tpu.memory_space<hbm>>
        %dma_wait3A_83 = arith.constant 0 : i32
        %dma_wait3A_84 = tpu.memref_slice %arg4[%add3A_46, %dma_wait3A_83] : memref<20000x64xf32, #tpu.memory_space<hbm>> -> memref<104x64xf32, #tpu.memory_space<hbm>>
        tpu.wait_dma2 semaphore(%run_scoped3A_77 : memref<!tpu.dma_semaphore, #tpu.memory_space<semaphore_mem>>) src(%arg9 : memref<104x64xf32, #tpu.memory_space<vmem>>) dst(%dma_wait3A_84 : memref<104x64xf32, #tpu.memory_space<hbm>>)
        tpu.yield
      }) : () -> ()
      "tpu.region"() ({
        %run_scoped3A_77 = tpu.sem_alloc : memref<!tpu.dma_semaphore, #tpu.memory_space<semaphore_mem>>
        %dma_start3A_78 = arith.constant 9568 : i32
        %dma_start3A_79 = arith.constant 0 : i32
        %dma_start3A_80 = tpu.memref_slice %arg10[%dma_start3A_78, %dma_start3A_79] : memref<10000x64xf32, #tpu.memory_space<vmem_shared>> -> memref<104x64xf32, #tpu.memory_space<vmem_shared>>
        %dma_start3A_81 = arith.constant 9568 : i32
        %dma_start3A_82 = arith.constant 0 : i32
        %dma_start3A_83 = tpu.memref_slice %arg10[%dma_start3A_81, %dma_start3A_82] : memref<10000x64xf32, #tpu.memory_space<vmem_shared>> -> memref<104x64xf32, #tpu.memory_space<vmem_shared>>
        tpu.enqueue_dma source(%dma_start3A_83 : memref<104x64xf32, #tpu.memory_space<vmem_shared>>) target(%arg9 : memref<104x64xf32, #tpu.memory_space<vmem>>) target_semaphore(%run_scoped3A_77 : memref<!tpu.dma_semaphore, #tpu.memory_space<semaphore_mem>>)
        %dma_wait3A = arith.constant 9568 : i32
        %dma_wait3A_84 = arith.constant 0 : i32
        %dma_wait3A_85 = tpu.memref_slice %arg10[%dma_wait3A, %dma_wait3A_84] : memref<10000x64xf32, #tpu.memory_space<vmem_shared>> -> memref<104x64xf32, #tpu.memory_space<vmem_shared>>
        %dma_wait3A_86 = arith.constant 9568 : i32
        %dma_wait3A_87 = arith.constant 0 : i32
        %dma_wait3A_88 = tpu.memref_slice %arg10[%dma_wait3A_86, %dma_wait3A_87] : memref<10000x64xf32, #tpu.memory_space<vmem_shared>> -> memref<104x64xf32, #tpu.memory_space<vmem_shared>>
        tpu.wait_dma2 semaphore(%run_scoped3A_77 : memref<!tpu.dma_semaphore, #tpu.memory_space<semaphore_mem>>) src(%dma_wait3A_88 : memref<104x64xf32, #tpu.memory_space<vmem_shared>>) dst(%arg9 : memref<104x64xf32, #tpu.memory_space<vmem>>)
        tpu.yield
      }) : () -> ()
      %mul3A_47 = arith.constant 10000 : i32
      %mul3A_48 = arith.muli %arg0, %mul3A_47 : i32
      %add3A_49 = arith.constant 9360 : i32
      %add3A_50 = arith.addi %mul3A_48, %add3A_49 : i32
      %add3A_51 = arith.constant 208 : i32
      %add3A_52 = arith.addi %add3A_50, %add3A_51 : i32
      "tpu.region"() ({
        %run_scoped3A_77 = tpu.sem_alloc : memref<!tpu.dma_semaphore, #tpu.memory_space<semaphore_mem>>
        %dma_start3A_78 = arith.constant 0 : i32
        %dma_start3A_79 = tpu.memref_slice %arg4[%add3A_52, %dma_start3A_78] : memref<20000x64xf32, #tpu.memory_space<hbm>> -> memref<104x64xf32, #tpu.memory_space<hbm>>
        %dma_start3A_80 = arith.constant 0 : i32
        %dma_start3A_81 = tpu.memref_slice %arg4[%add3A_52, %dma_start3A_80] : memref<20000x64xf32, #tpu.memory_space<hbm>> -> memref<104x64xf32, #tpu.memory_space<hbm>>
        tpu.enqueue_dma source(%arg9 : memref<104x64xf32, #tpu.memory_space<vmem>>) target(%dma_start3A_81 : memref<104x64xf32, #tpu.memory_space<hbm>>) target_semaphore(%run_scoped3A_77 : memref<!tpu.dma_semaphore, #tpu.memory_space<semaphore_mem>>)
        %dma_wait3A = arith.constant 0 : i32
        %dma_wait3A_82 = tpu.memref_slice %arg4[%add3A_52, %dma_wait3A] : memref<20000x64xf32, #tpu.memory_space<hbm>> -> memref<104x64xf32, #tpu.memory_space<hbm>>
        %dma_wait3A_83 = arith.constant 0 : i32
        %dma_wait3A_84 = tpu.memref_slice %arg4[%add3A_52, %dma_wait3A_83] : memref<20000x64xf32, #tpu.memory_space<hbm>> -> memref<104x64xf32, #tpu.memory_space<hbm>>
        tpu.wait_dma2 semaphore(%run_scoped3A_77 : memref<!tpu.dma_semaphore, #tpu.memory_space<semaphore_mem>>) src(%arg9 : memref<104x64xf32, #tpu.memory_space<vmem>>) dst(%dma_wait3A_84 : memref<104x64xf32, #tpu.memory_space<hbm>>)
        tpu.yield
      }) : () -> ()
      "tpu.region"() ({
        %run_scoped3A_77 = tpu.sem_alloc : memref<!tpu.dma_semaphore, #tpu.memory_space<semaphore_mem>>
        %dma_start3A_78 = arith.constant 9672 : i32
        %dma_start3A_79 = arith.constant 0 : i32
        %dma_start3A_80 = tpu.memref_slice %arg10[%dma_start3A_78, %dma_start3A_79] : memref<10000x64xf32, #tpu.memory_space<vmem_shared>> -> memref<104x64xf32, #tpu.memory_space<vmem_shared>>
        %dma_start3A_81 = arith.constant 9672 : i32
        %dma_start3A_82 = arith.constant 0 : i32
        %dma_start3A_83 = tpu.memref_slice %arg10[%dma_start3A_81, %dma_start3A_82] : memref<10000x64xf32, #tpu.memory_space<vmem_shared>> -> memref<104x64xf32, #tpu.memory_space<vmem_shared>>
        tpu.enqueue_dma source(%dma_start3A_83 : memref<104x64xf32, #tpu.memory_space<vmem_shared>>) target(%arg9 : memref<104x64xf32, #tpu.memory_space<vmem>>) target_semaphore(%run_scoped3A_77 : memref<!tpu.dma_semaphore, #tpu.memory_space<semaphore_mem>>)
        %dma_wait3A = arith.constant 9672 : i32
        %dma_wait3A_84 = arith.constant 0 : i32
        %dma_wait3A_85 = tpu.memref_slice %arg10[%dma_wait3A, %dma_wait3A_84] : memref<10000x64xf32, #tpu.memory_space<vmem_shared>> -> memref<104x64xf32, #tpu.memory_space<vmem_shared>>
        %dma_wait3A_86 = arith.constant 9672 : i32
        %dma_wait3A_87 = arith.constant 0 : i32
        %dma_wait3A_88 = tpu.memref_slice %arg10[%dma_wait3A_86, %dma_wait3A_87] : memref<10000x64xf32, #tpu.memory_space<vmem_shared>> -> memref<104x64xf32, #tpu.memory_space<vmem_shared>>
        tpu.wait_dma2 semaphore(%run_scoped3A_77 : memref<!tpu.dma_semaphore, #tpu.memory_space<semaphore_mem>>) src(%dma_wait3A_88 : memref<104x64xf32, #tpu.memory_space<vmem_shared>>) dst(%arg9 : memref<104x64xf32, #tpu.memory_space<vmem>>)
        tpu.yield
      }) : () -> ()
      %mul3A_53 = arith.constant 10000 : i32
      %mul3A_54 = arith.muli %arg0, %mul3A_53 : i32
      %add3A_55 = arith.constant 9360 : i32
      %add3A_56 = arith.addi %mul3A_54, %add3A_55 : i32
      %add3A_57 = arith.constant 312 : i32
      %add3A_58 = arith.addi %add3A_56, %add3A_57 : i32
      "tpu.region"() ({
        %run_scoped3A_77 = tpu.sem_alloc : memref<!tpu.dma_semaphore, #tpu.memory_space<semaphore_mem>>
        %dma_start3A_78 = arith.constant 0 : i32
        %dma_start3A_79 = tpu.memref_slice %arg4[%add3A_58, %dma_start3A_78] : memref<20000x64xf32, #tpu.memory_space<hbm>> -> memref<104x64xf32, #tpu.memory_space<hbm>>
        %dma_start3A_80 = arith.constant 0 : i32
        %dma_start3A_81 = tpu.memref_slice %arg4[%add3A_58, %dma_start3A_80] : memref<20000x64xf32, #tpu.memory_space<hbm>> -> memref<104x64xf32, #tpu.memory_space<hbm>>
        tpu.enqueue_dma source(%arg9 : memref<104x64xf32, #tpu.memory_space<vmem>>) target(%dma_start3A_81 : memref<104x64xf32, #tpu.memory_space<hbm>>) target_semaphore(%run_scoped3A_77 : memref<!tpu.dma_semaphore, #tpu.memory_space<semaphore_mem>>)
        %dma_wait3A = arith.constant 0 : i32
        %dma_wait3A_82 = tpu.memref_slice %arg4[%add3A_58, %dma_wait3A] : memref<20000x64xf32, #tpu.memory_space<hbm>> -> memref<104x64xf32, #tpu.memory_space<hbm>>
        %dma_wait3A_83 = arith.constant 0 : i32
        %dma_wait3A_84 = tpu.memref_slice %arg4[%add3A_58, %dma_wait3A_83] : memref<20000x64xf32, #tpu.memory_space<hbm>> -> memref<104x64xf32, #tpu.memory_space<hbm>>
        tpu.wait_dma2 semaphore(%run_scoped3A_77 : memref<!tpu.dma_semaphore, #tpu.memory_space<semaphore_mem>>) src(%arg9 : memref<104x64xf32, #tpu.memory_space<vmem>>) dst(%dma_wait3A_84 : memref<104x64xf32, #tpu.memory_space<hbm>>)
        tpu.yield
      }) : () -> ()
      "tpu.region"() ({
        %run_scoped3A_77 = tpu.sem_alloc : memref<!tpu.dma_semaphore, #tpu.memory_space<semaphore_mem>>
        %dma_start3A_78 = arith.constant 9776 : i32
        %dma_start3A_79 = arith.constant 0 : i32
        %dma_start3A_80 = tpu.memref_slice %arg10[%dma_start3A_78, %dma_start3A_79] : memref<10000x64xf32, #tpu.memory_space<vmem_shared>> -> memref<104x64xf32, #tpu.memory_space<vmem_shared>>
        %dma_start3A_81 = arith.constant 9776 : i32
        %dma_start3A_82 = arith.constant 0 : i32
        %dma_start3A_83 = tpu.memref_slice %arg10[%dma_start3A_81, %dma_start3A_82] : memref<10000x64xf32, #tpu.memory_space<vmem_shared>> -> memref<104x64xf32, #tpu.memory_space<vmem_shared>>
        tpu.enqueue_dma source(%dma_start3A_83 : memref<104x64xf32, #tpu.memory_space<vmem_shared>>) target(%arg9 : memref<104x64xf32, #tpu.memory_space<vmem>>) target_semaphore(%run_scoped3A_77 : memref<!tpu.dma_semaphore, #tpu.memory_space<semaphore_mem>>)
        %dma_wait3A = arith.constant 9776 : i32
        %dma_wait3A_84 = arith.constant 0 : i32
        %dma_wait3A_85 = tpu.memref_slice %arg10[%dma_wait3A, %dma_wait3A_84] : memref<10000x64xf32, #tpu.memory_space<vmem_shared>> -> memref<104x64xf32, #tpu.memory_space<vmem_shared>>
        %dma_wait3A_86 = arith.constant 9776 : i32
        %dma_wait3A_87 = arith.constant 0 : i32
        %dma_wait3A_88 = tpu.memref_slice %arg10[%dma_wait3A_86, %dma_wait3A_87] : memref<10000x64xf32, #tpu.memory_space<vmem_shared>> -> memref<104x64xf32, #tpu.memory_space<vmem_shared>>
        tpu.wait_dma2 semaphore(%run_scoped3A_77 : memref<!tpu.dma_semaphore, #tpu.memory_space<semaphore_mem>>) src(%dma_wait3A_88 : memref<104x64xf32, #tpu.memory_space<vmem_shared>>) dst(%arg9 : memref<104x64xf32, #tpu.memory_space<vmem>>)
        tpu.yield
      }) : () -> ()
      %mul3A_59 = arith.constant 10000 : i32
      %mul3A_60 = arith.muli %arg0, %mul3A_59 : i32
      %add3A_61 = arith.constant 9360 : i32
      %add3A_62 = arith.addi %mul3A_60, %add3A_61 : i32
      %add3A_63 = arith.constant 416 : i32
      %add3A_64 = arith.addi %add3A_62, %add3A_63 : i32
      "tpu.region"() ({
        %run_scoped3A_77 = tpu.sem_alloc : memref<!tpu.dma_semaphore, #tpu.memory_space<semaphore_mem>>
        %dma_start3A_78 = arith.constant 0 : i32
        %dma_start3A_79 = tpu.memref_slice %arg4[%add3A_64, %dma_start3A_78] : memref<20000x64xf32, #tpu.memory_space<hbm>> -> memref<104x64xf32, #tpu.memory_space<hbm>>
        %dma_start3A_80 = arith.constant 0 : i32
        %dma_start3A_81 = tpu.memref_slice %arg4[%add3A_64, %dma_start3A_80] : memref<20000x64xf32, #tpu.memory_space<hbm>> -> memref<104x64xf32, #tpu.memory_space<hbm>>
        tpu.enqueue_dma source(%arg9 : memref<104x64xf32, #tpu.memory_space<vmem>>) target(%dma_start3A_81 : memref<104x64xf32, #tpu.memory_space<hbm>>) target_semaphore(%run_scoped3A_77 : memref<!tpu.dma_semaphore, #tpu.memory_space<semaphore_mem>>)
        %dma_wait3A = arith.constant 0 : i32
        %dma_wait3A_82 = tpu.memref_slice %arg4[%add3A_64, %dma_wait3A] : memref<20000x64xf32, #tpu.memory_space<hbm>> -> memref<104x64xf32, #tpu.memory_space<hbm>>
        %dma_wait3A_83 = arith.constant 0 : i32
        %dma_wait3A_84 = tpu.memref_slice %arg4[%add3A_64, %dma_wait3A_83] : memref<20000x64xf32, #tpu.memory_space<hbm>> -> memref<104x64xf32, #tpu.memory_space<hbm>>
        tpu.wait_dma2 semaphore(%run_scoped3A_77 : memref<!tpu.dma_semaphore, #tpu.memory_space<semaphore_mem>>) src(%arg9 : memref<104x64xf32, #tpu.memory_space<vmem>>) dst(%dma_wait3A_84 : memref<104x64xf32, #tpu.memory_space<hbm>>)
        tpu.yield
      }) : () -> ()
      "tpu.region"() ({
        %run_scoped3A_77 = tpu.sem_alloc : memref<!tpu.dma_semaphore, #tpu.memory_space<semaphore_mem>>
        %dma_start3A_78 = arith.constant 9880 : i32
        %dma_start3A_79 = arith.constant 0 : i32
        %dma_start3A_80 = tpu.memref_slice %arg10[%dma_start3A_78, %dma_start3A_79] : memref<10000x64xf32, #tpu.memory_space<vmem_shared>> -> memref<104x64xf32, #tpu.memory_space<vmem_shared>>
        %dma_start3A_81 = arith.constant 9880 : i32
        %dma_start3A_82 = arith.constant 0 : i32
        %dma_start3A_83 = tpu.memref_slice %arg10[%dma_start3A_81, %dma_start3A_82] : memref<10000x64xf32, #tpu.memory_space<vmem_shared>> -> memref<104x64xf32, #tpu.memory_space<vmem_shared>>
        tpu.enqueue_dma source(%dma_start3A_83 : memref<104x64xf32, #tpu.memory_space<vmem_shared>>) target(%arg9 : memref<104x64xf32, #tpu.memory_space<vmem>>) target_semaphore(%run_scoped3A_77 : memref<!tpu.dma_semaphore, #tpu.memory_space<semaphore_mem>>)
        %dma_wait3A = arith.constant 9880 : i32
        %dma_wait3A_84 = arith.constant 0 : i32
        %dma_wait3A_85 = tpu.memref_slice %arg10[%dma_wait3A, %dma_wait3A_84] : memref<10000x64xf32, #tpu.memory_space<vmem_shared>> -> memref<104x64xf32, #tpu.memory_space<vmem_shared>>
        %dma_wait3A_86 = arith.constant 9880 : i32
        %dma_wait3A_87 = arith.constant 0 : i32
        %dma_wait3A_88 = tpu.memref_slice %arg10[%dma_wait3A_86, %dma_wait3A_87] : memref<10000x64xf32, #tpu.memory_space<vmem_shared>> -> memref<104x64xf32, #tpu.memory_space<vmem_shared>>
        tpu.wait_dma2 semaphore(%run_scoped3A_77 : memref<!tpu.dma_semaphore, #tpu.memory_space<semaphore_mem>>) src(%dma_wait3A_88 : memref<104x64xf32, #tpu.memory_space<vmem_shared>>) dst(%arg9 : memref<104x64xf32, #tpu.memory_space<vmem>>)
        tpu.yield
      }) : () -> ()
      %mul3A_65 = arith.constant 10000 : i32
      %mul3A_66 = arith.muli %arg0, %mul3A_65 : i32
      %add3A_67 = arith.constant 9360 : i32
      %add3A_68 = arith.addi %mul3A_66, %add3A_67 : i32
      %add3A_69 = arith.constant 520 : i32
      %add3A_70 = arith.addi %add3A_68, %add3A_69 : i32
      "tpu.region"() ({
        %run_scoped3A_77 = tpu.sem_alloc : memref<!tpu.dma_semaphore, #tpu.memory_space<semaphore_mem>>
        %dma_start3A_78 = arith.constant 0 : i32
        %dma_start3A_79 = tpu.memref_slice %arg4[%add3A_70, %dma_start3A_78] : memref<20000x64xf32, #tpu.memory_space<hbm>> -> memref<104x64xf32, #tpu.memory_space<hbm>>
        %dma_start3A_80 = arith.constant 0 : i32
        %dma_start3A_81 = tpu.memref_slice %arg4[%add3A_70, %dma_start3A_80] : memref<20000x64xf32, #tpu.memory_space<hbm>> -> memref<104x64xf32, #tpu.memory_space<hbm>>
        tpu.enqueue_dma source(%arg9 : memref<104x64xf32, #tpu.memory_space<vmem>>) target(%dma_start3A_81 : memref<104x64xf32, #tpu.memory_space<hbm>>) target_semaphore(%run_scoped3A_77 : memref<!tpu.dma_semaphore, #tpu.memory_space<semaphore_mem>>)
        %dma_wait3A = arith.constant 0 : i32
        %dma_wait3A_82 = tpu.memref_slice %arg4[%add3A_70, %dma_wait3A] : memref<20000x64xf32, #tpu.memory_space<hbm>> -> memref<104x64xf32, #tpu.memory_space<hbm>>
        %dma_wait3A_83 = arith.constant 0 : i32
        %dma_wait3A_84 = tpu.memref_slice %arg4[%add3A_70, %dma_wait3A_83] : memref<20000x64xf32, #tpu.memory_space<hbm>> -> memref<104x64xf32, #tpu.memory_space<hbm>>
        tpu.wait_dma2 semaphore(%run_scoped3A_77 : memref<!tpu.dma_semaphore, #tpu.memory_space<semaphore_mem>>) src(%arg9 : memref<104x64xf32, #tpu.memory_space<vmem>>) dst(%dma_wait3A_84 : memref<104x64xf32, #tpu.memory_space<hbm>>)
        tpu.yield
      }) : () -> ()
      "tpu.region"() ({
        %run_scoped3A_77 = tpu.sem_alloc : memref<!tpu.dma_semaphore, #tpu.memory_space<semaphore_mem>>
        %dma_start3A_78 = arith.constant 0 : i32
        %dma_start3A_79 = arith.constant 0 : i32
        %dma_start3A_80 = tpu.memref_slice %arg9[%dma_start3A_78, %dma_start3A_79] : memref<104x64xf32, #tpu.memory_space<vmem>> -> memref<16x64xf32, #tpu.memory_space<vmem>>
        %dma_start3A_81 = arith.constant 9984 : i32
        %dma_start3A_82 = arith.constant 0 : i32
        %dma_start3A_83 = tpu.memref_slice %arg10[%dma_start3A_81, %dma_start3A_82] : memref<10000x64xf32, #tpu.memory_space<vmem_shared>> -> memref<16x64xf32, #tpu.memory_space<vmem_shared>>
        %dma_start3A_84 = arith.constant 0 : i32
        %dma_start3A_85 = arith.constant 0 : i32
        %dma_start3A_86 = tpu.memref_slice %arg9[%dma_start3A_84, %dma_start3A_85] : memref<104x64xf32, #tpu.memory_space<vmem>> -> memref<16x64xf32, #tpu.memory_space<vmem>>
        %dma_start3A_87 = arith.constant 9984 : i32
        %dma_start3A_88 = arith.constant 0 : i32
        %dma_start3A_89 = tpu.memref_slice %arg10[%dma_start3A_87, %dma_start3A_88] : memref<10000x64xf32, #tpu.memory_space<vmem_shared>> -> memref<16x64xf32, #tpu.memory_space<vmem_shared>>
        tpu.enqueue_dma source(%dma_start3A_89 : memref<16x64xf32, #tpu.memory_space<vmem_shared>>) target(%dma_start3A_86 : memref<16x64xf32, #tpu.memory_space<vmem>>) target_semaphore(%run_scoped3A_77 : memref<!tpu.dma_semaphore, #tpu.memory_space<semaphore_mem>>)
        %dma_wait3A = arith.constant 0 : i32
        %dma_wait3A_90 = arith.constant 0 : i32
        %dma_wait3A_91 = tpu.memref_slice %arg9[%dma_wait3A, %dma_wait3A_90] : memref<104x64xf32, #tpu.memory_space<vmem>> -> memref<16x64xf32, #tpu.memory_space<vmem>>
        %dma_wait3A_92 = arith.constant 9984 : i32
        %dma_wait3A_93 = arith.constant 0 : i32
        %dma_wait3A_94 = tpu.memref_slice %arg10[%dma_wait3A_92, %dma_wait3A_93] : memref<10000x64xf32, #tpu.memory_space<vmem_shared>> -> memref<16x64xf32, #tpu.memory_space<vmem_shared>>
        %dma_wait3A_95 = arith.constant 0 : i32
        %dma_wait3A_96 = arith.constant 0 : i32
        %dma_wait3A_97 = tpu.memref_slice %arg9[%dma_wait3A_95, %dma_wait3A_96] : memref<104x64xf32, #tpu.memory_space<vmem>> -> memref<16x64xf32, #tpu.memory_space<vmem>>
        %dma_wait3A_98 = arith.constant 9984 : i32
        %dma_wait3A_99 = arith.constant 0 : i32
        %dma_wait3A_100 = tpu.memref_slice %arg10[%dma_wait3A_98, %dma_wait3A_99] : memref<10000x64xf32, #tpu.memory_space<vmem_shared>> -> memref<16x64xf32, #tpu.memory_space<vmem_shared>>
        tpu.wait_dma2 semaphore(%run_scoped3A_77 : memref<!tpu.dma_semaphore, #tpu.memory_space<semaphore_mem>>) src(%dma_wait3A_100 : memref<16x64xf32, #tpu.memory_space<vmem_shared>>) dst(%dma_wait3A_97 : memref<16x64xf32, #tpu.memory_space<vmem>>)
        tpu.yield
      }) : () -> ()
      %mul3A_71 = arith.constant 10000 : i32
      %mul3A_72 = arith.muli %arg0, %mul3A_71 : i32
      %add3A_73 = arith.constant 9360 : i32
      %add3A_74 = arith.addi %mul3A_72, %add3A_73 : i32
      %add3A_75 = arith.constant 624 : i32
      %add3A_76 = arith.addi %add3A_74, %add3A_75 : i32
      "tpu.region"() ({
        %run_scoped3A_77 = tpu.sem_alloc : memref<!tpu.dma_semaphore, #tpu.memory_space<semaphore_mem>>
        %dma_start3A_78 = arith.constant 0 : i32
        %dma_start3A_79 = arith.constant 0 : i32
        %dma_start3A_80 = tpu.memref_slice %arg9[%dma_start3A_78, %dma_start3A_79] : memref<104x64xf32, #tpu.memory_space<vmem>> -> memref<16x64xf32, #tpu.memory_space<vmem>>
        %dma_start3A_81 = arith.constant 0 : i32
        %dma_start3A_82 = tpu.memref_slice %arg4[%add3A_76, %dma_start3A_81] : memref<20000x64xf32, #tpu.memory_space<hbm>> -> memref<16x64xf32, #tpu.memory_space<hbm>>
        %dma_start3A_83 = arith.constant 0 : i32
        %dma_start3A_84 = tpu.memref_slice %arg4[%add3A_76, %dma_start3A_83] : memref<20000x64xf32, #tpu.memory_space<hbm>> -> memref<16x64xf32, #tpu.memory_space<hbm>>
        %dma_start3A_85 = arith.constant 0 : i32
        %dma_start3A_86 = arith.constant 0 : i32
        %dma_start3A_87 = tpu.memref_slice %arg9[%dma_start3A_85, %dma_start3A_86] : memref<104x64xf32, #tpu.memory_space<vmem>> -> memref<16x64xf32, #tpu.memory_space<vmem>>
        tpu.enqueue_dma source(%dma_start3A_87 : memref<16x64xf32, #tpu.memory_space<vmem>>) target(%dma_start3A_84 : memref<16x64xf32, #tpu.memory_space<hbm>>) target_semaphore(%run_scoped3A_77 : memref<!tpu.dma_semaphore, #tpu.memory_space<semaphore_mem>>)
        %dma_wait3A = arith.constant 0 : i32
        %dma_wait3A_88 = arith.constant 0 : i32
        %dma_wait3A_89 = tpu.memref_slice %arg9[%dma_wait3A, %dma_wait3A_88] : memref<104x64xf32, #tpu.memory_space<vmem>> -> memref<16x64xf32, #tpu.memory_space<vmem>>
        %dma_wait3A_90 = arith.constant 0 : i32
        %dma_wait3A_91 = tpu.memref_slice %arg4[%add3A_76, %dma_wait3A_90] : memref<20000x64xf32, #tpu.memory_space<hbm>> -> memref<16x64xf32, #tpu.memory_space<hbm>>
        %dma_wait3A_92 = arith.constant 0 : i32
        %dma_wait3A_93 = tpu.memref_slice %arg4[%add3A_76, %dma_wait3A_92] : memref<20000x64xf32, #tpu.memory_space<hbm>> -> memref<16x64xf32, #tpu.memory_space<hbm>>
        %dma_wait3A_94 = arith.constant 0 : i32
        %dma_wait3A_95 = arith.constant 0 : i32
        %dma_wait3A_96 = tpu.memref_slice %arg9[%dma_wait3A_94, %dma_wait3A_95] : memref<104x64xf32, #tpu.memory_space<vmem>> -> memref<16x64xf32, #tpu.memory_space<vmem>>
        tpu.wait_dma2 semaphore(%run_scoped3A_77 : memref<!tpu.dma_semaphore, #tpu.memory_space<semaphore_mem>>) src(%dma_wait3A_96 : memref<16x64xf32, #tpu.memory_space<vmem>>) dst(%dma_wait3A_93 : memref<16x64xf32, #tpu.memory_space<hbm>>)
        tpu.yield
      }) : () -> ()
    } else {
    }
    return
  }
}

module attributes {stable_mosaic.version = 14 : i64} {
  func.func @body(%arg0: i32, %arg1: memref<5000x128xf32, #tpu.memory_space<vmem>>, %arg2: memref<128x16xf32, #tpu.memory_space<vmem>>, %arg3: memref<5000x1xf32, #tpu.memory_space<vmem>>, %arg4: memref<5000x1xf32, #tpu.memory_space<vmem>>, %arg5: memref<5000x16xf32, #tpu.memory_space<vmem>>, %arg6: memref<5000x1xf32, #tpu.memory_space<vmem>>) attributes {dimension_semantics = [#tpu.dimension_semantics<arbitrary>], iteration_bounds = array<i64: 2>, scalar_prefetch = 0 : i64, scratch_operands = 0 : i64, tpu.core_type = #tpu.core_type<tc>, window_params = [{transform_indices = @transform_0, window_bounds = array<i64: 5000, 128>}, {pipeline_mode = #tpu.pipeline_mode<synchronous>, transform_indices = @transform_1, window_bounds = array<i64: 128, 16>}, {transform_indices = @transform_2, window_bounds = array<i64: 5000, 1>}, {transform_indices = @transform_3, window_bounds = array<i64: 5000, 1>}, {transform_indices = @transform_4, window_bounds = array<i64: 5000, 16>}, {transform_indices = @transform_5, window_bounds = array<i64: 5000, 1>}]} {
    %get3A = arith.constant 0 : index
    %get3A_0 = arith.constant 0 : index
    %get3A_1 = vector.load %arg3[%get3A, %get3A_0] : memref<5000x1xf32, #tpu.memory_space<vmem>>, vector<5000x1xf32>
    %get3A_2 = arith.constant 0 : index
    %get3A_3 = arith.constant 0 : index
    %get3A_4 = vector.load %arg4[%get3A_2, %get3A_3] : memref<5000x1xf32, #tpu.memory_space<vmem>>, vector<5000x1xf32>
    %add3A = arith.addf %get3A_1, %get3A_4 : vector<5000x1xf32>
    %add3A_5 = arith.constant 1.000000e+00 : f32
    %add3A_6 = vector.broadcast %add3A_5 : f32 to vector<5000x1xf32>
    %add3A_7 = arith.addf %add3A, %add3A_6 : vector<5000x1xf32>
    %rsqrt3A = math.rsqrt %add3A_7 : vector<5000x1xf32>
    %swap3A = arith.constant 0 : index
    %swap3A_8 = arith.constant 0 : index
    %swap3A_9 = vector.load %arg6[%swap3A, %swap3A_8] : memref<5000x1xf32, #tpu.memory_space<vmem>>, vector<5000x1xf32>
    tpu.vector_store %arg6[%swap3A, %swap3A_8], %rsqrt3A {strides = array<i32>} : memref<5000x1xf32, #tpu.memory_space<vmem>>, vector<5000x1xf32>,
    %get3A_10 = arith.constant 0 : index
    %get3A_11 = arith.constant 0 : index
    %get3A_12 = vector.load %arg1[%get3A_10, %get3A_11] : memref<5000x128xf32, #tpu.memory_space<vmem>>, vector<5000x128xf32>
    %get3A_13 = arith.constant 0 : index
    %get3A_14 = arith.constant 0 : index
    %get3A_15 = vector.load %arg2[%get3A_13, %get3A_14] : memref<128x16xf32, #tpu.memory_space<vmem>>, vector<128x16xf32>
    %dot_general3A = arith.constant dense<0.000000e+00> : vector<5000x16xf32>
    %dot_general3A_16 = tpu.matmul %get3A_12, %get3A_15, %dot_general3A {dimension_numbers = #tpu.dot_dimension_numbers<[1], [0], [0], [1], [0, 0, 1, 1], [], []>, transpose_lhs_hint = false} : vector<5000x128xf32>, vector<128x16xf32>, vector<5000x16xf32> -> vector<5000x16xf32>
    %mul3A = vector.broadcast %rsqrt3A : vector<5000x1xf32> to vector<5000x16xf32>
    %mul3A_17 = arith.mulf %dot_general3A_16, %mul3A : vector<5000x16xf32>
    %swap3A_18 = arith.constant 0 : index
    %swap3A_19 = arith.constant 0 : index
    %swap3A_20 = vector.load %arg5[%swap3A_18, %swap3A_19] : memref<5000x16xf32, #tpu.memory_space<vmem>>, vector<5000x16xf32>
    tpu.vector_store %arg5[%swap3A_18, %swap3A_19], %mul3A_17 {strides = array<i32>} : memref<5000x16xf32, #tpu.memory_space<vmem>>, vector<5000x16xf32>,
    return
  }
  func.func @transform_0(%arg0: i32) -> (i32, i32) {
    %c0_i32 = arith.constant 0 : i32
    %c0_i32_0 = arith.constant 0 : i32
    return %arg0, %c0_i32 : i32, i32
  }
  func.func @transform_1(%arg0: i32) -> (i32, i32) {
    %c0_i32 = arith.constant 0 : i32
    %c0_i32_0 = arith.constant 0 : i32
    %c0_i32_1 = arith.constant 0 : i32
    return %c0_i32, %c0_i32_0 : i32, i32
  }
  func.func @transform_2(%arg0: i32) -> (i32, i32) {
    %c0_i32 = arith.constant 0 : i32
    %c0_i32_0 = arith.constant 0 : i32
    return %arg0, %c0_i32 : i32, i32
  }
  func.func @transform_3(%arg0: i32) -> (i32, i32) {
    %add3A = arith.constant 2 : i32
    %add3A_0 = arith.addi %arg0, %add3A : i32
    %c0_i32 = arith.constant 0 : i32
    %c0_i32_1 = arith.constant 0 : i32
    return %add3A_0, %c0_i32 : i32, i32
  }
  func.func @transform_4(%arg0: i32) -> (i32, i32) {
    %c0_i32 = arith.constant 0 : i32
    %c0_i32_0 = arith.constant 0 : i32
    return %arg0, %c0_i32 : i32, i32
  }
  func.func @transform_5(%arg0: i32) -> (i32, i32) {
    %c0_i32 = arith.constant 0 : i32
    %c0_i32_0 = arith.constant 0 : i32
    return %arg0, %c0_i32 : i32, i32
  }
}

module attributes {stable_mosaic.version = 14 : i64} {
  func.func @body(%arg0: i32, %arg1: memref<5000x16xf32, #tpu.memory_space<vmem>>, %arg2: memref<5000x16xf32, #tpu.memory_space<vmem>>, %arg3: memref<5000x16xf32, #tpu.memory_space<vmem>>, %arg4: memref<5000x1xf32, #tpu.memory_space<vmem>>, %arg5: memref<1x16xf32, #tpu.memory_space<vmem>>, %arg6: memref<16x32xf32, #tpu.memory_space<vmem>>, %arg7: memref<5000x32xf32, #tpu.memory_space<vmem>>) attributes {dimension_semantics = [#tpu.dimension_semantics<arbitrary>], iteration_bounds = array<i64: 2>, scalar_prefetch = 0 : i64, scratch_operands = 0 : i64, tpu.core_type = #tpu.core_type<tc>, window_params = [{transform_indices = @transform_0, window_bounds = array<i64: 5000, 16>}, {transform_indices = @transform_1, window_bounds = array<i64: 5000, 16>}, {transform_indices = @transform_2, window_bounds = array<i64: 5000, 16>}, {transform_indices = @transform_3, window_bounds = array<i64: 5000, 1>}, {pipeline_mode = #tpu.pipeline_mode<synchronous>, transform_indices = @transform_4, window_bounds = array<i64: 1, 16>}, {pipeline_mode = #tpu.pipeline_mode<synchronous>, transform_indices = @transform_5, window_bounds = array<i64: 16, 32>}, {transform_indices = @transform_6, window_bounds = array<i64: 5000, 32>}]} {
    %get3A = arith.constant 0 : index
    %get3A_0 = arith.constant 0 : index
    %get3A_1 = vector.load %arg4[%get3A, %get3A_0] : memref<5000x1xf32, #tpu.memory_space<vmem>>, vector<5000x1xf32>
    %get3A_2 = arith.constant 0 : index
    %get3A_3 = arith.constant 0 : index
    %get3A_4 = vector.load %arg1[%get3A_2, %get3A_3] : memref<5000x16xf32, #tpu.memory_space<vmem>>, vector<5000x16xf32>
    %get3A_5 = arith.constant 0 : index
    %get3A_6 = arith.constant 0 : index
    %get3A_7 = vector.load %arg2[%get3A_5, %get3A_6] : memref<5000x16xf32, #tpu.memory_space<vmem>>, vector<5000x16xf32>
    %add3A = arith.addf %get3A_4, %get3A_7 : vector<5000x16xf32>
    %get3A_8 = arith.constant 0 : index
    %get3A_9 = arith.constant 0 : index
    %get3A_10 = vector.load %arg3[%get3A_8, %get3A_9] : memref<5000x16xf32, #tpu.memory_space<vmem>>, vector<5000x16xf32>
    %add3A_11 = arith.addf %add3A, %get3A_10 : vector<5000x16xf32>
    %mul3A = vector.broadcast %get3A_1 : vector<5000x1xf32> to vector<5000x16xf32>
    %mul3A_12 = arith.mulf %mul3A, %add3A_11 : vector<5000x16xf32>
    %get3A_13 = arith.constant 0 : index
    %get3A_14 = arith.constant 0 : index
    %get3A_15 = vector.load %arg5[%get3A_13, %get3A_14] : memref<1x16xf32, #tpu.memory_space<vmem>>, vector<1x16xf32>
    %add3A_16 = vector.broadcast %get3A_15 : vector<1x16xf32> to vector<5000x16xf32>
    %add3A_17 = arith.addf %mul3A_12, %add3A_16 : vector<5000x16xf32>
    %gt3A = arith.constant 0.000000e+00 : f32
    %gt3A_18 = vector.broadcast %gt3A : f32 to vector<5000x16xf32>
    %gt3A_19 = arith.cmpf ogt, %add3A_17, %gt3A_18 : vector<5000x16xf32>
    %min3A = arith.constant 0.000000e+00 : f32
    %min3A_20 = vector.broadcast %min3A : f32 to vector<5000x16xf32>
    %min3A_21 = arith.minimumf %add3A_17, %min3A_20 : vector<5000x16xf32>
    %exp3A = math.exp %min3A_21 : vector<5000x16xf32>
    %sub3A = arith.constant 1.000000e+00 : f32
    %sub3A_22 = vector.broadcast %sub3A : f32 to vector<5000x16xf32>
    %sub3A_23 = arith.subf %exp3A, %sub3A_22 : vector<5000x16xf32>
    %select_n3A = arith.select %gt3A_19, %add3A_17, %sub3A_23 : vector<5000x16xi1>, vector<5000x16xf32>
    %get3A_24 = arith.constant 0 : index
    %get3A_25 = arith.constant 0 : index
    %get3A_26 = vector.load %arg6[%get3A_24, %get3A_25] : memref<16x32xf32, #tpu.memory_space<vmem>>, vector<16x32xf32>
    %dot_general3A = arith.constant dense<0.000000e+00> : vector<5000x32xf32>
    %dot_general3A_27 = tpu.matmul %select_n3A, %get3A_26, %dot_general3A {dimension_numbers = #tpu.dot_dimension_numbers<[1], [0], [0], [1], [0, 0, 1, 1], [], []>, transpose_lhs_hint = false} : vector<5000x16xf32>, vector<16x32xf32>, vector<5000x32xf32> -> vector<5000x32xf32>
    %mul3A_28 = vector.broadcast %get3A_1 : vector<5000x1xf32> to vector<5000x32xf32>
    %mul3A_29 = arith.mulf %dot_general3A_27, %mul3A_28 : vector<5000x32xf32>
    %swap3A = arith.constant 0 : index
    %swap3A_30 = arith.constant 0 : index
    %swap3A_31 = vector.load %arg7[%swap3A, %swap3A_30] : memref<5000x32xf32, #tpu.memory_space<vmem>>, vector<5000x32xf32>
    tpu.vector_store %arg7[%swap3A, %swap3A_30], %mul3A_29 {strides = array<i32>} : memref<5000x32xf32, #tpu.memory_space<vmem>>, vector<5000x32xf32>,
    return
  }
  func.func @transform_0(%arg0: i32) -> (i32, i32) {
    %c0_i32 = arith.constant 0 : i32
    %c0_i32_0 = arith.constant 0 : i32
    return %arg0, %c0_i32 : i32, i32
  }
  func.func @transform_1(%arg0: i32) -> (i32, i32) {
    %add3A = arith.constant 2 : i32
    %add3A_0 = arith.addi %arg0, %add3A : i32
    %c0_i32 = arith.constant 0 : i32
    %c0_i32_1 = arith.constant 0 : i32
    return %add3A_0, %c0_i32 : i32, i32
  }
  func.func @transform_2(%arg0: i32) -> (i32, i32) {
    %c0_i32 = arith.constant 0 : i32
    %c0_i32_0 = arith.constant 0 : i32
    return %arg0, %c0_i32 : i32, i32
  }
  func.func @transform_3(%arg0: i32) -> (i32, i32) {
    %c0_i32 = arith.constant 0 : i32
    %c0_i32_0 = arith.constant 0 : i32
    return %arg0, %c0_i32 : i32, i32
  }
  func.func @transform_4(%arg0: i32) -> (i32, i32) {
    %c0_i32 = arith.constant 0 : i32
    %c0_i32_0 = arith.constant 0 : i32
    %c0_i32_1 = arith.constant 0 : i32
    return %c0_i32, %c0_i32_0 : i32, i32
  }
  func.func @transform_5(%arg0: i32) -> (i32, i32) {
    %c0_i32 = arith.constant 0 : i32
    %c0_i32_0 = arith.constant 0 : i32
    %c0_i32_1 = arith.constant 0 : i32
    return %c0_i32, %c0_i32_0 : i32, i32
  }
  func.func @transform_6(%arg0: i32) -> (i32, i32) {
    %c0_i32 = arith.constant 0 : i32
    %c0_i32_0 = arith.constant 0 : i32
    return %arg0, %c0_i32 : i32, i32
  }
}

module attributes {stable_mosaic.version = 14 : i64} {
  func.func @body(%arg0: i32, %arg1: memref<5000x32xf32, #tpu.memory_space<vmem>>, %arg2: memref<5000x32xf32, #tpu.memory_space<vmem>>, %arg3: memref<5000x32xf32, #tpu.memory_space<vmem>>, %arg4: memref<5000x1xf32, #tpu.memory_space<vmem>>, %arg5: memref<1x32xf32, #tpu.memory_space<vmem>>, %arg6: memref<32x64xf32, #tpu.memory_space<vmem>>, %arg7: memref<5000x64xf32, #tpu.memory_space<vmem>>) attributes {dimension_semantics = [#tpu.dimension_semantics<arbitrary>], iteration_bounds = array<i64: 2>, scalar_prefetch = 0 : i64, scratch_operands = 0 : i64, tpu.core_type = #tpu.core_type<tc>, window_params = [{transform_indices = @transform_0, window_bounds = array<i64: 5000, 32>}, {transform_indices = @transform_1, window_bounds = array<i64: 5000, 32>}, {transform_indices = @transform_2, window_bounds = array<i64: 5000, 32>}, {transform_indices = @transform_3, window_bounds = array<i64: 5000, 1>}, {pipeline_mode = #tpu.pipeline_mode<synchronous>, transform_indices = @transform_4, window_bounds = array<i64: 1, 32>}, {pipeline_mode = #tpu.pipeline_mode<synchronous>, transform_indices = @transform_5, window_bounds = array<i64: 32, 64>}, {transform_indices = @transform_6, window_bounds = array<i64: 5000, 64>}]} {
    %get3A = arith.constant 0 : index
    %get3A_0 = arith.constant 0 : index
    %get3A_1 = vector.load %arg4[%get3A, %get3A_0] : memref<5000x1xf32, #tpu.memory_space<vmem>>, vector<5000x1xf32>
    %get3A_2 = arith.constant 0 : index
    %get3A_3 = arith.constant 0 : index
    %get3A_4 = vector.load %arg1[%get3A_2, %get3A_3] : memref<5000x32xf32, #tpu.memory_space<vmem>>, vector<5000x32xf32>
    %get3A_5 = arith.constant 0 : index
    %get3A_6 = arith.constant 0 : index
    %get3A_7 = vector.load %arg2[%get3A_5, %get3A_6] : memref<5000x32xf32, #tpu.memory_space<vmem>>, vector<5000x32xf32>
    %add3A = arith.addf %get3A_4, %get3A_7 : vector<5000x32xf32>
    %get3A_8 = arith.constant 0 : index
    %get3A_9 = arith.constant 0 : index
    %get3A_10 = vector.load %arg3[%get3A_8, %get3A_9] : memref<5000x32xf32, #tpu.memory_space<vmem>>, vector<5000x32xf32>
    %add3A_11 = arith.addf %add3A, %get3A_10 : vector<5000x32xf32>
    %mul3A = vector.broadcast %get3A_1 : vector<5000x1xf32> to vector<5000x32xf32>
    %mul3A_12 = arith.mulf %mul3A, %add3A_11 : vector<5000x32xf32>
    %get3A_13 = arith.constant 0 : index
    %get3A_14 = arith.constant 0 : index
    %get3A_15 = vector.load %arg5[%get3A_13, %get3A_14] : memref<1x32xf32, #tpu.memory_space<vmem>>, vector<1x32xf32>
    %add3A_16 = vector.broadcast %get3A_15 : vector<1x32xf32> to vector<5000x32xf32>
    %add3A_17 = arith.addf %mul3A_12, %add3A_16 : vector<5000x32xf32>
    %gt3A = arith.constant 0.000000e+00 : f32
    %gt3A_18 = vector.broadcast %gt3A : f32 to vector<5000x32xf32>
    %gt3A_19 = arith.cmpf ogt, %add3A_17, %gt3A_18 : vector<5000x32xf32>
    %min3A = arith.constant 0.000000e+00 : f32
    %min3A_20 = vector.broadcast %min3A : f32 to vector<5000x32xf32>
    %min3A_21 = arith.minimumf %add3A_17, %min3A_20 : vector<5000x32xf32>
    %exp3A = math.exp %min3A_21 : vector<5000x32xf32>
    %sub3A = arith.constant 1.000000e+00 : f32
    %sub3A_22 = vector.broadcast %sub3A : f32 to vector<5000x32xf32>
    %sub3A_23 = arith.subf %exp3A, %sub3A_22 : vector<5000x32xf32>
    %select_n3A = arith.select %gt3A_19, %add3A_17, %sub3A_23 : vector<5000x32xi1>, vector<5000x32xf32>
    %get3A_24 = arith.constant 0 : index
    %get3A_25 = arith.constant 0 : index
    %get3A_26 = vector.load %arg6[%get3A_24, %get3A_25] : memref<32x64xf32, #tpu.memory_space<vmem>>, vector<32x64xf32>
    %dot_general3A = arith.constant dense<0.000000e+00> : vector<5000x64xf32>
    %dot_general3A_27 = tpu.matmul %select_n3A, %get3A_26, %dot_general3A {dimension_numbers = #tpu.dot_dimension_numbers<[1], [0], [0], [1], [0, 0, 1, 1], [], []>, transpose_lhs_hint = false} : vector<5000x32xf32>, vector<32x64xf32>, vector<5000x64xf32> -> vector<5000x64xf32>
    %mul3A_28 = vector.broadcast %get3A_1 : vector<5000x1xf32> to vector<5000x64xf32>
    %mul3A_29 = arith.mulf %dot_general3A_27, %mul3A_28 : vector<5000x64xf32>
    %swap3A = arith.constant 0 : index
    %swap3A_30 = arith.constant 0 : index
    %swap3A_31 = vector.load %arg7[%swap3A, %swap3A_30] : memref<5000x64xf32, #tpu.memory_space<vmem>>, vector<5000x64xf32>
    tpu.vector_store %arg7[%swap3A, %swap3A_30], %mul3A_29 {strides = array<i32>} : memref<5000x64xf32, #tpu.memory_space<vmem>>, vector<5000x64xf32>,
    return
  }
  func.func @transform_0(%arg0: i32) -> (i32, i32) {
    %c0_i32 = arith.constant 0 : i32
    %c0_i32_0 = arith.constant 0 : i32
    return %arg0, %c0_i32 : i32, i32
  }
  func.func @transform_1(%arg0: i32) -> (i32, i32) {
    %add3A = arith.constant 2 : i32
    %add3A_0 = arith.addi %arg0, %add3A : i32
    %c0_i32 = arith.constant 0 : i32
    %c0_i32_1 = arith.constant 0 : i32
    return %add3A_0, %c0_i32 : i32, i32
  }
  func.func @transform_2(%arg0: i32) -> (i32, i32) {
    %c0_i32 = arith.constant 0 : i32
    %c0_i32_0 = arith.constant 0 : i32
    return %arg0, %c0_i32 : i32, i32
  }
  func.func @transform_3(%arg0: i32) -> (i32, i32) {
    %c0_i32 = arith.constant 0 : i32
    %c0_i32_0 = arith.constant 0 : i32
    return %arg0, %c0_i32 : i32, i32
  }
  func.func @transform_4(%arg0: i32) -> (i32, i32) {
    %c0_i32 = arith.constant 0 : i32
    %c0_i32_0 = arith.constant 0 : i32
    %c0_i32_1 = arith.constant 0 : i32
    return %c0_i32, %c0_i32_0 : i32, i32
  }
  func.func @transform_5(%arg0: i32) -> (i32, i32) {
    %c0_i32 = arith.constant 0 : i32
    %c0_i32_0 = arith.constant 0 : i32
    %c0_i32_1 = arith.constant 0 : i32
    return %c0_i32, %c0_i32_0 : i32, i32
  }
  func.func @transform_6(%arg0: i32) -> (i32, i32) {
    %c0_i32 = arith.constant 0 : i32
    %c0_i32_0 = arith.constant 0 : i32
    return %arg0, %c0_i32 : i32, i32
  }
}

module attributes {stable_mosaic.version = 14 : i64} {
  func.func @body(%arg0: i32, %arg1: memref<5000x64xf32, #tpu.memory_space<vmem>>, %arg2: memref<5000x64xf32, #tpu.memory_space<vmem>>, %arg3: memref<5000x64xf32, #tpu.memory_space<vmem>>, %arg4: memref<5000x1xf32, #tpu.memory_space<vmem>>, %arg5: memref<1x64xf32, #tpu.memory_space<vmem>>, %arg6: memref<64x32xf32, #tpu.memory_space<vmem>>, %arg7: memref<1x32xf32, #tpu.memory_space<vmem>>, %arg8: memref<32x16xf32, #tpu.memory_space<vmem>>, %arg9: memref<1x16xf32, #tpu.memory_space<vmem>>, %arg10: memref<16x2xf32, #tpu.memory_space<vmem>>, %arg11: memref<1x2xf32, #tpu.memory_space<vmem>>, %arg12: memref<5000x2xf32, #tpu.memory_space<vmem>>) attributes {dimension_semantics = [#tpu.dimension_semantics<arbitrary>], iteration_bounds = array<i64: 2>, scalar_prefetch = 0 : i64, scratch_operands = 0 : i64, tpu.core_type = #tpu.core_type<tc>, window_params = [{transform_indices = @transform_0, window_bounds = array<i64: 5000, 64>}, {transform_indices = @transform_1, window_bounds = array<i64: 5000, 64>}, {transform_indices = @transform_2, window_bounds = array<i64: 5000, 64>}, {transform_indices = @transform_3, window_bounds = array<i64: 5000, 1>}, {pipeline_mode = #tpu.pipeline_mode<synchronous>, transform_indices = @transform_4, window_bounds = array<i64: 1, 64>}, {pipeline_mode = #tpu.pipeline_mode<synchronous>, transform_indices = @transform_5, window_bounds = array<i64: 64, 32>}, {pipeline_mode = #tpu.pipeline_mode<synchronous>, transform_indices = @transform_6, window_bounds = array<i64: 1, 32>}, {pipeline_mode = #tpu.pipeline_mode<synchronous>, transform_indices = @transform_7, window_bounds = array<i64: 32, 16>}, {pipeline_mode = #tpu.pipeline_mode<synchronous>, transform_indices = @transform_8, window_bounds = array<i64: 1, 16>}, {pipeline_mode = #tpu.pipeline_mode<synchronous>, transform_indices = @transform_9, window_bounds = array<i64: 16, 2>}, {pipeline_mode = #tpu.pipeline_mode<synchronous>, transform_indices = @transform_10, window_bounds = array<i64: 1, 2>}, {transform_indices = @transform_11, window_bounds = array<i64: 5000, 2>}]} {
    %get3A = arith.constant 0 : index
    %get3A_0 = arith.constant 0 : index
    %get3A_1 = vector.load %arg4[%get3A, %get3A_0] : memref<5000x1xf32, #tpu.memory_space<vmem>>, vector<5000x1xf32>
    %get3A_2 = arith.constant 0 : index
    %get3A_3 = arith.constant 0 : index
    %get3A_4 = vector.load %arg1[%get3A_2, %get3A_3] : memref<5000x64xf32, #tpu.memory_space<vmem>>, vector<5000x64xf32>
    %get3A_5 = arith.constant 0 : index
    %get3A_6 = arith.constant 0 : index
    %get3A_7 = vector.load %arg2[%get3A_5, %get3A_6] : memref<5000x64xf32, #tpu.memory_space<vmem>>, vector<5000x64xf32>
    %add3A = arith.addf %get3A_4, %get3A_7 : vector<5000x64xf32>
    %get3A_8 = arith.constant 0 : index
    %get3A_9 = arith.constant 0 : index
    %get3A_10 = vector.load %arg3[%get3A_8, %get3A_9] : memref<5000x64xf32, #tpu.memory_space<vmem>>, vector<5000x64xf32>
    %add3A_11 = arith.addf %add3A, %get3A_10 : vector<5000x64xf32>
    %mul3A = vector.broadcast %get3A_1 : vector<5000x1xf32> to vector<5000x64xf32>
    %mul3A_12 = arith.mulf %mul3A, %add3A_11 : vector<5000x64xf32>
    %get3A_13 = arith.constant 0 : index
    %get3A_14 = arith.constant 0 : index
    %get3A_15 = vector.load %arg5[%get3A_13, %get3A_14] : memref<1x64xf32, #tpu.memory_space<vmem>>, vector<1x64xf32>
    %add3A_16 = vector.broadcast %get3A_15 : vector<1x64xf32> to vector<5000x64xf32>
    %add3A_17 = arith.addf %mul3A_12, %add3A_16 : vector<5000x64xf32>
    %gt3A = arith.constant 0.000000e+00 : f32
    %gt3A_18 = vector.broadcast %gt3A : f32 to vector<5000x64xf32>
    %gt3A_19 = arith.cmpf ogt, %add3A_17, %gt3A_18 : vector<5000x64xf32>
    %min3A = arith.constant 0.000000e+00 : f32
    %min3A_20 = vector.broadcast %min3A : f32 to vector<5000x64xf32>
    %min3A_21 = arith.minimumf %add3A_17, %min3A_20 : vector<5000x64xf32>
    %exp3A = math.exp %min3A_21 : vector<5000x64xf32>
    %sub3A = arith.constant 1.000000e+00 : f32
    %sub3A_22 = vector.broadcast %sub3A : f32 to vector<5000x64xf32>
    %sub3A_23 = arith.subf %exp3A, %sub3A_22 : vector<5000x64xf32>
    %select_n3A = arith.select %gt3A_19, %add3A_17, %sub3A_23 : vector<5000x64xi1>, vector<5000x64xf32>
    %get3A_24 = arith.constant 0 : index
    %get3A_25 = arith.constant 0 : index
    %get3A_26 = vector.load %arg6[%get3A_24, %get3A_25] : memref<64x32xf32, #tpu.memory_space<vmem>>, vector<64x32xf32>
    %dot_general3A = arith.constant dense<0.000000e+00> : vector<5000x32xf32>
    %dot_general3A_27 = tpu.matmul %select_n3A, %get3A_26, %dot_general3A {dimension_numbers = #tpu.dot_dimension_numbers<[1], [0], [0], [1], [0, 0, 1, 1], [], []>, transpose_lhs_hint = false} : vector<5000x64xf32>, vector<64x32xf32>, vector<5000x32xf32> -> vector<5000x32xf32>
    %get3A_28 = arith.constant 0 : index
    %get3A_29 = arith.constant 0 : index
    %get3A_30 = vector.load %arg7[%get3A_28, %get3A_29] : memref<1x32xf32, #tpu.memory_space<vmem>>, vector<1x32xf32>
    %add3A_31 = vector.broadcast %get3A_30 : vector<1x32xf32> to vector<5000x32xf32>
    %add3A_32 = arith.addf %dot_general3A_27, %add3A_31 : vector<5000x32xf32>
    %gt3A_33 = arith.constant 0.000000e+00 : f32
    %gt3A_34 = vector.broadcast %gt3A_33 : f32 to vector<5000x32xf32>
    %gt3A_35 = arith.cmpf ogt, %add3A_32, %gt3A_34 : vector<5000x32xf32>
    %min3A_36 = arith.constant 0.000000e+00 : f32
    %min3A_37 = vector.broadcast %min3A_36 : f32 to vector<5000x32xf32>
    %min3A_38 = arith.minimumf %add3A_32, %min3A_37 : vector<5000x32xf32>
    %exp3A_39 = math.exp %min3A_38 : vector<5000x32xf32>
    %sub3A_40 = arith.constant 1.000000e+00 : f32
    %sub3A_41 = vector.broadcast %sub3A_40 : f32 to vector<5000x32xf32>
    %sub3A_42 = arith.subf %exp3A_39, %sub3A_41 : vector<5000x32xf32>
    %select_n3A_43 = arith.select %gt3A_35, %add3A_32, %sub3A_42 : vector<5000x32xi1>, vector<5000x32xf32>
    %get3A_44 = arith.constant 0 : index
    %get3A_45 = arith.constant 0 : index
    %get3A_46 = vector.load %arg8[%get3A_44, %get3A_45] : memref<32x16xf32, #tpu.memory_space<vmem>>, vector<32x16xf32>
    %dot_general3A_47 = arith.constant dense<0.000000e+00> : vector<5000x16xf32>
    %dot_general3A_48 = tpu.matmul %select_n3A_43, %get3A_46, %dot_general3A_47 {dimension_numbers = #tpu.dot_dimension_numbers<[1], [0], [0], [1], [0, 0, 1, 1], [], []>, transpose_lhs_hint = false} : vector<5000x32xf32>, vector<32x16xf32>, vector<5000x16xf32> -> vector<5000x16xf32>
    %get3A_49 = arith.constant 0 : index
    %get3A_50 = arith.constant 0 : index
    %get3A_51 = vector.load %arg9[%get3A_49, %get3A_50] : memref<1x16xf32, #tpu.memory_space<vmem>>, vector<1x16xf32>
    %add3A_52 = vector.broadcast %get3A_51 : vector<1x16xf32> to vector<5000x16xf32>
    %add3A_53 = arith.addf %dot_general3A_48, %add3A_52 : vector<5000x16xf32>
    %gt3A_54 = arith.constant 0.000000e+00 : f32
    %gt3A_55 = vector.broadcast %gt3A_54 : f32 to vector<5000x16xf32>
    %gt3A_56 = arith.cmpf ogt, %add3A_53, %gt3A_55 : vector<5000x16xf32>
    %min3A_57 = arith.constant 0.000000e+00 : f32
    %min3A_58 = vector.broadcast %min3A_57 : f32 to vector<5000x16xf32>
    %min3A_59 = arith.minimumf %add3A_53, %min3A_58 : vector<5000x16xf32>
    %exp3A_60 = math.exp %min3A_59 : vector<5000x16xf32>
    %sub3A_61 = arith.constant 1.000000e+00 : f32
    %sub3A_62 = vector.broadcast %sub3A_61 : f32 to vector<5000x16xf32>
    %sub3A_63 = arith.subf %exp3A_60, %sub3A_62 : vector<5000x16xf32>
    %select_n3A_64 = arith.select %gt3A_56, %add3A_53, %sub3A_63 : vector<5000x16xi1>, vector<5000x16xf32>
    %get3A_65 = arith.constant 0 : index
    %get3A_66 = arith.constant 0 : index
    %get3A_67 = vector.load %arg10[%get3A_65, %get3A_66] : memref<16x2xf32, #tpu.memory_space<vmem>>, vector<16x2xf32>
    %dot_general3A_68 = arith.constant dense<0.000000e+00> : vector<5000x2xf32>
    %dot_general3A_69 = tpu.matmul %select_n3A_64, %get3A_67, %dot_general3A_68 {dimension_numbers = #tpu.dot_dimension_numbers<[1], [0], [0], [1], [0, 0, 1, 1], [], []>, transpose_lhs_hint = false} : vector<5000x16xf32>, vector<16x2xf32>, vector<5000x2xf32> -> vector<5000x2xf32>
    %get3A_70 = arith.constant 0 : index
    %get3A_71 = arith.constant 0 : index
    %get3A_72 = vector.load %arg11[%get3A_70, %get3A_71] : memref<1x2xf32, #tpu.memory_space<vmem>>, vector<1x2xf32>
    %add3A_73 = vector.broadcast %get3A_72 : vector<1x2xf32> to vector<5000x2xf32>
    %add3A_74 = arith.addf %dot_general3A_69, %add3A_73 : vector<5000x2xf32>
    %reduce_max3A = arith.constant dense<0xFF800000> : vector<5000xf32>
    %reduce_max3A_75 = vector.multi_reduction <maximumf>, %add3A_74, %reduce_max3A [1] : vector<5000x2xf32> to vector<5000xf32>
    %broadcast_in_dim3A = vector.shape_cast %reduce_max3A_75 : vector<5000xf32> to vector<5000x1xf32>
    %sub3A_76 = vector.broadcast %broadcast_in_dim3A : vector<5000x1xf32> to vector<5000x2xf32>
    %sub3A_77 = arith.subf %add3A_74, %sub3A_76 : vector<5000x2xf32>
    %exp3A_78 = math.exp %sub3A_77 : vector<5000x2xf32>
    %reduce_sum3A = arith.constant dense<0.000000e+00> : vector<5000xf32>
    %reduce_sum3A_79 = vector.multi_reduction <add>, %exp3A_78, %reduce_sum3A [1] : vector<5000x2xf32> to vector<5000xf32>
    %broadcast_in_dim3A_80 = vector.shape_cast %reduce_sum3A_79 : vector<5000xf32> to vector<5000x1xf32>
    %log3A = math.log %broadcast_in_dim3A_80 : vector<5000x1xf32>
    %add3A_81 = arith.addf %broadcast_in_dim3A, %log3A : vector<5000x1xf32>
    %sub3A_82 = vector.broadcast %add3A_81 : vector<5000x1xf32> to vector<5000x2xf32>
    %sub3A_83 = arith.subf %add3A_74, %sub3A_82 : vector<5000x2xf32>
    %swap3A = arith.constant 0 : index
    %swap3A_84 = arith.constant 0 : index
    %swap3A_85 = vector.load %arg12[%swap3A, %swap3A_84] : memref<5000x2xf32, #tpu.memory_space<vmem>>, vector<5000x2xf32>
    tpu.vector_store %arg12[%swap3A, %swap3A_84], %sub3A_83 {strides = array<i32>} : memref<5000x2xf32, #tpu.memory_space<vmem>>, vector<5000x2xf32>,
    return
  }
  func.func @transform_0(%arg0: i32) -> (i32, i32) {
    %c0_i32 = arith.constant 0 : i32
    %c0_i32_0 = arith.constant 0 : i32
    return %arg0, %c0_i32 : i32, i32
  }
  func.func @transform_1(%arg0: i32) -> (i32, i32) {
    %add3A = arith.constant 2 : i32
    %add3A_0 = arith.addi %arg0, %add3A : i32
    %c0_i32 = arith.constant 0 : i32
    %c0_i32_1 = arith.constant 0 : i32
    return %add3A_0, %c0_i32 : i32, i32
  }
  func.func @transform_2(%arg0: i32) -> (i32, i32) {
    %c0_i32 = arith.constant 0 : i32
    %c0_i32_0 = arith.constant 0 : i32
    return %arg0, %c0_i32 : i32, i32
  }
  func.func @transform_3(%arg0: i32) -> (i32, i32) {
    %c0_i32 = arith.constant 0 : i32
    %c0_i32_0 = arith.constant 0 : i32
    return %arg0, %c0_i32 : i32, i32
  }
  func.func @transform_4(%arg0: i32) -> (i32, i32) {
    %c0_i32 = arith.constant 0 : i32
    %c0_i32_0 = arith.constant 0 : i32
    %c0_i32_1 = arith.constant 0 : i32
    return %c0_i32, %c0_i32_0 : i32, i32
  }
  func.func @transform_5(%arg0: i32) -> (i32, i32) {
    %c0_i32 = arith.constant 0 : i32
    %c0_i32_0 = arith.constant 0 : i32
    %c0_i32_1 = arith.constant 0 : i32
    return %c0_i32, %c0_i32_0 : i32, i32
  }
  func.func @transform_6(%arg0: i32) -> (i32, i32) {
    %c0_i32 = arith.constant 0 : i32
    %c0_i32_0 = arith.constant 0 : i32
    %c0_i32_1 = arith.constant 0 : i32
    return %c0_i32, %c0_i32_0 : i32, i32
  }
  func.func @transform_7(%arg0: i32) -> (i32, i32) {
    %c0_i32 = arith.constant 0 : i32
    %c0_i32_0 = arith.constant 0 : i32
    %c0_i32_1 = arith.constant 0 : i32
    return %c0_i32, %c0_i32_0 : i32, i32
  }
  func.func @transform_8(%arg0: i32) -> (i32, i32) {
    %c0_i32 = arith.constant 0 : i32
    %c0_i32_0 = arith.constant 0 : i32
    %c0_i32_1 = arith.constant 0 : i32
    return %c0_i32, %c0_i32_0 : i32, i32
  }
  func.func @transform_9(%arg0: i32) -> (i32, i32) {
    %c0_i32 = arith.constant 0 : i32
    %c0_i32_0 = arith.constant 0 : i32
    %c0_i32_1 = arith.constant 0 : i32
    return %c0_i32, %c0_i32_0 : i32, i32
  }
  func.func @transform_10(%arg0: i32) -> (i32, i32) {
    %c0_i32 = arith.constant 0 : i32
    %c0_i32_0 = arith.constant 0 : i32
    %c0_i32_1 = arith.constant 0 : i32
    return %c0_i32, %c0_i32_0 : i32, i32
  }
  func.func @transform_11(%arg0: i32) -> (i32, i32) {
    %c0_i32 = arith.constant 0 : i32
    %c0_i32_0 = arith.constant 0 : i32
    return %arg0, %c0_i32 : i32, i32
  }
}

</mosaic_0001>

<sc_bundles>
// kernel: kernel.10.cloned.1.call-start
scs
__scs_entry_jumppad:
0x0: {  	(pc) =	sbr.rel $0x88, $3  }
0x1: {  	(tag) =	ssettag $0x0;
	lr =	simm.s32 $0x1  }
0x2: {  	[smem:$0x3F93] =	sst lr;
	_ =	strace $0xD0000000  }
0x3: {  	_ = 	snop  }
0x4: {  	_ = 	snop  }
0x5: {  	_ = 	snop  }
0x6: {  	_ = 	snop  }
0x7: {  	_ = 	snop  }
__scs_overlays_trampoline_lowered:
0x8: {  	[smem:$0x3FA2] =	sst s0  }
0x9: {  	[smem:$0x3FA3] =	sst s1  }
0xa: {  	[smem:$0x3FA4] =	sst s2  }
0xb: {  	[smem:$0x3FA5] =	sst s3  }
0xc: {  	[smem:$0x3FA6] =	sst s4  }
0xd: {  	[smem:$0x3FA7] =	sst s5  }
0xe: {  	[smem:$0x3FA8] =	sst s6  }
0xf: {  	[smem:$0x3FA9] =	sst s7  }
0x10: {  	[smem:$0x3FAA] =	sst s8  }
0x11: {  	[smem:$0x3FAB] =	sst s9;
	s0 =	simm.s32 @!p0 $0x0  }
0x12: {  	s1 =	sld [smem:$0x3F91];
	s0 =	simm.s32 @p0 $0x1  }
0x13: {  	[smem:$0x3FAC] =	sst s0;
	s0 =	simm.s32 @!p1 $0x0  }
0x14: {  	s2 =	sld [smem:$0x3F90];
	s0 =	simm.s32 @p1 $0x1  }
0x15: {  	[smem:$0x3FAD] =	sst s0;
	s0 =	simm.s32 @!p2 $0x0  }
0x16: {  	s3 =	sld [smem:$0x3FDB];
	s0 =	simm.s32 @p2 $0x1  }
0x17: {  	s4 =	simm.s32 $0x1BF5;
	[smem:$0x3FAF] =	sst s0  }
0x18: {  	s0 =	sld [smem:$0x3F92];
	_ =	swait.ge [sflag:s4], $0x0  }
0x19: {  	s7 =	sld [smem:$0x3F93]  }
0x1a: {  	s8 =	sadd.s32 $0xFFFFE003, lr  }
0x1b: {  	s9 =	sadd.s32 $0xFFFFFEF7, lr;
	s5 =	simm.s32 $0xFFFFFFFF;
	p2 =	slt.u32 s8, $0xFFFFF086  }
0x1c: {  	p1 =	slt.u32 s9, $0xF7A;
	s5 =	simm.s32 @!p2 $0x0  }
0x1d: {  	s5 =	simm.s32 @p1 $0x1;
	p0 =	seq.s32 s7, s2  }
0x1e: {  	s7 =	smul.u32 @!p0 $0xF7A, s2;
	p2 =	seq.s32 @!p0 s5, $0x0  }
0x1f: {  	s9 =	smul.u32 $0xF7A, s1;
	s8 =	simm.s32 @!p0 $0x1BF5;
	p2 =	por !p2, p0  }
0x20: {  	[sflag:s8] =	ssyncset.s32 @!p0 $0xFFFFF086;
	s6 =	sadd.s32 @!p0 s3, s7;
	s7 =	simm.s32 @!p0 $0x108  }
0x21: {  	s3 =	sadd.s32 s3, s9;
	s6 =	sadd.s32 @!p0 $0x88, s6;
	s7 =	simm.s32 @p2 $0x1082  }
0x22: {  	[simem:s7], [sflag:s8] =	dma.local @!p0 [hbm:s6], $0xF7A  }
0x23: {  	s9 =	sor.u32 $0xD0000000, s2;
	s6 =	simm.s32 $0x108;
	_ =	swait.ge @!p0 [sflag:s8], $0x0  }
0x24: {  	s3 =	sadd.s32 $0x88, s3;
	s6 =	simm.s32 @!p1 $0x1082;
	[sflag:s4] =	ssyncset.s32 $0xFFFFF086  }
0x25: {  	[simem:s6], [sflag:s4] =	dma.local [hbm:s3], $0xF7A  }
0x26: {  	[smem:$0x3F93] =	sst s1;
	(tag) =	ssettag s2;
	_ =	strace s9  }
0x27: {  	s1 =	sld [smem:$0x3FA3]  }
0x28: {  	s2 =	sld [smem:$0x3FA4]  }
0x29: {  	s4 =	sld [smem:$0x3FA6]  }
0x2a: {  	p0 =	seq.s32 s5, $0x0;
	s5 =	sld [smem:$0x3FA7]  }
0x2b: {  	s6 =	sld [smem:$0x3FA8]  }
0x2c: {  	s7 =	sld [smem:$0x3FA9]  }
0x2d: {  	s3 =	simm.s32 $0x108;
	s8 =	sld [smem:$0x3FAA]  }
0x2e: {  	s3 =	simm.s32 @!p0 $0x1082;
	s9 =	sld [smem:$0x3FAB]  }
0x2f: {  	lr =	sadd.s32 s0, s3;
	s0 =	sld [smem:$0x3FA2]  }
0x30: {  	s3 =	sld [smem:$0x3FA5]  }
0x31: {  	[smem:$0x3FAE] =	sst s10  }
0x32: {  	s10 =	sld [smem:$0x3FAC];
	_ =	sdelay $0x3  }
0x33: {  	p0 =	seq.s32 s10, $0x1;
	s10 =	sld [smem:$0x3FAE];
	_ =	sdelay $0x3  }
0x34: {  	[smem:$0x3FAE] =	sst s10  }
0x35: {  	s10 =	sld [smem:$0x3FAD];
	_ =	sdelay $0x3  }
0x36: {  	p1 =	seq.s32 s10, $0x1;
	s10 =	sld [smem:$0x3FAE];
	_ =	sdelay $0x3  }
0x37: {  	[smem:$0x3FAE] =	sst s10  }
0x38: {  	s10 =	sld [smem:$0x3FAF]  }
0x39: {  	_ = 	snop;
	(pc) =	sbr.ind lr, $3  }
0x3a: {  	_ = 	snop  }
0x3b: {  	_ = 	snop  }
0x3c: {  	p2 =	seq.s32 s10, $0x1;
	s10 =	sld [smem:$0x3FAE]  }
0x3d: {  	_ =	shalt  }
0x3e: {  	_ =	shalt  }
0x3f: {  	_ =	shalt  }
0x40: {  	_ =	shalt  }
0x41: {  	_ =	shalt  }
0x42: {  	_ =	shalt  }
0x43: {  	_ =	shalt  }
0x44: {  	_ =	shalt  }
0x45: {  	_ =	shalt  }
0x46: {  	_ =	shalt  }
0x47: {  	_ =	shalt  }
0x48: {  	_ =	shalt  }
0x49: {  	_ =	shalt  }
0x4a: {  	_ =	shalt  }
0x4b: {  	_ =	shalt  }
0x4c: {  	_ =	shalt  }
0x4d: {  	_ =	shalt  }
0x4e: {  	_ =	shalt  }
0x4f: {  	_ =	shalt  }
0x50: {  	_ =	shalt  }
0x51: {  	_ =	shalt  }
0x52: {  	_ =	shalt  }
0x53: {  	_ =	shalt  }
0x54: {  	_ =	shalt  }
0x55: {  	_ =	shalt  }
0x56: {  	_ =	shalt  }
0x57: {  	_ =	shalt  }
0x58: {  	_ =	shalt  }
0x59: {  	_ =	shalt  }
0x5a: {  	_ =	shalt  }
0x5b: {  	_ =	shalt  }
0x5c: {  	_ =	shalt  }
0x5d: {  	_ =	shalt  }
0x5e: {  	_ =	shalt  }
0x5f: {  	_ =	shalt  }
0x60: {  	_ =	shalt  }
0x61: {  	_ =	shalt  }
0x62: {  	_ =	shalt  }
0x63: {  	_ =	shalt  }
0x64: {  	_ =	shalt  }
0x65: {  	_ =	shalt  }
0x66: {  	_ =	shalt  }
0x67: {  	_ =	shalt  }
0x68: {  	_ =	shalt  }
0x69: {  	_ =	shalt  }
0x6a: {  	_ =	shalt  }
0x6b: {  	_ =	shalt  }
0x6c: {  	_ =	shalt  }
0x6d: {  	_ =	shalt  }
0x6e: {  	_ =	shalt  }
0x6f: {  	_ =	shalt  }
0x70: {  	_ =	shalt  }
0x71: {  	_ =	shalt  }
0x72: {  	_ =	shalt  }
0x73: {  	_ =	shalt  }
0x74: {  	_ =	shalt  }
0x75: {  	_ =	shalt  }
0x76: {  	_ =	shalt  }
0x77: {  	_ =	shalt  }
0x78: {  	_ =	shalt  }
0x79: {  	_ =	shalt  }
0x7a: {  	_ =	shalt  }
0x7b: {  	_ =	shalt  }
0x7c: {  	_ =	shalt  }
0x7d: {  	_ =	shalt  }
0x7e: {  	_ =	shalt  }
0x7f: {  	_ =	shalt  }
0x80: {  	_ =	shalt  }
0x81: {  	_ =	shalt  }
0x82: {  	_ =	shalt  }
0x83: {  	_ =	shalt  }
0x84: {  	_ =	shalt  }
0x85: {  	_ =	shalt  }
0x86: {  	_ =	shalt  }
0x87: {  	_ =	shalt  }
.Lfunc_end0:
.L_simem_size_0:
called_computation_lowered:
.L_overlay_start_0:
0x88: {  	s2 =	sld [smem:$0x3FD9]  }
0x89: {  	s3 =	sld [smem:$0x3FFE];
	_ =	sdelay $0x1  }
0x8a: {  	s1 =	srdreg.scid  }
0x8b: {  	s0 =	sand.u32 $0x1, s1  }
0x8c: {  	s16 =	sshll.u32 s0, $0xA;
	s2 =	sadd.s32 s3, s2  }
0x8d: {  	s2 =	sadd.s32 s2, s16  }
0x8e: {  	[smem:$0x3FBA] =	sst s2  }
0x8f: {  	_ = 	snop  }
0x90: {  	(tm) =	ssettm $0x1  }
0x91: {  	s17 =	sld [smem:$0x3FFB];
	_ =	sdelay $0x3  }
0x92: {  	_ =	strace s17  }
0x93: {  	s2 =	sld [smem:$0x3FFC];
	_ =	sdelay $0x3  }
0x94: {  	_ =	strace s2  }
0x95: {  	s2 =	sld [smem:$0x3FFD];
	_ =	sdelay $0x3  }
0x96: {  	_ =	strace s2  }
0x97: {  	_ =	strace $0x8FFFFFFF  }
0x98: {  	s18 =	sld [smem:$0x3FDB];
	_ =	sdelay $0x1  }
0x99: {  	s19 =	simm.s32 $_scs_section_size  }
0x9a: {  	s4 =	simm.s32 $_size__tile_overlayer_lowered;
	s5 =	simm.s32 $_tile_overlayer_lowered  }
0x9b: {  	s22 =	simm.s32 $0x1BFF;
	s21 =	sshll.u32 s5, $0x1;
	s2 =	sadd.s32 s19, s18  }
0x9c: {  	s6 =	simm.s32 $0x0;
	s20 =	sshll.u32 s4, $0x1;
	s4 =	sadd.s32 s21, s2  }
0x9d: {  	[timem:s6], [sflag:s22] =	dma.local [hbm:s4], s20  }
0x9e: {  	_ =	swait.ge [sflag:s22], s20  }
0x9f: {  	s3 =	ssub.s32 $0x0, s20;
	[sflag:s22] =	ssyncset.done $0x0  }
0xa0: {  	[sflag:s22] =	ssyncadd.s32 s3;
	_ =	sdelay $0x1  }
0xa1: {  	s23 =	simm.s32 $0x1B8B  }
0xa2: {  	_ =	swait.ge [sflag:s23], $0x1  }
0xa3: {  	[sflag:s23] =	ssyncset.done $0x0  }
0xa4: {  	s25 =	simm.s32 $0x1B8E;
	s24 =	sld [smem:$0x3FFE];
	[sflag:s23] =	ssyncadd.s32 $0xFFFFFFFF  }
0xa5: {  	s26 =	simm.s32 $execute0_lowered;
	[smem:$0x3FD2] =	sst s25  }
0xa6: {  	s4 =	sshll.u32 s26, $0x1;
	_ =	strace $0x80000046;
	[dreg:$0x1] =	wrdreg $0xFFFFFFFF  }
0xa7: {  	s28 =	simm.s32 $_size_execute0_lowered;
	s2 =	sadd.s32 s2, s4;
	[dreg:$0x0] =	wrdreg $0x0  }
0xa8: {  	s4 =	sshll.u32 s28, $0x1;
	[dreg:$0x2] =	wrdreg s2  }
0xa9: {  	[dreg:$0x3] =	wrdreg s4  }
0xaa: {  	[dreg:$0x4] =	wrdreg $0xC0  }
0xab: {  	_ =	task [dreg:s6], $0x5FFFF  }
0xac: {  	[dreg:$0x1] =	wrdreg $0xFFFFFFFF  }
0xad: {  	[dreg:$0x0] =	wrdreg $0x60  }
0xae: {  	[dreg:$0x2] =	wrdreg s24  }
0xaf: {  	[dreg:$0x3] =	wrdreg $0x2BE00  }
0xb0: {  	[dreg:$0x4] =	wrdreg $0x9  }
0xb1: {  	_ =	task.clear_ibuf [dreg:s6], $0x5FFFF;
	_ =	strace $0x90000046  }
0xb2: {  	s29 =	simm.s32 $0x9;
	_ =	strace $0x80000048  }
0xb3: {  	_ =	swait.ge [sflag:s29], $0x1  }
0xb4: {  	[sflag:s29] =	ssyncadd.s32 $0xFFFFFFFF  }
0xb5: {  	_ =	strace $0x90000048  }
0xb6: {  	_ =	sfence  }
0xb7: {  	s30 =	sld [smem:$0x0];
	_ =	sdelay $0x2  }
0xb8: {  	s31 =	sshll.u32 s1, $0xD;
	s1 =	sshrl.u32 s1, $0x2  }
0xb9: {  	s3 =	sand.u32 $0x4000, s31;
	s1 =	sadd.s32 s1, s30  }
0xba: {  	s0 =	sor.u32 s3, s0;
	s1 =	sshll.u32 s1, $0x11  }
0xbb: {  	s0 =	sor.u32 s1, s0  }
0xbc: {  	s0 =	sadd.s32 $0x8F2B, s0  }
0xbd: {  	[sflag:s0] =	ssyncadd.remote.s32 $0x1  }
0xbe: {  	_ =	sfence.sel $0xFFFF  }
0xbf: {  	[dreg:$0x0] =	wrdreg $0xFFFFFFFF;
	(pc) =	sbr.abs _section_cstart, $3  }
0xc0: {  	[dreg:$0x1] =	wrdreg $0xFFFFFFFF  }
0xc1: {  	_ =	task.clear_ibuf [dreg:s6], $0x2FFFF;
	_ =	strace $0x9FFFFFFF  }
0xc2: {  	(tm) =	ssettm $0x7FFFFFFF  }
0xc3: {  	_ =	shalt  }
tec
execute0_lowered:
.L_overlay_start_1:
0x0: {  	(tag) =	ssettag $0x1  }
0x1: {  	s4 =	rddreg [dreg:$0x0]  }
0x2: {  	s0 =	srdreg.scid;
	s2 =	rddreg [dreg:$0x1]  }
0x3: {  	s23 =	stileid.u32;
	s3 =	simm.s32 $0x0;
	s30 =	simm.s32 $0x1F8  }
0x4: {  	s31 =	simm.s32 $0x3F0;
	s11 =	simm.s32 $0x7E0;
	s12 =	simm.s32 $0x9D8  }
0x5: {  	s13 =	simm.s32 $0xBD0;
	s14 =	simm.s32 $0xDC8;
	s15 =	simm.s32 $0xFC0  }
0x6: {  	s16 =	simm.s32 $0x11B8;
	s17 =	simm.s32 $0x13B0;
	s18 =	simm.s32 $0x15A8  }
0x7: {  	s19 =	simm.s32 $0x17A0;
	s20 =	simm.s32 $0x1998;
	s21 =	simm.s32 $0x1B90  }
0x8: {  	s22 =	simm.s32 $0x1D88;
	s5 =	sand.u32 $0x1, s0;
	[smem:$0x7FF] =	sst s3  }
0x9: {  	s7 =	smul.u32 $0x270, s23;
	s9 =	sadd.s32 $0x16E00, s4;
	p0 =	seq.s32 s23, $0xF  }
0xa: {  	s6 =	sshll.u32 s5, $0x4;
	_ =	strace $0x80000047;
	[dreg:$0x6] =	wrdreg s30  }
0xb: {  	s8 =	ssub.s32 $0x2, s5;
	s5 =	smul.u32 $0x2710, s5;
	[dreg:$0x7] =	wrdreg s31  }
0xc: {  	s6 =	sor.u32 s23, s6;
	s10 =	sshrl.u32 s8, $0x1;
	s23 =	simm.s32 $0x1F80  }
0xd: {  	s6 =	smul.u32 $0x2760, s6;
	s24 =	ssub.s32 s8, s10;
	s25 =	sadd.s32 s7, s5  }
0xe: {  	s5 =	sshrl.u32 s5, $0x3;
	s10 =	simm.s32 $0x5E8;
	s8 =	sshrl.u32 s25, $0x3  }
0xf: {  	s28 =	sadd.s32 s9, s5;
	s5 =	sadd.s32 $0x2490, s2;
	s25 =	simm.s32 $0x2370  }
0x10: {  	s6 =	sshrl.u32 s6, $0x3;
	s26 =	sadd.s32 s9, s8;
	s29 =	sadd.s32 $0x492, s28  }
0x11: {  	s8 =	simm.s32 $0x1F4;
	s9 =	simm.s32 $0x2760;
	[dreg:$0x4] =	wrdreg s26  }
0x12: {  	s4 =	sadd.s32 s4, s6;
	[dreg:$0x5] =	wrdreg s29;
	s6 =	smax.u32 s24, $0x1  }
0x13: {  	s24 =	simm.s32 $0x2178;
	s26 =	simm.s32 $0x2568;
	s4 =	sadd.s32 $0xCF80, s4  }
0x14: {  	v0 =	vimm.f32 $1.000000000e+00;
	v1 =	vimm.f32 $0.0e+00;
	[dreg:$0x3] =	wrdreg s4;
	s4 =	sadd.s32 s7, s2;
	s7 =	simm.s32 $0x1  }
.LBB2_1:
0x15: {  	s28 =	rddreg [dreg:$0x3]  }
0x16: {  	[tilespmem:s3], [sflag:$0x1] =	stream.linear.gather [hbm4b:s28+s3], $0x2760, $0x38;
	[tilespmem:$0x2E58] =	vst v63  }
0x17: {  	_ =	swait.ge [sflag:s7], $0x2760  }
0x18: {  	[sflag:s7] =	ssyncset.done $0x0  }
0x19: {  	[sflag:s7] =	ssyncadd.s32 $0xFFFFD8A0  }
0x1a: {  	[tilespmem:$0x2760] =	vst v0  }
0x1b: {  	[tilespmem:$0x2770] =	vst v0  }
0x1c: {  	[tilespmem:$0x2780] =	vst v0  }
0x1d: {  	[tilespmem:$0x2790] =	vst v0  }
0x1e: {  	[tilespmem:$0x27A0] =	vst v0  }
0x1f: {  	[tilespmem:$0x27B0] =	vst v0  }
0x20: {  	[tilespmem:$0x27C0] =	vst v0  }
0x21: {  	[tilespmem:$0x27D0] =	vst v0  }
0x22: {  	[tilespmem:$0x27E0] =	vst v0  }
0x23: {  	[tilespmem:$0x27F0] =	vst v0  }
0x24: {  	[tilespmem:$0x2800] =	vst v0  }
0x25: {  	[tilespmem:$0x2810] =	vst v0  }
0x26: {  	[tilespmem:$0x2820] =	vst v0  }
0x27: {  	[tilespmem:$0x2830] =	vst v0  }
0x28: {  	[tilespmem:$0x2840] =	vst v0  }
0x29: {  	[tilespmem:$0x2850] =	vst v0  }
0x2a: {  	[tilespmem:$0x2860] =	vst v0  }
0x2b: {  	[tilespmem:$0x2870] =	vst v0  }
0x2c: {  	[tilespmem:$0x2880] =	vst v0  }
0x2d: {  	[tilespmem:$0x2890] =	vst v0  }
0x2e: {  	[tilespmem:$0x28A0] =	vst v0  }
0x2f: {  	[tilespmem:$0x28B0] =	vst v0  }
0x30: {  	[tilespmem:$0x28C0] =	vst v0  }
0x31: {  	[tilespmem:$0x28D0] =	vst v0  }
0x32: {  	[tilespmem:$0x28E0] =	vst v0  }
0x33: {  	[tilespmem:$0x28F0] =	vst v0  }
0x34: {  	[tilespmem:$0x2900] =	vst v0  }
0x35: {  	[tilespmem:$0x2910] =	vst v0  }
0x36: {  	[tilespmem:$0x2920] =	vst v0  }
0x37: {  	[tilespmem:$0x2930] =	vst v0  }
0x38: {  	[tilespmem:$0x2940] =	vst v0  }
0x39: {  	[tilespmem:$0x2950] =	vst v0  }
0x3a: {  	[tilespmem:$0x2960] =	vst v1  }
0x3b: {  	[tilespmem:$0x2970] =	vst v1  }
0x3c: {  	[tilespmem:$0x2980] =	vst v1  }
0x3d: {  	[tilespmem:$0x2990] =	vst v1  }
0x3e: {  	[tilespmem:$0x29A0] =	vst v1  }
0x3f: {  	[tilespmem:$0x29B0] =	vst v1  }
0x40: {  	[tilespmem:$0x29C0] =	vst v1  }
0x41: {  	[tilespmem:$0x29D0] =	vst v1  }
0x42: {  	[tilespmem:$0x29E0] =	vst v1  }
0x43: {  	[tilespmem:$0x29F0] =	vst v1  }
0x44: {  	[tilespmem:$0x2A00] =	vst v1  }
0x45: {  	[tilespmem:$0x2A10] =	vst v1  }
0x46: {  	[tilespmem:$0x2A20] =	vst v1  }
0x47: {  	[tilespmem:$0x2A30] =	vst v1  }
0x48: {  	[tilespmem:$0x2A40] =	vst v1  }
0x49: {  	[tilespmem:$0x2A50] =	vst v1  }
0x4a: {  	[tilespmem:$0x2A60] =	vst v1  }
0x4b: {  	[tilespmem:$0x2A70] =	vst v1  }
0x4c: {  	[tilespmem:$0x2A80] =	vst v1  }
0x4d: {  	[tilespmem:$0x2A90] =	vst v1  }
0x4e: {  	[tilespmem:$0x2AA0] =	vst v1  }
0x4f: {  	[tilespmem:$0x2AB0] =	vst v1  }
0x50: {  	[tilespmem:$0x2AC0] =	vst v1  }
0x51: {  	[tilespmem:$0x2AD0] =	vst v1  }
0x52: {  	[tilespmem:$0x2AE0] =	vst v1  }
0x53: {  	[tilespmem:$0x2AF0] =	vst v1  }
0x54: {  	[tilespmem:$0x2B00] =	vst v1  }
0x55: {  	[tilespmem:$0x2B10] =	vst v1  }
0x56: {  	[tilespmem:$0x2B20] =	vst v1  }
0x57: {  	[tilespmem:$0x2B30] =	vst v1  }
0x58: {  	[tilespmem:$0x2B40] =	vst v1  }
0x59: {  	[tilespmem:$0x2B50] =	vst v1  }
0x5a: {  	[tilespmem:$0x2B60] =	vst v1  }
0x5b: {  	[tilespmem:$0x2B70] =	vst v1  }
0x5c: {  	[tilespmem:$0x2B80] =	vst v1  }
0x5d: {  	[tilespmem:$0x2B90] =	vst v1  }
0x5e: {  	[tilespmem:$0x2BA0] =	vst v1  }
0x5f: {  	[tilespmem:$0x2BB0] =	vst v1  }
0x60: {  	[tilespmem:$0x2BC0] =	vst v1  }
0x61: {  	s31 =	simm.s32 @p0 $0x2960;
	s30 =	simm.s32 @p0 $0x1;
	[tilespmem:$0x2BD0] =	vst v1  }
0x62: {  	[spmem:s5] =	stream.linear.scatter @p0 [tilespmem:s31], [sflag:$0x1], $0x280, $0x38;
	[tilespmem:$0x2E58] =	vst v63  }
0x63: {  	_ =	swait.ge @p0 [sflag:s30], $0x280  }
0x64: {  	[sflag:s30] =	ssyncset.done @p0 $0x0  }
0x65: {  	s29 =	simm.s32 @!p0 $0x2960;
	s28 =	simm.s32 @!p0 $0x1;
	[sflag:s30] =	ssyncadd.s32 @p0 $0xFFFFFD80  }
0x66: {  	[spmem:s4] =	stream.linear.scatter @!p0 [tilespmem:s29], [sflag:$0x1], $0x270, $0x38;
	[tilespmem:$0x2E58] =	vst v63  }
0x67: {  	_ =	swait.ge @!p0 [sflag:s28], $0x270  }
0x68: {  	[sflag:s28] =	ssyncset.done @!p0 $0x0  }
0x69: {  	[sflag:s28] =	ssyncadd.s32 @!p0 $0xFFFFFD90  }
0x6a: {  	[bflag:$0x0] =	sbarrier.arrive $0xFFFF  }
0x6b: {  	[spmem:s2] =	stream.indirect.scatter.add.f32 [tilespmem:s9], [sflag:$0x1], $0x1, s3, s8, $0xb8;
	[tilespmem:$0x2E58] =	vst v63  }
0x6c: {  	_ =	swait.ge [sflag:s7], $0x1F4  }
0x6d: {  	[sflag:s7] =	ssyncset.done $0x0  }
0x6e: {  	s0 =	rddreg [dreg:$0x6];
	[sflag:s7] =	ssyncadd.s32 $0xFFFFFE0C  }
0x6f: {  	[spmem:s2] =	stream.indirect.scatter.add.f32 [tilespmem:s9], [sflag:$0x1], $0x1, s0, s8, $0xb8;
	[tilespmem:$0x2E58] =	vst v63  }
0x70: {  	_ =	swait.ge [sflag:s7], $0x1F4  }
0x71: {  	[sflag:s7] =	ssyncset.done $0x0  }
0x72: {  	s1 =	rddreg [dreg:$0x7];
	[sflag:s7] =	ssyncadd.s32 $0xFFFFFE0C  }
0x73: {  	[spmem:s2] =	stream.indirect.scatter.add.f32 [tilespmem:s9], [sflag:$0x1], $0x1, s1, s8, $0xb8;
	[tilespmem:$0x2E58] =	vst v63  }
0x74: {  	_ =	swait.ge [sflag:s7], $0x1F4  }
0x75: {  	[sflag:s7] =	ssyncset.done $0x0  }
0x76: {  	[sflag:s7] =	ssyncadd.s32 $0xFFFFFE0C  }
0x77: {  	[spmem:s2] =	stream.indirect.scatter.add.f32 [tilespmem:s9], [sflag:$0x1], $0x1, s10, s8, $0xb8;
	[tilespmem:$0x2E58] =	vst v63  }
0x78: {  	_ =	swait.ge [sflag:s7], $0x1F4  }
0x79: {  	[sflag:s7] =	ssyncset.done $0x0  }
0x7a: {  	[sflag:s7] =	ssyncadd.s32 $0xFFFFFE0C  }
0x7b: {  	[spmem:s2] =	stream.indirect.scatter.add.f32 [tilespmem:s9], [sflag:$0x1], $0x1, s11, s8, $0xb8;
	[tilespmem:$0x2E58] =	vst v63  }
0x7c: {  	_ =	swait.ge [sflag:s7], $0x1F4  }
0x7d: {  	[sflag:s7] =	ssyncset.done $0x0  }
0x7e: {  	[sflag:s7] =	ssyncadd.s32 $0xFFFFFE0C  }
0x7f: {  	[spmem:s2] =	stream.indirect.scatter.add.f32 [tilespmem:s9], [sflag:$0x1], $0x1, s12, s8, $0xb8;
	[tilespmem:$0x2E58] =	vst v63  }
0x80: {  	_ =	swait.ge [sflag:s7], $0x1F4  }
0x81: {  	[sflag:s7] =	ssyncset.done $0x0  }
0x82: {  	[sflag:s7] =	ssyncadd.s32 $0xFFFFFE0C  }
0x83: {  	[spmem:s2] =	stream.indirect.scatter.add.f32 [tilespmem:s9], [sflag:$0x1], $0x1, s13, s8, $0xb8;
	[tilespmem:$0x2E58] =	vst v63  }
0x84: {  	_ =	swait.ge [sflag:s7], $0x1F4  }
0x85: {  	[sflag:s7] =	ssyncset.done $0x0  }
0x86: {  	[sflag:s7] =	ssyncadd.s32 $0xFFFFFE0C  }
0x87: {  	[spmem:s2] =	stream.indirect.scatter.add.f32 [tilespmem:s9], [sflag:$0x1], $0x1, s14, s8, $0xb8;
	[tilespmem:$0x2E58] =	vst v63  }
0x88: {  	_ =	swait.ge [sflag:s7], $0x1F4  }
0x89: {  	[sflag:s7] =	ssyncset.done $0x0  }
0x8a: {  	[sflag:s7] =	ssyncadd.s32 $0xFFFFFE0C  }
0x8b: {  	[spmem:s2] =	stream.indirect.scatter.add.f32 [tilespmem:s9], [sflag:$0x1], $0x1, s15, s8, $0xb8;
	[tilespmem:$0x2E58] =	vst v63  }
0x8c: {  	_ =	swait.ge [sflag:s7], $0x1F4  }
0x8d: {  	[sflag:s7] =	ssyncset.done $0x0  }
0x8e: {  	[sflag:s7] =	ssyncadd.s32 $0xFFFFFE0C  }
0x8f: {  	[spmem:s2] =	stream.indirect.scatter.add.f32 [tilespmem:s9], [sflag:$0x1], $0x1, s16, s8, $0xb8;
	[tilespmem:$0x2E58] =	vst v63  }
0x90: {  	_ =	swait.ge [sflag:s7], $0x1F4  }
0x91: {  	[sflag:s7] =	ssyncset.done $0x0  }
0x92: {  	[sflag:s7] =	ssyncadd.s32 $0xFFFFFE0C  }
0x93: {  	[spmem:s2] =	stream.indirect.scatter.add.f32 [tilespmem:s9], [sflag:$0x1], $0x1, s17, s8, $0xb8;
	[tilespmem:$0x2E58] =	vst v63  }
0x94: {  	_ =	swait.ge [sflag:s7], $0x1F4  }
0x95: {  	[sflag:s7] =	ssyncset.done $0x0  }
0x96: {  	[sflag:s7] =	ssyncadd.s32 $0xFFFFFE0C  }
0x97: {  	[spmem:s2] =	stream.indirect.scatter.add.f32 [tilespmem:s9], [sflag:$0x1], $0x1, s18, s8, $0xb8;
	[tilespmem:$0x2E58] =	vst v63  }
0x98: {  	_ =	swait.ge [sflag:s7], $0x1F4  }
0x99: {  	[sflag:s7] =	ssyncset.done $0x0  }
0x9a: {  	[sflag:s7] =	ssyncadd.s32 $0xFFFFFE0C  }
0x9b: {  	[spmem:s2] =	stream.indirect.scatter.add.f32 [tilespmem:s9], [sflag:$0x1], $0x1, s19, s8, $0xb8;
	[tilespmem:$0x2E58] =	vst v63  }
0x9c: {  	_ =	swait.ge [sflag:s7], $0x1F4  }
0x9d: {  	[sflag:s7] =	ssyncset.done $0x0  }
0x9e: {  	[sflag:s7] =	ssyncadd.s32 $0xFFFFFE0C  }
0x9f: {  	[spmem:s2] =	stream.indirect.scatter.add.f32 [tilespmem:s9], [sflag:$0x1], $0x1, s20, s8, $0xb8;
	[tilespmem:$0x2E58] =	vst v63  }
0xa0: {  	_ =	swait.ge [sflag:s7], $0x1F4  }
0xa1: {  	[sflag:s7] =	ssyncset.done $0x0  }
0xa2: {  	[sflag:s7] =	ssyncadd.s32 $0xFFFFFE0C  }
0xa3: {  	[spmem:s2] =	stream.indirect.scatter.add.f32 [tilespmem:s9], [sflag:$0x1], $0x1, s21, s8, $0xb8;
	[tilespmem:$0x2E58] =	vst v63  }
0xa4: {  	_ =	swait.ge [sflag:s7], $0x1F4  }
0xa5: {  	[sflag:s7] =	ssyncset.done $0x0  }
0xa6: {  	[sflag:s7] =	ssyncadd.s32 $0xFFFFFE0C  }
0xa7: {  	[spmem:s2] =	stream.indirect.scatter.add.f32 [tilespmem:s9], [sflag:$0x1], $0x1, s22, s8, $0xb8;
	[tilespmem:$0x2E58] =	vst v63  }
0xa8: {  	_ =	swait.ge [sflag:s7], $0x1F4  }
0xa9: {  	[sflag:s7] =	ssyncset.done $0x0  }
0xaa: {  	[sflag:s7] =	ssyncadd.s32 $0xFFFFFE0C  }
0xab: {  	[spmem:s2] =	stream.indirect.scatter.add.f32 [tilespmem:s9], [sflag:$0x1], $0x1, s23, s8, $0xb8;
	[tilespmem:$0x2E58] =	vst v63  }
0xac: {  	_ =	swait.ge [sflag:s7], $0x1F4  }
0xad: {  	[sflag:s7] =	ssyncset.done $0x0  }
0xae: {  	[sflag:s7] =	ssyncadd.s32 $0xFFFFFE0C  }
0xaf: {  	[spmem:s2] =	stream.indirect.scatter.add.f32 [tilespmem:s9], [sflag:$0x1], $0x1, s24, s8, $0xb8;
	[tilespmem:$0x2E58] =	vst v63  }
0xb0: {  	_ =	swait.ge [sflag:s7], $0x1F4  }
0xb1: {  	[sflag:s7] =	ssyncset.done $0x0  }
0xb2: {  	[sflag:s7] =	ssyncadd.s32 $0xFFFFFE0C  }
0xb3: {  	[spmem:s2] =	stream.indirect.scatter.add.f32 [tilespmem:s9], [sflag:$0x1], $0x1, s25, s8, $0xb8;
	[tilespmem:$0x2E58] =	vst v63  }
0xb4: {  	_ =	swait.ge [sflag:s7], $0x1F4  }
0xb5: {  	[sflag:s7] =	ssyncset.done $0x0  }
0xb6: {  	[sflag:s7] =	ssyncadd.s32 $0xFFFFFE0C  }
0xb7: {  	[spmem:s2] =	stream.indirect.scatter.add.f32 [tilespmem:s9], [sflag:$0x1], $0x1, s26, s8, $0xb8;
	[tilespmem:$0x2E58] =	vst v63  }
0xb8: {  	_ =	swait.ge [sflag:s7], $0x1F4  }
0xb9: {  	[sflag:s7] =	ssyncset.done $0x0  }
0xba: {  	[sflag:s7] =	ssyncadd.s32 $0xFFFFFE0C  }
0xbb: {  	[bflag:$0x0] =	sbarrier.arrive $0xFFFF  }
0xbc: {  	[tilespmem:s31], [sflag:$0x1] =	stream.linear.gather @p0 [spmem:s5], $0x280, $0x38;
	[tilespmem:$0x2E58] =	vst v63  }
0xbd: {  	_ =	swait.ge @p0 [sflag:s30], $0x280  }
0xbe: {  	[sflag:s30] =	ssyncset.done @p0 $0x0  }
0xbf: {  	s1 =	simm.s32 @p0 $0x0;
	s0 =	rddreg [dreg:$0x5];
	[sflag:s30] =	ssyncadd.s32 @p0 $0xFFFFFD80  }
0xc0: {  	[hbm4b:s0+s1] =	stream.linear.scatter @p0 [tilespmem:s31], [sflag:$0x1], $0x280, $0x38;
	[tilespmem:$0x2E58] =	vst v63  }
0xc1: {  	_ =	swait.ge @p0 [sflag:s30], $0x280  }
0xc2: {  	[sflag:s30] =	ssyncset.done @p0 $0x0  }
0xc3: {  	[sflag:s30] =	ssyncadd.s32 @p0 $0xFFFFFD80  }
0xc4: {  	[tilespmem:s29], [sflag:$0x1] =	stream.linear.gather @!p0 [spmem:s4], $0x270, $0x38;
	[tilespmem:$0x2E58] =	vst v63  }
0xc5: {  	s6 =	sadd.s32 $0xFFFFFFFF, s6;
	_ =	swait.ge @!p0 [sflag:s28], $0x270  }
0xc6: {  	p1 =	sne.s32 s6, $0x0;
	s1 =	simm.s32 @!p0 $0x0;
	[sflag:s28] =	ssyncset.done @!p0 $0x0  }
.Ltmp0:
0xc7: {  	s0 =	rddreg [dreg:$0x4];
	[sflag:s28] =	ssyncadd.s32 @!p0 $0xFFFFFD90;
	(pc) =	sbr.rel @p1 .LBB2_1-.Ltmp0, $4  }
0xc8: {  	[hbm4b:s0+s1] =	stream.linear.scatter @!p0 [tilespmem:s29], [sflag:$0x1], $0x270, $0x38;
	[tilespmem:$0x2E58] =	vst v63  }
0xc9: {  	_ =	swait.ge @!p0 [sflag:s28], $0x270  }
0xca: {  	[sflag:s28] =	ssyncset.done @!p0 $0x0  }
0xcb: {  	[sflag:s28] =	ssyncadd.s32 @!p0 $0xFFFFFD90  }
0xcc: {  	_ =	sfence.sel $0x180000  }
0xcd: {  	[bflag:$0x0] =	sbarrier.arrive $0xFFFF  }
0xce: {  	_ =	strace $0x90000047  }
0xcf: {  	s0 =	stileid.u32;
	[bflag:$0x2] =	sbarrier.arrive $0xFFFF  }
0xd0: {  	p0 =	sne.s32 s0, $0x0;
	s0 =	rddreg [dreg:$0x2]  }
0xd1: {  	s0 =	sadd.s32 @!p0 $0x100000, s0  }
0xd2: {  	[sflag:s0] =	ssyncadd.tile.s32 @!p0 $0x1;
	_ =	shalt  }
.Lfunc_end2:
_tile_overlayer_lowered:
.L_overlay_start_2:
0xd3: {  	(tag) =	ssettag $0x2  }
0xd4: {  	s0 =	rddreg [dreg:$0x0];
	s2 =	stileid.u32  }
0xd5: {  	s1 =	rddreg [dreg:$0x1];
	p0 =	sne.s32 s2, $0x0  }
0xd6: {  	s3 =	rddreg [dreg:$0x2];
	[bflag:$0x3] =	sbarrier.arrive $0xFFFF;
	s2 =	simm.s32 @!p0 $0x1C01  }
0xd7: {  	[timem:s3], [sflag:s2] =	dma.local @!p0 [hbm:s0], s1  }
0xd8: {  	s0 =	simm.s32 @!p0 $0x1  }
0xd9: {  	_ =	swait.ge @!p0 [sflag:s0], s1  }
0xda: {  	s1 =	ssub.s32 @!p0 $0x0, s1;
	[sflag:s0] =	ssyncset.done @!p0 $0x0  }
0xdb: {  	[sflag:s0] =	ssyncadd.s32 @!p0 s1  }
0xdc: {  	[bflag:$0x3] =	sbarrier.arrive $0xFFFF  }
0xdd: {  	_ =	shalt  }

// kernel: kernel.13.cloned.1.call-start
scs
__scs_entry_jumppad:
0x0: {  	(pc) =	sbr.rel $0x88, $3  }
0x1: {  	(tag) =	ssettag $0x0;
	lr =	simm.s32 $0x1  }
0x2: {  	[smem:$0x3F93] =	sst lr;
	_ =	strace $0xD0000000  }
0x3: {  	_ = 	snop  }
0x4: {  	_ = 	snop  }
0x5: {  	_ = 	snop  }
0x6: {  	_ = 	snop  }
0x7: {  	_ = 	snop  }
__scs_overlays_trampoline_lowered:
0x8: {  	[smem:$0x3FA2] =	sst s0  }
0x9: {  	[smem:$0x3FA3] =	sst s1  }
0xa: {  	[smem:$0x3FA4] =	sst s2  }
0xb: {  	[smem:$0x3FA5] =	sst s3  }
0xc: {  	[smem:$0x3FA6] =	sst s4  }
0xd: {  	[smem:$0x3FA7] =	sst s5  }
0xe: {  	[smem:$0x3FA8] =	sst s6  }
0xf: {  	[smem:$0x3FA9] =	sst s7  }
0x10: {  	[smem:$0x3FAA] =	sst s8  }
0x11: {  	[smem:$0x3FAB] =	sst s9;
	s0 =	simm.s32 @!p0 $0x0  }
0x12: {  	s1 =	sld [smem:$0x3F91];
	s0 =	simm.s32 @p0 $0x1  }
0x13: {  	[smem:$0x3FAC] =	sst s0;
	s0 =	simm.s32 @!p1 $0x0  }
0x14: {  	s2 =	sld [smem:$0x3F90];
	s0 =	simm.s32 @p1 $0x1  }
0x15: {  	[smem:$0x3FAD] =	sst s0;
	s0 =	simm.s32 @!p2 $0x0  }
0x16: {  	s3 =	sld [smem:$0x3FDB];
	s0 =	simm.s32 @p2 $0x1  }
0x17: {  	s4 =	simm.s32 $0x1BF5;
	[smem:$0x3FAF] =	sst s0  }
0x18: {  	s0 =	sld [smem:$0x3F92];
	_ =	swait.ge [sflag:s4], $0x0  }
0x19: {  	s7 =	sld [smem:$0x3F93]  }
0x1a: {  	s8 =	sadd.s32 $0xFFFFE003, lr  }
0x1b: {  	s9 =	sadd.s32 $0xFFFFFEF7, lr;
	s5 =	simm.s32 $0xFFFFFFFF;
	p2 =	slt.u32 s8, $0xFFFFF086  }
0x1c: {  	p1 =	slt.u32 s9, $0xF7A;
	s5 =	simm.s32 @!p2 $0x0  }
0x1d: {  	s5 =	simm.s32 @p1 $0x1;
	p0 =	seq.s32 s7, s2  }
0x1e: {  	s7 =	smul.u32 @!p0 $0xF7A, s2;
	p2 =	seq.s32 @!p0 s5, $0x0  }
0x1f: {  	s9 =	smul.u32 $0xF7A, s1;
	s8 =	simm.s32 @!p0 $0x1BF5;
	p2 =	por !p2, p0  }
0x20: {  	[sflag:s8] =	ssyncset.s32 @!p0 $0xFFFFF086;
	s6 =	sadd.s32 @!p0 s3, s7;
	s7 =	simm.s32 @!p0 $0x108  }
0x21: {  	s3 =	sadd.s32 s3, s9;
	s6 =	sadd.s32 @!p0 $0x88, s6;
	s7 =	simm.s32 @p2 $0x1082  }
0x22: {  	[simem:s7], [sflag:s8] =	dma.local @!p0 [hbm:s6], $0xF7A  }
0x23: {  	s9 =	sor.u32 $0xD0000000, s2;
	s6 =	simm.s32 $0x108;
	_ =	swait.ge @!p0 [sflag:s8], $0x0  }
0x24: {  	s3 =	sadd.s32 $0x88, s3;
	s6 =	simm.s32 @!p1 $0x1082;
	[sflag:s4] =	ssyncset.s32 $0xFFFFF086  }
0x25: {  	[simem:s6], [sflag:s4] =	dma.local [hbm:s3], $0xF7A  }
0x26: {  	[smem:$0x3F93] =	sst s1;
	(tag) =	ssettag s2;
	_ =	strace s9  }
0x27: {  	s1 =	sld [smem:$0x3FA3]  }
0x28: {  	s2 =	sld [smem:$0x3FA4]  }
0x29: {  	s4 =	sld [smem:$0x3FA6]  }
0x2a: {  	p0 =	seq.s32 s5, $0x0;
	s5 =	sld [smem:$0x3FA7]  }
0x2b: {  	s6 =	sld [smem:$0x3FA8]  }
0x2c: {  	s7 =	sld [smem:$0x3FA9]  }
0x2d: {  	s3 =	simm.s32 $0x108;
	s8 =	sld [smem:$0x3FAA]  }
0x2e: {  	s3 =	simm.s32 @!p0 $0x1082;
	s9 =	sld [smem:$0x3FAB]  }
0x2f: {  	lr =	sadd.s32 s0, s3;
	s0 =	sld [smem:$0x3FA2]  }
0x30: {  	s3 =	sld [smem:$0x3FA5]  }
0x31: {  	[smem:$0x3FAE] =	sst s10  }
0x32: {  	s10 =	sld [smem:$0x3FAC];
	_ =	sdelay $0x3  }
0x33: {  	p0 =	seq.s32 s10, $0x1;
	s10 =	sld [smem:$0x3FAE];
	_ =	sdelay $0x3  }
0x34: {  	[smem:$0x3FAE] =	sst s10  }
0x35: {  	s10 =	sld [smem:$0x3FAD];
	_ =	sdelay $0x3  }
0x36: {  	p1 =	seq.s32 s10, $0x1;
	s10 =	sld [smem:$0x3FAE];
	_ =	sdelay $0x3  }
0x37: {  	[smem:$0x3FAE] =	sst s10  }
0x38: {  	s10 =	sld [smem:$0x3FAF]  }
0x39: {  	_ = 	snop;
	(pc) =	sbr.ind lr, $3  }
0x3a: {  	_ = 	snop  }
0x3b: {  	_ = 	snop  }
0x3c: {  	p2 =	seq.s32 s10, $0x1;
	s10 =	sld [smem:$0x3FAE]  }
0x3d: {  	_ =	shalt  }
0x3e: {  	_ =	shalt  }
0x3f: {  	_ =	shalt  }
0x40: {  	_ =	shalt  }
0x41: {  	_ =	shalt  }
0x42: {  	_ =	shalt  }
0x43: {  	_ =	shalt  }
0x44: {  	_ =	shalt  }
0x45: {  	_ =	shalt  }
0x46: {  	_ =	shalt  }
0x47: {  	_ =	shalt  }
0x48: {  	_ =	shalt  }
0x49: {  	_ =	shalt  }
0x4a: {  	_ =	shalt  }
0x4b: {  	_ =	shalt  }
0x4c: {  	_ =	shalt  }
0x4d: {  	_ =	shalt  }
0x4e: {  	_ =	shalt  }
0x4f: {  	_ =	shalt  }
0x50: {  	_ =	shalt  }
0x51: {  	_ =	shalt  }
0x52: {  	_ =	shalt  }
0x53: {  	_ =	shalt  }
0x54: {  	_ =	shalt  }
0x55: {  	_ =	shalt  }
0x56: {  	_ =	shalt  }
0x57: {  	_ =	shalt  }
0x58: {  	_ =	shalt  }
0x59: {  	_ =	shalt  }
0x5a: {  	_ =	shalt  }
0x5b: {  	_ =	shalt  }
0x5c: {  	_ =	shalt  }
0x5d: {  	_ =	shalt  }
0x5e: {  	_ =	shalt  }
0x5f: {  	_ =	shalt  }
0x60: {  	_ =	shalt  }
0x61: {  	_ =	shalt  }
0x62: {  	_ =	shalt  }
0x63: {  	_ =	shalt  }
0x64: {  	_ =	shalt  }
0x65: {  	_ =	shalt  }
0x66: {  	_ =	shalt  }
0x67: {  	_ =	shalt  }
0x68: {  	_ =	shalt  }
0x69: {  	_ =	shalt  }
0x6a: {  	_ =	shalt  }
0x6b: {  	_ =	shalt  }
0x6c: {  	_ =	shalt  }
0x6d: {  	_ =	shalt  }
0x6e: {  	_ =	shalt  }
0x6f: {  	_ =	shalt  }
0x70: {  	_ =	shalt  }
0x71: {  	_ =	shalt  }
0x72: {  	_ =	shalt  }
0x73: {  	_ =	shalt  }
0x74: {  	_ =	shalt  }
0x75: {  	_ =	shalt  }
0x76: {  	_ =	shalt  }
0x77: {  	_ =	shalt  }
0x78: {  	_ =	shalt  }
0x79: {  	_ =	shalt  }
0x7a: {  	_ =	shalt  }
0x7b: {  	_ =	shalt  }
0x7c: {  	_ =	shalt  }
0x7d: {  	_ =	shalt  }
0x7e: {  	_ =	shalt  }
0x7f: {  	_ =	shalt  }
0x80: {  	_ =	shalt  }
0x81: {  	_ =	shalt  }
0x82: {  	_ =	shalt  }
0x83: {  	_ =	shalt  }
0x84: {  	_ =	shalt  }
0x85: {  	_ =	shalt  }
0x86: {  	_ =	shalt  }
0x87: {  	_ =	shalt  }
.Lfunc_end0:
.L_simem_size_0:
called_computation.1_lowered:
.L_overlay_start_0:
0x88: {  	s2 =	sld [smem:$0x3FD9]  }
0x89: {  	s3 =	sld [smem:$0x3FFE];
	_ =	sdelay $0x1  }
0x8a: {  	s1 =	srdreg.scid  }
0x8b: {  	s0 =	sand.u32 $0x1, s1  }
0x8c: {  	s16 =	sshll.u32 s0, $0xA;
	s2 =	sadd.s32 s3, s2  }
0x8d: {  	s2 =	sadd.s32 s2, s16  }
0x8e: {  	[smem:$0x3FBA] =	sst s2  }
0x8f: {  	_ = 	snop  }
0x90: {  	(tm) =	ssettm $0x1  }
0x91: {  	s17 =	sld [smem:$0x3FFB];
	_ =	sdelay $0x3  }
0x92: {  	_ =	strace s17  }
0x93: {  	s2 =	sld [smem:$0x3FFC];
	_ =	sdelay $0x3  }
0x94: {  	_ =	strace s2  }
0x95: {  	s2 =	sld [smem:$0x3FFD];
	_ =	sdelay $0x3  }
0x96: {  	_ =	strace s2  }
0x97: {  	_ =	strace $0x8FFFFFFF  }
0x98: {  	s18 =	sld [smem:$0x3FDB];
	_ =	sdelay $0x1  }
0x99: {  	s19 =	simm.s32 $_scs_section_size  }
0x9a: {  	s4 =	simm.s32 $_size__tile_overlayer_lowered;
	s5 =	simm.s32 $_tile_overlayer_lowered  }
0x9b: {  	s22 =	simm.s32 $0x1BFF;
	s21 =	sshll.u32 s5, $0x1;
	s2 =	sadd.s32 s19, s18  }
0x9c: {  	s6 =	simm.s32 $0x0;
	s20 =	sshll.u32 s4, $0x1;
	s4 =	sadd.s32 s21, s2  }
0x9d: {  	[timem:s6], [sflag:s22] =	dma.local [hbm:s4], s20  }
0x9e: {  	_ =	swait.ge [sflag:s22], s20  }
0x9f: {  	s3 =	ssub.s32 $0x0, s20;
	[sflag:s22] =	ssyncset.done $0x0  }
0xa0: {  	[sflag:s22] =	ssyncadd.s32 s3;
	_ =	sdelay $0x1  }
0xa1: {  	s23 =	simm.s32 $0x1B8B  }
0xa2: {  	_ =	swait.ge [sflag:s23], $0x1  }
0xa3: {  	[sflag:s23] =	ssyncset.done $0x0  }
0xa4: {  	s25 =	simm.s32 $0x1B8E;
	s24 =	sld [smem:$0x3FFE];
	[sflag:s23] =	ssyncadd.s32 $0xFFFFFFFF  }
0xa5: {  	s26 =	simm.s32 $execute0_lowered;
	[smem:$0x3FD2] =	sst s25  }
0xa6: {  	s4 =	sshll.u32 s26, $0x1;
	_ =	strace $0x80000049;
	[dreg:$0x1] =	wrdreg $0xFFFFFFFF  }
0xa7: {  	s28 =	simm.s32 $_size_execute0_lowered;
	s2 =	sadd.s32 s2, s4;
	[dreg:$0x0] =	wrdreg $0x0  }
0xa8: {  	s4 =	sshll.u32 s28, $0x1;
	[dreg:$0x2] =	wrdreg s2  }
0xa9: {  	[dreg:$0x3] =	wrdreg s4  }
0xaa: {  	[dreg:$0x4] =	wrdreg $0xC0  }
0xab: {  	_ =	task [dreg:s6], $0x5FFFF  }
0xac: {  	[dreg:$0x1] =	wrdreg $0xFFFFFFFF  }
0xad: {  	[dreg:$0x0] =	wrdreg $0x60  }
0xae: {  	[dreg:$0x2] =	wrdreg s24  }
0xaf: {  	[dreg:$0x3] =	wrdreg $0xA1400  }
0xb0: {  	[dreg:$0x4] =	wrdreg $0x9  }
0xb1: {  	_ =	task.clear_ibuf [dreg:s6], $0x5FFFF;
	_ =	strace $0x90000049  }
0xb2: {  	s29 =	simm.s32 $0x9;
	_ =	strace $0x8000004B  }
0xb3: {  	_ =	swait.ge [sflag:s29], $0x1  }
0xb4: {  	[sflag:s29] =	ssyncadd.s32 $0xFFFFFFFF  }
0xb5: {  	_ =	strace $0x9000004B  }
0xb6: {  	_ =	sfence  }
0xb7: {  	s30 =	sld [smem:$0x0];
	_ =	sdelay $0x2  }
0xb8: {  	s31 =	sshll.u32 s1, $0xD;
	s1 =	sshrl.u32 s1, $0x2  }
0xb9: {  	s3 =	sand.u32 $0x4000, s31;
	s1 =	sadd.s32 s1, s30  }
0xba: {  	s0 =	sor.u32 s3, s0;
	s1 =	sshll.u32 s1, $0x11  }
0xbb: {  	s0 =	sor.u32 s1, s0  }
0xbc: {  	s0 =	sadd.s32 $0x8F2B, s0  }
0xbd: {  	[sflag:s0] =	ssyncadd.remote.s32 $0x1  }
0xbe: {  	_ =	sfence.sel $0xFFFF  }
0xbf: {  	[dreg:$0x0] =	wrdreg $0xFFFFFFFF;
	(pc) =	sbr.abs _section_cstart, $3  }
0xc0: {  	[dreg:$0x1] =	wrdreg $0xFFFFFFFF  }
0xc1: {  	_ =	task.clear_ibuf [dreg:s6], $0x2FFFF;
	_ =	strace $0x9FFFFFFF  }
0xc2: {  	(tm) =	ssettm $0x7FFFFFFF  }
0xc3: {  	_ =	shalt  }
tec
execute0_lowered:
.L_overlay_start_1:
0x0: {  	(tag) =	ssettag $0x1  }
0x1: {  	s0 =	srdreg.scid  }
0x2: {  	s1 =	rddreg [dreg:$0x0];
	s18 =	stileid.u32  }
0x3: {  	s2 =	rddreg [dreg:$0x1];
	s16 =	simm.s32 $0x3;
	s17 =	simm.s32 $0x2760  }
0x4: {  	s19 =	simm.s32 $0x4EC0;
	s21 =	simm.s32 $0x6E00;
	s22 =	simm.s32 $0x1  }
0x5: {  	s24 =	simm.s32 $0x2;
	s28 =	simm.s32 $0x48D8;
	s29 =	simm.s32 $0x2568  }
0x6: {  	s30 =	simm.s32 $0x4AD0;
	s31 =	simm.s32 $0x4CC8;
	s6 =	smul.u32 $0x9C00, s18  }
0x7: {  	s0 =	sand.u32 $0x1, s0;
	s9 =	smul.u32 $0x270, s18;
	p0 =	seq.s32 s18, $0xF  }
0x8: {  	s3 =	sshll.u32 s0, $0x4;
	s26 =	ssub.s32 $0x2, s0;
	s10 =	smul.u32 $0x2710, s0  }
0x9: {  	s0 =	smul.u32 $0x27100, s0;
	s4 =	sor.u32 s18, s3;
	s3 =	simm.s32 $0x0  }
0xa: {  	s8 =	sshrl.u32 s26, $0x1;
	s6 =	sshrl.u32 s6, $0x2;
	s18 =	simm.s32 $0x1F4  }
0xb: {  	s5 =	smul.u32 $0x2760, s4;
	[smem:$0x7FF] =	sst s3;
	s4 =	sadd.s32 $0x16E00, s1  }
0xc: {  	s15 =	ssub.s32 s26, s8;
	s6 =	sadd.s32 s6, s2;
	s10 =	sadd.s32 s9, s10  }
0xd: {  	s9 =	sadd.s32 $0x24900, s2;
	s0 =	sshrl.u32 s0, $0x3;
	_ =	strace $0x8000004A  }
0xe: {  	s8 =	sadd.s32 $0x1400, s6;
	s11 =	sshll.u32 s10, $0x1;
	s5 =	sshrl.u32 s5, $0x3  }
0xf: {  	s10 =	sadd.s32 $0x25D00, s2;
	s15 =	smax.u32 s15, $0x1;
	s7 =	sadd.s32 s5, s1  }
0x10: {  	s1 =	sadd.s32 $0x1BE00, s1;
	s5 =	sadd.s32 $0x3200, s7;
	s7 =	sadd.s32 $0xCF80, s7  }
0x11: {  	s11 =	sadd.s32 s1, s11;
	s0 =	sadd.s32 s1, s0;
	s1 =	simm.s32 $0x0  }
0x12: {  	v0 =	vimm.f32 $0.0e+00;
	s12 =	sadd.s32 $0x280, s11;
	s13 =	sadd.s32 $0x4920, s0;
	s14 =	sadd.s32 $0x4BA0, s0  }
.LBB2_1:
0x13: {  	[tilespmem:s3], [sflag:$0x3] =	stream.linear.gather [hbm4b:s5+s3], $0x2760, $0x38;
	[tilespmem:$0xC850] =	vst v63  }
0x14: {  	_ =	swait.ge [sflag:s16], $0x2760  }
0x15: {  	[sflag:s16] =	ssyncset.done $0x0  }
0x16: {  	[sflag:s16] =	ssyncadd.s32 $0xFFFFD8A0  }
0x17: {  	[tilespmem:s17], [sflag:$0x3] =	stream.linear.gather [hbm4b:s7+s3], $0x2760, $0x38;
	[tilespmem:$0xC850] =	vst v63  }
0x18: {  	_ =	swait.ge [sflag:s16], $0x2760  }
0x19: {  	[sflag:s16] =	ssyncset.done $0x0  }
0x1a: {  	s0 =	simm.s32 $0x40;
	s20 =	simm.s32 $0x0;
	[sflag:s16] =	ssyncadd.s32 $0xFFFFD8A0  }
.LBB2_2:
0x1b: {  	p1 =	sne.s32 s0, $0x4FC0;
	[tilespmem:s20+$0x8D40] =	vst v0;
	s20 =	smov.u32 s0;
	s0 =	sadd.s32 $0x40, s0  }
.Ltmp0:
0x1c: {  	(pc) =	sbr.rel @p1 .LBB2_2-.Ltmp0, $2  }
0x1d: {  	_ =	sdelay $0x2  }
0x1e: {  	s20 =	sshra.s32 s20, $0x2  }
0x1f: {  	[tilespmem:s20+$0x8D40] =	vst v0;
	s25 =	simm.s32 @p0 $0x8D40;
	s23 =	simm.s32 @p0 $0x3  }
0x20: {  	[spmem:s9] =	stream.linear.scatter @p0 [tilespmem:s25], [sflag:$0x3], $0x1400, $0x38;
	[tilespmem:$0xC850] =	vst v63  }
0x21: {  	_ =	swait.ge @p0 [sflag:s23], $0x1400  }
0x22: {  	[sflag:s23] =	ssyncset.done @p0 $0x0  }
0x23: {  	[sflag:s23] =	ssyncadd.s32 @p0 $0xFFFFEC00  }
0x24: {  	[spmem:s10] =	stream.linear.scatter @p0 [tilespmem:s25], [sflag:$0x3], $0x1400, $0x38;
	[tilespmem:$0xC850] =	vst v63  }
0x25: {  	_ =	swait.ge @p0 [sflag:s23], $0x1400  }
0x26: {  	[sflag:s23] =	ssyncset.done @p0 $0x0  }
0x27: {  	s20 =	simm.s32 @!p0 $0x8D40;
	s0 =	simm.s32 @!p0 $0x3;
	[sflag:s23] =	ssyncadd.s32 @p0 $0xFFFFEC00  }
0x28: {  	[spmem:s6] =	stream.linear.scatter @!p0 [tilespmem:s20], [sflag:$0x3], $0x1400, $0x38;
	[tilespmem:$0xC850] =	vst v63  }
0x29: {  	_ =	swait.ge @!p0 [sflag:s0], $0x1400  }
0x2a: {  	[sflag:s0] =	ssyncset.done @!p0 $0x0  }
0x2b: {  	[sflag:s0] =	ssyncadd.s32 @!p0 $0xFFFFEC00  }
0x2c: {  	[spmem:s8] =	stream.linear.scatter @!p0 [tilespmem:s20], [sflag:$0x3], $0x1300, $0x38;
	[tilespmem:$0xC850] =	vst v63  }
0x2d: {  	_ =	swait.ge @!p0 [sflag:s0], $0x1300  }
0x2e: {  	[sflag:s0] =	ssyncset.done @!p0 $0x0  }
0x2f: {  	[sflag:s0] =	ssyncadd.s32 @!p0 $0xFFFFED00  }
0x30: {  	[bflag:$0x0] =	sbarrier.arrive $0xFFFF  }
0x31: {  	[tilespmem:s19], [sflag:$0x1] =	stream.indirect.gather [hbm4b:s4+s18], $0x10, s3, s18, $0xb8;
	[tilespmem:$0xC850] =	vst v63  }
0x32: {  	s26 =	simm.s32 $0x1F8  }
0x33: {  	[tilespmem:s21], [sflag:$0x2] =	stream.indirect.gather [hbm4b:s4+s18], $0x10, s26, s18, $0xb8;
	[tilespmem:$0xC850] =	vst v63  }
0x34: {  	_ =	swait.ge [sflag:s22], $0x1F40  }
0x35: {  	[sflag:s22] =	ssyncset.done $0x0  }
0x36: {  	[sflag:s22] =	ssyncadd.s32 $0xFFFFE0C0  }
0x37: {  	[spmem:s2] =	stream.indirect.scatter.add.f32 [tilespmem:s19], [sflag:$0x3], $0x10, s17, s18, $0xb8;
	[tilespmem:$0xC850] =	vst v63  }
0x38: {  	_ =	swait.ge [sflag:s16], $0x1F40  }
0x39: {  	[sflag:s16] =	ssyncset.done $0x0  }
0x3a: {  	s26 =	simm.s32 $0x3F0;
	[sflag:s16] =	ssyncadd.s32 $0xFFFFE0C0  }
0x3b: {  	[tilespmem:s19], [sflag:$0x1] =	stream.indirect.gather [hbm4b:s4+s18], $0x10, s26, s18, $0xb8;
	[tilespmem:$0xC850] =	vst v63  }
0x3c: {  	_ =	swait.ge [sflag:s24], $0x1F40  }
0x3d: {  	[sflag:s24] =	ssyncset.done $0x0  }
0x3e: {  	s26 =	simm.s32 $0x2958;
	[sflag:s24] =	ssyncadd.s32 $0xFFFFE0C0  }
0x3f: {  	[spmem:s2] =	stream.indirect.scatter.add.f32 [tilespmem:s21], [sflag:$0x3], $0x10, s26, s18, $0xb8;
	[tilespmem:$0xC850] =	vst v63  }
0x40: {  	_ =	swait.ge [sflag:s16], $0x1F40  }
0x41: {  	[sflag:s16] =	ssyncset.done $0x0  }
0x42: {  	s26 =	simm.s32 $0x5E8;
	[sflag:s16] =	ssyncadd.s32 $0xFFFFE0C0  }
0x43: {  	[tilespmem:s21], [sflag:$0x2] =	stream.indirect.gather [hbm4b:s4+s18], $0x10, s26, s18, $0xb8;
	[tilespmem:$0xC850] =	vst v63  }
0x44: {  	_ =	swait.ge [sflag:s22], $0x1F40  }
0x45: {  	[sflag:s22] =	ssyncset.done $0x0  }
0x46: {  	s26 =	simm.s32 $0x2B50;
	[sflag:s22] =	ssyncadd.s32 $0xFFFFE0C0  }
0x47: {  	[spmem:s2] =	stream.indirect.scatter.add.f32 [tilespmem:s19], [sflag:$0x3], $0x10, s26, s18, $0xb8;
	[tilespmem:$0xC850] =	vst v63  }
0x48: {  	_ =	swait.ge [sflag:s16], $0x1F40  }
0x49: {  	[sflag:s16] =	ssyncset.done $0x0  }
0x4a: {  	s26 =	simm.s32 $0x7E0;
	[sflag:s16] =	ssyncadd.s32 $0xFFFFE0C0  }
0x4b: {  	[tilespmem:s19], [sflag:$0x1] =	stream.indirect.gather [hbm4b:s4+s18], $0x10, s26, s18, $0xb8;
	[tilespmem:$0xC850] =	vst v63  }
0x4c: {  	_ =	swait.ge [sflag:s24], $0x1F40  }
0x4d: {  	[sflag:s24] =	ssyncset.done $0x0  }
0x4e: {  	s26 =	simm.s32 $0x2D48;
	[sflag:s24] =	ssyncadd.s32 $0xFFFFE0C0  }
0x4f: {  	[spmem:s2] =	stream.indirect.scatter.add.f32 [tilespmem:s21], [sflag:$0x3], $0x10, s26, s18, $0xb8;
	[tilespmem:$0xC850] =	vst v63  }
0x50: {  	_ =	swait.ge [sflag:s16], $0x1F40  }
0x51: {  	[sflag:s16] =	ssyncset.done $0x0  }
0x52: {  	s26 =	simm.s32 $0x9D8;
	[sflag:s16] =	ssyncadd.s32 $0xFFFFE0C0  }
0x53: {  	[tilespmem:s21], [sflag:$0x2] =	stream.indirect.gather [hbm4b:s4+s18], $0x10, s26, s18, $0xb8;
	[tilespmem:$0xC850] =	vst v63  }
0x54: {  	_ =	swait.ge [sflag:s22], $0x1F40  }
0x55: {  	[sflag:s22] =	ssyncset.done $0x0  }
0x56: {  	s26 =	simm.s32 $0x2F40;
	[sflag:s22] =	ssyncadd.s32 $0xFFFFE0C0  }
0x57: {  	[spmem:s2] =	stream.indirect.scatter.add.f32 [tilespmem:s19], [sflag:$0x3], $0x10, s26, s18, $0xb8;
	[tilespmem:$0xC850] =	vst v63  }
0x58: {  	_ =	swait.ge [sflag:s16], $0x1F40  }
0x59: {  	[sflag:s16] =	ssyncset.done $0x0  }
0x5a: {  	s26 =	simm.s32 $0xBD0;
	[sflag:s16] =	ssyncadd.s32 $0xFFFFE0C0  }
0x5b: {  	[tilespmem:s19], [sflag:$0x1] =	stream.indirect.gather [hbm4b:s4+s18], $0x10, s26, s18, $0xb8;
	[tilespmem:$0xC850] =	vst v63  }
0x5c: {  	_ =	swait.ge [sflag:s24], $0x1F40  }
0x5d: {  	[sflag:s24] =	ssyncset.done $0x0  }
0x5e: {  	s26 =	simm.s32 $0x3138;
	[sflag:s24] =	ssyncadd.s32 $0xFFFFE0C0  }
0x5f: {  	[spmem:s2] =	stream.indirect.scatter.add.f32 [tilespmem:s21], [sflag:$0x3], $0x10, s26, s18, $0xb8;
	[tilespmem:$0xC850] =	vst v63  }
0x60: {  	_ =	swait.ge [sflag:s16], $0x1F40  }
0x61: {  	[sflag:s16] =	ssyncset.done $0x0  }
0x62: {  	s26 =	simm.s32 $0xDC8;
	[sflag:s16] =	ssyncadd.s32 $0xFFFFE0C0  }
0x63: {  	[tilespmem:s21], [sflag:$0x2] =	stream.indirect.gather [hbm4b:s4+s18], $0x10, s26, s18, $0xb8;
	[tilespmem:$0xC850] =	vst v63  }
0x64: {  	_ =	swait.ge [sflag:s22], $0x1F40  }
0x65: {  	[sflag:s22] =	ssyncset.done $0x0  }
0x66: {  	s26 =	simm.s32 $0x3330;
	[sflag:s22] =	ssyncadd.s32 $0xFFFFE0C0  }
0x67: {  	[spmem:s2] =	stream.indirect.scatter.add.f32 [tilespmem:s19], [sflag:$0x3], $0x10, s26, s18, $0xb8;
	[tilespmem:$0xC850] =	vst v63  }
0x68: {  	_ =	swait.ge [sflag:s16], $0x1F40  }
0x69: {  	[sflag:s16] =	ssyncset.done $0x0  }
0x6a: {  	s26 =	simm.s32 $0xFC0;
	[sflag:s16] =	ssyncadd.s32 $0xFFFFE0C0  }
0x6b: {  	[tilespmem:s19], [sflag:$0x1] =	stream.indirect.gather [hbm4b:s4+s18], $0x10, s26, s18, $0xb8;
	[tilespmem:$0xC850] =	vst v63  }
0x6c: {  	_ =	swait.ge [sflag:s24], $0x1F40  }
0x6d: {  	[sflag:s24] =	ssyncset.done $0x0  }
0x6e: {  	s26 =	simm.s32 $0x3528;
	[sflag:s24] =	ssyncadd.s32 $0xFFFFE0C0  }
0x6f: {  	[spmem:s2] =	stream.indirect.scatter.add.f32 [tilespmem:s21], [sflag:$0x3], $0x10, s26, s18, $0xb8;
	[tilespmem:$0xC850] =	vst v63  }
0x70: {  	_ =	swait.ge [sflag:s16], $0x1F40  }
0x71: {  	[sflag:s16] =	ssyncset.done $0x0  }
0x72: {  	s26 =	simm.s32 $0x11B8;
	[sflag:s16] =	ssyncadd.s32 $0xFFFFE0C0  }
0x73: {  	[tilespmem:s21], [sflag:$0x2] =	stream.indirect.gather [hbm4b:s4+s18], $0x10, s26, s18, $0xb8;
	[tilespmem:$0xC850] =	vst v63  }
0x74: {  	_ =	swait.ge [sflag:s22], $0x1F40  }
0x75: {  	[sflag:s22] =	ssyncset.done $0x0  }
0x76: {  	s26 =	simm.s32 $0x3720;
	[sflag:s22] =	ssyncadd.s32 $0xFFFFE0C0  }
0x77: {  	[spmem:s2] =	stream.indirect.scatter.add.f32 [tilespmem:s19], [sflag:$0x3], $0x10, s26, s18, $0xb8;
	[tilespmem:$0xC850] =	vst v63  }
0x78: {  	_ =	swait.ge [sflag:s16], $0x1F40  }
0x79: {  	[sflag:s16] =	ssyncset.done $0x0  }
0x7a: {  	s26 =	simm.s32 $0x13B0;
	[sflag:s16] =	ssyncadd.s32 $0xFFFFE0C0  }
0x7b: {  	[tilespmem:s19], [sflag:$0x1] =	stream.indirect.gather [hbm4b:s4+s18], $0x10, s26, s18, $0xb8;
	[tilespmem:$0xC850] =	vst v63  }
0x7c: {  	_ =	swait.ge [sflag:s24], $0x1F40  }
0x7d: {  	[sflag:s24] =	ssyncset.done $0x0  }
0x7e: {  	s26 =	simm.s32 $0x3918;
	[sflag:s24] =	ssyncadd.s32 $0xFFFFE0C0  }
0x7f: {  	[spmem:s2] =	stream.indirect.scatter.add.f32 [tilespmem:s21], [sflag:$0x3], $0x10, s26, s18, $0xb8;
	[tilespmem:$0xC850] =	vst v63  }
0x80: {  	_ =	swait.ge [sflag:s16], $0x1F40  }
0x81: {  	[sflag:s16] =	ssyncset.done $0x0  }
0x82: {  	s26 =	simm.s32 $0x15A8;
	[sflag:s16] =	ssyncadd.s32 $0xFFFFE0C0  }
0x83: {  	[tilespmem:s21], [sflag:$0x2] =	stream.indirect.gather [hbm4b:s4+s18], $0x10, s26, s18, $0xb8;
	[tilespmem:$0xC850] =	vst v63  }
0x84: {  	_ =	swait.ge [sflag:s22], $0x1F40  }
0x85: {  	[sflag:s22] =	ssyncset.done $0x0  }
0x86: {  	s26 =	simm.s32 $0x3B10;
	[sflag:s22] =	ssyncadd.s32 $0xFFFFE0C0  }
0x87: {  	[spmem:s2] =	stream.indirect.scatter.add.f32 [tilespmem:s19], [sflag:$0x3], $0x10, s26, s18, $0xb8;
	[tilespmem:$0xC850] =	vst v63  }
0x88: {  	_ =	swait.ge [sflag:s16], $0x1F40  }
0x89: {  	[sflag:s16] =	ssyncset.done $0x0  }
0x8a: {  	s26 =	simm.s32 $0x17A0;
	[sflag:s16] =	ssyncadd.s32 $0xFFFFE0C0  }
0x8b: {  	[tilespmem:s19], [sflag:$0x1] =	stream.indirect.gather [hbm4b:s4+s18], $0x10, s26, s18, $0xb8;
	[tilespmem:$0xC850] =	vst v63  }
0x8c: {  	_ =	swait.ge [sflag:s24], $0x1F40  }
0x8d: {  	[sflag:s24] =	ssyncset.done $0x0  }
0x8e: {  	s26 =	simm.s32 $0x3D08;
	[sflag:s24] =	ssyncadd.s32 $0xFFFFE0C0  }
0x8f: {  	[spmem:s2] =	stream.indirect.scatter.add.f32 [tilespmem:s21], [sflag:$0x3], $0x10, s26, s18, $0xb8;
	[tilespmem:$0xC850] =	vst v63  }
0x90: {  	_ =	swait.ge [sflag:s16], $0x1F40  }
0x91: {  	[sflag:s16] =	ssyncset.done $0x0  }
0x92: {  	s26 =	simm.s32 $0x1998;
	[sflag:s16] =	ssyncadd.s32 $0xFFFFE0C0  }
0x93: {  	[tilespmem:s21], [sflag:$0x2] =	stream.indirect.gather [hbm4b:s4+s18], $0x10, s26, s18, $0xb8;
	[tilespmem:$0xC850] =	vst v63  }
0x94: {  	_ =	swait.ge [sflag:s22], $0x1F40  }
0x95: {  	[sflag:s22] =	ssyncset.done $0x0  }
0x96: {  	s26 =	simm.s32 $0x3F00;
	[sflag:s22] =	ssyncadd.s32 $0xFFFFE0C0  }
0x97: {  	[spmem:s2] =	stream.indirect.scatter.add.f32 [tilespmem:s19], [sflag:$0x3], $0x10, s26, s18, $0xb8;
	[tilespmem:$0xC850] =	vst v63  }
0x98: {  	_ =	swait.ge [sflag:s16], $0x1F40  }
0x99: {  	[sflag:s16] =	ssyncset.done $0x0  }
0x9a: {  	s26 =	simm.s32 $0x1B90;
	[sflag:s16] =	ssyncadd.s32 $0xFFFFE0C0  }
0x9b: {  	[tilespmem:s19], [sflag:$0x1] =	stream.indirect.gather [hbm4b:s4+s18], $0x10, s26, s18, $0xb8;
	[tilespmem:$0xC850] =	vst v63  }
0x9c: {  	_ =	swait.ge [sflag:s24], $0x1F40  }
0x9d: {  	[sflag:s24] =	ssyncset.done $0x0  }
0x9e: {  	s26 =	simm.s32 $0x40F8;
	[sflag:s24] =	ssyncadd.s32 $0xFFFFE0C0  }
0x9f: {  	[spmem:s2] =	stream.indirect.scatter.add.f32 [tilespmem:s21], [sflag:$0x3], $0x10, s26, s18, $0xb8;
	[tilespmem:$0xC850] =	vst v63  }
0xa0: {  	_ =	swait.ge [sflag:s16], $0x1F40  }
0xa1: {  	[sflag:s16] =	ssyncset.done $0x0  }
0xa2: {  	s26 =	simm.s32 $0x1D88;
	[sflag:s16] =	ssyncadd.s32 $0xFFFFE0C0  }
0xa3: {  	[tilespmem:s21], [sflag:$0x2] =	stream.indirect.gather [hbm4b:s4+s18], $0x10, s26, s18, $0xb8;
	[tilespmem:$0xC850] =	vst v63  }
0xa4: {  	_ =	swait.ge [sflag:s22], $0x1F40  }
0xa5: {  	[sflag:s22] =	ssyncset.done $0x0  }
0xa6: {  	s26 =	simm.s32 $0x42F0;
	[sflag:s22] =	ssyncadd.s32 $0xFFFFE0C0  }
0xa7: {  	[spmem:s2] =	stream.indirect.scatter.add.f32 [tilespmem:s19], [sflag:$0x3], $0x10, s26, s18, $0xb8;
	[tilespmem:$0xC850] =	vst v63  }
0xa8: {  	_ =	swait.ge [sflag:s16], $0x1F40  }
0xa9: {  	[sflag:s16] =	ssyncset.done $0x0  }
0xaa: {  	s26 =	simm.s32 $0x1F80;
	[sflag:s16] =	ssyncadd.s32 $0xFFFFE0C0  }
0xab: {  	[tilespmem:s19], [sflag:$0x1] =	stream.indirect.gather [hbm4b:s4+s18], $0x10, s26, s18, $0xb8;
	[tilespmem:$0xC850] =	vst v63  }
0xac: {  	_ =	swait.ge [sflag:s24], $0x1F40  }
0xad: {  	[sflag:s24] =	ssyncset.done $0x0  }
0xae: {  	s26 =	simm.s32 $0x44E8;
	[sflag:s24] =	ssyncadd.s32 $0xFFFFE0C0  }
0xaf: {  	[spmem:s2] =	stream.indirect.scatter.add.f32 [tilespmem:s21], [sflag:$0x3], $0x10, s26, s18, $0xb8;
	[tilespmem:$0xC850] =	vst v63  }
0xb0: {  	_ =	swait.ge [sflag:s16], $0x1F40  }
0xb1: {  	[sflag:s16] =	ssyncset.done $0x0  }
0xb2: {  	s26 =	simm.s32 $0x2178;
	[sflag:s16] =	ssyncadd.s32 $0xFFFFE0C0  }
0xb3: {  	[tilespmem:s21], [sflag:$0x2] =	stream.indirect.gather [hbm4b:s4+s18], $0x10, s26, s18, $0xb8;
	[tilespmem:$0xC850] =	vst v63  }
0xb4: {  	_ =	swait.ge [sflag:s22], $0x1F40  }
0xb5: {  	[sflag:s22] =	ssyncset.done $0x0  }
0xb6: {  	s26 =	simm.s32 $0x46E0;
	[sflag:s22] =	ssyncadd.s32 $0xFFFFE0C0  }
0xb7: {  	[spmem:s2] =	stream.indirect.scatter.add.f32 [tilespmem:s19], [sflag:$0x3], $0x10, s26, s18, $0xb8;
	[tilespmem:$0xC850] =	vst v63  }
0xb8: {  	_ =	swait.ge [sflag:s16], $0x1F40  }
0xb9: {  	[sflag:s16] =	ssyncset.done $0x0  }
0xba: {  	s26 =	simm.s32 $0x2370;
	[sflag:s16] =	ssyncadd.s32 $0xFFFFE0C0  }
0xbb: {  	[tilespmem:s19], [sflag:$0x1] =	stream.indirect.gather [hbm4b:s4+s18], $0x10, s26, s18, $0xb8;
	[tilespmem:$0xC850] =	vst v63  }
0xbc: {  	_ =	swait.ge [sflag:s24], $0x1F40  }
0xbd: {  	[sflag:s24] =	ssyncset.done $0x0  }
0xbe: {  	[sflag:s24] =	ssyncadd.s32 $0xFFFFE0C0  }
0xbf: {  	[spmem:s2] =	stream.indirect.scatter.add.f32 [tilespmem:s21], [sflag:$0x3], $0x10, s28, s18, $0xb8;
	[tilespmem:$0xC850] =	vst v63  }
0xc0: {  	_ =	swait.ge [sflag:s16], $0x1F40  }
0xc1: {  	[sflag:s16] =	ssyncset.done $0x0  }
0xc2: {  	[sflag:s16] =	ssyncadd.s32 $0xFFFFE0C0  }
0xc3: {  	[tilespmem:s21], [sflag:$0x2] =	stream.indirect.gather [hbm4b:s4+s18], $0x10, s29, s18, $0xb8;
	[tilespmem:$0xC850] =	vst v63  }
0xc4: {  	_ =	swait.ge [sflag:s22], $0x1F40  }
0xc5: {  	[sflag:s22] =	ssyncset.done $0x0  }
0xc6: {  	[sflag:s22] =	ssyncadd.s32 $0xFFFFE0C0  }
0xc7: {  	[spmem:s2] =	stream.indirect.scatter.add.f32 [tilespmem:s19], [sflag:$0x3], $0x10, s30, s18, $0xb8;
	[tilespmem:$0xC850] =	vst v63  }
0xc8: {  	_ =	swait.ge [sflag:s16], $0x1F40  }
0xc9: {  	[sflag:s16] =	ssyncset.done $0x0  }
0xca: {  	[sflag:s16] =	ssyncadd.s32 $0xFFFFE0C0  }
0xcb: {  	_ =	swait.ge [sflag:s24], $0x1F40  }
0xcc: {  	[sflag:s24] =	ssyncset.done $0x0  }
0xcd: {  	[sflag:s24] =	ssyncadd.s32 $0xFFFFE0C0  }
0xce: {  	[spmem:s2] =	stream.indirect.scatter.add.f32 [tilespmem:s21], [sflag:$0x3], $0x10, s31, s18, $0xb8;
	[tilespmem:$0xC850] =	vst v63  }
0xcf: {  	_ =	swait.ge [sflag:s16], $0x1F40  }
0xd0: {  	[sflag:s16] =	ssyncset.done $0x0  }
0xd1: {  	[sflag:s16] =	ssyncadd.s32 $0xFFFFE0C0  }
0xd2: {  	[bflag:$0x0] =	sbarrier.arrive $0xFFFF  }
0xd3: {  	[tilespmem:s25], [sflag:$0x3] =	stream.linear.gather @p0 [spmem:s9], $0x1400, $0x38;
	[tilespmem:$0xC850] =	vst v63  }
0xd4: {  	_ =	swait.ge @p0 [sflag:s23], $0x1400  }
0xd5: {  	[sflag:s23] =	ssyncset.done @p0 $0x0  }
0xd6: {  	s26 =	simm.s32 @p0 $0x0;
	[sflag:s23] =	ssyncadd.s32 @p0 $0xFFFFEC00  }
0xd7: {  	[hbm4b:s13+s26] =	stream.linear.scatter @p0 [tilespmem:s25], [sflag:$0x3], $0x1400, $0x38;
	[tilespmem:$0xC850] =	vst v63  }
0xd8: {  	_ =	swait.ge @p0 [sflag:s23], $0x1400  }
0xd9: {  	[sflag:s23] =	ssyncset.done @p0 $0x0  }
0xda: {  	[sflag:s23] =	ssyncadd.s32 @p0 $0xFFFFEC00  }
0xdb: {  	[tilespmem:s25], [sflag:$0x3] =	stream.linear.gather @p0 [spmem:s10], $0x1400, $0x38;
	[tilespmem:$0xC850] =	vst v63  }
0xdc: {  	_ =	swait.ge @p0 [sflag:s23], $0x1400  }
0xdd: {  	[sflag:s23] =	ssyncset.done @p0 $0x0  }
0xde: {  	[sflag:s23] =	ssyncadd.s32 @p0 $0xFFFFEC00  }
0xdf: {  	[hbm4b:s14+s26] =	stream.linear.scatter @p0 [tilespmem:s25], [sflag:$0x3], $0x1400, $0x38;
	[tilespmem:$0xC850] =	vst v63  }
0xe0: {  	_ =	swait.ge @p0 [sflag:s23], $0x1400  }
0xe1: {  	[sflag:s23] =	ssyncset.done @p0 $0x0  }
0xe2: {  	[sflag:s23] =	ssyncadd.s32 @p0 $0xFFFFEC00  }
0xe3: {  	[tilespmem:s20], [sflag:$0x3] =	stream.linear.gather @!p0 [spmem:s6], $0x1400, $0x38;
	[tilespmem:$0xC850] =	vst v63  }
0xe4: {  	_ =	swait.ge @!p0 [sflag:s0], $0x1400  }
0xe5: {  	[sflag:s0] =	ssyncset.done @!p0 $0x0  }
0xe6: {  	s23 =	simm.s32 @!p0 $0x0;
	[sflag:s0] =	ssyncadd.s32 @!p0 $0xFFFFEC00  }
0xe7: {  	[hbm4b:s11+s23] =	stream.linear.scatter @!p0 [tilespmem:s20], [sflag:$0x3], $0x1400, $0x38;
	[tilespmem:$0xC850] =	vst v63  }
0xe8: {  	_ =	swait.ge @!p0 [sflag:s0], $0x1400  }
0xe9: {  	[sflag:s0] =	ssyncset.done @!p0 $0x0  }
0xea: {  	[sflag:s0] =	ssyncadd.s32 @!p0 $0xFFFFEC00  }
0xeb: {  	[tilespmem:s20], [sflag:$0x3] =	stream.linear.gather @!p0 [spmem:s8], $0x1300, $0x38;
	[tilespmem:$0xC850] =	vst v63  }
0xec: {  	s1 =	sadd.s32 $0x1, s1;
	_ =	swait.ge @!p0 [sflag:s0], $0x1300  }
0xed: {  	p1 =	sne.s32 s1, s15;
	[sflag:s0] =	ssyncset.done @!p0 $0x0  }
.Ltmp1:
0xee: {  	[sflag:s0] =	ssyncadd.s32 @!p0 $0xFFFFED00;
	(pc) =	sbr.rel @p1 .LBB2_1-.Ltmp1, $4  }
0xef: {  	[hbm4b:s12+s23] =	stream.linear.scatter @!p0 [tilespmem:s20], [sflag:$0x3], $0x1300, $0x38;
	[tilespmem:$0xC850] =	vst v63  }
0xf0: {  	_ =	swait.ge @!p0 [sflag:s0], $0x1300  }
0xf1: {  	[sflag:s0] =	ssyncset.done @!p0 $0x0  }
0xf2: {  	[sflag:s0] =	ssyncadd.s32 @!p0 $0xFFFFED00  }
0xf3: {  	_ =	sfence.sel $0x180000  }
0xf4: {  	[bflag:$0x0] =	sbarrier.arrive $0xFFFF  }
0xf5: {  	_ =	strace $0x9000004A  }
0xf6: {  	s0 =	stileid.u32;
	[bflag:$0x2] =	sbarrier.arrive $0xFFFF  }
0xf7: {  	p0 =	sne.s32 s0, $0x0;
	s0 =	rddreg [dreg:$0x2]  }
0xf8: {  	s0 =	sadd.s32 @!p0 $0x100000, s0  }
0xf9: {  	[sflag:s0] =	ssyncadd.tile.s32 @!p0 $0x1;
	_ =	shalt  }
.Lfunc_end2:
_tile_overlayer_lowered:
.L_overlay_start_2:
0xfa: {  	(tag) =	ssettag $0x2  }
0xfb: {  	s0 =	rddreg [dreg:$0x0];
	s2 =	stileid.u32  }
0xfc: {  	s1 =	rddreg [dreg:$0x1];
	p0 =	sne.s32 s2, $0x0  }
0xfd: {  	s3 =	rddreg [dreg:$0x2];
	[bflag:$0x3] =	sbarrier.arrive $0xFFFF;
	s2 =	simm.s32 @!p0 $0x1C03  }
0xfe: {  	[timem:s3], [sflag:s2] =	dma.local @!p0 [hbm:s0], s1  }
0xff: {  	s0 =	simm.s32 @!p0 $0x3  }
0x100: {  	_ =	swait.ge @!p0 [sflag:s0], s1  }
0x101: {  	s1 =	ssub.s32 @!p0 $0x0, s1;
	[sflag:s0] =	ssyncset.done @!p0 $0x0  }
0x102: {  	[sflag:s0] =	ssyncadd.s32 @!p0 s1  }
0x103: {  	[bflag:$0x3] =	sbarrier.arrive $0xFFFF  }
0x104: {  	_ =	shalt  }

// kernel: kernel.16.cloned.1.call-start
scs
__scs_entry_jumppad:
0x0: {  	(pc) =	sbr.rel $0x88, $3  }
0x1: {  	(tag) =	ssettag $0x0;
	lr =	simm.s32 $0x1  }
0x2: {  	[smem:$0x3F93] =	sst lr;
	_ =	strace $0xD0000000  }
0x3: {  	_ = 	snop  }
0x4: {  	_ = 	snop  }
0x5: {  	_ = 	snop  }
0x6: {  	_ = 	snop  }
0x7: {  	_ = 	snop  }
__scs_overlays_trampoline_lowered:
0x8: {  	[smem:$0x3FA2] =	sst s0  }
0x9: {  	[smem:$0x3FA3] =	sst s1  }
0xa: {  	[smem:$0x3FA4] =	sst s2  }
0xb: {  	[smem:$0x3FA5] =	sst s3  }
0xc: {  	[smem:$0x3FA6] =	sst s4  }
0xd: {  	[smem:$0x3FA7] =	sst s5  }
0xe: {  	[smem:$0x3FA8] =	sst s6  }
0xf: {  	[smem:$0x3FA9] =	sst s7  }
0x10: {  	[smem:$0x3FAA] =	sst s8  }
0x11: {  	[smem:$0x3FAB] =	sst s9;
	s0 =	simm.s32 @!p0 $0x0  }
0x12: {  	s1 =	sld [smem:$0x3F91];
	s0 =	simm.s32 @p0 $0x1  }
0x13: {  	[smem:$0x3FAC] =	sst s0;
	s0 =	simm.s32 @!p1 $0x0  }
0x14: {  	s2 =	sld [smem:$0x3F90];
	s0 =	simm.s32 @p1 $0x1  }
0x15: {  	[smem:$0x3FAD] =	sst s0;
	s0 =	simm.s32 @!p2 $0x0  }
0x16: {  	s3 =	sld [smem:$0x3FDB];
	s0 =	simm.s32 @p2 $0x1  }
0x17: {  	s4 =	simm.s32 $0x1BF5;
	[smem:$0x3FAF] =	sst s0  }
0x18: {  	s0 =	sld [smem:$0x3F92];
	_ =	swait.ge [sflag:s4], $0x0  }
0x19: {  	s7 =	sld [smem:$0x3F93]  }
0x1a: {  	s8 =	sadd.s32 $0xFFFFE003, lr  }
0x1b: {  	s9 =	sadd.s32 $0xFFFFFEF7, lr;
	s5 =	simm.s32 $0xFFFFFFFF;
	p2 =	slt.u32 s8, $0xFFFFF086  }
0x1c: {  	p1 =	slt.u32 s9, $0xF7A;
	s5 =	simm.s32 @!p2 $0x0  }
0x1d: {  	s5 =	simm.s32 @p1 $0x1;
	p0 =	seq.s32 s7, s2  }
0x1e: {  	s7 =	smul.u32 @!p0 $0xF7A, s2;
	p2 =	seq.s32 @!p0 s5, $0x0  }
0x1f: {  	s9 =	smul.u32 $0xF7A, s1;
	s8 =	simm.s32 @!p0 $0x1BF5;
	p2 =	por !p2, p0  }
0x20: {  	[sflag:s8] =	ssyncset.s32 @!p0 $0xFFFFF086;
	s6 =	sadd.s32 @!p0 s3, s7;
	s7 =	simm.s32 @!p0 $0x108  }
0x21: {  	s3 =	sadd.s32 s3, s9;
	s6 =	sadd.s32 @!p0 $0x88, s6;
	s7 =	simm.s32 @p2 $0x1082  }
0x22: {  	[simem:s7], [sflag:s8] =	dma.local @!p0 [hbm:s6], $0xF7A  }
0x23: {  	s9 =	sor.u32 $0xD0000000, s2;
	s6 =	simm.s32 $0x108;
	_ =	swait.ge @!p0 [sflag:s8], $0x0  }
0x24: {  	s3 =	sadd.s32 $0x88, s3;
	s6 =	simm.s32 @!p1 $0x1082;
	[sflag:s4] =	ssyncset.s32 $0xFFFFF086  }
0x25: {  	[simem:s6], [sflag:s4] =	dma.local [hbm:s3], $0xF7A  }
0x26: {  	[smem:$0x3F93] =	sst s1;
	(tag) =	ssettag s2;
	_ =	strace s9  }
0x27: {  	s1 =	sld [smem:$0x3FA3]  }
0x28: {  	s2 =	sld [smem:$0x3FA4]  }
0x29: {  	s4 =	sld [smem:$0x3FA6]  }
0x2a: {  	p0 =	seq.s32 s5, $0x0;
	s5 =	sld [smem:$0x3FA7]  }
0x2b: {  	s6 =	sld [smem:$0x3FA8]  }
0x2c: {  	s7 =	sld [smem:$0x3FA9]  }
0x2d: {  	s3 =	simm.s32 $0x108;
	s8 =	sld [smem:$0x3FAA]  }
0x2e: {  	s3 =	simm.s32 @!p0 $0x1082;
	s9 =	sld [smem:$0x3FAB]  }
0x2f: {  	lr =	sadd.s32 s0, s3;
	s0 =	sld [smem:$0x3FA2]  }
0x30: {  	s3 =	sld [smem:$0x3FA5]  }
0x31: {  	[smem:$0x3FAE] =	sst s10  }
0x32: {  	s10 =	sld [smem:$0x3FAC];
	_ =	sdelay $0x3  }
0x33: {  	p0 =	seq.s32 s10, $0x1;
	s10 =	sld [smem:$0x3FAE];
	_ =	sdelay $0x3  }
0x34: {  	[smem:$0x3FAE] =	sst s10  }
0x35: {  	s10 =	sld [smem:$0x3FAD];
	_ =	sdelay $0x3  }
0x36: {  	p1 =	seq.s32 s10, $0x1;
	s10 =	sld [smem:$0x3FAE];
	_ =	sdelay $0x3  }
0x37: {  	[smem:$0x3FAE] =	sst s10  }
0x38: {  	s10 =	sld [smem:$0x3FAF]  }
0x39: {  	_ = 	snop;
	(pc) =	sbr.ind lr, $3  }
0x3a: {  	_ = 	snop  }
0x3b: {  	_ = 	snop  }
0x3c: {  	p2 =	seq.s32 s10, $0x1;
	s10 =	sld [smem:$0x3FAE]  }
0x3d: {  	_ =	shalt  }
0x3e: {  	_ =	shalt  }
0x3f: {  	_ =	shalt  }
0x40: {  	_ =	shalt  }
0x41: {  	_ =	shalt  }
0x42: {  	_ =	shalt  }
0x43: {  	_ =	shalt  }
0x44: {  	_ =	shalt  }
0x45: {  	_ =	shalt  }
0x46: {  	_ =	shalt  }
0x47: {  	_ =	shalt  }
0x48: {  	_ =	shalt  }
0x49: {  	_ =	shalt  }
0x4a: {  	_ =	shalt  }
0x4b: {  	_ =	shalt  }
0x4c: {  	_ =	shalt  }
0x4d: {  	_ =	shalt  }
0x4e: {  	_ =	shalt  }
0x4f: {  	_ =	shalt  }
0x50: {  	_ =	shalt  }
0x51: {  	_ =	shalt  }
0x52: {  	_ =	shalt  }
0x53: {  	_ =	shalt  }
0x54: {  	_ =	shalt  }
0x55: {  	_ =	shalt  }
0x56: {  	_ =	shalt  }
0x57: {  	_ =	shalt  }
0x58: {  	_ =	shalt  }
0x59: {  	_ =	shalt  }
0x5a: {  	_ =	shalt  }
0x5b: {  	_ =	shalt  }
0x5c: {  	_ =	shalt  }
0x5d: {  	_ =	shalt  }
0x5e: {  	_ =	shalt  }
0x5f: {  	_ =	shalt  }
0x60: {  	_ =	shalt  }
0x61: {  	_ =	shalt  }
0x62: {  	_ =	shalt  }
0x63: {  	_ =	shalt  }
0x64: {  	_ =	shalt  }
0x65: {  	_ =	shalt  }
0x66: {  	_ =	shalt  }
0x67: {  	_ =	shalt  }
0x68: {  	_ =	shalt  }
0x69: {  	_ =	shalt  }
0x6a: {  	_ =	shalt  }
0x6b: {  	_ =	shalt  }
0x6c: {  	_ =	shalt  }
0x6d: {  	_ =	shalt  }
0x6e: {  	_ =	shalt  }
0x6f: {  	_ =	shalt  }
0x70: {  	_ =	shalt  }
0x71: {  	_ =	shalt  }
0x72: {  	_ =	shalt  }
0x73: {  	_ =	shalt  }
0x74: {  	_ =	shalt  }
0x75: {  	_ =	shalt  }
0x76: {  	_ =	shalt  }
0x77: {  	_ =	shalt  }
0x78: {  	_ =	shalt  }
0x79: {  	_ =	shalt  }
0x7a: {  	_ =	shalt  }
0x7b: {  	_ =	shalt  }
0x7c: {  	_ =	shalt  }
0x7d: {  	_ =	shalt  }
0x7e: {  	_ =	shalt  }
0x7f: {  	_ =	shalt  }
0x80: {  	_ =	shalt  }
0x81: {  	_ =	shalt  }
0x82: {  	_ =	shalt  }
0x83: {  	_ =	shalt  }
0x84: {  	_ =	shalt  }
0x85: {  	_ =	shalt  }
0x86: {  	_ =	shalt  }
0x87: {  	_ =	shalt  }
.Lfunc_end0:
.L_simem_size_0:
called_computation.2_lowered:
.L_overlay_start_0:
0x88: {  	s2 =	sld [smem:$0x3FD9]  }
0x89: {  	s3 =	sld [smem:$0x3FFE];
	_ =	sdelay $0x1  }
0x8a: {  	s1 =	srdreg.scid  }
0x8b: {  	s0 =	sand.u32 $0x1, s1  }
0x8c: {  	s16 =	sshll.u32 s0, $0xA;
	s2 =	sadd.s32 s3, s2  }
0x8d: {  	s2 =	sadd.s32 s2, s16  }
0x8e: {  	[smem:$0x3FBA] =	sst s2  }
0x8f: {  	_ = 	snop  }
0x90: {  	(tm) =	ssettm $0x1  }
0x91: {  	s17 =	sld [smem:$0x3FFB];
	_ =	sdelay $0x3  }
0x92: {  	_ =	strace s17  }
0x93: {  	s2 =	sld [smem:$0x3FFC];
	_ =	sdelay $0x3  }
0x94: {  	_ =	strace s2  }
0x95: {  	s2 =	sld [smem:$0x3FFD];
	_ =	sdelay $0x3  }
0x96: {  	_ =	strace s2  }
0x97: {  	_ =	strace $0x8FFFFFFF  }
0x98: {  	s18 =	sld [smem:$0x3FDB];
	_ =	sdelay $0x1  }
0x99: {  	s19 =	simm.s32 $_scs_section_size  }
0x9a: {  	s4 =	simm.s32 $_size__tile_overlayer_lowered;
	s5 =	simm.s32 $_tile_overlayer_lowered  }
0x9b: {  	s22 =	simm.s32 $0x1BFF;
	s21 =	sshll.u32 s5, $0x1;
	s2 =	sadd.s32 s19, s18  }
0x9c: {  	s6 =	simm.s32 $0x0;
	s20 =	sshll.u32 s4, $0x1;
	s4 =	sadd.s32 s21, s2  }
0x9d: {  	[timem:s6], [sflag:s22] =	dma.local [hbm:s4], s20  }
0x9e: {  	_ =	swait.ge [sflag:s22], s20  }
0x9f: {  	s3 =	ssub.s32 $0x0, s20;
	[sflag:s22] =	ssyncset.done $0x0  }
0xa0: {  	[sflag:s22] =	ssyncadd.s32 s3;
	_ =	sdelay $0x1  }
0xa1: {  	s23 =	simm.s32 $0x1B8B  }
0xa2: {  	_ =	swait.ge [sflag:s23], $0x1  }
0xa3: {  	[sflag:s23] =	ssyncset.done $0x0  }
0xa4: {  	s25 =	simm.s32 $0x1B8E;
	s24 =	sld [smem:$0x3FFE];
	[sflag:s23] =	ssyncadd.s32 $0xFFFFFFFF  }
0xa5: {  	s26 =	simm.s32 $execute0_lowered;
	[smem:$0x3FD2] =	sst s25  }
0xa6: {  	s4 =	sshll.u32 s26, $0x1;
	_ =	strace $0x8000004C;
	[dreg:$0x1] =	wrdreg $0xFFFFFFFF  }
0xa7: {  	s28 =	simm.s32 $_size_execute0_lowered;
	s2 =	sadd.s32 s2, s4;
	[dreg:$0x0] =	wrdreg $0x0  }
0xa8: {  	s4 =	sshll.u32 s28, $0x1;
	[dreg:$0x2] =	wrdreg s2  }
0xa9: {  	[dreg:$0x3] =	wrdreg s4  }
0xaa: {  	[dreg:$0x4] =	wrdreg $0xC0  }
0xab: {  	_ =	task [dreg:s6], $0x5FFFF  }
0xac: {  	[dreg:$0x1] =	wrdreg $0xFFFFFFFF  }
0xad: {  	[dreg:$0x0] =	wrdreg $0x60  }
0xae: {  	[dreg:$0x2] =	wrdreg s24  }
0xaf: {  	[dreg:$0x3] =	wrdreg $0xF3C00  }
0xb0: {  	[dreg:$0x4] =	wrdreg $0x9  }
0xb1: {  	_ =	task.clear_ibuf [dreg:s6], $0x5FFFF;
	_ =	strace $0x9000004C  }
0xb2: {  	s29 =	simm.s32 $0x9;
	_ =	strace $0x8000004E  }
0xb3: {  	_ =	swait.ge [sflag:s29], $0x1  }
0xb4: {  	[sflag:s29] =	ssyncadd.s32 $0xFFFFFFFF  }
0xb5: {  	_ =	strace $0x9000004E  }
0xb6: {  	_ =	sfence  }
0xb7: {  	s30 =	sld [smem:$0x0];
	_ =	sdelay $0x2  }
0xb8: {  	s31 =	sshll.u32 s1, $0xD;
	s1 =	sshrl.u32 s1, $0x2  }
0xb9: {  	s3 =	sand.u32 $0x4000, s31;
	s1 =	sadd.s32 s1, s30  }
0xba: {  	s0 =	sor.u32 s3, s0;
	s1 =	sshll.u32 s1, $0x11  }
0xbb: {  	s0 =	sor.u32 s1, s0  }
0xbc: {  	s0 =	sadd.s32 $0x8F2B, s0  }
0xbd: {  	[sflag:s0] =	ssyncadd.remote.s32 $0x1  }
0xbe: {  	_ =	sfence.sel $0xFFFF  }
0xbf: {  	[dreg:$0x0] =	wrdreg $0xFFFFFFFF;
	(pc) =	sbr.abs _section_cstart, $3  }
0xc0: {  	[dreg:$0x1] =	wrdreg $0xFFFFFFFF  }
0xc1: {  	_ =	task.clear_ibuf [dreg:s6], $0x2FFFF;
	_ =	strace $0x9FFFFFFF  }
0xc2: {  	(tm) =	ssettm $0x7FFFFFFF  }
0xc3: {  	_ =	shalt  }
tec
execute0_lowered:
.L_overlay_start_1:
0x0: {  	(tag) =	ssettag $0x1  }
0x1: {  	s0 =	srdreg.scid  }
0x2: {  	s1 =	rddreg [dreg:$0x0];
	s18 =	stileid.u32  }
0x3: {  	s2 =	rddreg [dreg:$0x1];
	s16 =	simm.s32 $0x3;
	s17 =	simm.s32 $0x2760  }
0x4: {  	s19 =	simm.s32 $0x4EC0;
	s21 =	simm.s32 $0x8D40;
	s22 =	simm.s32 $0x1  }
0x5: {  	s24 =	simm.s32 $0x2;
	s28 =	simm.s32 $0x48D8;
	s29 =	simm.s32 $0x2568  }
0x6: {  	s30 =	simm.s32 $0x4AD0;
	s31 =	simm.s32 $0x4CC8;
	s6 =	smul.u32 $0x13800, s18  }
0x7: {  	s0 =	sand.u32 $0x1, s0;
	s9 =	smul.u32 $0x270, s18;
	p0 =	seq.s32 s18, $0xF  }
0x8: {  	s3 =	sshll.u32 s0, $0x4;
	s26 =	ssub.s32 $0x2, s0;
	s10 =	smul.u32 $0x2710, s0  }
0x9: {  	s0 =	smul.u32 $0x4E200, s0;
	s4 =	sor.u32 s18, s3;
	s3 =	simm.s32 $0x0  }
0xa: {  	s8 =	sshrl.u32 s26, $0x1;
	s6 =	sshrl.u32 s6, $0x2;
	s18 =	simm.s32 $0x1F4  }
0xb: {  	s5 =	smul.u32 $0x2760, s4;
	[smem:$0x7FF] =	sst s3;
	s4 =	sadd.s32 $0x16E00, s1  }
0xc: {  	s15 =	ssub.s32 s26, s8;
	s6 =	sadd.s32 s6, s2;
	s10 =	sadd.s32 s9, s10  }
0xd: {  	s9 =	sadd.s32 $0x49200, s2;
	s0 =	sshrl.u32 s0, $0x3;
	_ =	strace $0x8000004D  }
0xe: {  	s8 =	sadd.s32 $0x2800, s6;
	s11 =	sshll.u32 s10, $0x2;
	s5 =	sshrl.u32 s5, $0x3  }
0xf: {  	s10 =	sadd.s32 $0x4BA00, s2;
	s15 =	smax.u32 s15, $0x1;
	s7 =	sadd.s32 s5, s1  }
0x10: {  	s1 =	sadd.s32 $0x20C00, s1;
	s5 =	sadd.s32 $0x3200, s7;
	s7 =	sadd.s32 $0xCF80, s7  }
0x11: {  	s11 =	sadd.s32 s1, s11;
	s0 =	sadd.s32 s1, s0;
	s1 =	simm.s32 $0x0  }
0x12: {  	v0 =	vimm.f32 $0.0e+00;
	s12 =	sadd.s32 $0x500, s11;
	s13 =	sadd.s32 $0x9240, s0;
	s14 =	sadd.s32 $0x9740, s0  }
.LBB2_1:
0x13: {  	[tilespmem:s3], [sflag:$0x3] =	stream.linear.gather [hbm4b:s5+s3], $0x2760, $0x38;
	[tilespmem:$0x141E0] =	vst v63  }
0x14: {  	_ =	swait.ge [sflag:s16], $0x2760  }
0x15: {  	[sflag:s16] =	ssyncset.done $0x0  }
0x16: {  	[sflag:s16] =	ssyncadd.s32 $0xFFFFD8A0  }
0x17: {  	[tilespmem:s17], [sflag:$0x3] =	stream.linear.gather [hbm4b:s7+s3], $0x2760, $0x38;
	[tilespmem:$0x141E0] =	vst v63  }
0x18: {  	_ =	swait.ge [sflag:s16], $0x2760  }
0x19: {  	[sflag:s16] =	ssyncset.done $0x0  }
0x1a: {  	s0 =	simm.s32 $0x80;
	s20 =	simm.s32 $0x0;
	[sflag:s16] =	ssyncadd.s32 $0xFFFFD8A0  }
.LBB2_2:
0x1b: {  	p1 =	sne.s32 s0, $0x9F80;
	[tilespmem:s20+$0xCBC0] =	vst v0;
	s23 =	smov.u32 s0;
	s0 =	sadd.s32 $0x80, s0  }
.Ltmp0:
0x1c: {  	[tilespmem:s20+$0xCBD0] =	vst v0;
	(pc) =	sbr.rel @p1 .LBB2_2-.Ltmp0, $2  }
0x1d: {  	_ =	sdelay $0x2  }
0x1e: {  	s20 =	sshra.s32 s23, $0x2  }
0x1f: {  	[tilespmem:s20+$0xCBC0] =	vst v0  }
0x20: {  	[tilespmem:s20+$0xCBD0] =	vst v0;
	s25 =	simm.s32 @p0 $0xCBC0;
	s23 =	simm.s32 @p0 $0x3  }
0x21: {  	[spmem:s9] =	stream.linear.scatter @p0 [tilespmem:s25], [sflag:$0x3], $0x2800, $0x38;
	[tilespmem:$0x141E0] =	vst v63  }
0x22: {  	_ =	swait.ge @p0 [sflag:s23], $0x2800  }
0x23: {  	[sflag:s23] =	ssyncset.done @p0 $0x0  }
0x24: {  	[sflag:s23] =	ssyncadd.s32 @p0 $0xFFFFD800  }
0x25: {  	[spmem:s10] =	stream.linear.scatter @p0 [tilespmem:s25], [sflag:$0x3], $0x2800, $0x38;
	[tilespmem:$0x141E0] =	vst v63  }
0x26: {  	_ =	swait.ge @p0 [sflag:s23], $0x2800  }
0x27: {  	[sflag:s23] =	ssyncset.done @p0 $0x0  }
0x28: {  	s20 =	simm.s32 @!p0 $0xCBC0;
	s0 =	simm.s32 @!p0 $0x3;
	[sflag:s23] =	ssyncadd.s32 @p0 $0xFFFFD800  }
0x29: {  	[spmem:s6] =	stream.linear.scatter @!p0 [tilespmem:s20], [sflag:$0x3], $0x2800, $0x38;
	[tilespmem:$0x141E0] =	vst v63  }
0x2a: {  	_ =	swait.ge @!p0 [sflag:s0], $0x2800  }
0x2b: {  	[sflag:s0] =	ssyncset.done @!p0 $0x0  }
0x2c: {  	[sflag:s0] =	ssyncadd.s32 @!p0 $0xFFFFD800  }
0x2d: {  	[spmem:s8] =	stream.linear.scatter @!p0 [tilespmem:s20], [sflag:$0x3], $0x2600, $0x38;
	[tilespmem:$0x141E0] =	vst v63  }
0x2e: {  	_ =	swait.ge @!p0 [sflag:s0], $0x2600  }
0x2f: {  	[sflag:s0] =	ssyncset.done @!p0 $0x0  }
0x30: {  	[sflag:s0] =	ssyncadd.s32 @!p0 $0xFFFFDA00  }
0x31: {  	[bflag:$0x0] =	sbarrier.arrive $0xFFFF  }
0x32: {  	[tilespmem:s19], [sflag:$0x1] =	stream.indirect.gather [hbm4b:s4+s18], $0x20, s3, s18, $0xb8;
	[tilespmem:$0x141E0] =	vst v63  }
0x33: {  	s26 =	simm.s32 $0x1F8  }
0x34: {  	[tilespmem:s21], [sflag:$0x2] =	stream.indirect.gather [hbm4b:s4+s18], $0x20, s26, s18, $0xb8;
	[tilespmem:$0x141E0] =	vst v63  }
0x35: {  	_ =	swait.ge [sflag:s22], $0x3E80  }
0x36: {  	[sflag:s22] =	ssyncset.done $0x0  }
0x37: {  	[sflag:s22] =	ssyncadd.s32 $0xFFFFC180  }
0x38: {  	[spmem:s2] =	stream.indirect.scatter.add.f32 [tilespmem:s19], [sflag:$0x3], $0x20, s17, s18, $0xb8;
	[tilespmem:$0x141E0] =	vst v63  }
0x39: {  	_ =	swait.ge [sflag:s16], $0x3E80  }
0x3a: {  	[sflag:s16] =	ssyncset.done $0x0  }
0x3b: {  	s26 =	simm.s32 $0x3F0;
	[sflag:s16] =	ssyncadd.s32 $0xFFFFC180  }
0x3c: {  	[tilespmem:s19], [sflag:$0x1] =	stream.indirect.gather [hbm4b:s4+s18], $0x20, s26, s18, $0xb8;
	[tilespmem:$0x141E0] =	vst v63  }
0x3d: {  	_ =	swait.ge [sflag:s24], $0x3E80  }
0x3e: {  	[sflag:s24] =	ssyncset.done $0x0  }
0x3f: {  	s26 =	simm.s32 $0x2958;
	[sflag:s24] =	ssyncadd.s32 $0xFFFFC180  }
0x40: {  	[spmem:s2] =	stream.indirect.scatter.add.f32 [tilespmem:s21], [sflag:$0x3], $0x20, s26, s18, $0xb8;
	[tilespmem:$0x141E0] =	vst v63  }
0x41: {  	_ =	swait.ge [sflag:s16], $0x3E80  }
0x42: {  	[sflag:s16] =	ssyncset.done $0x0  }
0x43: {  	s26 =	simm.s32 $0x5E8;
	[sflag:s16] =	ssyncadd.s32 $0xFFFFC180  }
0x44: {  	[tilespmem:s21], [sflag:$0x2] =	stream.indirect.gather [hbm4b:s4+s18], $0x20, s26, s18, $0xb8;
	[tilespmem:$0x141E0] =	vst v63  }
0x45: {  	_ =	swait.ge [sflag:s22], $0x3E80  }
0x46: {  	[sflag:s22] =	ssyncset.done $0x0  }
0x47: {  	s26 =	simm.s32 $0x2B50;
	[sflag:s22] =	ssyncadd.s32 $0xFFFFC180  }
0x48: {  	[spmem:s2] =	stream.indirect.scatter.add.f32 [tilespmem:s19], [sflag:$0x3], $0x20, s26, s18, $0xb8;
	[tilespmem:$0x141E0] =	vst v63  }
0x49: {  	_ =	swait.ge [sflag:s16], $0x3E80  }
0x4a: {  	[sflag:s16] =	ssyncset.done $0x0  }
0x4b: {  	s26 =	simm.s32 $0x7E0;
	[sflag:s16] =	ssyncadd.s32 $0xFFFFC180  }
0x4c: {  	[tilespmem:s19], [sflag:$0x1] =	stream.indirect.gather [hbm4b:s4+s18], $0x20, s26, s18, $0xb8;
	[tilespmem:$0x141E0] =	vst v63  }
0x4d: {  	_ =	swait.ge [sflag:s24], $0x3E80  }
0x4e: {  	[sflag:s24] =	ssyncset.done $0x0  }
0x4f: {  	s26 =	simm.s32 $0x2D48;
	[sflag:s24] =	ssyncadd.s32 $0xFFFFC180  }
0x50: {  	[spmem:s2] =	stream.indirect.scatter.add.f32 [tilespmem:s21], [sflag:$0x3], $0x20, s26, s18, $0xb8;
	[tilespmem:$0x141E0] =	vst v63  }
0x51: {  	_ =	swait.ge [sflag:s16], $0x3E80  }
0x52: {  	[sflag:s16] =	ssyncset.done $0x0  }
0x53: {  	s26 =	simm.s32 $0x9D8;
	[sflag:s16] =	ssyncadd.s32 $0xFFFFC180  }
0x54: {  	[tilespmem:s21], [sflag:$0x2] =	stream.indirect.gather [hbm4b:s4+s18], $0x20, s26, s18, $0xb8;
	[tilespmem:$0x141E0] =	vst v63  }
0x55: {  	_ =	swait.ge [sflag:s22], $0x3E80  }
0x56: {  	[sflag:s22] =	ssyncset.done $0x0  }
0x57: {  	s26 =	simm.s32 $0x2F40;
	[sflag:s22] =	ssyncadd.s32 $0xFFFFC180  }
0x58: {  	[spmem:s2] =	stream.indirect.scatter.add.f32 [tilespmem:s19], [sflag:$0x3], $0x20, s26, s18, $0xb8;
	[tilespmem:$0x141E0] =	vst v63  }
0x59: {  	_ =	swait.ge [sflag:s16], $0x3E80  }
0x5a: {  	[sflag:s16] =	ssyncset.done $0x0  }
0x5b: {  	s26 =	simm.s32 $0xBD0;
	[sflag:s16] =	ssyncadd.s32 $0xFFFFC180  }
0x5c: {  	[tilespmem:s19], [sflag:$0x1] =	stream.indirect.gather [hbm4b:s4+s18], $0x20, s26, s18, $0xb8;
	[tilespmem:$0x141E0] =	vst v63  }
0x5d: {  	_ =	swait.ge [sflag:s24], $0x3E80  }
0x5e: {  	[sflag:s24] =	ssyncset.done $0x0  }
0x5f: {  	s26 =	simm.s32 $0x3138;
	[sflag:s24] =	ssyncadd.s32 $0xFFFFC180  }
0x60: {  	[spmem:s2] =	stream.indirect.scatter.add.f32 [tilespmem:s21], [sflag:$0x3], $0x20, s26, s18, $0xb8;
	[tilespmem:$0x141E0] =	vst v63  }
0x61: {  	_ =	swait.ge [sflag:s16], $0x3E80  }
0x62: {  	[sflag:s16] =	ssyncset.done $0x0  }
0x63: {  	s26 =	simm.s32 $0xDC8;
	[sflag:s16] =	ssyncadd.s32 $0xFFFFC180  }
0x64: {  	[tilespmem:s21], [sflag:$0x2] =	stream.indirect.gather [hbm4b:s4+s18], $0x20, s26, s18, $0xb8;
	[tilespmem:$0x141E0] =	vst v63  }
0x65: {  	_ =	swait.ge [sflag:s22], $0x3E80  }
0x66: {  	[sflag:s22] =	ssyncset.done $0x0  }
0x67: {  	s26 =	simm.s32 $0x3330;
	[sflag:s22] =	ssyncadd.s32 $0xFFFFC180  }
0x68: {  	[spmem:s2] =	stream.indirect.scatter.add.f32 [tilespmem:s19], [sflag:$0x3], $0x20, s26, s18, $0xb8;
	[tilespmem:$0x141E0] =	vst v63  }
0x69: {  	_ =	swait.ge [sflag:s16], $0x3E80  }
0x6a: {  	[sflag:s16] =	ssyncset.done $0x0  }
0x6b: {  	s26 =	simm.s32 $0xFC0;
	[sflag:s16] =	ssyncadd.s32 $0xFFFFC180  }
0x6c: {  	[tilespmem:s19], [sflag:$0x1] =	stream.indirect.gather [hbm4b:s4+s18], $0x20, s26, s18, $0xb8;
	[tilespmem:$0x141E0] =	vst v63  }
0x6d: {  	_ =	swait.ge [sflag:s24], $0x3E80  }
0x6e: {  	[sflag:s24] =	ssyncset.done $0x0  }
0x6f: {  	s26 =	simm.s32 $0x3528;
	[sflag:s24] =	ssyncadd.s32 $0xFFFFC180  }
0x70: {  	[spmem:s2] =	stream.indirect.scatter.add.f32 [tilespmem:s21], [sflag:$0x3], $0x20, s26, s18, $0xb8;
	[tilespmem:$0x141E0] =	vst v63  }
0x71: {  	_ =	swait.ge [sflag:s16], $0x3E80  }
0x72: {  	[sflag:s16] =	ssyncset.done $0x0  }
0x73: {  	s26 =	simm.s32 $0x11B8;
	[sflag:s16] =	ssyncadd.s32 $0xFFFFC180  }
0x74: {  	[tilespmem:s21], [sflag:$0x2] =	stream.indirect.gather [hbm4b:s4+s18], $0x20, s26, s18, $0xb8;
	[tilespmem:$0x141E0] =	vst v63  }
0x75: {  	_ =	swait.ge [sflag:s22], $0x3E80  }
0x76: {  	[sflag:s22] =	ssyncset.done $0x0  }
0x77: {  	s26 =	simm.s32 $0x3720;
	[sflag:s22] =	ssyncadd.s32 $0xFFFFC180  }
0x78: {  	[spmem:s2] =	stream.indirect.scatter.add.f32 [tilespmem:s19], [sflag:$0x3], $0x20, s26, s18, $0xb8;
	[tilespmem:$0x141E0] =	vst v63  }
0x79: {  	_ =	swait.ge [sflag:s16], $0x3E80  }
0x7a: {  	[sflag:s16] =	ssyncset.done $0x0  }
0x7b: {  	s26 =	simm.s32 $0x13B0;
	[sflag:s16] =	ssyncadd.s32 $0xFFFFC180  }
0x7c: {  	[tilespmem:s19], [sflag:$0x1] =	stream.indirect.gather [hbm4b:s4+s18], $0x20, s26, s18, $0xb8;
	[tilespmem:$0x141E0] =	vst v63  }
0x7d: {  	_ =	swait.ge [sflag:s24], $0x3E80  }
0x7e: {  	[sflag:s24] =	ssyncset.done $0x0  }
0x7f: {  	s26 =	simm.s32 $0x3918;
	[sflag:s24] =	ssyncadd.s32 $0xFFFFC180  }
0x80: {  	[spmem:s2] =	stream.indirect.scatter.add.f32 [tilespmem:s21], [sflag:$0x3], $0x20, s26, s18, $0xb8;
	[tilespmem:$0x141E0] =	vst v63  }
0x81: {  	_ =	swait.ge [sflag:s16], $0x3E80  }
0x82: {  	[sflag:s16] =	ssyncset.done $0x0  }
0x83: {  	s26 =	simm.s32 $0x15A8;
	[sflag:s16] =	ssyncadd.s32 $0xFFFFC180  }
0x84: {  	[tilespmem:s21], [sflag:$0x2] =	stream.indirect.gather [hbm4b:s4+s18], $0x20, s26, s18, $0xb8;
	[tilespmem:$0x141E0] =	vst v63  }
0x85: {  	_ =	swait.ge [sflag:s22], $0x3E80  }
0x86: {  	[sflag:s22] =	ssyncset.done $0x0  }
0x87: {  	s26 =	simm.s32 $0x3B10;
	[sflag:s22] =	ssyncadd.s32 $0xFFFFC180  }
0x88: {  	[spmem:s2] =	stream.indirect.scatter.add.f32 [tilespmem:s19], [sflag:$0x3], $0x20, s26, s18, $0xb8;
	[tilespmem:$0x141E0] =	vst v63  }
0x89: {  	_ =	swait.ge [sflag:s16], $0x3E80  }
0x8a: {  	[sflag:s16] =	ssyncset.done $0x0  }
0x8b: {  	s26 =	simm.s32 $0x17A0;
	[sflag:s16] =	ssyncadd.s32 $0xFFFFC180  }
0x8c: {  	[tilespmem:s19], [sflag:$0x1] =	stream.indirect.gather [hbm4b:s4+s18], $0x20, s26, s18, $0xb8;
	[tilespmem:$0x141E0] =	vst v63  }
0x8d: {  	_ =	swait.ge [sflag:s24], $0x3E80  }
0x8e: {  	[sflag:s24] =	ssyncset.done $0x0  }
0x8f: {  	s26 =	simm.s32 $0x3D08;
	[sflag:s24] =	ssyncadd.s32 $0xFFFFC180  }
0x90: {  	[spmem:s2] =	stream.indirect.scatter.add.f32 [tilespmem:s21], [sflag:$0x3], $0x20, s26, s18, $0xb8;
	[tilespmem:$0x141E0] =	vst v63  }
0x91: {  	_ =	swait.ge [sflag:s16], $0x3E80  }
0x92: {  	[sflag:s16] =	ssyncset.done $0x0  }
0x93: {  	s26 =	simm.s32 $0x1998;
	[sflag:s16] =	ssyncadd.s32 $0xFFFFC180  }
0x94: {  	[tilespmem:s21], [sflag:$0x2] =	stream.indirect.gather [hbm4b:s4+s18], $0x20, s26, s18, $0xb8;
	[tilespmem:$0x141E0] =	vst v63  }
0x95: {  	_ =	swait.ge [sflag:s22], $0x3E80  }
0x96: {  	[sflag:s22] =	ssyncset.done $0x0  }
0x97: {  	s26 =	simm.s32 $0x3F00;
	[sflag:s22] =	ssyncadd.s32 $0xFFFFC180  }
0x98: {  	[spmem:s2] =	stream.indirect.scatter.add.f32 [tilespmem:s19], [sflag:$0x3], $0x20, s26, s18, $0xb8;
	[tilespmem:$0x141E0] =	vst v63  }
0x99: {  	_ =	swait.ge [sflag:s16], $0x3E80  }
0x9a: {  	[sflag:s16] =	ssyncset.done $0x0  }
0x9b: {  	s26 =	simm.s32 $0x1B90;
	[sflag:s16] =	ssyncadd.s32 $0xFFFFC180  }
0x9c: {  	[tilespmem:s19], [sflag:$0x1] =	stream.indirect.gather [hbm4b:s4+s18], $0x20, s26, s18, $0xb8;
	[tilespmem:$0x141E0] =	vst v63  }
0x9d: {  	_ =	swait.ge [sflag:s24], $0x3E80  }
0x9e: {  	[sflag:s24] =	ssyncset.done $0x0  }
0x9f: {  	s26 =	simm.s32 $0x40F8;
	[sflag:s24] =	ssyncadd.s32 $0xFFFFC180  }
0xa0: {  	[spmem:s2] =	stream.indirect.scatter.add.f32 [tilespmem:s21], [sflag:$0x3], $0x20, s26, s18, $0xb8;
	[tilespmem:$0x141E0] =	vst v63  }
0xa1: {  	_ =	swait.ge [sflag:s16], $0x3E80  }
0xa2: {  	[sflag:s16] =	ssyncset.done $0x0  }
0xa3: {  	s26 =	simm.s32 $0x1D88;
	[sflag:s16] =	ssyncadd.s32 $0xFFFFC180  }
0xa4: {  	[tilespmem:s21], [sflag:$0x2] =	stream.indirect.gather [hbm4b:s4+s18], $0x20, s26, s18, $0xb8;
	[tilespmem:$0x141E0] =	vst v63  }
0xa5: {  	_ =	swait.ge [sflag:s22], $0x3E80  }
0xa6: {  	[sflag:s22] =	ssyncset.done $0x0  }
0xa7: {  	s26 =	simm.s32 $0x42F0;
	[sflag:s22] =	ssyncadd.s32 $0xFFFFC180  }
0xa8: {  	[spmem:s2] =	stream.indirect.scatter.add.f32 [tilespmem:s19], [sflag:$0x3], $0x20, s26, s18, $0xb8;
	[tilespmem:$0x141E0] =	vst v63  }
0xa9: {  	_ =	swait.ge [sflag:s16], $0x3E80  }
0xaa: {  	[sflag:s16] =	ssyncset.done $0x0  }
0xab: {  	s26 =	simm.s32 $0x1F80;
	[sflag:s16] =	ssyncadd.s32 $0xFFFFC180  }
0xac: {  	[tilespmem:s19], [sflag:$0x1] =	stream.indirect.gather [hbm4b:s4+s18], $0x20, s26, s18, $0xb8;
	[tilespmem:$0x141E0] =	vst v63  }
0xad: {  	_ =	swait.ge [sflag:s24], $0x3E80  }
0xae: {  	[sflag:s24] =	ssyncset.done $0x0  }
0xaf: {  	s26 =	simm.s32 $0x44E8;
	[sflag:s24] =	ssyncadd.s32 $0xFFFFC180  }
0xb0: {  	[spmem:s2] =	stream.indirect.scatter.add.f32 [tilespmem:s21], [sflag:$0x3], $0x20, s26, s18, $0xb8;
	[tilespmem:$0x141E0] =	vst v63  }
0xb1: {  	_ =	swait.ge [sflag:s16], $0x3E80  }
0xb2: {  	[sflag:s16] =	ssyncset.done $0x0  }
0xb3: {  	s26 =	simm.s32 $0x2178;
	[sflag:s16] =	ssyncadd.s32 $0xFFFFC180  }
0xb4: {  	[tilespmem:s21], [sflag:$0x2] =	stream.indirect.gather [hbm4b:s4+s18], $0x20, s26, s18, $0xb8;
	[tilespmem:$0x141E0] =	vst v63  }
0xb5: {  	_ =	swait.ge [sflag:s22], $0x3E80  }
0xb6: {  	[sflag:s22] =	ssyncset.done $0x0  }
0xb7: {  	s26 =	simm.s32 $0x46E0;
	[sflag:s22] =	ssyncadd.s32 $0xFFFFC180  }
0xb8: {  	[spmem:s2] =	stream.indirect.scatter.add.f32 [tilespmem:s19], [sflag:$0x3], $0x20, s26, s18, $0xb8;
	[tilespmem:$0x141E0] =	vst v63  }
0xb9: {  	_ =	swait.ge [sflag:s16], $0x3E80  }
0xba: {  	[sflag:s16] =	ssyncset.done $0x0  }
0xbb: {  	s26 =	simm.s32 $0x2370;
	[sflag:s16] =	ssyncadd.s32 $0xFFFFC180  }
0xbc: {  	[tilespmem:s19], [sflag:$0x1] =	stream.indirect.gather [hbm4b:s4+s18], $0x20, s26, s18, $0xb8;
	[tilespmem:$0x141E0] =	vst v63  }
0xbd: {  	_ =	swait.ge [sflag:s24], $0x3E80  }
0xbe: {  	[sflag:s24] =	ssyncset.done $0x0  }
0xbf: {  	[sflag:s24] =	ssyncadd.s32 $0xFFFFC180  }
0xc0: {  	[spmem:s2] =	stream.indirect.scatter.add.f32 [tilespmem:s21], [sflag:$0x3], $0x20, s28, s18, $0xb8;
	[tilespmem:$0x141E0] =	vst v63  }
0xc1: {  	_ =	swait.ge [sflag:s16], $0x3E80  }
0xc2: {  	[sflag:s16] =	ssyncset.done $0x0  }
0xc3: {  	[sflag:s16] =	ssyncadd.s32 $0xFFFFC180  }
0xc4: {  	[tilespmem:s21], [sflag:$0x2] =	stream.indirect.gather [hbm4b:s4+s18], $0x20, s29, s18, $0xb8;
	[tilespmem:$0x141E0] =	vst v63  }
0xc5: {  	_ =	swait.ge [sflag:s22], $0x3E80  }
0xc6: {  	[sflag:s22] =	ssyncset.done $0x0  }
0xc7: {  	[sflag:s22] =	ssyncadd.s32 $0xFFFFC180  }
0xc8: {  	[spmem:s2] =	stream.indirect.scatter.add.f32 [tilespmem:s19], [sflag:$0x3], $0x20, s30, s18, $0xb8;
	[tilespmem:$0x141E0] =	vst v63  }
0xc9: {  	_ =	swait.ge [sflag:s16], $0x3E80  }
0xca: {  	[sflag:s16] =	ssyncset.done $0x0  }
0xcb: {  	[sflag:s16] =	ssyncadd.s32 $0xFFFFC180  }
0xcc: {  	_ =	swait.ge [sflag:s24], $0x3E80  }
0xcd: {  	[sflag:s24] =	ssyncset.done $0x0  }
0xce: {  	[sflag:s24] =	ssyncadd.s32 $0xFFFFC180  }
0xcf: {  	[spmem:s2] =	stream.indirect.scatter.add.f32 [tilespmem:s21], [sflag:$0x3], $0x20, s31, s18, $0xb8;
	[tilespmem:$0x141E0] =	vst v63  }
0xd0: {  	_ =	swait.ge [sflag:s16], $0x3E80  }
0xd1: {  	[sflag:s16] =	ssyncset.done $0x0  }
0xd2: {  	[sflag:s16] =	ssyncadd.s32 $0xFFFFC180  }
0xd3: {  	[bflag:$0x0] =	sbarrier.arrive $0xFFFF  }
0xd4: {  	[tilespmem:s25], [sflag:$0x3] =	stream.linear.gather @p0 [spmem:s9], $0x2800, $0x38;
	[tilespmem:$0x141E0] =	vst v63  }
0xd5: {  	_ =	swait.ge @p0 [sflag:s23], $0x2800  }
0xd6: {  	[sflag:s23] =	ssyncset.done @p0 $0x0  }
0xd7: {  	s26 =	simm.s32 @p0 $0x0;
	[sflag:s23] =	ssyncadd.s32 @p0 $0xFFFFD800  }
0xd8: {  	[hbm4b:s13+s26] =	stream.linear.scatter @p0 [tilespmem:s25], [sflag:$0x3], $0x2800, $0x38;
	[tilespmem:$0x141E0] =	vst v63  }
0xd9: {  	_ =	swait.ge @p0 [sflag:s23], $0x2800  }
0xda: {  	[sflag:s23] =	ssyncset.done @p0 $0x0  }
0xdb: {  	[sflag:s23] =	ssyncadd.s32 @p0 $0xFFFFD800  }
0xdc: {  	[tilespmem:s25], [sflag:$0x3] =	stream.linear.gather @p0 [spmem:s10], $0x2800, $0x38;
	[tilespmem:$0x141E0] =	vst v63  }
0xdd: {  	_ =	swait.ge @p0 [sflag:s23], $0x2800  }
0xde: {  	[sflag:s23] =	ssyncset.done @p0 $0x0  }
0xdf: {  	[sflag:s23] =	ssyncadd.s32 @p0 $0xFFFFD800  }
0xe0: {  	[hbm4b:s14+s26] =	stream.linear.scatter @p0 [tilespmem:s25], [sflag:$0x3], $0x2800, $0x38;
	[tilespmem:$0x141E0] =	vst v63  }
0xe1: {  	_ =	swait.ge @p0 [sflag:s23], $0x2800  }
0xe2: {  	[sflag:s23] =	ssyncset.done @p0 $0x0  }
0xe3: {  	[sflag:s23] =	ssyncadd.s32 @p0 $0xFFFFD800  }
0xe4: {  	[tilespmem:s20], [sflag:$0x3] =	stream.linear.gather @!p0 [spmem:s6], $0x2800, $0x38;
	[tilespmem:$0x141E0] =	vst v63  }
0xe5: {  	_ =	swait.ge @!p0 [sflag:s0], $0x2800  }
0xe6: {  	[sflag:s0] =	ssyncset.done @!p0 $0x0  }
0xe7: {  	s23 =	simm.s32 @!p0 $0x0;
	[sflag:s0] =	ssyncadd.s32 @!p0 $0xFFFFD800  }
0xe8: {  	[hbm4b:s11+s23] =	stream.linear.scatter @!p0 [tilespmem:s20], [sflag:$0x3], $0x2800, $0x38;
	[tilespmem:$0x141E0] =	vst v63  }
0xe9: {  	_ =	swait.ge @!p0 [sflag:s0], $0x2800  }
0xea: {  	[sflag:s0] =	ssyncset.done @!p0 $0x0  }
0xeb: {  	[sflag:s0] =	ssyncadd.s32 @!p0 $0xFFFFD800  }
0xec: {  	[tilespmem:s20], [sflag:$0x3] =	stream.linear.gather @!p0 [spmem:s8], $0x2600, $0x38;
	[tilespmem:$0x141E0] =	vst v63  }
0xed: {  	s1 =	sadd.s32 $0x1, s1;
	_ =	swait.ge @!p0 [sflag:s0], $0x2600  }
0xee: {  	p1 =	sne.s32 s1, s15;
	[sflag:s0] =	ssyncset.done @!p0 $0x0  }
.Ltmp1:
0xef: {  	[sflag:s0] =	ssyncadd.s32 @!p0 $0xFFFFDA00;
	(pc) =	sbr.rel @p1 .LBB2_1-.Ltmp1, $4  }
0xf0: {  	[hbm4b:s12+s23] =	stream.linear.scatter @!p0 [tilespmem:s20], [sflag:$0x3], $0x2600, $0x38;
	[tilespmem:$0x141E0] =	vst v63  }
0xf1: {  	_ =	swait.ge @!p0 [sflag:s0], $0x2600  }
0xf2: {  	[sflag:s0] =	ssyncset.done @!p0 $0x0  }
0xf3: {  	[sflag:s0] =	ssyncadd.s32 @!p0 $0xFFFFDA00  }
0xf4: {  	_ =	sfence.sel $0x180000  }
0xf5: {  	[bflag:$0x0] =	sbarrier.arrive $0xFFFF  }
0xf6: {  	_ =	strace $0x9000004D  }
0xf7: {  	s0 =	stileid.u32;
	[bflag:$0x2] =	sbarrier.arrive $0xFFFF  }
0xf8: {  	p0 =	sne.s32 s0, $0x0;
	s0 =	rddreg [dreg:$0x2]  }
0xf9: {  	s0 =	sadd.s32 @!p0 $0x100000, s0  }
0xfa: {  	[sflag:s0] =	ssyncadd.tile.s32 @!p0 $0x1;
	_ =	shalt  }
.Lfunc_end2:
_tile_overlayer_lowered:
.L_overlay_start_2:
0xfb: {  	(tag) =	ssettag $0x2  }
0xfc: {  	s0 =	rddreg [dreg:$0x0];
	s2 =	stileid.u32  }
0xfd: {  	s1 =	rddreg [dreg:$0x1];
	p0 =	sne.s32 s2, $0x0  }
0xfe: {  	s3 =	rddreg [dreg:$0x2];
	[bflag:$0x3] =	sbarrier.arrive $0xFFFF;
	s2 =	simm.s32 @!p0 $0x1C03  }
0xff: {  	[timem:s3], [sflag:s2] =	dma.local @!p0 [hbm:s0], s1  }
0x100: {  	s0 =	simm.s32 @!p0 $0x3  }
0x101: {  	_ =	swait.ge @!p0 [sflag:s0], s1  }
0x102: {  	s1 =	ssub.s32 @!p0 $0x0, s1;
	[sflag:s0] =	ssyncset.done @!p0 $0x0  }
0x103: {  	[sflag:s0] =	ssyncadd.s32 @!p0 s1  }
0x104: {  	[bflag:$0x3] =	sbarrier.arrive $0xFFFF  }
0x105: {  	_ =	shalt  }

// kernel: kernel.19.cloned.1.call-start
scs
__scs_entry_jumppad:
0x0: {  	(pc) =	sbr.rel $0x88, $3  }
0x1: {  	(tag) =	ssettag $0x0;
	lr =	simm.s32 $0x1  }
0x2: {  	[smem:$0x3F93] =	sst lr;
	_ =	strace $0xD0000000  }
0x3: {  	_ = 	snop  }
0x4: {  	_ = 	snop  }
0x5: {  	_ = 	snop  }
0x6: {  	_ = 	snop  }
0x7: {  	_ = 	snop  }
__scs_overlays_trampoline_lowered:
0x8: {  	[smem:$0x3FA2] =	sst s0  }
0x9: {  	[smem:$0x3FA3] =	sst s1  }
0xa: {  	[smem:$0x3FA4] =	sst s2  }
0xb: {  	[smem:$0x3FA5] =	sst s3  }
0xc: {  	[smem:$0x3FA6] =	sst s4  }
0xd: {  	[smem:$0x3FA7] =	sst s5  }
0xe: {  	[smem:$0x3FA8] =	sst s6  }
0xf: {  	[smem:$0x3FA9] =	sst s7  }
0x10: {  	[smem:$0x3FAA] =	sst s8  }
0x11: {  	[smem:$0x3FAB] =	sst s9;
	s0 =	simm.s32 @!p0 $0x0  }
0x12: {  	s1 =	sld [smem:$0x3F91];
	s0 =	simm.s32 @p0 $0x1  }
0x13: {  	[smem:$0x3FAC] =	sst s0;
	s0 =	simm.s32 @!p1 $0x0  }
0x14: {  	s2 =	sld [smem:$0x3F90];
	s0 =	simm.s32 @p1 $0x1  }
0x15: {  	[smem:$0x3FAD] =	sst s0;
	s0 =	simm.s32 @!p2 $0x0  }
0x16: {  	s3 =	sld [smem:$0x3FDB];
	s0 =	simm.s32 @p2 $0x1  }
0x17: {  	s4 =	simm.s32 $0x1BF5;
	[smem:$0x3FAF] =	sst s0  }
0x18: {  	s0 =	sld [smem:$0x3F92];
	_ =	swait.ge [sflag:s4], $0x0  }
0x19: {  	s7 =	sld [smem:$0x3F93]  }
0x1a: {  	s8 =	sadd.s32 $0xFFFFE003, lr  }
0x1b: {  	s9 =	sadd.s32 $0xFFFFFEF7, lr;
	s5 =	simm.s32 $0xFFFFFFFF;
	p2 =	slt.u32 s8, $0xFFFFF086  }
0x1c: {  	p1 =	slt.u32 s9, $0xF7A;
	s5 =	simm.s32 @!p2 $0x0  }
0x1d: {  	s5 =	simm.s32 @p1 $0x1;
	p0 =	seq.s32 s7, s2  }
0x1e: {  	s7 =	smul.u32 @!p0 $0xF7A, s2;
	p2 =	seq.s32 @!p0 s5, $0x0  }
0x1f: {  	s9 =	smul.u32 $0xF7A, s1;
	s8 =	simm.s32 @!p0 $0x1BF5;
	p2 =	por !p2, p0  }
0x20: {  	[sflag:s8] =	ssyncset.s32 @!p0 $0xFFFFF086;
	s6 =	sadd.s32 @!p0 s3, s7;
	s7 =	simm.s32 @!p0 $0x108  }
0x21: {  	s3 =	sadd.s32 s3, s9;
	s6 =	sadd.s32 @!p0 $0x88, s6;
	s7 =	simm.s32 @p2 $0x1082  }
0x22: {  	[simem:s7], [sflag:s8] =	dma.local @!p0 [hbm:s6], $0xF7A  }
0x23: {  	s9 =	sor.u32 $0xD0000000, s2;
	s6 =	simm.s32 $0x108;
	_ =	swait.ge @!p0 [sflag:s8], $0x0  }
0x24: {  	s3 =	sadd.s32 $0x88, s3;
	s6 =	simm.s32 @!p1 $0x1082;
	[sflag:s4] =	ssyncset.s32 $0xFFFFF086  }
0x25: {  	[simem:s6], [sflag:s4] =	dma.local [hbm:s3], $0xF7A  }
0x26: {  	[smem:$0x3F93] =	sst s1;
	(tag) =	ssettag s2;
	_ =	strace s9  }
0x27: {  	s1 =	sld [smem:$0x3FA3]  }
0x28: {  	s2 =	sld [smem:$0x3FA4]  }
0x29: {  	s4 =	sld [smem:$0x3FA6]  }
0x2a: {  	p0 =	seq.s32 s5, $0x0;
	s5 =	sld [smem:$0x3FA7]  }
0x2b: {  	s6 =	sld [smem:$0x3FA8]  }
0x2c: {  	s7 =	sld [smem:$0x3FA9]  }
0x2d: {  	s3 =	simm.s32 $0x108;
	s8 =	sld [smem:$0x3FAA]  }
0x2e: {  	s3 =	simm.s32 @!p0 $0x1082;
	s9 =	sld [smem:$0x3FAB]  }
0x2f: {  	lr =	sadd.s32 s0, s3;
	s0 =	sld [smem:$0x3FA2]  }
0x30: {  	s3 =	sld [smem:$0x3FA5]  }
0x31: {  	[smem:$0x3FAE] =	sst s10  }
0x32: {  	s10 =	sld [smem:$0x3FAC];
	_ =	sdelay $0x3  }
0x33: {  	p0 =	seq.s32 s10, $0x1;
	s10 =	sld [smem:$0x3FAE];
	_ =	sdelay $0x3  }
0x34: {  	[smem:$0x3FAE] =	sst s10  }
0x35: {  	s10 =	sld [smem:$0x3FAD];
	_ =	sdelay $0x3  }
0x36: {  	p1 =	seq.s32 s10, $0x1;
	s10 =	sld [smem:$0x3FAE];
	_ =	sdelay $0x3  }
0x37: {  	[smem:$0x3FAE] =	sst s10  }
0x38: {  	s10 =	sld [smem:$0x3FAF]  }
0x39: {  	_ = 	snop;
	(pc) =	sbr.ind lr, $3  }
0x3a: {  	_ = 	snop  }
0x3b: {  	_ = 	snop  }
0x3c: {  	p2 =	seq.s32 s10, $0x1;
	s10 =	sld [smem:$0x3FAE]  }
0x3d: {  	_ =	shalt  }
0x3e: {  	_ =	shalt  }
0x3f: {  	_ =	shalt  }
0x40: {  	_ =	shalt  }
0x41: {  	_ =	shalt  }
0x42: {  	_ =	shalt  }
0x43: {  	_ =	shalt  }
0x44: {  	_ =	shalt  }
0x45: {  	_ =	shalt  }
0x46: {  	_ =	shalt  }
0x47: {  	_ =	shalt  }
0x48: {  	_ =	shalt  }
0x49: {  	_ =	shalt  }
0x4a: {  	_ =	shalt  }
0x4b: {  	_ =	shalt  }
0x4c: {  	_ =	shalt  }
0x4d: {  	_ =	shalt  }
0x4e: {  	_ =	shalt  }
0x4f: {  	_ =	shalt  }
0x50: {  	_ =	shalt  }
0x51: {  	_ =	shalt  }
0x52: {  	_ =	shalt  }
0x53: {  	_ =	shalt  }
0x54: {  	_ =	shalt  }
0x55: {  	_ =	shalt  }
0x56: {  	_ =	shalt  }
0x57: {  	_ =	shalt  }
0x58: {  	_ =	shalt  }
0x59: {  	_ =	shalt  }
0x5a: {  	_ =	shalt  }
0x5b: {  	_ =	shalt  }
0x5c: {  	_ =	shalt  }
0x5d: {  	_ =	shalt  }
0x5e: {  	_ =	shalt  }
0x5f: {  	_ =	shalt  }
0x60: {  	_ =	shalt  }
0x61: {  	_ =	shalt  }
0x62: {  	_ =	shalt  }
0x63: {  	_ =	shalt  }
0x64: {  	_ =	shalt  }
0x65: {  	_ =	shalt  }
0x66: {  	_ =	shalt  }
0x67: {  	_ =	shalt  }
0x68: {  	_ =	shalt  }
0x69: {  	_ =	shalt  }
0x6a: {  	_ =	shalt  }
0x6b: {  	_ =	shalt  }
0x6c: {  	_ =	shalt  }
0x6d: {  	_ =	shalt  }
0x6e: {  	_ =	shalt  }
0x6f: {  	_ =	shalt  }
0x70: {  	_ =	shalt  }
0x71: {  	_ =	shalt  }
0x72: {  	_ =	shalt  }
0x73: {  	_ =	shalt  }
0x74: {  	_ =	shalt  }
0x75: {  	_ =	shalt  }
0x76: {  	_ =	shalt  }
0x77: {  	_ =	shalt  }
0x78: {  	_ =	shalt  }
0x79: {  	_ =	shalt  }
0x7a: {  	_ =	shalt  }
0x7b: {  	_ =	shalt  }
0x7c: {  	_ =	shalt  }
0x7d: {  	_ =	shalt  }
0x7e: {  	_ =	shalt  }
0x7f: {  	_ =	shalt  }
0x80: {  	_ =	shalt  }
0x81: {  	_ =	shalt  }
0x82: {  	_ =	shalt  }
0x83: {  	_ =	shalt  }
0x84: {  	_ =	shalt  }
0x85: {  	_ =	shalt  }
0x86: {  	_ =	shalt  }
0x87: {  	_ =	shalt  }
.Lfunc_end0:
.L_simem_size_0:
called_computation.3_lowered:
.L_overlay_start_0:
0x88: {  	s2 =	sld [smem:$0x3FD9]  }
0x89: {  	s3 =	sld [smem:$0x3FFE];
	_ =	sdelay $0x1  }
0x8a: {  	s1 =	srdreg.scid  }
0x8b: {  	s0 =	sand.u32 $0x1, s1  }
0x8c: {  	s16 =	sshll.u32 s0, $0xA;
	s2 =	sadd.s32 s3, s2  }
0x8d: {  	s2 =	sadd.s32 s2, s16  }
0x8e: {  	[smem:$0x3FBA] =	sst s2  }
0x8f: {  	_ = 	snop  }
0x90: {  	(tm) =	ssettm $0x1  }
0x91: {  	s17 =	sld [smem:$0x3FFB];
	_ =	sdelay $0x3  }
0x92: {  	_ =	strace s17  }
0x93: {  	s2 =	sld [smem:$0x3FFC];
	_ =	sdelay $0x3  }
0x94: {  	_ =	strace s2  }
0x95: {  	s2 =	sld [smem:$0x3FFD];
	_ =	sdelay $0x3  }
0x96: {  	_ =	strace s2  }
0x97: {  	_ =	strace $0x8FFFFFFF  }
0x98: {  	s18 =	sld [smem:$0x3FDB];
	_ =	sdelay $0x1  }
0x99: {  	s19 =	simm.s32 $_scs_section_size  }
0x9a: {  	s4 =	simm.s32 $_size__tile_overlayer_lowered;
	s5 =	simm.s32 $_tile_overlayer_lowered  }
0x9b: {  	s22 =	simm.s32 $0x1BFF;
	s21 =	sshll.u32 s5, $0x1;
	s2 =	sadd.s32 s19, s18  }
0x9c: {  	s6 =	simm.s32 $0x0;
	s20 =	sshll.u32 s4, $0x1;
	s4 =	sadd.s32 s21, s2  }
0x9d: {  	[timem:s6], [sflag:s22] =	dma.local [hbm:s4], s20  }
0x9e: {  	_ =	swait.ge [sflag:s22], s20  }
0x9f: {  	s3 =	ssub.s32 $0x0, s20;
	[sflag:s22] =	ssyncset.done $0x0  }
0xa0: {  	[sflag:s22] =	ssyncadd.s32 s3;
	_ =	sdelay $0x1  }
0xa1: {  	s23 =	simm.s32 $0x1B8B  }
0xa2: {  	_ =	swait.ge [sflag:s23], $0x1  }
0xa3: {  	[sflag:s23] =	ssyncset.done $0x0  }
0xa4: {  	s25 =	simm.s32 $0x1B8E;
	s24 =	sld [smem:$0x3FFE];
	[sflag:s23] =	ssyncadd.s32 $0xFFFFFFFF  }
0xa5: {  	s26 =	simm.s32 $execute0_lowered;
	[smem:$0x3FD2] =	sst s25  }
0xa6: {  	s4 =	sshll.u32 s26, $0x1;
	_ =	strace $0x8000004F;
	[dreg:$0x1] =	wrdreg $0xFFFFFFFF  }
0xa7: {  	s28 =	simm.s32 $_size_execute0_lowered;
	s2 =	sadd.s32 s2, s4;
	[dreg:$0x0] =	wrdreg $0x0  }
0xa8: {  	s4 =	sshll.u32 s28, $0x1;
	[dreg:$0x2] =	wrdreg s2  }
0xa9: {  	[dreg:$0x3] =	wrdreg s4  }
0xaa: {  	[dreg:$0x4] =	wrdreg $0xC0  }
0xab: {  	_ =	task [dreg:s6], $0x5FFFF  }
0xac: {  	[dreg:$0x1] =	wrdreg $0xFFFFFFFF  }
0xad: {  	[dreg:$0x0] =	wrdreg $0x60  }
0xae: {  	[dreg:$0x2] =	wrdreg s24  }
0xaf: {  	[dreg:$0x3] =	wrdreg $0x162C00  }
0xb0: {  	[dreg:$0x4] =	wrdreg $0x9  }
0xb1: {  	_ =	task.clear_ibuf [dreg:s6], $0x5FFFF;
	_ =	strace $0x9000004F  }
0xb2: {  	s29 =	simm.s32 $0x9;
	_ =	strace $0x80000051  }
0xb3: {  	_ =	swait.ge [sflag:s29], $0x1  }
0xb4: {  	[sflag:s29] =	ssyncadd.s32 $0xFFFFFFFF  }
0xb5: {  	_ =	strace $0x90000051  }
0xb6: {  	_ =	sfence  }
0xb7: {  	s30 =	sld [smem:$0x0];
	_ =	sdelay $0x2  }
0xb8: {  	s31 =	sshll.u32 s1, $0xD;
	s1 =	sshrl.u32 s1, $0x2  }
0xb9: {  	s3 =	sand.u32 $0x4000, s31;
	s1 =	sadd.s32 s1, s30  }
0xba: {  	s0 =	sor.u32 s3, s0;
	s1 =	sshll.u32 s1, $0x11  }
0xbb: {  	s0 =	sor.u32 s1, s0  }
0xbc: {  	s0 =	sadd.s32 $0x8F2B, s0  }
0xbd: {  	[sflag:s0] =	ssyncadd.remote.s32 $0x1  }
0xbe: {  	_ =	sfence.sel $0xFFFF  }
0xbf: {  	[dreg:$0x0] =	wrdreg $0xFFFFFFFF;
	(pc) =	sbr.abs _section_cstart, $3  }
0xc0: {  	[dreg:$0x1] =	wrdreg $0xFFFFFFFF  }
0xc1: {  	_ =	task.clear_ibuf [dreg:s6], $0x2FFFF;
	_ =	strace $0x9FFFFFFF  }
0xc2: {  	(tm) =	ssettm $0x7FFFFFFF  }
0xc3: {  	_ =	shalt  }
tec
execute0_lowered:
.L_overlay_start_1:
0x0: {  	(tag) =	ssettag $0x1  }
0x1: {  	s0 =	srdreg.scid;
	s18 =	stileid.u32  }
0x2: {  	s1 =	rddreg [dreg:$0x0];
	s6 =	smul.u32 $0x27000, s18  }
0x3: {  	s2 =	rddreg [dreg:$0x1];
	s0 =	sand.u32 $0x1, s0;
	s31 =	smul.u32 $0x270, s18  }
0x4: {  	s13 =	sadd.s32 $0x92400, s2;
	s14 =	sadd.s32 $0x93E00, s2;
	s16 =	sadd.s32 $0x97200, s2  }
0x5: {  	p0 =	seq.s32 s18, $0xF;
	s26 =	sadd.s32 $0x98C00, s2;
	s28 =	sadd.s32 $0x9A600, s2  }
0x6: {  	s29 =	sadd.s32 $0x9C000, s2;
	s3 =	sshll.u32 s0, $0x4;
	s15 =	smul.u32 $0x2710, s0  }
0x7: {  	s7 =	ssub.s32 $0x2, s0;
	s0 =	smul.u32 $0x9C400, s0;
	s4 =	sor.u32 s18, s3  }
0x8: {  	s3 =	simm.s32 $0x0;
	s8 =	sshrl.u32 s7, $0x1;
	s6 =	sshrl.u32 s6, $0x2  }
0x9: {  	s4 =	smul.u32 $0x2760, s4;
	[smem:$0x7FF] =	sst s3;
	s7 =	ssub.s32 s7, s8  }
0xa: {  	s6 =	sadd.s32 s6, s2;
	s0 =	sshrl.u32 s0, $0x3;
	_ =	strace $0x80000050  }
0xb: {  	s8 =	sadd.s32 $0x1A00, s6;
	s9 =	sadd.s32 $0x3400, s6;
	s10 =	sadd.s32 $0x4E00, s6  }
0xc: {  	s11 =	sadd.s32 $0x6800, s6;
	s12 =	sadd.s32 $0x8200, s6;
	s5 =	sshrl.u32 s4, $0x3  }
0xd: {  	s23 =	smax.u32 s7, $0x1;
	s4 =	sadd.s32 $0x16E00, s1;
	s5 =	sadd.s32 s5, s1  }
0xe: {  	[dreg:$0xc] =	wrdreg s23;
	s1 =	sadd.s32 $0x2A800, s1;
	s30 =	sadd.s32 $0x3200, s5  }
0xf: {  	s5 =	sadd.s32 $0xCF80, s5;
	s0 =	sadd.s32 s1, s0;
	[dreg:$0x3] =	wrdreg s30  }
0x10: {  	s7 =	simm.s32 $0x3;
	[dreg:$0x4] =	wrdreg s5;
	s19 =	sadd.s32 $0x12B00, s0  }
0x11: {  	s23 =	simm.s32 $0x2;
	s20 =	sadd.s32 $0x12E40, s0;
	[dreg:$0x7] =	wrdreg s19  }
0x12: {  	s5 =	sadd.s32 s31, s15;
	s21 =	sadd.s32 $0x13180, s0;
	[dreg:$0x8] =	wrdreg s20  }
0x13: {  	s22 =	sadd.s32 $0x134C0, s0;
	s5 =	sshll.u32 s5, $0x3;
	[dreg:$0x9] =	wrdreg s21  }
0x14: {  	[dreg:$0xa] =	wrdreg s22;
	s17 =	sadd.s32 s1, s5;
	s1 =	sadd.s32 $0x12480, s0  }
0x15: {  	s15 =	sadd.s32 $0x95800, s2;
	s5 =	sadd.s32 $0x127C0, s0;
	[dreg:$0x5] =	wrdreg s1  }
0x16: {  	s19 =	simm.s32 $0x1F4;
	s0 =	sadd.s32 $0x13800, s0;
	[dreg:$0x6] =	wrdreg s5  }
0x17: {  	s20 =	simm.s32 $0x4EC0;
	[dreg:$0xb] =	wrdreg s0;
	s24 =	sadd.s32 $0x340, s17  }
0x18: {  	s21 =	simm.s32 $0xCBC0;
	s25 =	sadd.s32 $0x680, s17;
	[dreg:$0xd] =	wrdreg s24  }
0x19: {  	s22 =	simm.s32 $0x1;
	s30 =	sadd.s32 $0x9C0, s17;
	[dreg:$0xe] =	wrdreg s25  }
0x1a: {  	s31 =	sadd.s32 $0xD00, s17;
	s5 =	sadd.s32 $0x1040, s17;
	[dreg:$0xf] =	wrdreg s30  }
0x1b: {  	v0 =	vimm.f32 $0.0e+00;
	s0 =	simm.s32 $0x2760;
	[dreg:$0x10] =	wrdreg s31;
	s24 =	simm.s32 $0x0  }
.LBB2_1:
0x1c: {  	s1 =	rddreg [dreg:$0x3]  }
0x1d: {  	[tilespmem:s3], [sflag:$0x3] =	stream.linear.gather [hbm4b:s1+s3], $0x2760, $0x38;
	[tilespmem:$0x1FF00] =	vst v63  }
0x1e: {  	_ =	swait.ge [sflag:s7], $0x2760  }
0x1f: {  	[sflag:s7] =	ssyncset.done $0x0  }
0x20: {  	s31 =	rddreg [dreg:$0x4];
	[sflag:s7] =	ssyncadd.s32 $0xFFFFD8A0  }
0x21: {  	[tilespmem:s0], [sflag:$0x3] =	stream.linear.gather [hbm4b:s31+s3], $0x2760, $0x38;
	[tilespmem:$0x1FF00] =	vst v63  }
0x22: {  	_ =	swait.ge [sflag:s7], $0x2760  }
0x23: {  	[sflag:s7] =	ssyncset.done $0x0  }
0x24: {  	s25 =	simm.s32 $0x100;
	s18 =	simm.s32 $0x0;
	[sflag:s7] =	ssyncadd.s32 $0xFFFFD8A0  }
.LBB2_2:
0x25: {  	p1 =	sne.s32 s25, $0x6700;
	[tilespmem:s18+$0x148F0] =	vst v0;
	s30 =	smov.u32 s25;
	s25 =	sadd.s32 $0x100, s25  }
.Ltmp0:
0x26: {  	[tilespmem:s18+$0x148E0] =	vst v0;
	(pc) =	sbr.rel @p1 .LBB2_2-.Ltmp0, $3  }
0x27: {  	[tilespmem:s18+$0x148C0] =	vst v0  }
0x28: {  	[tilespmem:s18+$0x148D0] =	vst v0;
	_ =	sdelay $0x1  }
0x29: {  	s18 =	sshra.s32 s30, $0x2  }
0x2a: {  	[tilespmem:s18+$0x148F0] =	vst v0  }
0x2b: {  	[tilespmem:s18+$0x148E0] =	vst v0  }
0x2c: {  	[tilespmem:s18+$0x148C0] =	vst v0  }
0x2d: {  	[tilespmem:s18+$0x148D0] =	vst v0;
	s31 =	simm.s32 @p0 $0x148C0;
	s30 =	simm.s32 @p0 $0x3  }
0x2e: {  	[spmem:s13] =	stream.linear.scatter @p0 [tilespmem:s31], [sflag:$0x3], $0x1A00, $0x38;
	[tilespmem:$0x1FF00] =	vst v63  }
0x2f: {  	_ =	swait.ge @p0 [sflag:s30], $0x1A00  }
0x30: {  	[sflag:s30] =	ssyncset.done @p0 $0x0  }
0x31: {  	[sflag:s30] =	ssyncadd.s32 @p0 $0xFFFFE600  }
0x32: {  	[spmem:s14] =	stream.linear.scatter @p0 [tilespmem:s31], [sflag:$0x3], $0x1A00, $0x38;
	[tilespmem:$0x1FF00] =	vst v63  }
0x33: {  	_ =	swait.ge @p0 [sflag:s30], $0x1A00  }
0x34: {  	[sflag:s30] =	ssyncset.done @p0 $0x0  }
0x35: {  	[sflag:s30] =	ssyncadd.s32 @p0 $0xFFFFE600  }
0x36: {  	[spmem:s15] =	stream.linear.scatter @p0 [tilespmem:s31], [sflag:$0x3], $0x1A00, $0x38;
	[tilespmem:$0x1FF00] =	vst v63  }
0x37: {  	_ =	swait.ge @p0 [sflag:s30], $0x1A00  }
0x38: {  	[sflag:s30] =	ssyncset.done @p0 $0x0  }
0x39: {  	[sflag:s30] =	ssyncadd.s32 @p0 $0xFFFFE600  }
0x3a: {  	[spmem:s16] =	stream.linear.scatter @p0 [tilespmem:s31], [sflag:$0x3], $0x1A00, $0x38;
	[tilespmem:$0x1FF00] =	vst v63  }
0x3b: {  	_ =	swait.ge @p0 [sflag:s30], $0x1A00  }
0x3c: {  	[sflag:s30] =	ssyncset.done @p0 $0x0  }
0x3d: {  	[sflag:s30] =	ssyncadd.s32 @p0 $0xFFFFE600  }
0x3e: {  	[spmem:s26] =	stream.linear.scatter @p0 [tilespmem:s31], [sflag:$0x3], $0x1A00, $0x38;
	[tilespmem:$0x1FF00] =	vst v63  }
0x3f: {  	_ =	swait.ge @p0 [sflag:s30], $0x1A00  }
0x40: {  	[sflag:s30] =	ssyncset.done @p0 $0x0  }
0x41: {  	[sflag:s30] =	ssyncadd.s32 @p0 $0xFFFFE600  }
0x42: {  	[spmem:s28] =	stream.linear.scatter @p0 [tilespmem:s31], [sflag:$0x3], $0x1A00, $0x38;
	[tilespmem:$0x1FF00] =	vst v63  }
0x43: {  	_ =	swait.ge @p0 [sflag:s30], $0x1A00  }
0x44: {  	[sflag:s30] =	ssyncset.done @p0 $0x0  }
0x45: {  	[sflag:s30] =	ssyncadd.s32 @p0 $0xFFFFE600  }
0x46: {  	[spmem:s29] =	stream.linear.scatter @p0 [tilespmem:s31], [sflag:$0x3], $0x400, $0x38;
	[tilespmem:$0x1FF00] =	vst v63  }
0x47: {  	_ =	swait.ge @p0 [sflag:s30], $0x400  }
0x48: {  	[sflag:s30] =	ssyncset.done @p0 $0x0  }
0x49: {  	s18 =	simm.s32 @!p0 $0x148C0;
	s25 =	simm.s32 @!p0 $0x3;
	[sflag:s30] =	ssyncadd.s32 @p0 $0xFFFFFC00  }
0x4a: {  	[spmem:s6] =	stream.linear.scatter @!p0 [tilespmem:s18], [sflag:$0x3], $0x1A00, $0x38;
	[tilespmem:$0x1FF00] =	vst v63  }
0x4b: {  	_ =	swait.ge @!p0 [sflag:s25], $0x1A00  }
0x4c: {  	[sflag:s25] =	ssyncset.done @!p0 $0x0  }
0x4d: {  	[sflag:s25] =	ssyncadd.s32 @!p0 $0xFFFFE600  }
0x4e: {  	[spmem:s8] =	stream.linear.scatter @!p0 [tilespmem:s18], [sflag:$0x3], $0x1A00, $0x38;
	[tilespmem:$0x1FF00] =	vst v63  }
0x4f: {  	_ =	swait.ge @!p0 [sflag:s25], $0x1A00  }
0x50: {  	[sflag:s25] =	ssyncset.done @!p0 $0x0  }
0x51: {  	[sflag:s25] =	ssyncadd.s32 @!p0 $0xFFFFE600  }
0x52: {  	[spmem:s9] =	stream.linear.scatter @!p0 [tilespmem:s18], [sflag:$0x3], $0x1A00, $0x38;
	[tilespmem:$0x1FF00] =	vst v63  }
0x53: {  	_ =	swait.ge @!p0 [sflag:s25], $0x1A00  }
0x54: {  	[sflag:s25] =	ssyncset.done @!p0 $0x0  }
0x55: {  	[sflag:s25] =	ssyncadd.s32 @!p0 $0xFFFFE600  }
0x56: {  	[spmem:s10] =	stream.linear.scatter @!p0 [tilespmem:s18], [sflag:$0x3], $0x1A00, $0x38;
	[tilespmem:$0x1FF00] =	vst v63  }
0x57: {  	_ =	swait.ge @!p0 [sflag:s25], $0x1A00  }
0x58: {  	[sflag:s25] =	ssyncset.done @!p0 $0x0  }
0x59: {  	[sflag:s25] =	ssyncadd.s32 @!p0 $0xFFFFE600  }
0x5a: {  	[spmem:s11] =	stream.linear.scatter @!p0 [tilespmem:s18], [sflag:$0x3], $0x1A00, $0x38;
	[tilespmem:$0x1FF00] =	vst v63  }
0x5b: {  	_ =	swait.ge @!p0 [sflag:s25], $0x1A00  }
0x5c: {  	[sflag:s25] =	ssyncset.done @!p0 $0x0  }
0x5d: {  	[sflag:s25] =	ssyncadd.s32 @!p0 $0xFFFFE600  }
0x5e: {  	[spmem:s12] =	stream.linear.scatter @!p0 [tilespmem:s18], [sflag:$0x3], $0x1A00, $0x38;
	[tilespmem:$0x1FF00] =	vst v63  }
0x5f: {  	_ =	swait.ge @!p0 [sflag:s25], $0x1A00  }
0x60: {  	[sflag:s25] =	ssyncset.done @!p0 $0x0  }
0x61: {  	[sflag:s25] =	ssyncadd.s32 @!p0 $0xFFFFE600  }
0x62: {  	[bflag:$0x0] =	sbarrier.arrive $0xFFFF  }
0x63: {  	[tilespmem:s20], [sflag:$0x1] =	stream.indirect.gather [hbm4b:s4+s19], $0x40, s3, s19, $0xb8;
	[tilespmem:$0x1FF00] =	vst v63  }
0x64: {  	s1 =	simm.s32 $0x1F8  }
0x65: {  	[tilespmem:s21], [sflag:$0x2] =	stream.indirect.gather [hbm4b:s4+s19], $0x40, s1, s19, $0xb8;
	[tilespmem:$0x1FF00] =	vst v63  }
0x66: {  	_ =	swait.ge [sflag:s22], $0x7D00  }
0x67: {  	[sflag:s22] =	ssyncset.done $0x0  }
0x68: {  	[sflag:s22] =	ssyncadd.s32 $0xFFFF8300  }
0x69: {  	[spmem:s2] =	stream.indirect.scatter.add.f32 [tilespmem:s20], [sflag:$0x3], $0x40, s0, s19, $0xb8;
	[tilespmem:$0x1FF00] =	vst v63  }
0x6a: {  	_ =	swait.ge [sflag:s7], $0x7D00  }
0x6b: {  	[sflag:s7] =	ssyncset.done $0x0  }
0x6c: {  	s1 =	simm.s32 $0x3F0;
	[sflag:s7] =	ssyncadd.s32 $0xFFFF8300  }
0x6d: {  	[tilespmem:s20], [sflag:$0x1] =	stream.indirect.gather [hbm4b:s4+s19], $0x40, s1, s19, $0xb8;
	[tilespmem:$0x1FF00] =	vst v63  }
0x6e: {  	_ =	swait.ge [sflag:s23], $0x7D00  }
0x6f: {  	[sflag:s23] =	ssyncset.done $0x0  }
0x70: {  	s1 =	simm.s32 $0x2958;
	[sflag:s23] =	ssyncadd.s32 $0xFFFF8300  }
0x71: {  	[spmem:s2] =	stream.indirect.scatter.add.f32 [tilespmem:s21], [sflag:$0x3], $0x40, s1, s19, $0xb8;
	[tilespmem:$0x1FF00] =	vst v63  }
0x72: {  	_ =	swait.ge [sflag:s7], $0x7D00  }
0x73: {  	[sflag:s7] =	ssyncset.done $0x0  }
0x74: {  	s1 =	simm.s32 $0x5E8;
	[sflag:s7] =	ssyncadd.s32 $0xFFFF8300  }
0x75: {  	[tilespmem:s21], [sflag:$0x2] =	stream.indirect.gather [hbm4b:s4+s19], $0x40, s1, s19, $0xb8;
	[tilespmem:$0x1FF00] =	vst v63  }
0x76: {  	_ =	swait.ge [sflag:s22], $0x7D00  }
0x77: {  	[sflag:s22] =	ssyncset.done $0x0  }
0x78: {  	s1 =	simm.s32 $0x2B50;
	[sflag:s22] =	ssyncadd.s32 $0xFFFF8300  }
0x79: {  	[spmem:s2] =	stream.indirect.scatter.add.f32 [tilespmem:s20], [sflag:$0x3], $0x40, s1, s19, $0xb8;
	[tilespmem:$0x1FF00] =	vst v63  }
0x7a: {  	_ =	swait.ge [sflag:s7], $0x7D00  }
0x7b: {  	[sflag:s7] =	ssyncset.done $0x0  }
0x7c: {  	s1 =	simm.s32 $0x7E0;
	[sflag:s7] =	ssyncadd.s32 $0xFFFF8300  }
0x7d: {  	[tilespmem:s20], [sflag:$0x1] =	stream.indirect.gather [hbm4b:s4+s19], $0x40, s1, s19, $0xb8;
	[tilespmem:$0x1FF00] =	vst v63  }
0x7e: {  	_ =	swait.ge [sflag:s23], $0x7D00  }
0x7f: {  	[sflag:s23] =	ssyncset.done $0x0  }
0x80: {  	s1 =	simm.s32 $0x2D48;
	[sflag:s23] =	ssyncadd.s32 $0xFFFF8300  }
0x81: {  	[spmem:s2] =	stream.indirect.scatter.add.f32 [tilespmem:s21], [sflag:$0x3], $0x40, s1, s19, $0xb8;
	[tilespmem:$0x1FF00] =	vst v63  }
0x82: {  	_ =	swait.ge [sflag:s7], $0x7D00  }
0x83: {  	[sflag:s7] =	ssyncset.done $0x0  }
0x84: {  	s1 =	simm.s32 $0x9D8;
	[sflag:s7] =	ssyncadd.s32 $0xFFFF8300  }
0x85: {  	[tilespmem:s21], [sflag:$0x2] =	stream.indirect.gather [hbm4b:s4+s19], $0x40, s1, s19, $0xb8;
	[tilespmem:$0x1FF00] =	vst v63  }
0x86: {  	_ =	swait.ge [sflag:s22], $0x7D00  }
0x87: {  	[sflag:s22] =	ssyncset.done $0x0  }
0x88: {  	s1 =	simm.s32 $0x2F40;
	[sflag:s22] =	ssyncadd.s32 $0xFFFF8300  }
0x89: {  	[spmem:s2] =	stream.indirect.scatter.add.f32 [tilespmem:s20], [sflag:$0x3], $0x40, s1, s19, $0xb8;
	[tilespmem:$0x1FF00] =	vst v63  }
0x8a: {  	_ =	swait.ge [sflag:s7], $0x7D00  }
0x8b: {  	[sflag:s7] =	ssyncset.done $0x0  }
0x8c: {  	s1 =	simm.s32 $0xBD0;
	[sflag:s7] =	ssyncadd.s32 $0xFFFF8300  }
0x8d: {  	[tilespmem:s20], [sflag:$0x1] =	stream.indirect.gather [hbm4b:s4+s19], $0x40, s1, s19, $0xb8;
	[tilespmem:$0x1FF00] =	vst v63  }
0x8e: {  	_ =	swait.ge [sflag:s23], $0x7D00  }
0x8f: {  	[sflag:s23] =	ssyncset.done $0x0  }
0x90: {  	s1 =	simm.s32 $0x3138;
	[sflag:s23] =	ssyncadd.s32 $0xFFFF8300  }
0x91: {  	[spmem:s2] =	stream.indirect.scatter.add.f32 [tilespmem:s21], [sflag:$0x3], $0x40, s1, s19, $0xb8;
	[tilespmem:$0x1FF00] =	vst v63  }
0x92: {  	_ =	swait.ge [sflag:s7], $0x7D00  }
0x93: {  	[sflag:s7] =	ssyncset.done $0x0  }
0x94: {  	s1 =	simm.s32 $0xDC8;
	[sflag:s7] =	ssyncadd.s32 $0xFFFF8300  }
0x95: {  	[tilespmem:s21], [sflag:$0x2] =	stream.indirect.gather [hbm4b:s4+s19], $0x40, s1, s19, $0xb8;
	[tilespmem:$0x1FF00] =	vst v63  }
0x96: {  	_ =	swait.ge [sflag:s22], $0x7D00  }
0x97: {  	[sflag:s22] =	ssyncset.done $0x0  }
0x98: {  	s1 =	simm.s32 $0x3330;
	[sflag:s22] =	ssyncadd.s32 $0xFFFF8300  }
0x99: {  	[spmem:s2] =	stream.indirect.scatter.add.f32 [tilespmem:s20], [sflag:$0x3], $0x40, s1, s19, $0xb8;
	[tilespmem:$0x1FF00] =	vst v63  }
0x9a: {  	_ =	swait.ge [sflag:s7], $0x7D00  }
0x9b: {  	[sflag:s7] =	ssyncset.done $0x0  }
0x9c: {  	s1 =	simm.s32 $0xFC0;
	[sflag:s7] =	ssyncadd.s32 $0xFFFF8300  }
0x9d: {  	[tilespmem:s20], [sflag:$0x1] =	stream.indirect.gather [hbm4b:s4+s19], $0x40, s1, s19, $0xb8;
	[tilespmem:$0x1FF00] =	vst v63  }
0x9e: {  	_ =	swait.ge [sflag:s23], $0x7D00  }
0x9f: {  	[sflag:s23] =	ssyncset.done $0x0  }
0xa0: {  	s1 =	simm.s32 $0x3528;
	[sflag:s23] =	ssyncadd.s32 $0xFFFF8300  }
0xa1: {  	[spmem:s2] =	stream.indirect.scatter.add.f32 [tilespmem:s21], [sflag:$0x3], $0x40, s1, s19, $0xb8;
	[tilespmem:$0x1FF00] =	vst v63  }
0xa2: {  	_ =	swait.ge [sflag:s7], $0x7D00  }
0xa3: {  	[sflag:s7] =	ssyncset.done $0x0  }
0xa4: {  	s1 =	simm.s32 $0x11B8;
	[sflag:s7] =	ssyncadd.s32 $0xFFFF8300  }
0xa5: {  	[tilespmem:s21], [sflag:$0x2] =	stream.indirect.gather [hbm4b:s4+s19], $0x40, s1, s19, $0xb8;
	[tilespmem:$0x1FF00] =	vst v63  }
0xa6: {  	_ =	swait.ge [sflag:s22], $0x7D00  }
0xa7: {  	[sflag:s22] =	ssyncset.done $0x0  }
0xa8: {  	s1 =	simm.s32 $0x3720;
	[sflag:s22] =	ssyncadd.s32 $0xFFFF8300  }
0xa9: {  	[spmem:s2] =	stream.indirect.scatter.add.f32 [tilespmem:s20], [sflag:$0x3], $0x40, s1, s19, $0xb8;
	[tilespmem:$0x1FF00] =	vst v63  }
0xaa: {  	_ =	swait.ge [sflag:s7], $0x7D00  }
0xab: {  	[sflag:s7] =	ssyncset.done $0x0  }
0xac: {  	s1 =	simm.s32 $0x13B0;
	[sflag:s7] =	ssyncadd.s32 $0xFFFF8300  }
0xad: {  	[tilespmem:s20], [sflag:$0x1] =	stream.indirect.gather [hbm4b:s4+s19], $0x40, s1, s19, $0xb8;
	[tilespmem:$0x1FF00] =	vst v63  }
0xae: {  	_ =	swait.ge [sflag:s23], $0x7D00  }
0xaf: {  	[sflag:s23] =	ssyncset.done $0x0  }
0xb0: {  	s1 =	simm.s32 $0x3918;
	[sflag:s23] =	ssyncadd.s32 $0xFFFF8300  }
0xb1: {  	[spmem:s2] =	stream.indirect.scatter.add.f32 [tilespmem:s21], [sflag:$0x3], $0x40, s1, s19, $0xb8;
	[tilespmem:$0x1FF00] =	vst v63  }
0xb2: {  	_ =	swait.ge [sflag:s7], $0x7D00  }
0xb3: {  	[sflag:s7] =	ssyncset.done $0x0  }
0xb4: {  	s1 =	simm.s32 $0x15A8;
	[sflag:s7] =	ssyncadd.s32 $0xFFFF8300  }
0xb5: {  	[tilespmem:s21], [sflag:$0x2] =	stream.indirect.gather [hbm4b:s4+s19], $0x40, s1, s19, $0xb8;
	[tilespmem:$0x1FF00] =	vst v63  }
0xb6: {  	_ =	swait.ge [sflag:s22], $0x7D00  }
0xb7: {  	[sflag:s22] =	ssyncset.done $0x0  }
0xb8: {  	s1 =	simm.s32 $0x3B10;
	[sflag:s22] =	ssyncadd.s32 $0xFFFF8300  }
0xb9: {  	[spmem:s2] =	stream.indirect.scatter.add.f32 [tilespmem:s20], [sflag:$0x3], $0x40, s1, s19, $0xb8;
	[tilespmem:$0x1FF00] =	vst v63  }
0xba: {  	_ =	swait.ge [sflag:s7], $0x7D00  }
0xbb: {  	[sflag:s7] =	ssyncset.done $0x0  }
0xbc: {  	s1 =	simm.s32 $0x17A0;
	[sflag:s7] =	ssyncadd.s32 $0xFFFF8300  }
0xbd: {  	[tilespmem:s20], [sflag:$0x1] =	stream.indirect.gather [hbm4b:s4+s19], $0x40, s1, s19, $0xb8;
	[tilespmem:$0x1FF00] =	vst v63  }
0xbe: {  	_ =	swait.ge [sflag:s23], $0x7D00  }
0xbf: {  	[sflag:s23] =	ssyncset.done $0x0  }
0xc0: {  	s1 =	simm.s32 $0x3D08;
	[sflag:s23] =	ssyncadd.s32 $0xFFFF8300  }
0xc1: {  	[spmem:s2] =	stream.indirect.scatter.add.f32 [tilespmem:s21], [sflag:$0x3], $0x40, s1, s19, $0xb8;
	[tilespmem:$0x1FF00] =	vst v63  }
0xc2: {  	_ =	swait.ge [sflag:s7], $0x7D00  }
0xc3: {  	[sflag:s7] =	ssyncset.done $0x0  }
0xc4: {  	s1 =	simm.s32 $0x1998;
	[sflag:s7] =	ssyncadd.s32 $0xFFFF8300  }
0xc5: {  	[tilespmem:s21], [sflag:$0x2] =	stream.indirect.gather [hbm4b:s4+s19], $0x40, s1, s19, $0xb8;
	[tilespmem:$0x1FF00] =	vst v63  }
0xc6: {  	_ =	swait.ge [sflag:s22], $0x7D00  }
0xc7: {  	[sflag:s22] =	ssyncset.done $0x0  }
0xc8: {  	s1 =	simm.s32 $0x3F00;
	[sflag:s22] =	ssyncadd.s32 $0xFFFF8300  }
0xc9: {  	[spmem:s2] =	stream.indirect.scatter.add.f32 [tilespmem:s20], [sflag:$0x3], $0x40, s1, s19, $0xb8;
	[tilespmem:$0x1FF00] =	vst v63  }
0xca: {  	_ =	swait.ge [sflag:s7], $0x7D00  }
0xcb: {  	[sflag:s7] =	ssyncset.done $0x0  }
0xcc: {  	s1 =	simm.s32 $0x1B90;
	[sflag:s7] =	ssyncadd.s32 $0xFFFF8300  }
0xcd: {  	[tilespmem:s20], [sflag:$0x1] =	stream.indirect.gather [hbm4b:s4+s19], $0x40, s1, s19, $0xb8;
	[tilespmem:$0x1FF00] =	vst v63  }
0xce: {  	_ =	swait.ge [sflag:s23], $0x7D00  }
0xcf: {  	[sflag:s23] =	ssyncset.done $0x0  }
0xd0: {  	s1 =	simm.s32 $0x40F8;
	[sflag:s23] =	ssyncadd.s32 $0xFFFF8300  }
0xd1: {  	[spmem:s2] =	stream.indirect.scatter.add.f32 [tilespmem:s21], [sflag:$0x3], $0x40, s1, s19, $0xb8;
	[tilespmem:$0x1FF00] =	vst v63  }
0xd2: {  	_ =	swait.ge [sflag:s7], $0x7D00  }
0xd3: {  	[sflag:s7] =	ssyncset.done $0x0  }
0xd4: {  	s1 =	simm.s32 $0x1D88;
	[sflag:s7] =	ssyncadd.s32 $0xFFFF8300  }
0xd5: {  	[tilespmem:s21], [sflag:$0x2] =	stream.indirect.gather [hbm4b:s4+s19], $0x40, s1, s19, $0xb8;
	[tilespmem:$0x1FF00] =	vst v63  }
0xd6: {  	_ =	swait.ge [sflag:s22], $0x7D00  }
0xd7: {  	[sflag:s22] =	ssyncset.done $0x0  }
0xd8: {  	s1 =	simm.s32 $0x42F0;
	[sflag:s22] =	ssyncadd.s32 $0xFFFF8300  }
0xd9: {  	[spmem:s2] =	stream.indirect.scatter.add.f32 [tilespmem:s20], [sflag:$0x3], $0x40, s1, s19, $0xb8;
	[tilespmem:$0x1FF00] =	vst v63  }
0xda: {  	_ =	swait.ge [sflag:s7], $0x7D00  }
0xdb: {  	[sflag:s7] =	ssyncset.done $0x0  }
0xdc: {  	s1 =	simm.s32 $0x1F80;
	[sflag:s7] =	ssyncadd.s32 $0xFFFF8300  }
0xdd: {  	[tilespmem:s20], [sflag:$0x1] =	stream.indirect.gather [hbm4b:s4+s19], $0x40, s1, s19, $0xb8;
	[tilespmem:$0x1FF00] =	vst v63  }
0xde: {  	_ =	swait.ge [sflag:s23], $0x7D00  }
0xdf: {  	[sflag:s23] =	ssyncset.done $0x0  }
0xe0: {  	s1 =	simm.s32 $0x44E8;
	[sflag:s23] =	ssyncadd.s32 $0xFFFF8300  }
0xe1: {  	[spmem:s2] =	stream.indirect.scatter.add.f32 [tilespmem:s21], [sflag:$0x3], $0x40, s1, s19, $0xb8;
	[tilespmem:$0x1FF00] =	vst v63  }
0xe2: {  	_ =	swait.ge [sflag:s7], $0x7D00  }
0xe3: {  	[sflag:s7] =	ssyncset.done $0x0  }
0xe4: {  	s1 =	simm.s32 $0x2178;
	[sflag:s7] =	ssyncadd.s32 $0xFFFF8300  }
0xe5: {  	[tilespmem:s21], [sflag:$0x2] =	stream.indirect.gather [hbm4b:s4+s19], $0x40, s1, s19, $0xb8;
	[tilespmem:$0x1FF00] =	vst v63  }
0xe6: {  	_ =	swait.ge [sflag:s22], $0x7D00  }
0xe7: {  	[sflag:s22] =	ssyncset.done $0x0  }
0xe8: {  	s1 =	simm.s32 $0x46E0;
	[sflag:s22] =	ssyncadd.s32 $0xFFFF8300  }
0xe9: {  	[spmem:s2] =	stream.indirect.scatter.add.f32 [tilespmem:s20], [sflag:$0x3], $0x40, s1, s19, $0xb8;
	[tilespmem:$0x1FF00] =	vst v63  }
0xea: {  	_ =	swait.ge [sflag:s7], $0x7D00  }
0xeb: {  	[sflag:s7] =	ssyncset.done $0x0  }
0xec: {  	s1 =	simm.s32 $0x2370;
	[sflag:s7] =	ssyncadd.s32 $0xFFFF8300  }
0xed: {  	[tilespmem:s20], [sflag:$0x1] =	stream.indirect.gather [hbm4b:s4+s19], $0x40, s1, s19, $0xb8;
	[tilespmem:$0x1FF00] =	vst v63  }
0xee: {  	_ =	swait.ge [sflag:s23], $0x7D00  }
0xef: {  	[sflag:s23] =	ssyncset.done $0x0  }
0xf0: {  	s1 =	simm.s32 $0x48D8;
	[sflag:s23] =	ssyncadd.s32 $0xFFFF8300  }
0xf1: {  	[spmem:s2] =	stream.indirect.scatter.add.f32 [tilespmem:s21], [sflag:$0x3], $0x40, s1, s19, $0xb8;
	[tilespmem:$0x1FF00] =	vst v63  }
0xf2: {  	_ =	swait.ge [sflag:s7], $0x7D00  }
0xf3: {  	[sflag:s7] =	ssyncset.done $0x0  }
0xf4: {  	s1 =	simm.s32 $0x2568;
	[sflag:s7] =	ssyncadd.s32 $0xFFFF8300  }
0xf5: {  	[tilespmem:s21], [sflag:$0x2] =	stream.indirect.gather [hbm4b:s4+s19], $0x40, s1, s19, $0xb8;
	[tilespmem:$0x1FF00] =	vst v63  }
0xf6: {  	_ =	swait.ge [sflag:s22], $0x7D00  }
0xf7: {  	[sflag:s22] =	ssyncset.done $0x0  }
0xf8: {  	s1 =	simm.s32 $0x4AD0;
	[sflag:s22] =	ssyncadd.s32 $0xFFFF8300  }
0xf9: {  	[spmem:s2] =	stream.indirect.scatter.add.f32 [tilespmem:s20], [sflag:$0x3], $0x40, s1, s19, $0xb8;
	[tilespmem:$0x1FF00] =	vst v63  }
0xfa: {  	_ =	swait.ge [sflag:s7], $0x7D00  }
0xfb: {  	[sflag:s7] =	ssyncset.done $0x0  }
0xfc: {  	[sflag:s7] =	ssyncadd.s32 $0xFFFF8300  }
0xfd: {  	_ =	swait.ge [sflag:s23], $0x7D00  }
0xfe: {  	[sflag:s23] =	ssyncset.done $0x0  }
0xff: {  	s1 =	simm.s32 $0x4CC8;
	[sflag:s23] =	ssyncadd.s32 $0xFFFF8300  }
0x100: {  	[spmem:s2] =	stream.indirect.scatter.add.f32 [tilespmem:s21], [sflag:$0x3], $0x40, s1, s19, $0xb8;
	[tilespmem:$0x1FF00] =	vst v63  }
0x101: {  	_ =	swait.ge [sflag:s7], $0x7D00  }
0x102: {  	[sflag:s7] =	ssyncset.done $0x0  }
0x103: {  	[sflag:s7] =	ssyncadd.s32 $0xFFFF8300  }
0x104: {  	[bflag:$0x0] =	sbarrier.arrive $0xFFFF  }
0x105: {  	[tilespmem:s31], [sflag:$0x3] =	stream.linear.gather @p0 [spmem:s13], $0x1A00, $0x38;
	[tilespmem:$0x1FF00] =	vst v63  }
0x106: {  	_ =	swait.ge @p0 [sflag:s30], $0x1A00  }
0x107: {  	[sflag:s30] =	ssyncset.done @p0 $0x0  }
0x108: {  	s1 =	simm.s32 @p0 $0x0;
	s0 =	rddreg [dreg:$0x5];
	[sflag:s30] =	ssyncadd.s32 @p0 $0xFFFFE600  }
0x109: {  	[hbm4b:s0+s1] =	stream.linear.scatter @p0 [tilespmem:s31], [sflag:$0x3], $0x1A00, $0x38;
	[tilespmem:$0x1FF00] =	vst v63  }
0x10a: {  	_ =	swait.ge @p0 [sflag:s30], $0x1A00  }
0x10b: {  	[sflag:s30] =	ssyncset.done @p0 $0x0  }
0x10c: {  	[sflag:s30] =	ssyncadd.s32 @p0 $0xFFFFE600  }
0x10d: {  	[tilespmem:s31], [sflag:$0x3] =	stream.linear.gather @p0 [spmem:s14], $0x1A00, $0x38;
	[tilespmem:$0x1FF00] =	vst v63  }
0x10e: {  	_ =	swait.ge @p0 [sflag:s30], $0x1A00  }
0x10f: {  	[sflag:s30] =	ssyncset.done @p0 $0x0  }
0x110: {  	s0 =	rddreg [dreg:$0x6];
	[sflag:s30] =	ssyncadd.s32 @p0 $0xFFFFE600  }
0x111: {  	[hbm4b:s0+s1] =	stream.linear.scatter @p0 [tilespmem:s31], [sflag:$0x3], $0x1A00, $0x38;
	[tilespmem:$0x1FF00] =	vst v63  }
0x112: {  	_ =	swait.ge @p0 [sflag:s30], $0x1A00  }
0x113: {  	[sflag:s30] =	ssyncset.done @p0 $0x0  }
0x114: {  	[sflag:s30] =	ssyncadd.s32 @p0 $0xFFFFE600  }
0x115: {  	[tilespmem:s31], [sflag:$0x3] =	stream.linear.gather @p0 [spmem:s15], $0x1A00, $0x38;
	[tilespmem:$0x1FF00] =	vst v63  }
0x116: {  	_ =	swait.ge @p0 [sflag:s30], $0x1A00  }
0x117: {  	[sflag:s30] =	ssyncset.done @p0 $0x0  }
0x118: {  	s0 =	rddreg [dreg:$0x7];
	[sflag:s30] =	ssyncadd.s32 @p0 $0xFFFFE600  }
0x119: {  	[hbm4b:s0+s1] =	stream.linear.scatter @p0 [tilespmem:s31], [sflag:$0x3], $0x1A00, $0x38;
	[tilespmem:$0x1FF00] =	vst v63  }
0x11a: {  	_ =	swait.ge @p0 [sflag:s30], $0x1A00  }
0x11b: {  	[sflag:s30] =	ssyncset.done @p0 $0x0  }
0x11c: {  	[sflag:s30] =	ssyncadd.s32 @p0 $0xFFFFE600  }
0x11d: {  	[tilespmem:s31], [sflag:$0x3] =	stream.linear.gather @p0 [spmem:s16], $0x1A00, $0x38;
	[tilespmem:$0x1FF00] =	vst v63  }
0x11e: {  	_ =	swait.ge @p0 [sflag:s30], $0x1A00  }
0x11f: {  	[sflag:s30] =	ssyncset.done @p0 $0x0  }
0x120: {  	s0 =	rddreg [dreg:$0x8];
	[sflag:s30] =	ssyncadd.s32 @p0 $0xFFFFE600  }
0x121: {  	[hbm4b:s0+s1] =	stream.linear.scatter @p0 [tilespmem:s31], [sflag:$0x3], $0x1A00, $0x38;
	[tilespmem:$0x1FF00] =	vst v63  }
0x122: {  	_ =	swait.ge @p0 [sflag:s30], $0x1A00  }
0x123: {  	[sflag:s30] =	ssyncset.done @p0 $0x0  }
0x124: {  	[sflag:s30] =	ssyncadd.s32 @p0 $0xFFFFE600  }
0x125: {  	[tilespmem:s31], [sflag:$0x3] =	stream.linear.gather @p0 [spmem:s26], $0x1A00, $0x38;
	[tilespmem:$0x1FF00] =	vst v63  }
0x126: {  	_ =	swait.ge @p0 [sflag:s30], $0x1A00  }
0x127: {  	[sflag:s30] =	ssyncset.done @p0 $0x0  }
0x128: {  	s0 =	rddreg [dreg:$0x9];
	[sflag:s30] =	ssyncadd.s32 @p0 $0xFFFFE600  }
0x129: {  	[hbm4b:s0+s1] =	stream.linear.scatter @p0 [tilespmem:s31], [sflag:$0x3], $0x1A00, $0x38;
	[tilespmem:$0x1FF00] =	vst v63  }
0x12a: {  	_ =	swait.ge @p0 [sflag:s30], $0x1A00  }
0x12b: {  	[sflag:s30] =	ssyncset.done @p0 $0x0  }
0x12c: {  	[sflag:s30] =	ssyncadd.s32 @p0 $0xFFFFE600  }
0x12d: {  	[tilespmem:s31], [sflag:$0x3] =	stream.linear.gather @p0 [spmem:s28], $0x1A00, $0x38;
	[tilespmem:$0x1FF00] =	vst v63  }
0x12e: {  	_ =	swait.ge @p0 [sflag:s30], $0x1A00  }
0x12f: {  	[sflag:s30] =	ssyncset.done @p0 $0x0  }
0x130: {  	s0 =	rddreg [dreg:$0xa];
	[sflag:s30] =	ssyncadd.s32 @p0 $0xFFFFE600  }
0x131: {  	[hbm4b:s0+s1] =	stream.linear.scatter @p0 [tilespmem:s31], [sflag:$0x3], $0x1A00, $0x38;
	[tilespmem:$0x1FF00] =	vst v63  }
0x132: {  	_ =	swait.ge @p0 [sflag:s30], $0x1A00  }
0x133: {  	[sflag:s30] =	ssyncset.done @p0 $0x0  }
0x134: {  	[sflag:s30] =	ssyncadd.s32 @p0 $0xFFFFE600  }
0x135: {  	[tilespmem:s31], [sflag:$0x3] =	stream.linear.gather @p0 [spmem:s29], $0x400, $0x38;
	[tilespmem:$0x1FF00] =	vst v63  }
0x136: {  	_ =	swait.ge @p0 [sflag:s30], $0x400  }
0x137: {  	[sflag:s30] =	ssyncset.done @p0 $0x0  }
0x138: {  	s0 =	rddreg [dreg:$0xb];
	[sflag:s30] =	ssyncadd.s32 @p0 $0xFFFFFC00  }
0x139: {  	[hbm4b:s0+s1] =	stream.linear.scatter @p0 [tilespmem:s31], [sflag:$0x3], $0x400, $0x38;
	[tilespmem:$0x1FF00] =	vst v63  }
0x13a: {  	_ =	swait.ge @p0 [sflag:s30], $0x400  }
0x13b: {  	[sflag:s30] =	ssyncset.done @p0 $0x0  }
0x13c: {  	[sflag:s30] =	ssyncadd.s32 @p0 $0xFFFFFC00  }
0x13d: {  	[tilespmem:s18], [sflag:$0x3] =	stream.linear.gather @!p0 [spmem:s6], $0x1A00, $0x38;
	[tilespmem:$0x1FF00] =	vst v63  }
0x13e: {  	_ =	swait.ge @!p0 [sflag:s25], $0x1A00  }
0x13f: {  	[sflag:s25] =	ssyncset.done @!p0 $0x0  }
0x140: {  	s1 =	simm.s32 @!p0 $0x0;
	[sflag:s25] =	ssyncadd.s32 @!p0 $0xFFFFE600  }
0x141: {  	[hbm4b:s17+s1] =	stream.linear.scatter @!p0 [tilespmem:s18], [sflag:$0x3], $0x1A00, $0x38;
	[tilespmem:$0x1FF00] =	vst v63  }
0x142: {  	_ =	swait.ge @!p0 [sflag:s25], $0x1A00  }
0x143: {  	[sflag:s25] =	ssyncset.done @!p0 $0x0  }
0x144: {  	[sflag:s25] =	ssyncadd.s32 @!p0 $0xFFFFE600  }
0x145: {  	[tilespmem:s18], [sflag:$0x3] =	stream.linear.gather @!p0 [spmem:s8], $0x1A00, $0x38;
	[tilespmem:$0x1FF00] =	vst v63  }
0x146: {  	_ =	swait.ge @!p0 [sflag:s25], $0x1A00  }
0x147: {  	[sflag:s25] =	ssyncset.done @!p0 $0x0  }
0x148: {  	s0 =	rddreg [dreg:$0xd];
	[sflag:s25] =	ssyncadd.s32 @!p0 $0xFFFFE600  }
0x149: {  	[hbm4b:s0+s1] =	stream.linear.scatter @!p0 [tilespmem:s18], [sflag:$0x3], $0x1A00, $0x38;
	[tilespmem:$0x1FF00] =	vst v63  }
0x14a: {  	_ =	swait.ge @!p0 [sflag:s25], $0x1A00  }
0x14b: {  	[sflag:s25] =	ssyncset.done @!p0 $0x0  }
0x14c: {  	[sflag:s25] =	ssyncadd.s32 @!p0 $0xFFFFE600  }
0x14d: {  	[tilespmem:s18], [sflag:$0x3] =	stream.linear.gather @!p0 [spmem:s9], $0x1A00, $0x38;
	[tilespmem:$0x1FF00] =	vst v63  }
0x14e: {  	_ =	swait.ge @!p0 [sflag:s25], $0x1A00  }
0x14f: {  	[sflag:s25] =	ssyncset.done @!p0 $0x0  }
0x150: {  	s0 =	rddreg [dreg:$0xe];
	[sflag:s25] =	ssyncadd.s32 @!p0 $0xFFFFE600  }
0x151: {  	[hbm4b:s0+s1] =	stream.linear.scatter @!p0 [tilespmem:s18], [sflag:$0x3], $0x1A00, $0x38;
	[tilespmem:$0x1FF00] =	vst v63  }
0x152: {  	_ =	swait.ge @!p0 [sflag:s25], $0x1A00  }
0x153: {  	[sflag:s25] =	ssyncset.done @!p0 $0x0  }
0x154: {  	[sflag:s25] =	ssyncadd.s32 @!p0 $0xFFFFE600  }
0x155: {  	[tilespmem:s18], [sflag:$0x3] =	stream.linear.gather @!p0 [spmem:s10], $0x1A00, $0x38;
	[tilespmem:$0x1FF00] =	vst v63  }
0x156: {  	_ =	swait.ge @!p0 [sflag:s25], $0x1A00  }
0x157: {  	[sflag:s25] =	ssyncset.done @!p0 $0x0  }
0x158: {  	s0 =	rddreg [dreg:$0xf];
	[sflag:s25] =	ssyncadd.s32 @!p0 $0xFFFFE600  }
0x159: {  	[hbm4b:s0+s1] =	stream.linear.scatter @!p0 [tilespmem:s18], [sflag:$0x3], $0x1A00, $0x38;
	[tilespmem:$0x1FF00] =	vst v63  }
0x15a: {  	_ =	swait.ge @!p0 [sflag:s25], $0x1A00  }
0x15b: {  	[sflag:s25] =	ssyncset.done @!p0 $0x0  }
0x15c: {  	[sflag:s25] =	ssyncadd.s32 @!p0 $0xFFFFE600  }
0x15d: {  	[tilespmem:s18], [sflag:$0x3] =	stream.linear.gather @!p0 [spmem:s11], $0x1A00, $0x38;
	[tilespmem:$0x1FF00] =	vst v63  }
0x15e: {  	_ =	swait.ge @!p0 [sflag:s25], $0x1A00  }
0x15f: {  	[sflag:s25] =	ssyncset.done @!p0 $0x0  }
0x160: {  	s0 =	rddreg [dreg:$0x10];
	[sflag:s25] =	ssyncadd.s32 @!p0 $0xFFFFE600  }
0x161: {  	[hbm4b:s0+s1] =	stream.linear.scatter @!p0 [tilespmem:s18], [sflag:$0x3], $0x1A00, $0x38;
	[tilespmem:$0x1FF00] =	vst v63  }
0x162: {  	_ =	swait.ge @!p0 [sflag:s25], $0x1A00  }
0x163: {  	[sflag:s25] =	ssyncset.done @!p0 $0x0  }
0x164: {  	[sflag:s25] =	ssyncadd.s32 @!p0 $0xFFFFE600  }
0x165: {  	[tilespmem:s18], [sflag:$0x3] =	stream.linear.gather @!p0 [spmem:s12], $0x1A00, $0x38;
	[tilespmem:$0x1FF00] =	vst v63  }
0x166: {  	_ =	swait.ge @!p0 [sflag:s25], $0x1A00  }
0x167: {  	[sflag:s25] =	ssyncset.done @!p0 $0x0  }
0x168: {  	[sflag:s25] =	ssyncadd.s32 @!p0 $0xFFFFE600  }
0x169: {  	[hbm4b:s5+s1] =	stream.linear.scatter @!p0 [tilespmem:s18], [sflag:$0x3], $0x1A00, $0x38;
	[tilespmem:$0x1FF00] =	vst v63  }
0x16a: {  	_ =	swait.ge @!p0 [sflag:s25], $0x1A00  }
0x16b: {  	s24 =	sadd.s32 $0x1, s24;
	s31 =	rddreg [dreg:$0xc]  }
0x16c: {  	p1 =	sne.s32 s24, s31  }
.Ltmp1:
0x16d: {  	_ = 	snop;
	(pc) =	sbr.rel @p1 .LBB2_1-.Ltmp1, $3  }
0x16e: {  	_ =	sdelay $0x1  }
0x16f: {  	[sflag:s25] =	ssyncset.done @!p0 $0x0  }
0x170: {  	s0 =	simm.s32 $0x2760;
	[sflag:s25] =	ssyncadd.s32 @!p0 $0xFFFFE600  }
0x171: {  	_ =	sfence.sel $0x180000  }
0x172: {  	[bflag:$0x0] =	sbarrier.arrive $0xFFFF  }
0x173: {  	_ =	strace $0x90000050  }
0x174: {  	s0 =	stileid.u32;
	[bflag:$0x2] =	sbarrier.arrive $0xFFFF  }
0x175: {  	p0 =	sne.s32 s0, $0x0;
	s0 =	rddreg [dreg:$0x2]  }
0x176: {  	s0 =	sadd.s32 @!p0 $0x100000, s0  }
0x177: {  	[sflag:s0] =	ssyncadd.tile.s32 @!p0 $0x1;
	_ =	shalt  }
.Lfunc_end2:
_tile_overlayer_lowered:
.L_overlay_start_2:
0x178: {  	(tag) =	ssettag $0x2  }
0x179: {  	s0 =	rddreg [dreg:$0x0];
	s2 =	stileid.u32  }
0x17a: {  	s1 =	rddreg [dreg:$0x1];
	p0 =	sne.s32 s2, $0x0  }
0x17b: {  	s3 =	rddreg [dreg:$0x2];
	[bflag:$0x3] =	sbarrier.arrive $0xFFFF;
	s2 =	simm.s32 @!p0 $0x1C03  }
0x17c: {  	[timem:s3], [sflag:s2] =	dma.local @!p0 [hbm:s0], s1  }
0x17d: {  	s0 =	simm.s32 @!p0 $0x3  }
0x17e: {  	_ =	swait.ge @!p0 [sflag:s0], s1  }
0x17f: {  	s1 =	ssub.s32 @!p0 $0x0, s1;
	[sflag:s0] =	ssyncset.done @!p0 $0x0  }
0x180: {  	[sflag:s0] =	ssyncadd.s32 @!p0 s1  }
0x181: {  	[bflag:$0x3] =	sbarrier.arrive $0xFFFF  }
0x182: {  	_ =	shalt  }

</sc_bundles>
